<compile_context>
chip_gen: v7x
topology: tpu7x:2x2x1
jax: 0.10.2.dev20260603
libtpu: 0.0.44.dev20260713+nightly
codegen_flags: <defaults>
</compile_context>

<pallas_src>
import functools
import jax
import jax.numpy as jnp
from jax import lax
from jax.experimental import pallas as pl
from jax.experimental.pallas import tpu as pltpu
from jax.experimental.pallas import tpu_sc as plsc

VOCAB = 30522
HIDDEN = 768
MAX_POS = 512
TYPE_VOCAB = 16
BATCH = 128
SEQ = 512

NW = 32
TOK = BATCH * SEQ
TPW = TOK // NW
CH = 64
NCH = TPW // CH
EPS = 1e-12


def _sc_gather_body(ids_hbm, word_hbm, out_hbm,
                    ids_v, buf0, buf1, gsem0, gsem1, osem0, osem1,
                    tpw=TPW, nch=NCH):
    wid = lax.axis_index("s") * 2 + lax.axis_index("c")
    base = wid * tpw
    buf = (buf0, buf1)
    gsem = (gsem0, gsem1)
    osem = (osem0, osem1)

    pltpu.sync_copy(ids_hbm.at[pl.ds(base, tpw)], ids_v)

    def fire(c, slot):
        pltpu.async_copy(word_hbm.at[ids_v.at[pl.ds(c * CH, CH)]],
                         buf[slot], gsem[slot])

    def wait_gather(c, slot):
        pltpu.make_async_copy(word_hbm.at[ids_v.at[pl.ds(c * CH, CH)]],
                              buf[slot], gsem[slot]).wait()

    def start_out(c, slot):
        pltpu.async_copy(buf[slot],
                         out_hbm.at[pl.ds(base + c * CH, CH), :], osem[slot])

    def wait_out(c, slot):
        pltpu.make_async_copy(buf[slot],
                              out_hbm.at[pl.ds(base + c * CH, CH), :],
                              osem[slot]).wait()

    fire(0, 0)
    for c in range(nch):
        slot = c % 2
        nslot = 1 - slot
        wait_gather(c, slot)
        if c + 1 < nch:
            if c >= 1:
                wait_out(c - 1, nslot)
            fire(c + 1, nslot)
        start_out(c, slot)
    wait_out(nch - 2, (nch - 2) % 2)
    wait_out(nch - 1, (nch - 1) % 2)


def _sc_gather(ids_flat, word_table):
    ntok = ids_flat.shape[0]
    tpw = ntok // NW
    mesh = plsc.VectorSubcoreMesh(core_axis_name="c", subcore_axis_name="s")
    f = pl.kernel(
        functools.partial(_sc_gather_body, tpw=tpw, nch=tpw // CH),
        out_type=jax.ShapeDtypeStruct((ntok, HIDDEN), jnp.float32),
        mesh=mesh,
        compiler_params=pltpu.CompilerParams(needs_layout_passes=False),
        scratch_types=[
            pltpu.VMEM((tpw,), jnp.int32),
            pltpu.VMEM((CH, HIDDEN), jnp.float32),
            pltpu.VMEM((CH, HIDDEN), jnp.float32),
            pltpu.SemaphoreType.DMA,
            pltpu.SemaphoreType.DMA,
            pltpu.SemaphoreType.DMA,
            pltpu.SemaphoreType.DMA,
        ],
    )
    return f(ids_flat, word_table)


BSEQ = 4
BTOK = BSEQ * SEQ


def _tc_body(tt_ref, w_ref, pos_ref, type_ref, gam_ref, bet_ref, out_ref):
    w = w_ref[...]
    tt = tt_ref[0].reshape(BTOK)
    onehot = (tt[:, None] ==
              lax.broadcasted_iota(jnp.int32, (BTOK, TYPE_VOCAB), 1)
              ).astype(jnp.float32)
    ty = type_ref[...]
    ty_hi = ty.astype(jnp.bfloat16).astype(jnp.float32)
    temb = (jnp.dot(onehot, ty_hi, preferred_element_type=jnp.float32)
            + jnp.dot(onehot, ty - ty_hi,
                      preferred_element_type=jnp.float32))
    v = (w + temb).reshape(BSEQ, SEQ, HIDDEN) + pos_ref[...][None]
    v = v.reshape(BTOK, HIDDEN)
    mean = jnp.mean(v, axis=-1, keepdims=True)
    sq = jnp.mean(v * v, axis=-1, keepdims=True)
    rstd = lax.rsqrt(sq - mean * mean + EPS)
    out_ref[...] = (v - mean) * rstd * gam_ref[...] + bet_ref[...]


def _tc_stage(token_type_ids, gathered, pos_table, type_table, gamma, beta):
    nb = token_type_ids.shape[0]
    nblk = nb // BSEQ
    gamma2 = gamma.reshape(1, HIDDEN)
    beta2 = beta.reshape(1, HIDDEN)
    tt3 = token_type_ids.reshape(nblk, 1, BTOK)
    out = pl.pallas_call(
        _tc_body,
        grid=(nblk,),
        in_specs=[
            pl.BlockSpec((1, 1, BTOK), lambda b: (b, 0, 0)),
            pl.BlockSpec((BTOK, HIDDEN), lambda b: (b, 0)),
            pl.BlockSpec((MAX_POS, HIDDEN), lambda b: (0, 0)),
            pl.BlockSpec((TYPE_VOCAB, HIDDEN), lambda b: (0, 0)),
            pl.BlockSpec((1, HIDDEN), lambda b: (0, 0)),
            pl.BlockSpec((1, HIDDEN), lambda b: (0, 0)),
        ],
        out_specs=pl.BlockSpec((BTOK, HIDDEN), lambda b: (b, 0)),
        out_shape=jax.ShapeDtypeStruct((nb * SEQ, HIDDEN), jnp.float32),
        compiler_params=pltpu.CompilerParams(
            vmem_limit_bytes=100 * 1024 * 1024),
    )(tt3, gathered, pos_table, type_table, gamma2, beta2)
    return out.reshape(nb, SEQ, HIDDEN)


NSPLIT = 1


@jax.jit
def _run(input_ids, token_type_ids, word_table, pos_table, type_table,
         gamma, beta):
    ids = input_ids.reshape(TOK)
    nb = BATCH // NSPLIT
    pieces = []
    gs = [_sc_gather(ids[i * nb * SEQ:(i + 1) * nb * SEQ], word_table)
          for i in range(NSPLIT)]
    for i in range(NSPLIT):
        pieces.append(_tc_stage(token_type_ids[i * nb:(i + 1) * nb], gs[i],
                                pos_table, type_table, gamma, beta))
    return jnp.concatenate(pieces, axis=0)


def kernel(input_ids, token_type_ids, word_table, pos_table, type_table,
           gamma, beta):
    return _run(input_ids.astype(jnp.int32), token_type_ids.astype(jnp.int32),
                word_table, pos_table, type_table, gamma, beta)

# --- scband reference (transcript-rebuilt; emitter-appended) ---
"""Pipeline reference for scband-bert-embeddings-45226005627146 (READ-ONLY COPY).

The authoritative reference and input builder live on the scoring server;
editing this copy changes nothing except your own understanding.
"""

import jax, jax.numpy as jnp
import numpy as np

VOCAB = 30522
HIDDEN = 768
MAX_POS = 512
TYPE_VOCAB = 16
BATCH = 128
SEQ = 512

def setup_inputs(seed: int = 0) -> dict:
    key = jax.random.key(seed)
    k1, k2, k3, k4, k5 = jax.random.split(key, 5)
    input_ids = jax.random.randint(k1, (BATCH, SEQ), 0, VOCAB, dtype=jnp.int64 if jax.config.jax_enable_x64 else jnp.int32)
    token_type_ids = jax.random.randint(k2, (BATCH, SEQ), 0, TYPE_VOCAB, dtype=jnp.int64 if jax.config.jax_enable_x64 else jnp.int32)
    word_table = jax.random.normal(k3, (VOCAB, HIDDEN), dtype=jnp.float32) * 0.02
    pos_table = jax.random.normal(k4, (MAX_POS, HIDDEN), dtype=jnp.float32) * 0.02
    type_table = jax.random.normal(k5, (TYPE_VOCAB, HIDDEN), dtype=jnp.float32) * 0.02
    gamma = jnp.ones((HIDDEN,), dtype=jnp.float32)
    beta = jnp.zeros((HIDDEN,), dtype=jnp.float32)
    return {"input_ids": input_ids, "token_type_ids": token_type_ids,
            "word_table": word_table, "pos_table": pos_table,
            "type_table": type_table, "gamma": gamma, "beta": beta}

def reference(input_ids, token_type_ids, word_table, pos_table, type_table, gamma, beta):
    seq_length = input_ids.shape[1]
    position_ids = jnp.arange(seq_length)[None, :]
    w = jnp.take(word_table, input_ids, axis=0)
    p = jnp.take(pos_table, position_ids, axis=0)
    t = jnp.take(type_table, token_type_ids, axis=0)
    embeddings = w + p + t
    mean = jnp.mean(embeddings, axis=-1, keepdims=True)
    var = jnp.mean(jnp.square(embeddings - mean), axis=-1, keepdims=True)
    normed = (embeddings - mean) / jnp.sqrt(var + 1e-12)
    out = normed * gamma + beta
    # dropout is identity in eval mode (training=False)
    return out

if __name__ == "__main__":
    import jax
    _d = setup_inputs()
    print(jax.jit(kernel)(*tuple(_d.values())))

</pallas_src>

<mosaic_0001>
#map = affine_map<(d0, d1) -> (0)>
#map1 = affine_map<(d0, d1) -> (0, 0)>
module attributes {stable_mosaic.version = 14 : i64} {
  func.func @_sc_gather_body(%arg0: i32, %arg1: i32, %arg2: memref<65536xi32, #tpu.memory_space<hbm>>, %arg3: memref<30522x768xf32, #tpu.memory_space<hbm>>, %arg4: memref<65536x768xf32, #tpu.memory_space<hbm>>, %arg5: memref<2048xi32, #tpu.memory_space<vmem>>, %arg6: memref<64x768xf32, #tpu.memory_space<vmem>>, %arg7: memref<64x768xf32, #tpu.memory_space<vmem>>, %arg8: memref<!tpu.dma_semaphore, #tpu.memory_space<semaphore_mem>>, %arg9: memref<!tpu.dma_semaphore, #tpu.memory_space<semaphore_mem>>, %arg10: memref<!tpu.dma_semaphore, #tpu.memory_space<semaphore_mem>>, %arg11: memref<!tpu.dma_semaphore, #tpu.memory_space<semaphore_mem>>) attributes {dimension_semantics = [#tpu.dimension_semantics<core_parallel>, #tpu.dimension_semantics<subcore_parallel>], iteration_bounds = array<i64: 2, 16>, scalar_prefetch = 0 : i64, scratch_operands = 7 : i64, tpu.core_type = #tpu.core_type<sc_vector_subcore>, window_params = [{transform_indices = #map}, {transform_indices = #map1}, {transform_indices = #map1}]} {
    %mul3A = arith.constant 2 : i32
    %mul3A_0 = arith.muli %arg1, %mul3A : i32
    %add3A = arith.addi %mul3A_0, %arg0 : i32
    %mul3A_1 = arith.constant 2048 : i32
    %mul3A_2 = arith.muli %add3A, %mul3A_1 : i32
    "tpu.region"() ({
      %run_scoped3A = tpu.sem_alloc : memref<!tpu.dma_semaphore, #tpu.memory_space<semaphore_mem>>
      %dma_start3A_705 = tpu.memref_slice %arg2[%mul3A_2] : memref<65536xi32, #tpu.memory_space<hbm>> -> memref<2048xi32, #tpu.memory_space<hbm>>
      %dma_start3A_706 = tpu.memref_slice %arg2[%mul3A_2] : memref<65536xi32, #tpu.memory_space<hbm>> -> memref<2048xi32, #tpu.memory_space<hbm>>
      tpu.enqueue_dma source(%dma_start3A_706 : memref<2048xi32, #tpu.memory_space<hbm>>) target(%arg5 : memref<2048xi32, #tpu.memory_space<vmem>>) target_semaphore(%run_scoped3A : memref<!tpu.dma_semaphore, #tpu.memory_space<semaphore_mem>>)
      %dma_wait3A_707 = tpu.memref_slice %arg2[%mul3A_2] : memref<65536xi32, #tpu.memory_space<hbm>> -> memref<2048xi32, #tpu.memory_space<hbm>>
      %dma_wait3A_708 = tpu.memref_slice %arg2[%mul3A_2] : memref<65536xi32, #tpu.memory_space<hbm>> -> memref<2048xi32, #tpu.memory_space<hbm>>
      tpu.wait_dma2 semaphore(%run_scoped3A : memref<!tpu.dma_semaphore, #tpu.memory_space<semaphore_mem>>) src(%dma_wait3A_708 : memref<2048xi32, #tpu.memory_space<hbm>>) dst(%arg5 : memref<2048xi32, #tpu.memory_space<vmem>>)
      tpu.yield
    }) : () -> ()
    %dma_start3A = arith.constant 0 : i32
    %dma_start3A_3 = tpu.memref_slice %arg5[%dma_start3A] : memref<2048xi32, #tpu.memory_space<vmem>> -> memref<64xi32, #tpu.memory_space<vmem>>
    %dma_start3A_4 = arith.constant 0 : i32
    %dma_start3A_5 = arith.constant 0 : i32
    %dma_start3A_6 = tpu.memref_slice %arg3[%dma_start3A_4, %dma_start3A_5] : memref<30522x768xf32, #tpu.memory_space<hbm>> -> memref<30522x768xf32, #tpu.memory_space<hbm>>
    tpu.enqueue_indirect_dma source(%dma_start3A_6 : memref<30522x768xf32, #tpu.memory_space<hbm>>) target(%arg6 : memref<64x768xf32, #tpu.memory_space<vmem>>) offsets(%dma_start3A_3 : memref<64xi32, #tpu.memory_space<vmem>>) semaphore(%arg8 : memref<!tpu.dma_semaphore, #tpu.memory_space<semaphore_mem>>)
    %dma_wait3A = arith.constant 0 : i32
    %dma_wait3A_7 = tpu.memref_slice %arg5[%dma_wait3A] : memref<2048xi32, #tpu.memory_space<vmem>> -> memref<64xi32, #tpu.memory_space<vmem>>
    %dma_wait3A_8 = arith.constant 0 : i32
    %dma_wait3A_9 = arith.constant 0 : i32
    %dma_wait3A_10 = tpu.memref_slice %arg3[%dma_wait3A_8, %dma_wait3A_9] : memref<30522x768xf32, #tpu.memory_space<hbm>> -> memref<30522x768xf32, #tpu.memory_space<hbm>>
    tpu.wait_indirect_dma semaphore(%arg8 : memref<!tpu.dma_semaphore, #tpu.memory_space<semaphore_mem>>) src(%dma_wait3A_10 : memref<30522x768xf32, #tpu.memory_space<hbm>>) dst(%arg6 : memref<64x768xf32, #tpu.memory_space<vmem>>)
    %dma_start3A_11 = arith.constant 64 : i32
    %dma_start3A_12 = tpu.memref_slice %arg5[%dma_start3A_11] : memref<2048xi32, #tpu.memory_space<vmem>> -> memref<64xi32, #tpu.memory_space<vmem>>
    %dma_start3A_13 = arith.constant 0 : i32
    %dma_start3A_14 = arith.constant 0 : i32
    %dma_start3A_15 = tpu.memref_slice %arg3[%dma_start3A_13, %dma_start3A_14] : memref<30522x768xf32, #tpu.memory_space<hbm>> -> memref<30522x768xf32, #tpu.memory_space<hbm>>
    tpu.enqueue_indirect_dma source(%dma_start3A_15 : memref<30522x768xf32, #tpu.memory_space<hbm>>) target(%arg7 : memref<64x768xf32, #tpu.memory_space<vmem>>) offsets(%dma_start3A_12 : memref<64xi32, #tpu.memory_space<vmem>>) semaphore(%arg9 : memref<!tpu.dma_semaphore, #tpu.memory_space<semaphore_mem>>)
    %add3A_16 = arith.constant 0 : i32
    %add3A_17 = arith.addi %mul3A_2, %add3A_16 : i32
    %dma_start3A_18 = arith.constant 0 : i32
    %dma_start3A_19 = tpu.memref_slice %arg4[%add3A_17, %dma_start3A_18] : memref<65536x768xf32, #tpu.memory_space<hbm>> -> memref<64x768xf32, #tpu.memory_space<hbm>>
    %dma_start3A_20 = arith.constant 0 : i32
    %dma_start3A_21 = tpu.memref_slice %arg4[%add3A_17, %dma_start3A_20] : memref<65536x768xf32, #tpu.memory_space<hbm>> -> memref<64x768xf32, #tpu.memory_space<hbm>>
    tpu.enqueue_dma source(%arg6 : memref<64x768xf32, #tpu.memory_space<vmem>>) target(%dma_start3A_21 : memref<64x768xf32, #tpu.memory_space<hbm>>) target_semaphore(%arg10 : memref<!tpu.dma_semaphore, #tpu.memory_space<semaphore_mem>>)
    %dma_wait3A_22 = arith.constant 64 : i32
    %dma_wait3A_23 = tpu.memref_slice %arg5[%dma_wait3A_22] : memref<2048xi32, #tpu.memory_space<vmem>> -> memref<64xi32, #tpu.memory_space<vmem>>
    %dma_wait3A_24 = arith.constant 0 : i32
    %dma_wait3A_25 = arith.constant 0 : i32
    %dma_wait3A_26 = tpu.memref_slice %arg3[%dma_wait3A_24, %dma_wait3A_25] : memref<30522x768xf32, #tpu.memory_space<hbm>> -> memref<30522x768xf32, #tpu.memory_space<hbm>>
    tpu.wait_indirect_dma semaphore(%arg9 : memref<!tpu.dma_semaphore, #tpu.memory_space<semaphore_mem>>) src(%dma_wait3A_26 : memref<30522x768xf32, #tpu.memory_space<hbm>>) dst(%arg7 : memref<64x768xf32, #tpu.memory_space<vmem>>)
    %add3A_27 = arith.constant 0 : i32
    %add3A_28 = arith.addi %mul3A_2, %add3A_27 : i32
    %dma_wait3A_29 = arith.constant 0 : i32
    %dma_wait3A_30 = tpu.memref_slice %arg4[%add3A_28, %dma_wait3A_29] : memref<65536x768xf32, #tpu.memory_space<hbm>> -> memref<64x768xf32, #tpu.memory_space<hbm>>
    %dma_wait3A_31 = arith.constant 0 : i32
    %dma_wait3A_32 = tpu.memref_slice %arg4[%add3A_28, %dma_wait3A_31] : memref<65536x768xf32, #tpu.memory_space<hbm>> -> memref<64x768xf32, #tpu.memory_space<hbm>>
    tpu.wait_dma2 semaphore(%arg10 : memref<!tpu.dma_semaphore, #tpu.memory_space<semaphore_mem>>) src(%arg6 : memref<64x768xf32, #tpu.memory_space<vmem>>) dst(%dma_wait3A_32 : memref<64x768xf32, #tpu.memory_space<hbm>>)
    %dma_start3A_33 = arith.constant 128 : i32
    %dma_start3A_34 = tpu.memref_slice %arg5[%dma_start3A_33] : memref<2048xi32, #tpu.memory_space<vmem>> -> memref<64xi32, #tpu.memory_space<vmem>>
    %dma_start3A_35 = arith.constant 0 : i32
    %dma_start3A_36 = arith.constant 0 : i32
    %dma_start3A_37 = tpu.memref_slice %arg3[%dma_start3A_35, %dma_start3A_36] : memref<30522x768xf32, #tpu.memory_space<hbm>> -> memref<30522x768xf32, #tpu.memory_space<hbm>>
    tpu.enqueue_indirect_dma source(%dma_start3A_37 : memref<30522x768xf32, #tpu.memory_space<hbm>>) target(%arg6 : memref<64x768xf32, #tpu.memory_space<vmem>>) offsets(%dma_start3A_34 : memref<64xi32, #tpu.memory_space<vmem>>) semaphore(%arg8 : memref<!tpu.dma_semaphore, #tpu.memory_space<semaphore_mem>>)
    %add3A_38 = arith.constant 64 : i32
    %add3A_39 = arith.addi %mul3A_2, %add3A_38 : i32
    %dma_start3A_40 = arith.constant 0 : i32
    %dma_start3A_41 = tpu.memref_slice %arg4[%add3A_39, %dma_start3A_40] : memref<65536x768xf32, #tpu.memory_space<hbm>> -> memref<64x768xf32, #tpu.memory_space<hbm>>
    %dma_start3A_42 = arith.constant 0 : i32
    %dma_start3A_43 = tpu.memref_slice %arg4[%add3A_39, %dma_start3A_42] : memref<65536x768xf32, #tpu.memory_space<hbm>> -> memref<64x768xf32, #tpu.memory_space<hbm>>
    tpu.enqueue_dma source(%arg7 : memref<64x768xf32, #tpu.memory_space<vmem>>) target(%dma_start3A_43 : memref<64x768xf32, #tpu.memory_space<hbm>>) target_semaphore(%arg11 : memref<!tpu.dma_semaphore, #tpu.memory_space<semaphore_mem>>)
    %dma_wait3A_44 = arith.constant 128 : i32
    %dma_wait3A_45 = tpu.memref_slice %arg5[%dma_wait3A_44] : memref<2048xi32, #tpu.memory_space<vmem>> -> memref<64xi32, #tpu.memory_space<vmem>>
    %dma_wait3A_46 = arith.constant 0 : i32
    %dma_wait3A_47 = arith.constant 0 : i32
    %dma_wait3A_48 = tpu.memref_slice %arg3[%dma_wait3A_46, %dma_wait3A_47] : memref<30522x768xf32, #tpu.memory_space<hbm>> -> memref<30522x768xf32, #tpu.memory_space<hbm>>
    tpu.wait_indirect_dma semaphore(%arg8 : memref<!tpu.dma_semaphore, #tpu.memory_space<semaphore_mem>>) src(%dma_wait3A_48 : memref<30522x768xf32, #tpu.memory_space<hbm>>) dst(%arg6 : memref<64x768xf32, #tpu.memory_space<vmem>>)
    %add3A_49 = arith.constant 64 : i32
    %add3A_50 = arith.addi %mul3A_2, %add3A_49 : i32
    %dma_wait3A_51 = arith.constant 0 : i32
    %dma_wait3A_52 = tpu.memref_slice %arg4[%add3A_50, %dma_wait3A_51] : memref<65536x768xf32, #tpu.memory_space<hbm>> -> memref<64x768xf32, #tpu.memory_space<hbm>>
    %dma_wait3A_53 = arith.constant 0 : i32
    %dma_wait3A_54 = tpu.memref_slice %arg4[%add3A_50, %dma_wait3A_53] : memref<65536x768xf32, #tpu.memory_space<hbm>> -> memref<64x768xf32, #tpu.memory_space<hbm>>
    tpu.wait_dma2 semaphore(%arg11 : memref<!tpu.dma_semaphore, #tpu.memory_space<semaphore_mem>>) src(%arg7 : memref<64x768xf32, #tpu.memory_space<vmem>>) dst(%dma_wait3A_54 : memref<64x768xf32, #tpu.memory_space<hbm>>)
    %dma_start3A_55 = arith.constant 192 : i32
    %dma_start3A_56 = tpu.memref_slice %arg5[%dma_start3A_55] : memref<2048xi32, #tpu.memory_space<vmem>> -> memref<64xi32, #tpu.memory_space<vmem>>
    %dma_start3A_57 = arith.constant 0 : i32
    %dma_start3A_58 = arith.constant 0 : i32
    %dma_start3A_59 = tpu.memref_slice %arg3[%dma_start3A_57, %dma_start3A_58] : memref<30522x768xf32, #tpu.memory_space<hbm>> -> memref<30522x768xf32, #tpu.memory_space<hbm>>
    tpu.enqueue_indirect_dma source(%dma_start3A_59 : memref<30522x768xf32, #tpu.memory_space<hbm>>) target(%arg7 : memref<64x768xf32, #tpu.memory_space<vmem>>) offsets(%dma_start3A_56 : memref<64xi32, #tpu.memory_space<vmem>>) semaphore(%arg9 : memref<!tpu.dma_semaphore, #tpu.memory_space<semaphore_mem>>)
    %add3A_60 = arith.constant 128 : i32
    %add3A_61 = arith.addi %mul3A_2, %add3A_60 : i32
    %dma_start3A_62 = arith.constant 0 : i32
    %dma_start3A_63 = tpu.memref_slice %arg4[%add3A_61, %dma_start3A_62] : memref<65536x768xf32, #tpu.memory_space<hbm>> -> memref<64x768xf32, #tpu.memory_space<hbm>>
    %dma_start3A_64 = arith.constant 0 : i32
    %dma_start3A_65 = tpu.memref_slice %arg4[%add3A_61, %dma_start3A_64] : memref<65536x768xf32, #tpu.memory_space<hbm>> -> memref<64x768xf32, #tpu.memory_space<hbm>>
    tpu.enqueue_dma source(%arg6 : memref<64x768xf32, #tpu.memory_space<vmem>>) target(%dma_start3A_65 : memref<64x768xf32, #tpu.memory_space<hbm>>) target_semaphore(%arg10 : memref<!tpu.dma_semaphore, #tpu.memory_space<semaphore_mem>>)
    %dma_wait3A_66 = arith.constant 192 : i32
    %dma_wait3A_67 = tpu.memref_slice %arg5[%dma_wait3A_66] : memref<2048xi32, #tpu.memory_space<vmem>> -> memref<64xi32, #tpu.memory_space<vmem>>
    %dma_wait3A_68 = arith.constant 0 : i32
    %dma_wait3A_69 = arith.constant 0 : i32
    %dma_wait3A_70 = tpu.memref_slice %arg3[%dma_wait3A_68, %dma_wait3A_69] : memref<30522x768xf32, #tpu.memory_space<hbm>> -> memref<30522x768xf32, #tpu.memory_space<hbm>>
    tpu.wait_indirect_dma semaphore(%arg9 : memref<!tpu.dma_semaphore, #tpu.memory_space<semaphore_mem>>) src(%dma_wait3A_70 : memref<30522x768xf32, #tpu.memory_space<hbm>>) dst(%arg7 : memref<64x768xf32, #tpu.memory_space<vmem>>)
    %add3A_71 = arith.constant 128 : i32
    %add3A_72 = arith.addi %mul3A_2, %add3A_71 : i32
    %dma_wait3A_73 = arith.constant 0 : i32
    %dma_wait3A_74 = tpu.memref_slice %arg4[%add3A_72, %dma_wait3A_73] : memref<65536x768xf32, #tpu.memory_space<hbm>> -> memref<64x768xf32, #tpu.memory_space<hbm>>
    %dma_wait3A_75 = arith.constant 0 : i32
    %dma_wait3A_76 = tpu.memref_slice %arg4[%add3A_72, %dma_wait3A_75] : memref<65536x768xf32, #tpu.memory_space<hbm>> -> memref<64x768xf32, #tpu.memory_space<hbm>>
    tpu.wait_dma2 semaphore(%arg10 : memref<!tpu.dma_semaphore, #tpu.memory_space<semaphore_mem>>) src(%arg6 : memref<64x768xf32, #tpu.memory_space<vmem>>) dst(%dma_wait3A_76 : memref<64x768xf32, #tpu.memory_space<hbm>>)
    %dma_start3A_77 = arith.constant 256 : i32
    %dma_start3A_78 = tpu.memref_slice %arg5[%dma_start3A_77] : memref<2048xi32, #tpu.memory_space<vmem>> -> memref<64xi32, #tpu.memory_space<vmem>>
    %dma_start3A_79 = arith.constant 0 : i32
    %dma_start3A_80 = arith.constant 0 : i32
    %dma_start3A_81 = tpu.memref_slice %arg3[%dma_start3A_79, %dma_start3A_80] : memref<30522x768xf32, #tpu.memory_space<hbm>> -> memref<30522x768xf32, #tpu.memory_space<hbm>>
    tpu.enqueue_indirect_dma source(%dma_start3A_81 : memref<30522x768xf32, #tpu.memory_space<hbm>>) target(%arg6 : memref<64x768xf32, #tpu.memory_space<vmem>>) offsets(%dma_start3A_78 : memref<64xi32, #tpu.memory_space<vmem>>) semaphore(%arg8 : memref<!tpu.dma_semaphore, #tpu.memory_space<semaphore_mem>>)
    %add3A_82 = arith.constant 192 : i32
    %add3A_83 = arith.addi %mul3A_2, %add3A_82 : i32
    %dma_start3A_84 = arith.constant 0 : i32
    %dma_start3A_85 = tpu.memref_slice %arg4[%add3A_83, %dma_start3A_84] : memref<65536x768xf32, #tpu.memory_space<hbm>> -> memref<64x768xf32, #tpu.memory_space<hbm>>
    %dma_start3A_86 = arith.constant 0 : i32
    %dma_start3A_87 = tpu.memref_slice %arg4[%add3A_83, %dma_start3A_86] : memref<65536x768xf32, #tpu.memory_space<hbm>> -> memref<64x768xf32, #tpu.memory_space<hbm>>
    tpu.enqueue_dma source(%arg7 : memref<64x768xf32, #tpu.memory_space<vmem>>) target(%dma_start3A_87 : memref<64x768xf32, #tpu.memory_space<hbm>>) target_semaphore(%arg11 : memref<!tpu.dma_semaphore, #tpu.memory_space<semaphore_mem>>)
    %dma_wait3A_88 = arith.constant 256 : i32
    %dma_wait3A_89 = tpu.memref_slice %arg5[%dma_wait3A_88] : memref<2048xi32, #tpu.memory_space<vmem>> -> memref<64xi32, #tpu.memory_space<vmem>>
    %dma_wait3A_90 = arith.constant 0 : i32
    %dma_wait3A_91 = arith.constant 0 : i32
    %dma_wait3A_92 = tpu.memref_slice %arg3[%dma_wait3A_90, %dma_wait3A_91] : memref<30522x768xf32, #tpu.memory_space<hbm>> -> memref<30522x768xf32, #tpu.memory_space<hbm>>
    tpu.wait_indirect_dma semaphore(%arg8 : memref<!tpu.dma_semaphore, #tpu.memory_space<semaphore_mem>>) src(%dma_wait3A_92 : memref<30522x768xf32, #tpu.memory_space<hbm>>) dst(%arg6 : memref<64x768xf32, #tpu.memory_space<vmem>>)
    %add3A_93 = arith.constant 192 : i32
    %add3A_94 = arith.addi %mul3A_2, %add3A_93 : i32
    %dma_wait3A_95 = arith.constant 0 : i32
    %dma_wait3A_96 = tpu.memref_slice %arg4[%add3A_94, %dma_wait3A_95] : memref<65536x768xf32, #tpu.memory_space<hbm>> -> memref<64x768xf32, #tpu.memory_space<hbm>>
    %dma_wait3A_97 = arith.constant 0 : i32
    %dma_wait3A_98 = tpu.memref_slice %arg4[%add3A_94, %dma_wait3A_97] : memref<65536x768xf32, #tpu.memory_space<hbm>> -> memref<64x768xf32, #tpu.memory_space<hbm>>
    tpu.wait_dma2 semaphore(%arg11 : memref<!tpu.dma_semaphore, #tpu.memory_space<semaphore_mem>>) src(%arg7 : memref<64x768xf32, #tpu.memory_space<vmem>>) dst(%dma_wait3A_98 : memref<64x768xf32, #tpu.memory_space<hbm>>)
    %dma_start3A_99 = arith.constant 320 : i32
    %dma_start3A_100 = tpu.memref_slice %arg5[%dma_start3A_99] : memref<2048xi32, #tpu.memory_space<vmem>> -> memref<64xi32, #tpu.memory_space<vmem>>
    %dma_start3A_101 = arith.constant 0 : i32
    %dma_start3A_102 = arith.constant 0 : i32
    %dma_start3A_103 = tpu.memref_slice %arg3[%dma_start3A_101, %dma_start3A_102] : memref<30522x768xf32, #tpu.memory_space<hbm>> -> memref<30522x768xf32, #tpu.memory_space<hbm>>
    tpu.enqueue_indirect_dma source(%dma_start3A_103 : memref<30522x768xf32, #tpu.memory_space<hbm>>) target(%arg7 : memref<64x768xf32, #tpu.memory_space<vmem>>) offsets(%dma_start3A_100 : memref<64xi32, #tpu.memory_space<vmem>>) semaphore(%arg9 : memref<!tpu.dma_semaphore, #tpu.memory_space<semaphore_mem>>)
    %add3A_104 = arith.constant 256 : i32
    %add3A_105 = arith.addi %mul3A_2, %add3A_104 : i32
    %dma_start3A_106 = arith.constant 0 : i32
    %dma_start3A_107 = tpu.memref_slice %arg4[%add3A_105, %dma_start3A_106] : memref<65536x768xf32, #tpu.memory_space<hbm>> -> memref<64x768xf32, #tpu.memory_space<hbm>>
    %dma_start3A_108 = arith.constant 0 : i32
    %dma_start3A_109 = tpu.memref_slice %arg4[%add3A_105, %dma_start3A_108] : memref<65536x768xf32, #tpu.memory_space<hbm>> -> memref<64x768xf32, #tpu.memory_space<hbm>>
    tpu.enqueue_dma source(%arg6 : memref<64x768xf32, #tpu.memory_space<vmem>>) target(%dma_start3A_109 : memref<64x768xf32, #tpu.memory_space<hbm>>) target_semaphore(%arg10 : memref<!tpu.dma_semaphore, #tpu.memory_space<semaphore_mem>>)
    %dma_wait3A_110 = arith.constant 320 : i32
    %dma_wait3A_111 = tpu.memref_slice %arg5[%dma_wait3A_110] : memref<2048xi32, #tpu.memory_space<vmem>> -> memref<64xi32, #tpu.memory_space<vmem>>
    %dma_wait3A_112 = arith.constant 0 : i32
    %dma_wait3A_113 = arith.constant 0 : i32
    %dma_wait3A_114 = tpu.memref_slice %arg3[%dma_wait3A_112, %dma_wait3A_113] : memref<30522x768xf32, #tpu.memory_space<hbm>> -> memref<30522x768xf32, #tpu.memory_space<hbm>>
    tpu.wait_indirect_dma semaphore(%arg9 : memref<!tpu.dma_semaphore, #tpu.memory_space<semaphore_mem>>) src(%dma_wait3A_114 : memref<30522x768xf32, #tpu.memory_space<hbm>>) dst(%arg7 : memref<64x768xf32, #tpu.memory_space<vmem>>)
    %add3A_115 = arith.constant 256 : i32
    %add3A_116 = arith.addi %mul3A_2, %add3A_115 : i32
    %dma_wait3A_117 = arith.constant 0 : i32
    %dma_wait3A_118 = tpu.memref_slice %arg4[%add3A_116, %dma_wait3A_117] : memref<65536x768xf32, #tpu.memory_space<hbm>> -> memref<64x768xf32, #tpu.memory_space<hbm>>
    %dma_wait3A_119 = arith.constant 0 : i32
    %dma_wait3A_120 = tpu.memref_slice %arg4[%add3A_116, %dma_wait3A_119] : memref<65536x768xf32, #tpu.memory_space<hbm>> -> memref<64x768xf32, #tpu.memory_space<hbm>>
    tpu.wait_dma2 semaphore(%arg10 : memref<!tpu.dma_semaphore, #tpu.memory_space<semaphore_mem>>) src(%arg6 : memref<64x768xf32, #tpu.memory_space<vmem>>) dst(%dma_wait3A_120 : memref<64x768xf32, #tpu.memory_space<hbm>>)
    %dma_start3A_121 = arith.constant 384 : i32
    %dma_start3A_122 = tpu.memref_slice %arg5[%dma_start3A_121] : memref<2048xi32, #tpu.memory_space<vmem>> -> memref<64xi32, #tpu.memory_space<vmem>>
    %dma_start3A_123 = arith.constant 0 : i32
    %dma_start3A_124 = arith.constant 0 : i32
    %dma_start3A_125 = tpu.memref_slice %arg3[%dma_start3A_123, %dma_start3A_124] : memref<30522x768xf32, #tpu.memory_space<hbm>> -> memref<30522x768xf32, #tpu.memory_space<hbm>>
    tpu.enqueue_indirect_dma source(%dma_start3A_125 : memref<30522x768xf32, #tpu.memory_space<hbm>>) target(%arg6 : memref<64x768xf32, #tpu.memory_space<vmem>>) offsets(%dma_start3A_122 : memref<64xi32, #tpu.memory_space<vmem>>) semaphore(%arg8 : memref<!tpu.dma_semaphore, #tpu.memory_space<semaphore_mem>>)
    %add3A_126 = arith.constant 320 : i32
    %add3A_127 = arith.addi %mul3A_2, %add3A_126 : i32
    %dma_start3A_128 = arith.constant 0 : i32
    %dma_start3A_129 = tpu.memref_slice %arg4[%add3A_127, %dma_start3A_128] : memref<65536x768xf32, #tpu.memory_space<hbm>> -> memref<64x768xf32, #tpu.memory_space<hbm>>
    %dma_start3A_130 = arith.constant 0 : i32
    %dma_start3A_131 = tpu.memref_slice %arg4[%add3A_127, %dma_start3A_130] : memref<65536x768xf32, #tpu.memory_space<hbm>> -> memref<64x768xf32, #tpu.memory_space<hbm>>
    tpu.enqueue_dma source(%arg7 : memref<64x768xf32, #tpu.memory_space<vmem>>) target(%dma_start3A_131 : memref<64x768xf32, #tpu.memory_space<hbm>>) target_semaphore(%arg11 : memref<!tpu.dma_semaphore, #tpu.memory_space<semaphore_mem>>)
    %dma_wait3A_132 = arith.constant 384 : i32
    %dma_wait3A_133 = tpu.memref_slice %arg5[%dma_wait3A_132] : memref<2048xi32, #tpu.memory_space<vmem>> -> memref<64xi32, #tpu.memory_space<vmem>>
    %dma_wait3A_134 = arith.constant 0 : i32
    %dma_wait3A_135 = arith.constant 0 : i32
    %dma_wait3A_136 = tpu.memref_slice %arg3[%dma_wait3A_134, %dma_wait3A_135] : memref<30522x768xf32, #tpu.memory_space<hbm>> -> memref<30522x768xf32, #tpu.memory_space<hbm>>
    tpu.wait_indirect_dma semaphore(%arg8 : memref<!tpu.dma_semaphore, #tpu.memory_space<semaphore_mem>>) src(%dma_wait3A_136 : memref<30522x768xf32, #tpu.memory_space<hbm>>) dst(%arg6 : memref<64x768xf32, #tpu.memory_space<vmem>>)
    %add3A_137 = arith.constant 320 : i32
    %add3A_138 = arith.addi %mul3A_2, %add3A_137 : i32
    %dma_wait3A_139 = arith.constant 0 : i32
    %dma_wait3A_140 = tpu.memref_slice %arg4[%add3A_138, %dma_wait3A_139] : memref<65536x768xf32, #tpu.memory_space<hbm>> -> memref<64x768xf32, #tpu.memory_space<hbm>>
    %dma_wait3A_141 = arith.constant 0 : i32
    %dma_wait3A_142 = tpu.memref_slice %arg4[%add3A_138, %dma_wait3A_141] : memref<65536x768xf32, #tpu.memory_space<hbm>> -> memref<64x768xf32, #tpu.memory_space<hbm>>
    tpu.wait_dma2 semaphore(%arg11 : memref<!tpu.dma_semaphore, #tpu.memory_space<semaphore_mem>>) src(%arg7 : memref<64x768xf32, #tpu.memory_space<vmem>>) dst(%dma_wait3A_142 : memref<64x768xf32, #tpu.memory_space<hbm>>)
    %dma_start3A_143 = arith.constant 448 : i32
    %dma_start3A_144 = tpu.memref_slice %arg5[%dma_start3A_143] : memref<2048xi32, #tpu.memory_space<vmem>> -> memref<64xi32, #tpu.memory_space<vmem>>
    %dma_start3A_145 = arith.constant 0 : i32
    %dma_start3A_146 = arith.constant 0 : i32
    %dma_start3A_147 = tpu.memref_slice %arg3[%dma_start3A_145, %dma_start3A_146] : memref<30522x768xf32, #tpu.memory_space<hbm>> -> memref<30522x768xf32, #tpu.memory_space<hbm>>
    tpu.enqueue_indirect_dma source(%dma_start3A_147 : memref<30522x768xf32, #tpu.memory_space<hbm>>) target(%arg7 : memref<64x768xf32, #tpu.memory_space<vmem>>) offsets(%dma_start3A_144 : memref<64xi32, #tpu.memory_space<vmem>>) semaphore(%arg9 : memref<!tpu.dma_semaphore, #tpu.memory_space<semaphore_mem>>)
    %add3A_148 = arith.constant 384 : i32
    %add3A_149 = arith.addi %mul3A_2, %add3A_148 : i32
    %dma_start3A_150 = arith.constant 0 : i32
    %dma_start3A_151 = tpu.memref_slice %arg4[%add3A_149, %dma_start3A_150] : memref<65536x768xf32, #tpu.memory_space<hbm>> -> memref<64x768xf32, #tpu.memory_space<hbm>>
    %dma_start3A_152 = arith.constant 0 : i32
    %dma_start3A_153 = tpu.memref_slice %arg4[%add3A_149, %dma_start3A_152] : memref<65536x768xf32, #tpu.memory_space<hbm>> -> memref<64x768xf32, #tpu.memory_space<hbm>>
    tpu.enqueue_dma source(%arg6 : memref<64x768xf32, #tpu.memory_space<vmem>>) target(%dma_start3A_153 : memref<64x768xf32, #tpu.memory_space<hbm>>) target_semaphore(%arg10 : memref<!tpu.dma_semaphore, #tpu.memory_space<semaphore_mem>>)
    %dma_wait3A_154 = arith.constant 448 : i32
    %dma_wait3A_155 = tpu.memref_slice %arg5[%dma_wait3A_154] : memref<2048xi32, #tpu.memory_space<vmem>> -> memref<64xi32, #tpu.memory_space<vmem>>
    %dma_wait3A_156 = arith.constant 0 : i32
    %dma_wait3A_157 = arith.constant 0 : i32
    %dma_wait3A_158 = tpu.memref_slice %arg3[%dma_wait3A_156, %dma_wait3A_157] : memref<30522x768xf32, #tpu.memory_space<hbm>> -> memref<30522x768xf32, #tpu.memory_space<hbm>>
    tpu.wait_indirect_dma semaphore(%arg9 : memref<!tpu.dma_semaphore, #tpu.memory_space<semaphore_mem>>) src(%dma_wait3A_158 : memref<30522x768xf32, #tpu.memory_space<hbm>>) dst(%arg7 : memref<64x768xf32, #tpu.memory_space<vmem>>)
    %add3A_159 = arith.constant 384 : i32
    %add3A_160 = arith.addi %mul3A_2, %add3A_159 : i32
    %dma_wait3A_161 = arith.constant 0 : i32
    %dma_wait3A_162 = tpu.memref_slice %arg4[%add3A_160, %dma_wait3A_161] : memref<65536x768xf32, #tpu.memory_space<hbm>> -> memref<64x768xf32, #tpu.memory_space<hbm>>
    %dma_wait3A_163 = arith.constant 0 : i32
    %dma_wait3A_164 = tpu.memref_slice %arg4[%add3A_160, %dma_wait3A_163] : memref<65536x768xf32, #tpu.memory_space<hbm>> -> memref<64x768xf32, #tpu.memory_space<hbm>>
    tpu.wait_dma2 semaphore(%arg10 : memref<!tpu.dma_semaphore, #tpu.memory_space<semaphore_mem>>) src(%arg6 : memref<64x768xf32, #tpu.memory_space<vmem>>) dst(%dma_wait3A_164 : memref<64x768xf32, #tpu.memory_space<hbm>>)
    %dma_start3A_165 = arith.constant 512 : i32
    %dma_start3A_166 = tpu.memref_slice %arg5[%dma_start3A_165] : memref<2048xi32, #tpu.memory_space<vmem>> -> memref<64xi32, #tpu.memory_space<vmem>>
    %dma_start3A_167 = arith.constant 0 : i32
    %dma_start3A_168 = arith.constant 0 : i32
    %dma_start3A_169 = tpu.memref_slice %arg3[%dma_start3A_167, %dma_start3A_168] : memref<30522x768xf32, #tpu.memory_space<hbm>> -> memref<30522x768xf32, #tpu.memory_space<hbm>>
    tpu.enqueue_indirect_dma source(%dma_start3A_169 : memref<30522x768xf32, #tpu.memory_space<hbm>>) target(%arg6 : memref<64x768xf32, #tpu.memory_space<vmem>>) offsets(%dma_start3A_166 : memref<64xi32, #tpu.memory_space<vmem>>) semaphore(%arg8 : memref<!tpu.dma_semaphore, #tpu.memory_space<semaphore_mem>>)
    %add3A_170 = arith.constant 448 : i32
    %add3A_171 = arith.addi %mul3A_2, %add3A_170 : i32
    %dma_start3A_172 = arith.constant 0 : i32
    %dma_start3A_173 = tpu.memref_slice %arg4[%add3A_171, %dma_start3A_172] : memref<65536x768xf32, #tpu.memory_space<hbm>> -> memref<64x768xf32, #tpu.memory_space<hbm>>
    %dma_start3A_174 = arith.constant 0 : i32
    %dma_start3A_175 = tpu.memref_slice %arg4[%add3A_171, %dma_start3A_174] : memref<65536x768xf32, #tpu.memory_space<hbm>> -> memref<64x768xf32, #tpu.memory_space<hbm>>
    tpu.enqueue_dma source(%arg7 : memref<64x768xf32, #tpu.memory_space<vmem>>) target(%dma_start3A_175 : memref<64x768xf32, #tpu.memory_space<hbm>>) target_semaphore(%arg11 : memref<!tpu.dma_semaphore, #tpu.memory_space<semaphore_mem>>)
    %dma_wait3A_176 = arith.constant 512 : i32
    %dma_wait3A_177 = tpu.memref_slice %arg5[%dma_wait3A_176] : memref<2048xi32, #tpu.memory_space<vmem>> -> memref<64xi32, #tpu.memory_space<vmem>>
    %dma_wait3A_178 = arith.constant 0 : i32
    %dma_wait3A_179 = arith.constant 0 : i32
    %dma_wait3A_180 = tpu.memref_slice %arg3[%dma_wait3A_178, %dma_wait3A_179] : memref<30522x768xf32, #tpu.memory_space<hbm>> -> memref<30522x768xf32, #tpu.memory_space<hbm>>
    tpu.wait_indirect_dma semaphore(%arg8 : memref<!tpu.dma_semaphore, #tpu.memory_space<semaphore_mem>>) src(%dma_wait3A_180 : memref<30522x768xf32, #tpu.memory_space<hbm>>) dst(%arg6 : memref<64x768xf32, #tpu.memory_space<vmem>>)
    %add3A_181 = arith.constant 448 : i32
    %add3A_182 = arith.addi %mul3A_2, %add3A_181 : i32
    %dma_wait3A_183 = arith.constant 0 : i32
    %dma_wait3A_184 = tpu.memref_slice %arg4[%add3A_182, %dma_wait3A_183] : memref<65536x768xf32, #tpu.memory_space<hbm>> -> memref<64x768xf32, #tpu.memory_space<hbm>>
    %dma_wait3A_185 = arith.constant 0 : i32
    %dma_wait3A_186 = tpu.memref_slice %arg4[%add3A_182, %dma_wait3A_185] : memref<65536x768xf32, #tpu.memory_space<hbm>> -> memref<64x768xf32, #tpu.memory_space<hbm>>
    tpu.wait_dma2 semaphore(%arg11 : memref<!tpu.dma_semaphore, #tpu.memory_space<semaphore_mem>>) src(%arg7 : memref<64x768xf32, #tpu.memory_space<vmem>>) dst(%dma_wait3A_186 : memref<64x768xf32, #tpu.memory_space<hbm>>)
    %dma_start3A_187 = arith.constant 576 : i32
    %dma_start3A_188 = tpu.memref_slice %arg5[%dma_start3A_187] : memref<2048xi32, #tpu.memory_space<vmem>> -> memref<64xi32, #tpu.memory_space<vmem>>
    %dma_start3A_189 = arith.constant 0 : i32
    %dma_start3A_190 = arith.constant 0 : i32
    %dma_start3A_191 = tpu.memref_slice %arg3[%dma_start3A_189, %dma_start3A_190] : memref<30522x768xf32, #tpu.memory_space<hbm>> -> memref<30522x768xf32, #tpu.memory_space<hbm>>
    tpu.enqueue_indirect_dma source(%dma_start3A_191 : memref<30522x768xf32, #tpu.memory_space<hbm>>) target(%arg7 : memref<64x768xf32, #tpu.memory_space<vmem>>) offsets(%dma_start3A_188 : memref<64xi32, #tpu.memory_space<vmem>>) semaphore(%arg9 : memref<!tpu.dma_semaphore, #tpu.memory_space<semaphore_mem>>)
    %add3A_192 = arith.constant 512 : i32
    %add3A_193 = arith.addi %mul3A_2, %add3A_192 : i32
    %dma_start3A_194 = arith.constant 0 : i32
    %dma_start3A_195 = tpu.memref_slice %arg4[%add3A_193, %dma_start3A_194] : memref<65536x768xf32, #tpu.memory_space<hbm>> -> memref<64x768xf32, #tpu.memory_space<hbm>>
    %dma_start3A_196 = arith.constant 0 : i32
    %dma_start3A_197 = tpu.memref_slice %arg4[%add3A_193, %dma_start3A_196] : memref<65536x768xf32, #tpu.memory_space<hbm>> -> memref<64x768xf32, #tpu.memory_space<hbm>>
    tpu.enqueue_dma source(%arg6 : memref<64x768xf32, #tpu.memory_space<vmem>>) target(%dma_start3A_197 : memref<64x768xf32, #tpu.memory_space<hbm>>) target_semaphore(%arg10 : memref<!tpu.dma_semaphore, #tpu.memory_space<semaphore_mem>>)
    %dma_wait3A_198 = arith.constant 576 : i32
    %dma_wait3A_199 = tpu.memref_slice %arg5[%dma_wait3A_198] : memref<2048xi32, #tpu.memory_space<vmem>> -> memref<64xi32, #tpu.memory_space<vmem>>
    %dma_wait3A_200 = arith.constant 0 : i32
    %dma_wait3A_201 = arith.constant 0 : i32
    %dma_wait3A_202 = tpu.memref_slice %arg3[%dma_wait3A_200, %dma_wait3A_201] : memref<30522x768xf32, #tpu.memory_space<hbm>> -> memref<30522x768xf32, #tpu.memory_space<hbm>>
    tpu.wait_indirect_dma semaphore(%arg9 : memref<!tpu.dma_semaphore, #tpu.memory_space<semaphore_mem>>) src(%dma_wait3A_202 : memref<30522x768xf32, #tpu.memory_space<hbm>>) dst(%arg7 : memref<64x768xf32, #tpu.memory_space<vmem>>)
    %add3A_203 = arith.constant 512 : i32
    %add3A_204 = arith.addi %mul3A_2, %add3A_203 : i32
    %dma_wait3A_205 = arith.constant 0 : i32
    %dma_wait3A_206 = tpu.memref_slice %arg4[%add3A_204, %dma_wait3A_205] : memref<65536x768xf32, #tpu.memory_space<hbm>> -> memref<64x768xf32, #tpu.memory_space<hbm>>
    %dma_wait3A_207 = arith.constant 0 : i32
    %dma_wait3A_208 = tpu.memref_slice %arg4[%add3A_204, %dma_wait3A_207] : memref<65536x768xf32, #tpu.memory_space<hbm>> -> memref<64x768xf32, #tpu.memory_space<hbm>>
    tpu.wait_dma2 semaphore(%arg10 : memref<!tpu.dma_semaphore, #tpu.memory_space<semaphore_mem>>) src(%arg6 : memref<64x768xf32, #tpu.memory_space<vmem>>) dst(%dma_wait3A_208 : memref<64x768xf32, #tpu.memory_space<hbm>>)
    %dma_start3A_209 = arith.constant 640 : i32
    %dma_start3A_210 = tpu.memref_slice %arg5[%dma_start3A_209] : memref<2048xi32, #tpu.memory_space<vmem>> -> memref<64xi32, #tpu.memory_space<vmem>>
    %dma_start3A_211 = arith.constant 0 : i32
    %dma_start3A_212 = arith.constant 0 : i32
    %dma_start3A_213 = tpu.memref_slice %arg3[%dma_start3A_211, %dma_start3A_212] : memref<30522x768xf32, #tpu.memory_space<hbm>> -> memref<30522x768xf32, #tpu.memory_space<hbm>>
    tpu.enqueue_indirect_dma source(%dma_start3A_213 : memref<30522x768xf32, #tpu.memory_space<hbm>>) target(%arg6 : memref<64x768xf32, #tpu.memory_space<vmem>>) offsets(%dma_start3A_210 : memref<64xi32, #tpu.memory_space<vmem>>) semaphore(%arg8 : memref<!tpu.dma_semaphore, #tpu.memory_space<semaphore_mem>>)
    %add3A_214 = arith.constant 576 : i32
    %add3A_215 = arith.addi %mul3A_2, %add3A_214 : i32
    %dma_start3A_216 = arith.constant 0 : i32
    %dma_start3A_217 = tpu.memref_slice %arg4[%add3A_215, %dma_start3A_216] : memref<65536x768xf32, #tpu.memory_space<hbm>> -> memref<64x768xf32, #tpu.memory_space<hbm>>
    %dma_start3A_218 = arith.constant 0 : i32
    %dma_start3A_219 = tpu.memref_slice %arg4[%add3A_215, %dma_start3A_218] : memref<65536x768xf32, #tpu.memory_space<hbm>> -> memref<64x768xf32, #tpu.memory_space<hbm>>
    tpu.enqueue_dma source(%arg7 : memref<64x768xf32, #tpu.memory_space<vmem>>) target(%dma_start3A_219 : memref<64x768xf32, #tpu.memory_space<hbm>>) target_semaphore(%arg11 : memref<!tpu.dma_semaphore, #tpu.memory_space<semaphore_mem>>)
    %dma_wait3A_220 = arith.constant 640 : i32
    %dma_wait3A_221 = tpu.memref_slice %arg5[%dma_wait3A_220] : memref<2048xi32, #tpu.memory_space<vmem>> -> memref<64xi32, #tpu.memory_space<vmem>>
    %dma_wait3A_222 = arith.constant 0 : i32
    %dma_wait3A_223 = arith.constant 0 : i32
    %dma_wait3A_224 = tpu.memref_slice %arg3[%dma_wait3A_222, %dma_wait3A_223] : memref<30522x768xf32, #tpu.memory_space<hbm>> -> memref<30522x768xf32, #tpu.memory_space<hbm>>
    tpu.wait_indirect_dma semaphore(%arg8 : memref<!tpu.dma_semaphore, #tpu.memory_space<semaphore_mem>>) src(%dma_wait3A_224 : memref<30522x768xf32, #tpu.memory_space<hbm>>) dst(%arg6 : memref<64x768xf32, #tpu.memory_space<vmem>>)
    %add3A_225 = arith.constant 576 : i32
    %add3A_226 = arith.addi %mul3A_2, %add3A_225 : i32
    %dma_wait3A_227 = arith.constant 0 : i32
    %dma_wait3A_228 = tpu.memref_slice %arg4[%add3A_226, %dma_wait3A_227] : memref<65536x768xf32, #tpu.memory_space<hbm>> -> memref<64x768xf32, #tpu.memory_space<hbm>>
    %dma_wait3A_229 = arith.constant 0 : i32
    %dma_wait3A_230 = tpu.memref_slice %arg4[%add3A_226, %dma_wait3A_229] : memref<65536x768xf32, #tpu.memory_space<hbm>> -> memref<64x768xf32, #tpu.memory_space<hbm>>
    tpu.wait_dma2 semaphore(%arg11 : memref<!tpu.dma_semaphore, #tpu.memory_space<semaphore_mem>>) src(%arg7 : memref<64x768xf32, #tpu.memory_space<vmem>>) dst(%dma_wait3A_230 : memref<64x768xf32, #tpu.memory_space<hbm>>)
    %dma_start3A_231 = arith.constant 704 : i32
    %dma_start3A_232 = tpu.memref_slice %arg5[%dma_start3A_231] : memref<2048xi32, #tpu.memory_space<vmem>> -> memref<64xi32, #tpu.memory_space<vmem>>
    %dma_start3A_233 = arith.constant 0 : i32
    %dma_start3A_234 = arith.constant 0 : i32
    %dma_start3A_235 = tpu.memref_slice %arg3[%dma_start3A_233, %dma_start3A_234] : memref<30522x768xf32, #tpu.memory_space<hbm>> -> memref<30522x768xf32, #tpu.memory_space<hbm>>
    tpu.enqueue_indirect_dma source(%dma_start3A_235 : memref<30522x768xf32, #tpu.memory_space<hbm>>) target(%arg7 : memref<64x768xf32, #tpu.memory_space<vmem>>) offsets(%dma_start3A_232 : memref<64xi32, #tpu.memory_space<vmem>>) semaphore(%arg9 : memref<!tpu.dma_semaphore, #tpu.memory_space<semaphore_mem>>)
    %add3A_236 = arith.constant 640 : i32
    %add3A_237 = arith.addi %mul3A_2, %add3A_236 : i32
    %dma_start3A_238 = arith.constant 0 : i32
    %dma_start3A_239 = tpu.memref_slice %arg4[%add3A_237, %dma_start3A_238] : memref<65536x768xf32, #tpu.memory_space<hbm>> -> memref<64x768xf32, #tpu.memory_space<hbm>>
    %dma_start3A_240 = arith.constant 0 : i32
    %dma_start3A_241 = tpu.memref_slice %arg4[%add3A_237, %dma_start3A_240] : memref<65536x768xf32, #tpu.memory_space<hbm>> -> memref<64x768xf32, #tpu.memory_space<hbm>>
    tpu.enqueue_dma source(%arg6 : memref<64x768xf32, #tpu.memory_space<vmem>>) target(%dma_start3A_241 : memref<64x768xf32, #tpu.memory_space<hbm>>) target_semaphore(%arg10 : memref<!tpu.dma_semaphore, #tpu.memory_space<semaphore_mem>>)
    %dma_wait3A_242 = arith.constant 704 : i32
    %dma_wait3A_243 = tpu.memref_slice %arg5[%dma_wait3A_242] : memref<2048xi32, #tpu.memory_space<vmem>> -> memref<64xi32, #tpu.memory_space<vmem>>
    %dma_wait3A_244 = arith.constant 0 : i32
    %dma_wait3A_245 = arith.constant 0 : i32
    %dma_wait3A_246 = tpu.memref_slice %arg3[%dma_wait3A_244, %dma_wait3A_245] : memref<30522x768xf32, #tpu.memory_space<hbm>> -> memref<30522x768xf32, #tpu.memory_space<hbm>>
    tpu.wait_indirect_dma semaphore(%arg9 : memref<!tpu.dma_semaphore, #tpu.memory_space<semaphore_mem>>) src(%dma_wait3A_246 : memref<30522x768xf32, #tpu.memory_space<hbm>>) dst(%arg7 : memref<64x768xf32, #tpu.memory_space<vmem>>)
    %add3A_247 = arith.constant 640 : i32
    %add3A_248 = arith.addi %mul3A_2, %add3A_247 : i32
    %dma_wait3A_249 = arith.constant 0 : i32
    %dma_wait3A_250 = tpu.memref_slice %arg4[%add3A_248, %dma_wait3A_249] : memref<65536x768xf32, #tpu.memory_space<hbm>> -> memref<64x768xf32, #tpu.memory_space<hbm>>
    %dma_wait3A_251 = arith.constant 0 : i32
    %dma_wait3A_252 = tpu.memref_slice %arg4[%add3A_248, %dma_wait3A_251] : memref<65536x768xf32, #tpu.memory_space<hbm>> -> memref<64x768xf32, #tpu.memory_space<hbm>>
    tpu.wait_dma2 semaphore(%arg10 : memref<!tpu.dma_semaphore, #tpu.memory_space<semaphore_mem>>) src(%arg6 : memref<64x768xf32, #tpu.memory_space<vmem>>) dst(%dma_wait3A_252 : memref<64x768xf32, #tpu.memory_space<hbm>>)
    %dma_start3A_253 = arith.constant 768 : i32
    %dma_start3A_254 = tpu.memref_slice %arg5[%dma_start3A_253] : memref<2048xi32, #tpu.memory_space<vmem>> -> memref<64xi32, #tpu.memory_space<vmem>>
    %dma_start3A_255 = arith.constant 0 : i32
    %dma_start3A_256 = arith.constant 0 : i32
    %dma_start3A_257 = tpu.memref_slice %arg3[%dma_start3A_255, %dma_start3A_256] : memref<30522x768xf32, #tpu.memory_space<hbm>> -> memref<30522x768xf32, #tpu.memory_space<hbm>>
    tpu.enqueue_indirect_dma source(%dma_start3A_257 : memref<30522x768xf32, #tpu.memory_space<hbm>>) target(%arg6 : memref<64x768xf32, #tpu.memory_space<vmem>>) offsets(%dma_start3A_254 : memref<64xi32, #tpu.memory_space<vmem>>) semaphore(%arg8 : memref<!tpu.dma_semaphore, #tpu.memory_space<semaphore_mem>>)
    %add3A_258 = arith.constant 704 : i32
    %add3A_259 = arith.addi %mul3A_2, %add3A_258 : i32
    %dma_start3A_260 = arith.constant 0 : i32
    %dma_start3A_261 = tpu.memref_slice %arg4[%add3A_259, %dma_start3A_260] : memref<65536x768xf32, #tpu.memory_space<hbm>> -> memref<64x768xf32, #tpu.memory_space<hbm>>
    %dma_start3A_262 = arith.constant 0 : i32
    %dma_start3A_263 = tpu.memref_slice %arg4[%add3A_259, %dma_start3A_262] : memref<65536x768xf32, #tpu.memory_space<hbm>> -> memref<64x768xf32, #tpu.memory_space<hbm>>
    tpu.enqueue_dma source(%arg7 : memref<64x768xf32, #tpu.memory_space<vmem>>) target(%dma_start3A_263 : memref<64x768xf32, #tpu.memory_space<hbm>>) target_semaphore(%arg11 : memref<!tpu.dma_semaphore, #tpu.memory_space<semaphore_mem>>)
    %dma_wait3A_264 = arith.constant 768 : i32
    %dma_wait3A_265 = tpu.memref_slice %arg5[%dma_wait3A_264] : memref<2048xi32, #tpu.memory_space<vmem>> -> memref<64xi32, #tpu.memory_space<vmem>>
    %dma_wait3A_266 = arith.constant 0 : i32
    %dma_wait3A_267 = arith.constant 0 : i32
    %dma_wait3A_268 = tpu.memref_slice %arg3[%dma_wait3A_266, %dma_wait3A_267] : memref<30522x768xf32, #tpu.memory_space<hbm>> -> memref<30522x768xf32, #tpu.memory_space<hbm>>
    tpu.wait_indirect_dma semaphore(%arg8 : memref<!tpu.dma_semaphore, #tpu.memory_space<semaphore_mem>>) src(%dma_wait3A_268 : memref<30522x768xf32, #tpu.memory_space<hbm>>) dst(%arg6 : memref<64x768xf32, #tpu.memory_space<vmem>>)
    %add3A_269 = arith.constant 704 : i32
    %add3A_270 = arith.addi %mul3A_2, %add3A_269 : i32
    %dma_wait3A_271 = arith.constant 0 : i32
    %dma_wait3A_272 = tpu.memref_slice %arg4[%add3A_270, %dma_wait3A_271] : memref<65536x768xf32, #tpu.memory_space<hbm>> -> memref<64x768xf32, #tpu.memory_space<hbm>>
    %dma_wait3A_273 = arith.constant 0 : i32
    %dma_wait3A_274 = tpu.memref_slice %arg4[%add3A_270, %dma_wait3A_273] : memref<65536x768xf32, #tpu.memory_space<hbm>> -> memref<64x768xf32, #tpu.memory_space<hbm>>
    tpu.wait_dma2 semaphore(%arg11 : memref<!tpu.dma_semaphore, #tpu.memory_space<semaphore_mem>>) src(%arg7 : memref<64x768xf32, #tpu.memory_space<vmem>>) dst(%dma_wait3A_274 : memref<64x768xf32, #tpu.memory_space<hbm>>)
    %dma_start3A_275 = arith.constant 832 : i32
    %dma_start3A_276 = tpu.memref_slice %arg5[%dma_start3A_275] : memref<2048xi32, #tpu.memory_space<vmem>> -> memref<64xi32, #tpu.memory_space<vmem>>
    %dma_start3A_277 = arith.constant 0 : i32
    %dma_start3A_278 = arith.constant 0 : i32
    %dma_start3A_279 = tpu.memref_slice %arg3[%dma_start3A_277, %dma_start3A_278] : memref<30522x768xf32, #tpu.memory_space<hbm>> -> memref<30522x768xf32, #tpu.memory_space<hbm>>
    tpu.enqueue_indirect_dma source(%dma_start3A_279 : memref<30522x768xf32, #tpu.memory_space<hbm>>) target(%arg7 : memref<64x768xf32, #tpu.memory_space<vmem>>) offsets(%dma_start3A_276 : memref<64xi32, #tpu.memory_space<vmem>>) semaphore(%arg9 : memref<!tpu.dma_semaphore, #tpu.memory_space<semaphore_mem>>)
    %add3A_280 = arith.constant 768 : i32
    %add3A_281 = arith.addi %mul3A_2, %add3A_280 : i32
    %dma_start3A_282 = arith.constant 0 : i32
    %dma_start3A_283 = tpu.memref_slice %arg4[%add3A_281, %dma_start3A_282] : memref<65536x768xf32, #tpu.memory_space<hbm>> -> memref<64x768xf32, #tpu.memory_space<hbm>>
    %dma_start3A_284 = arith.constant 0 : i32
    %dma_start3A_285 = tpu.memref_slice %arg4[%add3A_281, %dma_start3A_284] : memref<65536x768xf32, #tpu.memory_space<hbm>> -> memref<64x768xf32, #tpu.memory_space<hbm>>
    tpu.enqueue_dma source(%arg6 : memref<64x768xf32, #tpu.memory_space<vmem>>) target(%dma_start3A_285 : memref<64x768xf32, #tpu.memory_space<hbm>>) target_semaphore(%arg10 : memref<!tpu.dma_semaphore, #tpu.memory_space<semaphore_mem>>)
    %dma_wait3A_286 = arith.constant 832 : i32
    %dma_wait3A_287 = tpu.memref_slice %arg5[%dma_wait3A_286] : memref<2048xi32, #tpu.memory_space<vmem>> -> memref<64xi32, #tpu.memory_space<vmem>>
    %dma_wait3A_288 = arith.constant 0 : i32
    %dma_wait3A_289 = arith.constant 0 : i32
    %dma_wait3A_290 = tpu.memref_slice %arg3[%dma_wait3A_288, %dma_wait3A_289] : memref<30522x768xf32, #tpu.memory_space<hbm>> -> memref<30522x768xf32, #tpu.memory_space<hbm>>
    tpu.wait_indirect_dma semaphore(%arg9 : memref<!tpu.dma_semaphore, #tpu.memory_space<semaphore_mem>>) src(%dma_wait3A_290 : memref<30522x768xf32, #tpu.memory_space<hbm>>) dst(%arg7 : memref<64x768xf32, #tpu.memory_space<vmem>>)
    %add3A_291 = arith.constant 768 : i32
    %add3A_292 = arith.addi %mul3A_2, %add3A_291 : i32
    %dma_wait3A_293 = arith.constant 0 : i32
    %dma_wait3A_294 = tpu.memref_slice %arg4[%add3A_292, %dma_wait3A_293] : memref<65536x768xf32, #tpu.memory_space<hbm>> -> memref<64x768xf32, #tpu.memory_space<hbm>>
    %dma_wait3A_295 = arith.constant 0 : i32
    %dma_wait3A_296 = tpu.memref_slice %arg4[%add3A_292, %dma_wait3A_295] : memref<65536x768xf32, #tpu.memory_space<hbm>> -> memref<64x768xf32, #tpu.memory_space<hbm>>
    tpu.wait_dma2 semaphore(%arg10 : memref<!tpu.dma_semaphore, #tpu.memory_space<semaphore_mem>>) src(%arg6 : memref<64x768xf32, #tpu.memory_space<vmem>>) dst(%dma_wait3A_296 : memref<64x768xf32, #tpu.memory_space<hbm>>)
    %dma_start3A_297 = arith.constant 896 : i32
    %dma_start3A_298 = tpu.memref_slice %arg5[%dma_start3A_297] : memref<2048xi32, #tpu.memory_space<vmem>> -> memref<64xi32, #tpu.memory_space<vmem>>
    %dma_start3A_299 = arith.constant 0 : i32
    %dma_start3A_300 = arith.constant 0 : i32
    %dma_start3A_301 = tpu.memref_slice %arg3[%dma_start3A_299, %dma_start3A_300] : memref<30522x768xf32, #tpu.memory_space<hbm>> -> memref<30522x768xf32, #tpu.memory_space<hbm>>
    tpu.enqueue_indirect_dma source(%dma_start3A_301 : memref<30522x768xf32, #tpu.memory_space<hbm>>) target(%arg6 : memref<64x768xf32, #tpu.memory_space<vmem>>) offsets(%dma_start3A_298 : memref<64xi32, #tpu.memory_space<vmem>>) semaphore(%arg8 : memref<!tpu.dma_semaphore, #tpu.memory_space<semaphore_mem>>)
    %add3A_302 = arith.constant 832 : i32
    %add3A_303 = arith.addi %mul3A_2, %add3A_302 : i32
    %dma_start3A_304 = arith.constant 0 : i32
    %dma_start3A_305 = tpu.memref_slice %arg4[%add3A_303, %dma_start3A_304] : memref<65536x768xf32, #tpu.memory_space<hbm>> -> memref<64x768xf32, #tpu.memory_space<hbm>>
    %dma_start3A_306 = arith.constant 0 : i32
    %dma_start3A_307 = tpu.memref_slice %arg4[%add3A_303, %dma_start3A_306] : memref<65536x768xf32, #tpu.memory_space<hbm>> -> memref<64x768xf32, #tpu.memory_space<hbm>>
    tpu.enqueue_dma source(%arg7 : memref<64x768xf32, #tpu.memory_space<vmem>>) target(%dma_start3A_307 : memref<64x768xf32, #tpu.memory_space<hbm>>) target_semaphore(%arg11 : memref<!tpu.dma_semaphore, #tpu.memory_space<semaphore_mem>>)
    %dma_wait3A_308 = arith.constant 896 : i32
    %dma_wait3A_309 = tpu.memref_slice %arg5[%dma_wait3A_308] : memref<2048xi32, #tpu.memory_space<vmem>> -> memref<64xi32, #tpu.memory_space<vmem>>
    %dma_wait3A_310 = arith.constant 0 : i32
    %dma_wait3A_311 = arith.constant 0 : i32
    %dma_wait3A_312 = tpu.memref_slice %arg3[%dma_wait3A_310, %dma_wait3A_311] : memref<30522x768xf32, #tpu.memory_space<hbm>> -> memref<30522x768xf32, #tpu.memory_space<hbm>>
    tpu.wait_indirect_dma semaphore(%arg8 : memref<!tpu.dma_semaphore, #tpu.memory_space<semaphore_mem>>) src(%dma_wait3A_312 : memref<30522x768xf32, #tpu.memory_space<hbm>>) dst(%arg6 : memref<64x768xf32, #tpu.memory_space<vmem>>)
    %add3A_313 = arith.constant 832 : i32
    %add3A_314 = arith.addi %mul3A_2, %add3A_313 : i32
    %dma_wait3A_315 = arith.constant 0 : i32
    %dma_wait3A_316 = tpu.memref_slice %arg4[%add3A_314, %dma_wait3A_315] : memref<65536x768xf32, #tpu.memory_space<hbm>> -> memref<64x768xf32, #tpu.memory_space<hbm>>
    %dma_wait3A_317 = arith.constant 0 : i32
    %dma_wait3A_318 = tpu.memref_slice %arg4[%add3A_314, %dma_wait3A_317] : memref<65536x768xf32, #tpu.memory_space<hbm>> -> memref<64x768xf32, #tpu.memory_space<hbm>>
    tpu.wait_dma2 semaphore(%arg11 : memref<!tpu.dma_semaphore, #tpu.memory_space<semaphore_mem>>) src(%arg7 : memref<64x768xf32, #tpu.memory_space<vmem>>) dst(%dma_wait3A_318 : memref<64x768xf32, #tpu.memory_space<hbm>>)
    %dma_start3A_319 = arith.constant 960 : i32
    %dma_start3A_320 = tpu.memref_slice %arg5[%dma_start3A_319] : memref<2048xi32, #tpu.memory_space<vmem>> -> memref<64xi32, #tpu.memory_space<vmem>>
    %dma_start3A_321 = arith.constant 0 : i32
    %dma_start3A_322 = arith.constant 0 : i32
    %dma_start3A_323 = tpu.memref_slice %arg3[%dma_start3A_321, %dma_start3A_322] : memref<30522x768xf32, #tpu.memory_space<hbm>> -> memref<30522x768xf32, #tpu.memory_space<hbm>>
    tpu.enqueue_indirect_dma source(%dma_start3A_323 : memref<30522x768xf32, #tpu.memory_space<hbm>>) target(%arg7 : memref<64x768xf32, #tpu.memory_space<vmem>>) offsets(%dma_start3A_320 : memref<64xi32, #tpu.memory_space<vmem>>) semaphore(%arg9 : memref<!tpu.dma_semaphore, #tpu.memory_space<semaphore_mem>>)
    %add3A_324 = arith.constant 896 : i32
    %add3A_325 = arith.addi %mul3A_2, %add3A_324 : i32
    %dma_start3A_326 = arith.constant 0 : i32
    %dma_start3A_327 = tpu.memref_slice %arg4[%add3A_325, %dma_start3A_326] : memref<65536x768xf32, #tpu.memory_space<hbm>> -> memref<64x768xf32, #tpu.memory_space<hbm>>
    %dma_start3A_328 = arith.constant 0 : i32
    %dma_start3A_329 = tpu.memref_slice %arg4[%add3A_325, %dma_start3A_328] : memref<65536x768xf32, #tpu.memory_space<hbm>> -> memref<64x768xf32, #tpu.memory_space<hbm>>
    tpu.enqueue_dma source(%arg6 : memref<64x768xf32, #tpu.memory_space<vmem>>) target(%dma_start3A_329 : memref<64x768xf32, #tpu.memory_space<hbm>>) target_semaphore(%arg10 : memref<!tpu.dma_semaphore, #tpu.memory_space<semaphore_mem>>)
    %dma_wait3A_330 = arith.constant 960 : i32
    %dma_wait3A_331 = tpu.memref_slice %arg5[%dma_wait3A_330] : memref<2048xi32, #tpu.memory_space<vmem>> -> memref<64xi32, #tpu.memory_space<vmem>>
    %dma_wait3A_332 = arith.constant 0 : i32
    %dma_wait3A_333 = arith.constant 0 : i32
    %dma_wait3A_334 = tpu.memref_slice %arg3[%dma_wait3A_332, %dma_wait3A_333] : memref<30522x768xf32, #tpu.memory_space<hbm>> -> memref<30522x768xf32, #tpu.memory_space<hbm>>
    tpu.wait_indirect_dma semaphore(%arg9 : memref<!tpu.dma_semaphore, #tpu.memory_space<semaphore_mem>>) src(%dma_wait3A_334 : memref<30522x768xf32, #tpu.memory_space<hbm>>) dst(%arg7 : memref<64x768xf32, #tpu.memory_space<vmem>>)
    %add3A_335 = arith.constant 896 : i32
    %add3A_336 = arith.addi %mul3A_2, %add3A_335 : i32
    %dma_wait3A_337 = arith.constant 0 : i32
    %dma_wait3A_338 = tpu.memref_slice %arg4[%add3A_336, %dma_wait3A_337] : memref<65536x768xf32, #tpu.memory_space<hbm>> -> memref<64x768xf32, #tpu.memory_space<hbm>>
    %dma_wait3A_339 = arith.constant 0 : i32
    %dma_wait3A_340 = tpu.memref_slice %arg4[%add3A_336, %dma_wait3A_339] : memref<65536x768xf32, #tpu.memory_space<hbm>> -> memref<64x768xf32, #tpu.memory_space<hbm>>
    tpu.wait_dma2 semaphore(%arg10 : memref<!tpu.dma_semaphore, #tpu.memory_space<semaphore_mem>>) src(%arg6 : memref<64x768xf32, #tpu.memory_space<vmem>>) dst(%dma_wait3A_340 : memref<64x768xf32, #tpu.memory_space<hbm>>)
    %dma_start3A_341 = arith.constant 1024 : i32
    %dma_start3A_342 = tpu.memref_slice %arg5[%dma_start3A_341] : memref<2048xi32, #tpu.memory_space<vmem>> -> memref<64xi32, #tpu.memory_space<vmem>>
    %dma_start3A_343 = arith.constant 0 : i32
    %dma_start3A_344 = arith.constant 0 : i32
    %dma_start3A_345 = tpu.memref_slice %arg3[%dma_start3A_343, %dma_start3A_344] : memref<30522x768xf32, #tpu.memory_space<hbm>> -> memref<30522x768xf32, #tpu.memory_space<hbm>>
    tpu.enqueue_indirect_dma source(%dma_start3A_345 : memref<30522x768xf32, #tpu.memory_space<hbm>>) target(%arg6 : memref<64x768xf32, #tpu.memory_space<vmem>>) offsets(%dma_start3A_342 : memref<64xi32, #tpu.memory_space<vmem>>) semaphore(%arg8 : memref<!tpu.dma_semaphore, #tpu.memory_space<semaphore_mem>>)
    %add3A_346 = arith.constant 960 : i32
    %add3A_347 = arith.addi %mul3A_2, %add3A_346 : i32
    %dma_start3A_348 = arith.constant 0 : i32
    %dma_start3A_349 = tpu.memref_slice %arg4[%add3A_347, %dma_start3A_348] : memref<65536x768xf32, #tpu.memory_space<hbm>> -> memref<64x768xf32, #tpu.memory_space<hbm>>
    %dma_start3A_350 = arith.constant 0 : i32
    %dma_start3A_351 = tpu.memref_slice %arg4[%add3A_347, %dma_start3A_350] : memref<65536x768xf32, #tpu.memory_space<hbm>> -> memref<64x768xf32, #tpu.memory_space<hbm>>
    tpu.enqueue_dma source(%arg7 : memref<64x768xf32, #tpu.memory_space<vmem>>) target(%dma_start3A_351 : memref<64x768xf32, #tpu.memory_space<hbm>>) target_semaphore(%arg11 : memref<!tpu.dma_semaphore, #tpu.memory_space<semaphore_mem>>)
    %dma_wait3A_352 = arith.constant 1024 : i32
    %dma_wait3A_353 = tpu.memref_slice %arg5[%dma_wait3A_352] : memref<2048xi32, #tpu.memory_space<vmem>> -> memref<64xi32, #tpu.memory_space<vmem>>
    %dma_wait3A_354 = arith.constant 0 : i32
    %dma_wait3A_355 = arith.constant 0 : i32
    %dma_wait3A_356 = tpu.memref_slice %arg3[%dma_wait3A_354, %dma_wait3A_355] : memref<30522x768xf32, #tpu.memory_space<hbm>> -> memref<30522x768xf32, #tpu.memory_space<hbm>>
    tpu.wait_indirect_dma semaphore(%arg8 : memref<!tpu.dma_semaphore, #tpu.memory_space<semaphore_mem>>) src(%dma_wait3A_356 : memref<30522x768xf32, #tpu.memory_space<hbm>>) dst(%arg6 : memref<64x768xf32, #tpu.memory_space<vmem>>)
    %add3A_357 = arith.constant 960 : i32
    %add3A_358 = arith.addi %mul3A_2, %add3A_357 : i32
    %dma_wait3A_359 = arith.constant 0 : i32
    %dma_wait3A_360 = tpu.memref_slice %arg4[%add3A_358, %dma_wait3A_359] : memref<65536x768xf32, #tpu.memory_space<hbm>> -> memref<64x768xf32, #tpu.memory_space<hbm>>
    %dma_wait3A_361 = arith.constant 0 : i32
    %dma_wait3A_362 = tpu.memref_slice %arg4[%add3A_358, %dma_wait3A_361] : memref<65536x768xf32, #tpu.memory_space<hbm>> -> memref<64x768xf32, #tpu.memory_space<hbm>>
    tpu.wait_dma2 semaphore(%arg11 : memref<!tpu.dma_semaphore, #tpu.memory_space<semaphore_mem>>) src(%arg7 : memref<64x768xf32, #tpu.memory_space<vmem>>) dst(%dma_wait3A_362 : memref<64x768xf32, #tpu.memory_space<hbm>>)
    %dma_start3A_363 = arith.constant 1088 : i32
    %dma_start3A_364 = tpu.memref_slice %arg5[%dma_start3A_363] : memref<2048xi32, #tpu.memory_space<vmem>> -> memref<64xi32, #tpu.memory_space<vmem>>
    %dma_start3A_365 = arith.constant 0 : i32
    %dma_start3A_366 = arith.constant 0 : i32
    %dma_start3A_367 = tpu.memref_slice %arg3[%dma_start3A_365, %dma_start3A_366] : memref<30522x768xf32, #tpu.memory_space<hbm>> -> memref<30522x768xf32, #tpu.memory_space<hbm>>
    tpu.enqueue_indirect_dma source(%dma_start3A_367 : memref<30522x768xf32, #tpu.memory_space<hbm>>) target(%arg7 : memref<64x768xf32, #tpu.memory_space<vmem>>) offsets(%dma_start3A_364 : memref<64xi32, #tpu.memory_space<vmem>>) semaphore(%arg9 : memref<!tpu.dma_semaphore, #tpu.memory_space<semaphore_mem>>)
    %add3A_368 = arith.constant 1024 : i32
    %add3A_369 = arith.addi %mul3A_2, %add3A_368 : i32
    %dma_start3A_370 = arith.constant 0 : i32
    %dma_start3A_371 = tpu.memref_slice %arg4[%add3A_369, %dma_start3A_370] : memref<65536x768xf32, #tpu.memory_space<hbm>> -> memref<64x768xf32, #tpu.memory_space<hbm>>
    %dma_start3A_372 = arith.constant 0 : i32
    %dma_start3A_373 = tpu.memref_slice %arg4[%add3A_369, %dma_start3A_372] : memref<65536x768xf32, #tpu.memory_space<hbm>> -> memref<64x768xf32, #tpu.memory_space<hbm>>
    tpu.enqueue_dma source(%arg6 : memref<64x768xf32, #tpu.memory_space<vmem>>) target(%dma_start3A_373 : memref<64x768xf32, #tpu.memory_space<hbm>>) target_semaphore(%arg10 : memref<!tpu.dma_semaphore, #tpu.memory_space<semaphore_mem>>)
    %dma_wait3A_374 = arith.constant 1088 : i32
    %dma_wait3A_375 = tpu.memref_slice %arg5[%dma_wait3A_374] : memref<2048xi32, #tpu.memory_space<vmem>> -> memref<64xi32, #tpu.memory_space<vmem>>
    %dma_wait3A_376 = arith.constant 0 : i32
    %dma_wait3A_377 = arith.constant 0 : i32
    %dma_wait3A_378 = tpu.memref_slice %arg3[%dma_wait3A_376, %dma_wait3A_377] : memref<30522x768xf32, #tpu.memory_space<hbm>> -> memref<30522x768xf32, #tpu.memory_space<hbm>>
    tpu.wait_indirect_dma semaphore(%arg9 : memref<!tpu.dma_semaphore, #tpu.memory_space<semaphore_mem>>) src(%dma_wait3A_378 : memref<30522x768xf32, #tpu.memory_space<hbm>>) dst(%arg7 : memref<64x768xf32, #tpu.memory_space<vmem>>)
    %add3A_379 = arith.constant 1024 : i32
    %add3A_380 = arith.addi %mul3A_2, %add3A_379 : i32
    %dma_wait3A_381 = arith.constant 0 : i32
    %dma_wait3A_382 = tpu.memref_slice %arg4[%add3A_380, %dma_wait3A_381] : memref<65536x768xf32, #tpu.memory_space<hbm>> -> memref<64x768xf32, #tpu.memory_space<hbm>>
    %dma_wait3A_383 = arith.constant 0 : i32
    %dma_wait3A_384 = tpu.memref_slice %arg4[%add3A_380, %dma_wait3A_383] : memref<65536x768xf32, #tpu.memory_space<hbm>> -> memref<64x768xf32, #tpu.memory_space<hbm>>
    tpu.wait_dma2 semaphore(%arg10 : memref<!tpu.dma_semaphore, #tpu.memory_space<semaphore_mem>>) src(%arg6 : memref<64x768xf32, #tpu.memory_space<vmem>>) dst(%dma_wait3A_384 : memref<64x768xf32, #tpu.memory_space<hbm>>)
    %dma_start3A_385 = arith.constant 1152 : i32
    %dma_start3A_386 = tpu.memref_slice %arg5[%dma_start3A_385] : memref<2048xi32, #tpu.memory_space<vmem>> -> memref<64xi32, #tpu.memory_space<vmem>>
    %dma_start3A_387 = arith.constant 0 : i32
    %dma_start3A_388 = arith.constant 0 : i32
    %dma_start3A_389 = tpu.memref_slice %arg3[%dma_start3A_387, %dma_start3A_388] : memref<30522x768xf32, #tpu.memory_space<hbm>> -> memref<30522x768xf32, #tpu.memory_space<hbm>>
    tpu.enqueue_indirect_dma source(%dma_start3A_389 : memref<30522x768xf32, #tpu.memory_space<hbm>>) target(%arg6 : memref<64x768xf32, #tpu.memory_space<vmem>>) offsets(%dma_start3A_386 : memref<64xi32, #tpu.memory_space<vmem>>) semaphore(%arg8 : memref<!tpu.dma_semaphore, #tpu.memory_space<semaphore_mem>>)
    %add3A_390 = arith.constant 1088 : i32
    %add3A_391 = arith.addi %mul3A_2, %add3A_390 : i32
    %dma_start3A_392 = arith.constant 0 : i32
    %dma_start3A_393 = tpu.memref_slice %arg4[%add3A_391, %dma_start3A_392] : memref<65536x768xf32, #tpu.memory_space<hbm>> -> memref<64x768xf32, #tpu.memory_space<hbm>>
    %dma_start3A_394 = arith.constant 0 : i32
    %dma_start3A_395 = tpu.memref_slice %arg4[%add3A_391, %dma_start3A_394] : memref<65536x768xf32, #tpu.memory_space<hbm>> -> memref<64x768xf32, #tpu.memory_space<hbm>>
    tpu.enqueue_dma source(%arg7 : memref<64x768xf32, #tpu.memory_space<vmem>>) target(%dma_start3A_395 : memref<64x768xf32, #tpu.memory_space<hbm>>) target_semaphore(%arg11 : memref<!tpu.dma_semaphore, #tpu.memory_space<semaphore_mem>>)
    %dma_wait3A_396 = arith.constant 1152 : i32
    %dma_wait3A_397 = tpu.memref_slice %arg5[%dma_wait3A_396] : memref<2048xi32, #tpu.memory_space<vmem>> -> memref<64xi32, #tpu.memory_space<vmem>>
    %dma_wait3A_398 = arith.constant 0 : i32
    %dma_wait3A_399 = arith.constant 0 : i32
    %dma_wait3A_400 = tpu.memref_slice %arg3[%dma_wait3A_398, %dma_wait3A_399] : memref<30522x768xf32, #tpu.memory_space<hbm>> -> memref<30522x768xf32, #tpu.memory_space<hbm>>
    tpu.wait_indirect_dma semaphore(%arg8 : memref<!tpu.dma_semaphore, #tpu.memory_space<semaphore_mem>>) src(%dma_wait3A_400 : memref<30522x768xf32, #tpu.memory_space<hbm>>) dst(%arg6 : memref<64x768xf32, #tpu.memory_space<vmem>>)
    %add3A_401 = arith.constant 1088 : i32
    %add3A_402 = arith.addi %mul3A_2, %add3A_401 : i32
    %dma_wait3A_403 = arith.constant 0 : i32
    %dma_wait3A_404 = tpu.memref_slice %arg4[%add3A_402, %dma_wait3A_403] : memref<65536x768xf32, #tpu.memory_space<hbm>> -> memref<64x768xf32, #tpu.memory_space<hbm>>
    %dma_wait3A_405 = arith.constant 0 : i32
    %dma_wait3A_406 = tpu.memref_slice %arg4[%add3A_402, %dma_wait3A_405] : memref<65536x768xf32, #tpu.memory_space<hbm>> -> memref<64x768xf32, #tpu.memory_space<hbm>>
    tpu.wait_dma2 semaphore(%arg11 : memref<!tpu.dma_semaphore, #tpu.memory_space<semaphore_mem>>) src(%arg7 : memref<64x768xf32, #tpu.memory_space<vmem>>) dst(%dma_wait3A_406 : memref<64x768xf32, #tpu.memory_space<hbm>>)
    %dma_start3A_407 = arith.constant 1216 : i32
    %dma_start3A_408 = tpu.memref_slice %arg5[%dma_start3A_407] : memref<2048xi32, #tpu.memory_space<vmem>> -> memref<64xi32, #tpu.memory_space<vmem>>
    %dma_start3A_409 = arith.constant 0 : i32
    %dma_start3A_410 = arith.constant 0 : i32
    %dma_start3A_411 = tpu.memref_slice %arg3[%dma_start3A_409, %dma_start3A_410] : memref<30522x768xf32, #tpu.memory_space<hbm>> -> memref<30522x768xf32, #tpu.memory_space<hbm>>
    tpu.enqueue_indirect_dma source(%dma_start3A_411 : memref<30522x768xf32, #tpu.memory_space<hbm>>) target(%arg7 : memref<64x768xf32, #tpu.memory_space<vmem>>) offsets(%dma_start3A_408 : memref<64xi32, #tpu.memory_space<vmem>>) semaphore(%arg9 : memref<!tpu.dma_semaphore, #tpu.memory_space<semaphore_mem>>)
    %add3A_412 = arith.constant 1152 : i32
    %add3A_413 = arith.addi %mul3A_2, %add3A_412 : i32
    %dma_start3A_414 = arith.constant 0 : i32
    %dma_start3A_415 = tpu.memref_slice %arg4[%add3A_413, %dma_start3A_414] : memref<65536x768xf32, #tpu.memory_space<hbm>> -> memref<64x768xf32, #tpu.memory_space<hbm>>
    %dma_start3A_416 = arith.constant 0 : i32
    %dma_start3A_417 = tpu.memref_slice %arg4[%add3A_413, %dma_start3A_416] : memref<65536x768xf32, #tpu.memory_space<hbm>> -> memref<64x768xf32, #tpu.memory_space<hbm>>
    tpu.enqueue_dma source(%arg6 : memref<64x768xf32, #tpu.memory_space<vmem>>) target(%dma_start3A_417 : memref<64x768xf32, #tpu.memory_space<hbm>>) target_semaphore(%arg10 : memref<!tpu.dma_semaphore, #tpu.memory_space<semaphore_mem>>)
    %dma_wait3A_418 = arith.constant 1216 : i32
    %dma_wait3A_419 = tpu.memref_slice %arg5[%dma_wait3A_418] : memref<2048xi32, #tpu.memory_space<vmem>> -> memref<64xi32, #tpu.memory_space<vmem>>
    %dma_wait3A_420 = arith.constant 0 : i32
    %dma_wait3A_421 = arith.constant 0 : i32
    %dma_wait3A_422 = tpu.memref_slice %arg3[%dma_wait3A_420, %dma_wait3A_421] : memref<30522x768xf32, #tpu.memory_space<hbm>> -> memref<30522x768xf32, #tpu.memory_space<hbm>>
    tpu.wait_indirect_dma semaphore(%arg9 : memref<!tpu.dma_semaphore, #tpu.memory_space<semaphore_mem>>) src(%dma_wait3A_422 : memref<30522x768xf32, #tpu.memory_space<hbm>>) dst(%arg7 : memref<64x768xf32, #tpu.memory_space<vmem>>)
    %add3A_423 = arith.constant 1152 : i32
    %add3A_424 = arith.addi %mul3A_2, %add3A_423 : i32
    %dma_wait3A_425 = arith.constant 0 : i32
    %dma_wait3A_426 = tpu.memref_slice %arg4[%add3A_424, %dma_wait3A_425] : memref<65536x768xf32, #tpu.memory_space<hbm>> -> memref<64x768xf32, #tpu.memory_space<hbm>>
    %dma_wait3A_427 = arith.constant 0 : i32
    %dma_wait3A_428 = tpu.memref_slice %arg4[%add3A_424, %dma_wait3A_427] : memref<65536x768xf32, #tpu.memory_space<hbm>> -> memref<64x768xf32, #tpu.memory_space<hbm>>
    tpu.wait_dma2 semaphore(%arg10 : memref<!tpu.dma_semaphore, #tpu.memory_space<semaphore_mem>>) src(%arg6 : memref<64x768xf32, #tpu.memory_space<vmem>>) dst(%dma_wait3A_428 : memref<64x768xf32, #tpu.memory_space<hbm>>)
    %dma_start3A_429 = arith.constant 1280 : i32
    %dma_start3A_430 = tpu.memref_slice %arg5[%dma_start3A_429] : memref<2048xi32, #tpu.memory_space<vmem>> -> memref<64xi32, #tpu.memory_space<vmem>>
    %dma_start3A_431 = arith.constant 0 : i32
    %dma_start3A_432 = arith.constant 0 : i32
    %dma_start3A_433 = tpu.memref_slice %arg3[%dma_start3A_431, %dma_start3A_432] : memref<30522x768xf32, #tpu.memory_space<hbm>> -> memref<30522x768xf32, #tpu.memory_space<hbm>>
    tpu.enqueue_indirect_dma source(%dma_start3A_433 : memref<30522x768xf32, #tpu.memory_space<hbm>>) target(%arg6 : memref<64x768xf32, #tpu.memory_space<vmem>>) offsets(%dma_start3A_430 : memref<64xi32, #tpu.memory_space<vmem>>) semaphore(%arg8 : memref<!tpu.dma_semaphore, #tpu.memory_space<semaphore_mem>>)
    %add3A_434 = arith.constant 1216 : i32
    %add3A_435 = arith.addi %mul3A_2, %add3A_434 : i32
    %dma_start3A_436 = arith.constant 0 : i32
    %dma_start3A_437 = tpu.memref_slice %arg4[%add3A_435, %dma_start3A_436] : memref<65536x768xf32, #tpu.memory_space<hbm>> -> memref<64x768xf32, #tpu.memory_space<hbm>>
    %dma_start3A_438 = arith.constant 0 : i32
    %dma_start3A_439 = tpu.memref_slice %arg4[%add3A_435, %dma_start3A_438] : memref<65536x768xf32, #tpu.memory_space<hbm>> -> memref<64x768xf32, #tpu.memory_space<hbm>>
    tpu.enqueue_dma source(%arg7 : memref<64x768xf32, #tpu.memory_space<vmem>>) target(%dma_start3A_439 : memref<64x768xf32, #tpu.memory_space<hbm>>) target_semaphore(%arg11 : memref<!tpu.dma_semaphore, #tpu.memory_space<semaphore_mem>>)
    %dma_wait3A_440 = arith.constant 1280 : i32
    %dma_wait3A_441 = tpu.memref_slice %arg5[%dma_wait3A_440] : memref<2048xi32, #tpu.memory_space<vmem>> -> memref<64xi32, #tpu.memory_space<vmem>>
    %dma_wait3A_442 = arith.constant 0 : i32
    %dma_wait3A_443 = arith.constant 0 : i32
    %dma_wait3A_444 = tpu.memref_slice %arg3[%dma_wait3A_442, %dma_wait3A_443] : memref<30522x768xf32, #tpu.memory_space<hbm>> -> memref<30522x768xf32, #tpu.memory_space<hbm>>
    tpu.wait_indirect_dma semaphore(%arg8 : memref<!tpu.dma_semaphore, #tpu.memory_space<semaphore_mem>>) src(%dma_wait3A_444 : memref<30522x768xf32, #tpu.memory_space<hbm>>) dst(%arg6 : memref<64x768xf32, #tpu.memory_space<vmem>>)
    %add3A_445 = arith.constant 1216 : i32
    %add3A_446 = arith.addi %mul3A_2, %add3A_445 : i32
    %dma_wait3A_447 = arith.constant 0 : i32
    %dma_wait3A_448 = tpu.memref_slice %arg4[%add3A_446, %dma_wait3A_447] : memref<65536x768xf32, #tpu.memory_space<hbm>> -> memref<64x768xf32, #tpu.memory_space<hbm>>
    %dma_wait3A_449 = arith.constant 0 : i32
    %dma_wait3A_450 = tpu.memref_slice %arg4[%add3A_446, %dma_wait3A_449] : memref<65536x768xf32, #tpu.memory_space<hbm>> -> memref<64x768xf32, #tpu.memory_space<hbm>>
    tpu.wait_dma2 semaphore(%arg11 : memref<!tpu.dma_semaphore, #tpu.memory_space<semaphore_mem>>) src(%arg7 : memref<64x768xf32, #tpu.memory_space<vmem>>) dst(%dma_wait3A_450 : memref<64x768xf32, #tpu.memory_space<hbm>>)
    %dma_start3A_451 = arith.constant 1344 : i32
    %dma_start3A_452 = tpu.memref_slice %arg5[%dma_start3A_451] : memref<2048xi32, #tpu.memory_space<vmem>> -> memref<64xi32, #tpu.memory_space<vmem>>
    %dma_start3A_453 = arith.constant 0 : i32
    %dma_start3A_454 = arith.constant 0 : i32
    %dma_start3A_455 = tpu.memref_slice %arg3[%dma_start3A_453, %dma_start3A_454] : memref<30522x768xf32, #tpu.memory_space<hbm>> -> memref<30522x768xf32, #tpu.memory_space<hbm>>
    tpu.enqueue_indirect_dma source(%dma_start3A_455 : memref<30522x768xf32, #tpu.memory_space<hbm>>) target(%arg7 : memref<64x768xf32, #tpu.memory_space<vmem>>) offsets(%dma_start3A_452 : memref<64xi32, #tpu.memory_space<vmem>>) semaphore(%arg9 : memref<!tpu.dma_semaphore, #tpu.memory_space<semaphore_mem>>)
    %add3A_456 = arith.constant 1280 : i32
    %add3A_457 = arith.addi %mul3A_2, %add3A_456 : i32
    %dma_start3A_458 = arith.constant 0 : i32
    %dma_start3A_459 = tpu.memref_slice %arg4[%add3A_457, %dma_start3A_458] : memref<65536x768xf32, #tpu.memory_space<hbm>> -> memref<64x768xf32, #tpu.memory_space<hbm>>
    %dma_start3A_460 = arith.constant 0 : i32
    %dma_start3A_461 = tpu.memref_slice %arg4[%add3A_457, %dma_start3A_460] : memref<65536x768xf32, #tpu.memory_space<hbm>> -> memref<64x768xf32, #tpu.memory_space<hbm>>
    tpu.enqueue_dma source(%arg6 : memref<64x768xf32, #tpu.memory_space<vmem>>) target(%dma_start3A_461 : memref<64x768xf32, #tpu.memory_space<hbm>>) target_semaphore(%arg10 : memref<!tpu.dma_semaphore, #tpu.memory_space<semaphore_mem>>)
    %dma_wait3A_462 = arith.constant 1344 : i32
    %dma_wait3A_463 = tpu.memref_slice %arg5[%dma_wait3A_462] : memref<2048xi32, #tpu.memory_space<vmem>> -> memref<64xi32, #tpu.memory_space<vmem>>
    %dma_wait3A_464 = arith.constant 0 : i32
    %dma_wait3A_465 = arith.constant 0 : i32
    %dma_wait3A_466 = tpu.memref_slice %arg3[%dma_wait3A_464, %dma_wait3A_465] : memref<30522x768xf32, #tpu.memory_space<hbm>> -> memref<30522x768xf32, #tpu.memory_space<hbm>>
    tpu.wait_indirect_dma semaphore(%arg9 : memref<!tpu.dma_semaphore, #tpu.memory_space<semaphore_mem>>) src(%dma_wait3A_466 : memref<30522x768xf32, #tpu.memory_space<hbm>>) dst(%arg7 : memref<64x768xf32, #tpu.memory_space<vmem>>)
    %add3A_467 = arith.constant 1280 : i32
    %add3A_468 = arith.addi %mul3A_2, %add3A_467 : i32
    %dma_wait3A_469 = arith.constant 0 : i32
    %dma_wait3A_470 = tpu.memref_slice %arg4[%add3A_468, %dma_wait3A_469] : memref<65536x768xf32, #tpu.memory_space<hbm>> -> memref<64x768xf32, #tpu.memory_space<hbm>>
    %dma_wait3A_471 = arith.constant 0 : i32
    %dma_wait3A_472 = tpu.memref_slice %arg4[%add3A_468, %dma_wait3A_471] : memref<65536x768xf32, #tpu.memory_space<hbm>> -> memref<64x768xf32, #tpu.memory_space<hbm>>
    tpu.wait_dma2 semaphore(%arg10 : memref<!tpu.dma_semaphore, #tpu.memory_space<semaphore_mem>>) src(%arg6 : memref<64x768xf32, #tpu.memory_space<vmem>>) dst(%dma_wait3A_472 : memref<64x768xf32, #tpu.memory_space<hbm>>)
    %dma_start3A_473 = arith.constant 1408 : i32
    %dma_start3A_474 = tpu.memref_slice %arg5[%dma_start3A_473] : memref<2048xi32, #tpu.memory_space<vmem>> -> memref<64xi32, #tpu.memory_space<vmem>>
    %dma_start3A_475 = arith.constant 0 : i32
    %dma_start3A_476 = arith.constant 0 : i32
    %dma_start3A_477 = tpu.memref_slice %arg3[%dma_start3A_475, %dma_start3A_476] : memref<30522x768xf32, #tpu.memory_space<hbm>> -> memref<30522x768xf32, #tpu.memory_space<hbm>>
    tpu.enqueue_indirect_dma source(%dma_start3A_477 : memref<30522x768xf32, #tpu.memory_space<hbm>>) target(%arg6 : memref<64x768xf32, #tpu.memory_space<vmem>>) offsets(%dma_start3A_474 : memref<64xi32, #tpu.memory_space<vmem>>) semaphore(%arg8 : memref<!tpu.dma_semaphore, #tpu.memory_space<semaphore_mem>>)
    %add3A_478 = arith.constant 1344 : i32
    %add3A_479 = arith.addi %mul3A_2, %add3A_478 : i32
    %dma_start3A_480 = arith.constant 0 : i32
    %dma_start3A_481 = tpu.memref_slice %arg4[%add3A_479, %dma_start3A_480] : memref<65536x768xf32, #tpu.memory_space<hbm>> -> memref<64x768xf32, #tpu.memory_space<hbm>>
    %dma_start3A_482 = arith.constant 0 : i32
    %dma_start3A_483 = tpu.memref_slice %arg4[%add3A_479, %dma_start3A_482] : memref<65536x768xf32, #tpu.memory_space<hbm>> -> memref<64x768xf32, #tpu.memory_space<hbm>>
    tpu.enqueue_dma source(%arg7 : memref<64x768xf32, #tpu.memory_space<vmem>>) target(%dma_start3A_483 : memref<64x768xf32, #tpu.memory_space<hbm>>) target_semaphore(%arg11 : memref<!tpu.dma_semaphore, #tpu.memory_space<semaphore_mem>>)
    %dma_wait3A_484 = arith.constant 1408 : i32
    %dma_wait3A_485 = tpu.memref_slice %arg5[%dma_wait3A_484] : memref<2048xi32, #tpu.memory_space<vmem>> -> memref<64xi32, #tpu.memory_space<vmem>>
    %dma_wait3A_486 = arith.constant 0 : i32
    %dma_wait3A_487 = arith.constant 0 : i32
    %dma_wait3A_488 = tpu.memref_slice %arg3[%dma_wait3A_486, %dma_wait3A_487] : memref<30522x768xf32, #tpu.memory_space<hbm>> -> memref<30522x768xf32, #tpu.memory_space<hbm>>
    tpu.wait_indirect_dma semaphore(%arg8 : memref<!tpu.dma_semaphore, #tpu.memory_space<semaphore_mem>>) src(%dma_wait3A_488 : memref<30522x768xf32, #tpu.memory_space<hbm>>) dst(%arg6 : memref<64x768xf32, #tpu.memory_space<vmem>>)
    %add3A_489 = arith.constant 1344 : i32
    %add3A_490 = arith.addi %mul3A_2, %add3A_489 : i32
    %dma_wait3A_491 = arith.constant 0 : i32
    %dma_wait3A_492 = tpu.memref_slice %arg4[%add3A_490, %dma_wait3A_491] : memref<65536x768xf32, #tpu.memory_space<hbm>> -> memref<64x768xf32, #tpu.memory_space<hbm>>
    %dma_wait3A_493 = arith.constant 0 : i32
    %dma_wait3A_494 = tpu.memref_slice %arg4[%add3A_490, %dma_wait3A_493] : memref<65536x768xf32, #tpu.memory_space<hbm>> -> memref<64x768xf32, #tpu.memory_space<hbm>>
    tpu.wait_dma2 semaphore(%arg11 : memref<!tpu.dma_semaphore, #tpu.memory_space<semaphore_mem>>) src(%arg7 : memref<64x768xf32, #tpu.memory_space<vmem>>) dst(%dma_wait3A_494 : memref<64x768xf32, #tpu.memory_space<hbm>>)
    %dma_start3A_495 = arith.constant 1472 : i32
    %dma_start3A_496 = tpu.memref_slice %arg5[%dma_start3A_495] : memref<2048xi32, #tpu.memory_space<vmem>> -> memref<64xi32, #tpu.memory_space<vmem>>
    %dma_start3A_497 = arith.constant 0 : i32
    %dma_start3A_498 = arith.constant 0 : i32
    %dma_start3A_499 = tpu.memref_slice %arg3[%dma_start3A_497, %dma_start3A_498] : memref<30522x768xf32, #tpu.memory_space<hbm>> -> memref<30522x768xf32, #tpu.memory_space<hbm>>
    tpu.enqueue_indirect_dma source(%dma_start3A_499 : memref<30522x768xf32, #tpu.memory_space<hbm>>) target(%arg7 : memref<64x768xf32, #tpu.memory_space<vmem>>) offsets(%dma_start3A_496 : memref<64xi32, #tpu.memory_space<vmem>>) semaphore(%arg9 : memref<!tpu.dma_semaphore, #tpu.memory_space<semaphore_mem>>)
    %add3A_500 = arith.constant 1408 : i32
    %add3A_501 = arith.addi %mul3A_2, %add3A_500 : i32
    %dma_start3A_502 = arith.constant 0 : i32
    %dma_start3A_503 = tpu.memref_slice %arg4[%add3A_501, %dma_start3A_502] : memref<65536x768xf32, #tpu.memory_space<hbm>> -> memref<64x768xf32, #tpu.memory_space<hbm>>
    %dma_start3A_504 = arith.constant 0 : i32
    %dma_start3A_505 = tpu.memref_slice %arg4[%add3A_501, %dma_start3A_504] : memref<65536x768xf32, #tpu.memory_space<hbm>> -> memref<64x768xf32, #tpu.memory_space<hbm>>
    tpu.enqueue_dma source(%arg6 : memref<64x768xf32, #tpu.memory_space<vmem>>) target(%dma_start3A_505 : memref<64x768xf32, #tpu.memory_space<hbm>>) target_semaphore(%arg10 : memref<!tpu.dma_semaphore, #tpu.memory_space<semaphore_mem>>)
    %dma_wait3A_506 = arith.constant 1472 : i32
    %dma_wait3A_507 = tpu.memref_slice %arg5[%dma_wait3A_506] : memref<2048xi32, #tpu.memory_space<vmem>> -> memref<64xi32, #tpu.memory_space<vmem>>
    %dma_wait3A_508 = arith.constant 0 : i32
    %dma_wait3A_509 = arith.constant 0 : i32
    %dma_wait3A_510 = tpu.memref_slice %arg3[%dma_wait3A_508, %dma_wait3A_509] : memref<30522x768xf32, #tpu.memory_space<hbm>> -> memref<30522x768xf32, #tpu.memory_space<hbm>>
    tpu.wait_indirect_dma semaphore(%arg9 : memref<!tpu.dma_semaphore, #tpu.memory_space<semaphore_mem>>) src(%dma_wait3A_510 : memref<30522x768xf32, #tpu.memory_space<hbm>>) dst(%arg7 : memref<64x768xf32, #tpu.memory_space<vmem>>)
    %add3A_511 = arith.constant 1408 : i32
    %add3A_512 = arith.addi %mul3A_2, %add3A_511 : i32
    %dma_wait3A_513 = arith.constant 0 : i32
    %dma_wait3A_514 = tpu.memref_slice %arg4[%add3A_512, %dma_wait3A_513] : memref<65536x768xf32, #tpu.memory_space<hbm>> -> memref<64x768xf32, #tpu.memory_space<hbm>>
    %dma_wait3A_515 = arith.constant 0 : i32
    %dma_wait3A_516 = tpu.memref_slice %arg4[%add3A_512, %dma_wait3A_515] : memref<65536x768xf32, #tpu.memory_space<hbm>> -> memref<64x768xf32, #tpu.memory_space<hbm>>
    tpu.wait_dma2 semaphore(%arg10 : memref<!tpu.dma_semaphore, #tpu.memory_space<semaphore_mem>>) src(%arg6 : memref<64x768xf32, #tpu.memory_space<vmem>>) dst(%dma_wait3A_516 : memref<64x768xf32, #tpu.memory_space<hbm>>)
    %dma_start3A_517 = arith.constant 1536 : i32
    %dma_start3A_518 = tpu.memref_slice %arg5[%dma_start3A_517] : memref<2048xi32, #tpu.memory_space<vmem>> -> memref<64xi32, #tpu.memory_space<vmem>>
    %dma_start3A_519 = arith.constant 0 : i32
    %dma_start3A_520 = arith.constant 0 : i32
    %dma_start3A_521 = tpu.memref_slice %arg3[%dma_start3A_519, %dma_start3A_520] : memref<30522x768xf32, #tpu.memory_space<hbm>> -> memref<30522x768xf32, #tpu.memory_space<hbm>>
    tpu.enqueue_indirect_dma source(%dma_start3A_521 : memref<30522x768xf32, #tpu.memory_space<hbm>>) target(%arg6 : memref<64x768xf32, #tpu.memory_space<vmem>>) offsets(%dma_start3A_518 : memref<64xi32, #tpu.memory_space<vmem>>) semaphore(%arg8 : memref<!tpu.dma_semaphore, #tpu.memory_space<semaphore_mem>>)
    %add3A_522 = arith.constant 1472 : i32
    %add3A_523 = arith.addi %mul3A_2, %add3A_522 : i32
    %dma_start3A_524 = arith.constant 0 : i32
    %dma_start3A_525 = tpu.memref_slice %arg4[%add3A_523, %dma_start3A_524] : memref<65536x768xf32, #tpu.memory_space<hbm>> -> memref<64x768xf32, #tpu.memory_space<hbm>>
    %dma_start3A_526 = arith.constant 0 : i32
    %dma_start3A_527 = tpu.memref_slice %arg4[%add3A_523, %dma_start3A_526] : memref<65536x768xf32, #tpu.memory_space<hbm>> -> memref<64x768xf32, #tpu.memory_space<hbm>>
    tpu.enqueue_dma source(%arg7 : memref<64x768xf32, #tpu.memory_space<vmem>>) target(%dma_start3A_527 : memref<64x768xf32, #tpu.memory_space<hbm>>) target_semaphore(%arg11 : memref<!tpu.dma_semaphore, #tpu.memory_space<semaphore_mem>>)
    %dma_wait3A_528 = arith.constant 1536 : i32
    %dma_wait3A_529 = tpu.memref_slice %arg5[%dma_wait3A_528] : memref<2048xi32, #tpu.memory_space<vmem>> -> memref<64xi32, #tpu.memory_space<vmem>>
    %dma_wait3A_530 = arith.constant 0 : i32
    %dma_wait3A_531 = arith.constant 0 : i32
    %dma_wait3A_532 = tpu.memref_slice %arg3[%dma_wait3A_530, %dma_wait3A_531] : memref<30522x768xf32, #tpu.memory_space<hbm>> -> memref<30522x768xf32, #tpu.memory_space<hbm>>
    tpu.wait_indirect_dma semaphore(%arg8 : memref<!tpu.dma_semaphore, #tpu.memory_space<semaphore_mem>>) src(%dma_wait3A_532 : memref<30522x768xf32, #tpu.memory_space<hbm>>) dst(%arg6 : memref<64x768xf32, #tpu.memory_space<vmem>>)
    %add3A_533 = arith.constant 1472 : i32
    %add3A_534 = arith.addi %mul3A_2, %add3A_533 : i32
    %dma_wait3A_535 = arith.constant 0 : i32
    %dma_wait3A_536 = tpu.memref_slice %arg4[%add3A_534, %dma_wait3A_535] : memref<65536x768xf32, #tpu.memory_space<hbm>> -> memref<64x768xf32, #tpu.memory_space<hbm>>
    %dma_wait3A_537 = arith.constant 0 : i32
    %dma_wait3A_538 = tpu.memref_slice %arg4[%add3A_534, %dma_wait3A_537] : memref<65536x768xf32, #tpu.memory_space<hbm>> -> memref<64x768xf32, #tpu.memory_space<hbm>>
    tpu.wait_dma2 semaphore(%arg11 : memref<!tpu.dma_semaphore, #tpu.memory_space<semaphore_mem>>) src(%arg7 : memref<64x768xf32, #tpu.memory_space<vmem>>) dst(%dma_wait3A_538 : memref<64x768xf32, #tpu.memory_space<hbm>>)
    %dma_start3A_539 = arith.constant 1600 : i32
    %dma_start3A_540 = tpu.memref_slice %arg5[%dma_start3A_539] : memref<2048xi32, #tpu.memory_space<vmem>> -> memref<64xi32, #tpu.memory_space<vmem>>
    %dma_start3A_541 = arith.constant 0 : i32
    %dma_start3A_542 = arith.constant 0 : i32
    %dma_start3A_543 = tpu.memref_slice %arg3[%dma_start3A_541, %dma_start3A_542] : memref<30522x768xf32, #tpu.memory_space<hbm>> -> memref<30522x768xf32, #tpu.memory_space<hbm>>
    tpu.enqueue_indirect_dma source(%dma_start3A_543 : memref<30522x768xf32, #tpu.memory_space<hbm>>) target(%arg7 : memref<64x768xf32, #tpu.memory_space<vmem>>) offsets(%dma_start3A_540 : memref<64xi32, #tpu.memory_space<vmem>>) semaphore(%arg9 : memref<!tpu.dma_semaphore, #tpu.memory_space<semaphore_mem>>)
    %add3A_544 = arith.constant 1536 : i32
    %add3A_545 = arith.addi %mul3A_2, %add3A_544 : i32
    %dma_start3A_546 = arith.constant 0 : i32
    %dma_start3A_547 = tpu.memref_slice %arg4[%add3A_545, %dma_start3A_546] : memref<65536x768xf32, #tpu.memory_space<hbm>> -> memref<64x768xf32, #tpu.memory_space<hbm>>
    %dma_start3A_548 = arith.constant 0 : i32
    %dma_start3A_549 = tpu.memref_slice %arg4[%add3A_545, %dma_start3A_548] : memref<65536x768xf32, #tpu.memory_space<hbm>> -> memref<64x768xf32, #tpu.memory_space<hbm>>
    tpu.enqueue_dma source(%arg6 : memref<64x768xf32, #tpu.memory_space<vmem>>) target(%dma_start3A_549 : memref<64x768xf32, #tpu.memory_space<hbm>>) target_semaphore(%arg10 : memref<!tpu.dma_semaphore, #tpu.memory_space<semaphore_mem>>)
    %dma_wait3A_550 = arith.constant 1600 : i32
    %dma_wait3A_551 = tpu.memref_slice %arg5[%dma_wait3A_550] : memref<2048xi32, #tpu.memory_space<vmem>> -> memref<64xi32, #tpu.memory_space<vmem>>
    %dma_wait3A_552 = arith.constant 0 : i32
    %dma_wait3A_553 = arith.constant 0 : i32
    %dma_wait3A_554 = tpu.memref_slice %arg3[%dma_wait3A_552, %dma_wait3A_553] : memref<30522x768xf32, #tpu.memory_space<hbm>> -> memref<30522x768xf32, #tpu.memory_space<hbm>>
    tpu.wait_indirect_dma semaphore(%arg9 : memref<!tpu.dma_semaphore, #tpu.memory_space<semaphore_mem>>) src(%dma_wait3A_554 : memref<30522x768xf32, #tpu.memory_space<hbm>>) dst(%arg7 : memref<64x768xf32, #tpu.memory_space<vmem>>)
    %add3A_555 = arith.constant 1536 : i32
    %add3A_556 = arith.addi %mul3A_2, %add3A_555 : i32
    %dma_wait3A_557 = arith.constant 0 : i32
    %dma_wait3A_558 = tpu.memref_slice %arg4[%add3A_556, %dma_wait3A_557] : memref<65536x768xf32, #tpu.memory_space<hbm>> -> memref<64x768xf32, #tpu.memory_space<hbm>>
    %dma_wait3A_559 = arith.constant 0 : i32
    %dma_wait3A_560 = tpu.memref_slice %arg4[%add3A_556, %dma_wait3A_559] : memref<65536x768xf32, #tpu.memory_space<hbm>> -> memref<64x768xf32, #tpu.memory_space<hbm>>
    tpu.wait_dma2 semaphore(%arg10 : memref<!tpu.dma_semaphore, #tpu.memory_space<semaphore_mem>>) src(%arg6 : memref<64x768xf32, #tpu.memory_space<vmem>>) dst(%dma_wait3A_560 : memref<64x768xf32, #tpu.memory_space<hbm>>)
    %dma_start3A_561 = arith.constant 1664 : i32
    %dma_start3A_562 = tpu.memref_slice %arg5[%dma_start3A_561] : memref<2048xi32, #tpu.memory_space<vmem>> -> memref<64xi32, #tpu.memory_space<vmem>>
    %dma_start3A_563 = arith.constant 0 : i32
    %dma_start3A_564 = arith.constant 0 : i32
    %dma_start3A_565 = tpu.memref_slice %arg3[%dma_start3A_563, %dma_start3A_564] : memref<30522x768xf32, #tpu.memory_space<hbm>> -> memref<30522x768xf32, #tpu.memory_space<hbm>>
    tpu.enqueue_indirect_dma source(%dma_start3A_565 : memref<30522x768xf32, #tpu.memory_space<hbm>>) target(%arg6 : memref<64x768xf32, #tpu.memory_space<vmem>>) offsets(%dma_start3A_562 : memref<64xi32, #tpu.memory_space<vmem>>) semaphore(%arg8 : memref<!tpu.dma_semaphore, #tpu.memory_space<semaphore_mem>>)
    %add3A_566 = arith.constant 1600 : i32
    %add3A_567 = arith.addi %mul3A_2, %add3A_566 : i32
    %dma_start3A_568 = arith.constant 0 : i32
    %dma_start3A_569 = tpu.memref_slice %arg4[%add3A_567, %dma_start3A_568] : memref<65536x768xf32, #tpu.memory_space<hbm>> -> memref<64x768xf32, #tpu.memory_space<hbm>>
    %dma_start3A_570 = arith.constant 0 : i32
    %dma_start3A_571 = tpu.memref_slice %arg4[%add3A_567, %dma_start3A_570] : memref<65536x768xf32, #tpu.memory_space<hbm>> -> memref<64x768xf32, #tpu.memory_space<hbm>>
    tpu.enqueue_dma source(%arg7 : memref<64x768xf32, #tpu.memory_space<vmem>>) target(%dma_start3A_571 : memref<64x768xf32, #tpu.memory_space<hbm>>) target_semaphore(%arg11 : memref<!tpu.dma_semaphore, #tpu.memory_space<semaphore_mem>>)
    %dma_wait3A_572 = arith.constant 1664 : i32
    %dma_wait3A_573 = tpu.memref_slice %arg5[%dma_wait3A_572] : memref<2048xi32, #tpu.memory_space<vmem>> -> memref<64xi32, #tpu.memory_space<vmem>>
    %dma_wait3A_574 = arith.constant 0 : i32
    %dma_wait3A_575 = arith.constant 0 : i32
    %dma_wait3A_576 = tpu.memref_slice %arg3[%dma_wait3A_574, %dma_wait3A_575] : memref<30522x768xf32, #tpu.memory_space<hbm>> -> memref<30522x768xf32, #tpu.memory_space<hbm>>
    tpu.wait_indirect_dma semaphore(%arg8 : memref<!tpu.dma_semaphore, #tpu.memory_space<semaphore_mem>>) src(%dma_wait3A_576 : memref<30522x768xf32, #tpu.memory_space<hbm>>) dst(%arg6 : memref<64x768xf32, #tpu.memory_space<vmem>>)
    %add3A_577 = arith.constant 1600 : i32
    %add3A_578 = arith.addi %mul3A_2, %add3A_577 : i32
    %dma_wait3A_579 = arith.constant 0 : i32
    %dma_wait3A_580 = tpu.memref_slice %arg4[%add3A_578, %dma_wait3A_579] : memref<65536x768xf32, #tpu.memory_space<hbm>> -> memref<64x768xf32, #tpu.memory_space<hbm>>
    %dma_wait3A_581 = arith.constant 0 : i32
    %dma_wait3A_582 = tpu.memref_slice %arg4[%add3A_578, %dma_wait3A_581] : memref<65536x768xf32, #tpu.memory_space<hbm>> -> memref<64x768xf32, #tpu.memory_space<hbm>>
    tpu.wait_dma2 semaphore(%arg11 : memref<!tpu.dma_semaphore, #tpu.memory_space<semaphore_mem>>) src(%arg7 : memref<64x768xf32, #tpu.memory_space<vmem>>) dst(%dma_wait3A_582 : memref<64x768xf32, #tpu.memory_space<hbm>>)
    %dma_start3A_583 = arith.constant 1728 : i32
    %dma_start3A_584 = tpu.memref_slice %arg5[%dma_start3A_583] : memref<2048xi32, #tpu.memory_space<vmem>> -> memref<64xi32, #tpu.memory_space<vmem>>
    %dma_start3A_585 = arith.constant 0 : i32
    %dma_start3A_586 = arith.constant 0 : i32
    %dma_start3A_587 = tpu.memref_slice %arg3[%dma_start3A_585, %dma_start3A_586] : memref<30522x768xf32, #tpu.memory_space<hbm>> -> memref<30522x768xf32, #tpu.memory_space<hbm>>
    tpu.enqueue_indirect_dma source(%dma_start3A_587 : memref<30522x768xf32, #tpu.memory_space<hbm>>) target(%arg7 : memref<64x768xf32, #tpu.memory_space<vmem>>) offsets(%dma_start3A_584 : memref<64xi32, #tpu.memory_space<vmem>>) semaphore(%arg9 : memref<!tpu.dma_semaphore, #tpu.memory_space<semaphore_mem>>)
    %add3A_588 = arith.constant 1664 : i32
    %add3A_589 = arith.addi %mul3A_2, %add3A_588 : i32
    %dma_start3A_590 = arith.constant 0 : i32
    %dma_start3A_591 = tpu.memref_slice %arg4[%add3A_589, %dma_start3A_590] : memref<65536x768xf32, #tpu.memory_space<hbm>> -> memref<64x768xf32, #tpu.memory_space<hbm>>
    %dma_start3A_592 = arith.constant 0 : i32
    %dma_start3A_593 = tpu.memref_slice %arg4[%add3A_589, %dma_start3A_592] : memref<65536x768xf32, #tpu.memory_space<hbm>> -> memref<64x768xf32, #tpu.memory_space<hbm>>
    tpu.enqueue_dma source(%arg6 : memref<64x768xf32, #tpu.memory_space<vmem>>) target(%dma_start3A_593 : memref<64x768xf32, #tpu.memory_space<hbm>>) target_semaphore(%arg10 : memref<!tpu.dma_semaphore, #tpu.memory_space<semaphore_mem>>)
    %dma_wait3A_594 = arith.constant 1728 : i32
    %dma_wait3A_595 = tpu.memref_slice %arg5[%dma_wait3A_594] : memref<2048xi32, #tpu.memory_space<vmem>> -> memref<64xi32, #tpu.memory_space<vmem>>
    %dma_wait3A_596 = arith.constant 0 : i32
    %dma_wait3A_597 = arith.constant 0 : i32
    %dma_wait3A_598 = tpu.memref_slice %arg3[%dma_wait3A_596, %dma_wait3A_597] : memref<30522x768xf32, #tpu.memory_space<hbm>> -> memref<30522x768xf32, #tpu.memory_space<hbm>>
    tpu.wait_indirect_dma semaphore(%arg9 : memref<!tpu.dma_semaphore, #tpu.memory_space<semaphore_mem>>) src(%dma_wait3A_598 : memref<30522x768xf32, #tpu.memory_space<hbm>>) dst(%arg7 : memref<64x768xf32, #tpu.memory_space<vmem>>)
    %add3A_599 = arith.constant 1664 : i32
    %add3A_600 = arith.addi %mul3A_2, %add3A_599 : i32
    %dma_wait3A_601 = arith.constant 0 : i32
    %dma_wait3A_602 = tpu.memref_slice %arg4[%add3A_600, %dma_wait3A_601] : memref<65536x768xf32, #tpu.memory_space<hbm>> -> memref<64x768xf32, #tpu.memory_space<hbm>>
    %dma_wait3A_603 = arith.constant 0 : i32
    %dma_wait3A_604 = tpu.memref_slice %arg4[%add3A_600, %dma_wait3A_603] : memref<65536x768xf32, #tpu.memory_space<hbm>> -> memref<64x768xf32, #tpu.memory_space<hbm>>
    tpu.wait_dma2 semaphore(%arg10 : memref<!tpu.dma_semaphore, #tpu.memory_space<semaphore_mem>>) src(%arg6 : memref<64x768xf32, #tpu.memory_space<vmem>>) dst(%dma_wait3A_604 : memref<64x768xf32, #tpu.memory_space<hbm>>)
    %dma_start3A_605 = arith.constant 1792 : i32
    %dma_start3A_606 = tpu.memref_slice %arg5[%dma_start3A_605] : memref<2048xi32, #tpu.memory_space<vmem>> -> memref<64xi32, #tpu.memory_space<vmem>>
    %dma_start3A_607 = arith.constant 0 : i32
    %dma_start3A_608 = arith.constant 0 : i32
    %dma_start3A_609 = tpu.memref_slice %arg3[%dma_start3A_607, %dma_start3A_608] : memref<30522x768xf32, #tpu.memory_space<hbm>> -> memref<30522x768xf32, #tpu.memory_space<hbm>>
    tpu.enqueue_indirect_dma source(%dma_start3A_609 : memref<30522x768xf32, #tpu.memory_space<hbm>>) target(%arg6 : memref<64x768xf32, #tpu.memory_space<vmem>>) offsets(%dma_start3A_606 : memref<64xi32, #tpu.memory_space<vmem>>) semaphore(%arg8 : memref<!tpu.dma_semaphore, #tpu.memory_space<semaphore_mem>>)
    %add3A_610 = arith.constant 1728 : i32
    %add3A_611 = arith.addi %mul3A_2, %add3A_610 : i32
    %dma_start3A_612 = arith.constant 0 : i32
    %dma_start3A_613 = tpu.memref_slice %arg4[%add3A_611, %dma_start3A_612] : memref<65536x768xf32, #tpu.memory_space<hbm>> -> memref<64x768xf32, #tpu.memory_space<hbm>>
    %dma_start3A_614 = arith.constant 0 : i32
    %dma_start3A_615 = tpu.memref_slice %arg4[%add3A_611, %dma_start3A_614] : memref<65536x768xf32, #tpu.memory_space<hbm>> -> memref<64x768xf32, #tpu.memory_space<hbm>>
    tpu.enqueue_dma source(%arg7 : memref<64x768xf32, #tpu.memory_space<vmem>>) target(%dma_start3A_615 : memref<64x768xf32, #tpu.memory_space<hbm>>) target_semaphore(%arg11 : memref<!tpu.dma_semaphore, #tpu.memory_space<semaphore_mem>>)
    %dma_wait3A_616 = arith.constant 1792 : i32
    %dma_wait3A_617 = tpu.memref_slice %arg5[%dma_wait3A_616] : memref<2048xi32, #tpu.memory_space<vmem>> -> memref<64xi32, #tpu.memory_space<vmem>>
    %dma_wait3A_618 = arith.constant 0 : i32
    %dma_wait3A_619 = arith.constant 0 : i32
    %dma_wait3A_620 = tpu.memref_slice %arg3[%dma_wait3A_618, %dma_wait3A_619] : memref<30522x768xf32, #tpu.memory_space<hbm>> -> memref<30522x768xf32, #tpu.memory_space<hbm>>
    tpu.wait_indirect_dma semaphore(%arg8 : memref<!tpu.dma_semaphore, #tpu.memory_space<semaphore_mem>>) src(%dma_wait3A_620 : memref<30522x768xf32, #tpu.memory_space<hbm>>) dst(%arg6 : memref<64x768xf32, #tpu.memory_space<vmem>>)
    %add3A_621 = arith.constant 1728 : i32
    %add3A_622 = arith.addi %mul3A_2, %add3A_621 : i32
    %dma_wait3A_623 = arith.constant 0 : i32
    %dma_wait3A_624 = tpu.memref_slice %arg4[%add3A_622, %dma_wait3A_623] : memref<65536x768xf32, #tpu.memory_space<hbm>> -> memref<64x768xf32, #tpu.memory_space<hbm>>
    %dma_wait3A_625 = arith.constant 0 : i32
    %dma_wait3A_626 = tpu.memref_slice %arg4[%add3A_622, %dma_wait3A_625] : memref<65536x768xf32, #tpu.memory_space<hbm>> -> memref<64x768xf32, #tpu.memory_space<hbm>>
    tpu.wait_dma2 semaphore(%arg11 : memref<!tpu.dma_semaphore, #tpu.memory_space<semaphore_mem>>) src(%arg7 : memref<64x768xf32, #tpu.memory_space<vmem>>) dst(%dma_wait3A_626 : memref<64x768xf32, #tpu.memory_space<hbm>>)
    %dma_start3A_627 = arith.constant 1856 : i32
    %dma_start3A_628 = tpu.memref_slice %arg5[%dma_start3A_627] : memref<2048xi32, #tpu.memory_space<vmem>> -> memref<64xi32, #tpu.memory_space<vmem>>
    %dma_start3A_629 = arith.constant 0 : i32
    %dma_start3A_630 = arith.constant 0 : i32
    %dma_start3A_631 = tpu.memref_slice %arg3[%dma_start3A_629, %dma_start3A_630] : memref<30522x768xf32, #tpu.memory_space<hbm>> -> memref<30522x768xf32, #tpu.memory_space<hbm>>
    tpu.enqueue_indirect_dma source(%dma_start3A_631 : memref<30522x768xf32, #tpu.memory_space<hbm>>) target(%arg7 : memref<64x768xf32, #tpu.memory_space<vmem>>) offsets(%dma_start3A_628 : memref<64xi32, #tpu.memory_space<vmem>>) semaphore(%arg9 : memref<!tpu.dma_semaphore, #tpu.memory_space<semaphore_mem>>)
    %add3A_632 = arith.constant 1792 : i32
    %add3A_633 = arith.addi %mul3A_2, %add3A_632 : i32
    %dma_start3A_634 = arith.constant 0 : i32
    %dma_start3A_635 = tpu.memref_slice %arg4[%add3A_633, %dma_start3A_634] : memref<65536x768xf32, #tpu.memory_space<hbm>> -> memref<64x768xf32, #tpu.memory_space<hbm>>
    %dma_start3A_636 = arith.constant 0 : i32
    %dma_start3A_637 = tpu.memref_slice %arg4[%add3A_633, %dma_start3A_636] : memref<65536x768xf32, #tpu.memory_space<hbm>> -> memref<64x768xf32, #tpu.memory_space<hbm>>
    tpu.enqueue_dma source(%arg6 : memref<64x768xf32, #tpu.memory_space<vmem>>) target(%dma_start3A_637 : memref<64x768xf32, #tpu.memory_space<hbm>>) target_semaphore(%arg10 : memref<!tpu.dma_semaphore, #tpu.memory_space<semaphore_mem>>)
    %dma_wait3A_638 = arith.constant 1856 : i32
    %dma_wait3A_639 = tpu.memref_slice %arg5[%dma_wait3A_638] : memref<2048xi32, #tpu.memory_space<vmem>> -> memref<64xi32, #tpu.memory_space<vmem>>
    %dma_wait3A_640 = arith.constant 0 : i32
    %dma_wait3A_641 = arith.constant 0 : i32
    %dma_wait3A_642 = tpu.memref_slice %arg3[%dma_wait3A_640, %dma_wait3A_641] : memref<30522x768xf32, #tpu.memory_space<hbm>> -> memref<30522x768xf32, #tpu.memory_space<hbm>>
    tpu.wait_indirect_dma semaphore(%arg9 : memref<!tpu.dma_semaphore, #tpu.memory_space<semaphore_mem>>) src(%dma_wait3A_642 : memref<30522x768xf32, #tpu.memory_space<hbm>>) dst(%arg7 : memref<64x768xf32, #tpu.memory_space<vmem>>)
    %add3A_643 = arith.constant 1792 : i32
    %add3A_644 = arith.addi %mul3A_2, %add3A_643 : i32
    %dma_wait3A_645 = arith.constant 0 : i32
    %dma_wait3A_646 = tpu.memref_slice %arg4[%add3A_644, %dma_wait3A_645] : memref<65536x768xf32, #tpu.memory_space<hbm>> -> memref<64x768xf32, #tpu.memory_space<hbm>>
    %dma_wait3A_647 = arith.constant 0 : i32
    %dma_wait3A_648 = tpu.memref_slice %arg4[%add3A_644, %dma_wait3A_647] : memref<65536x768xf32, #tpu.memory_space<hbm>> -> memref<64x768xf32, #tpu.memory_space<hbm>>
    tpu.wait_dma2 semaphore(%arg10 : memref<!tpu.dma_semaphore, #tpu.memory_space<semaphore_mem>>) src(%arg6 : memref<64x768xf32, #tpu.memory_space<vmem>>) dst(%dma_wait3A_648 : memref<64x768xf32, #tpu.memory_space<hbm>>)
    %dma_start3A_649 = arith.constant 1920 : i32
    %dma_start3A_650 = tpu.memref_slice %arg5[%dma_start3A_649] : memref<2048xi32, #tpu.memory_space<vmem>> -> memref<64xi32, #tpu.memory_space<vmem>>
    %dma_start3A_651 = arith.constant 0 : i32
    %dma_start3A_652 = arith.constant 0 : i32
    %dma_start3A_653 = tpu.memref_slice %arg3[%dma_start3A_651, %dma_start3A_652] : memref<30522x768xf32, #tpu.memory_space<hbm>> -> memref<30522x768xf32, #tpu.memory_space<hbm>>
    tpu.enqueue_indirect_dma source(%dma_start3A_653 : memref<30522x768xf32, #tpu.memory_space<hbm>>) target(%arg6 : memref<64x768xf32, #tpu.memory_space<vmem>>) offsets(%dma_start3A_650 : memref<64xi32, #tpu.memory_space<vmem>>) semaphore(%arg8 : memref<!tpu.dma_semaphore, #tpu.memory_space<semaphore_mem>>)
    %add3A_654 = arith.constant 1856 : i32
    %add3A_655 = arith.addi %mul3A_2, %add3A_654 : i32
    %dma_start3A_656 = arith.constant 0 : i32
    %dma_start3A_657 = tpu.memref_slice %arg4[%add3A_655, %dma_start3A_656] : memref<65536x768xf32, #tpu.memory_space<hbm>> -> memref<64x768xf32, #tpu.memory_space<hbm>>
    %dma_start3A_658 = arith.constant 0 : i32
    %dma_start3A_659 = tpu.memref_slice %arg4[%add3A_655, %dma_start3A_658] : memref<65536x768xf32, #tpu.memory_space<hbm>> -> memref<64x768xf32, #tpu.memory_space<hbm>>
    tpu.enqueue_dma source(%arg7 : memref<64x768xf32, #tpu.memory_space<vmem>>) target(%dma_start3A_659 : memref<64x768xf32, #tpu.memory_space<hbm>>) target_semaphore(%arg11 : memref<!tpu.dma_semaphore, #tpu.memory_space<semaphore_mem>>)
    %dma_wait3A_660 = arith.constant 1920 : i32
    %dma_wait3A_661 = tpu.memref_slice %arg5[%dma_wait3A_660] : memref<2048xi32, #tpu.memory_space<vmem>> -> memref<64xi32, #tpu.memory_space<vmem>>
    %dma_wait3A_662 = arith.constant 0 : i32
    %dma_wait3A_663 = arith.constant 0 : i32
    %dma_wait3A_664 = tpu.memref_slice %arg3[%dma_wait3A_662, %dma_wait3A_663] : memref<30522x768xf32, #tpu.memory_space<hbm>> -> memref<30522x768xf32, #tpu.memory_space<hbm>>
    tpu.wait_indirect_dma semaphore(%arg8 : memref<!tpu.dma_semaphore, #tpu.memory_space<semaphore_mem>>) src(%dma_wait3A_664 : memref<30522x768xf32, #tpu.memory_space<hbm>>) dst(%arg6 : memref<64x768xf32, #tpu.memory_space<vmem>>)
    %add3A_665 = arith.constant 1856 : i32
    %add3A_666 = arith.addi %mul3A_2, %add3A_665 : i32
    %dma_wait3A_667 = arith.constant 0 : i32
    %dma_wait3A_668 = tpu.memref_slice %arg4[%add3A_666, %dma_wait3A_667] : memref<65536x768xf32, #tpu.memory_space<hbm>> -> memref<64x768xf32, #tpu.memory_space<hbm>>
    %dma_wait3A_669 = arith.constant 0 : i32
    %dma_wait3A_670 = tpu.memref_slice %arg4[%add3A_666, %dma_wait3A_669] : memref<65536x768xf32, #tpu.memory_space<hbm>> -> memref<64x768xf32, #tpu.memory_space<hbm>>
    tpu.wait_dma2 semaphore(%arg11 : memref<!tpu.dma_semaphore, #tpu.memory_space<semaphore_mem>>) src(%arg7 : memref<64x768xf32, #tpu.memory_space<vmem>>) dst(%dma_wait3A_670 : memref<64x768xf32, #tpu.memory_space<hbm>>)
    %dma_start3A_671 = arith.constant 1984 : i32
    %dma_start3A_672 = tpu.memref_slice %arg5[%dma_start3A_671] : memref<2048xi32, #tpu.memory_space<vmem>> -> memref<64xi32, #tpu.memory_space<vmem>>
    %dma_start3A_673 = arith.constant 0 : i32
    %dma_start3A_674 = arith.constant 0 : i32
    %dma_start3A_675 = tpu.memref_slice %arg3[%dma_start3A_673, %dma_start3A_674] : memref<30522x768xf32, #tpu.memory_space<hbm>> -> memref<30522x768xf32, #tpu.memory_space<hbm>>
    tpu.enqueue_indirect_dma source(%dma_start3A_675 : memref<30522x768xf32, #tpu.memory_space<hbm>>) target(%arg7 : memref<64x768xf32, #tpu.memory_space<vmem>>) offsets(%dma_start3A_672 : memref<64xi32, #tpu.memory_space<vmem>>) semaphore(%arg9 : memref<!tpu.dma_semaphore, #tpu.memory_space<semaphore_mem>>)
    %add3A_676 = arith.constant 1920 : i32
    %add3A_677 = arith.addi %mul3A_2, %add3A_676 : i32
    %dma_start3A_678 = arith.constant 0 : i32
    %dma_start3A_679 = tpu.memref_slice %arg4[%add3A_677, %dma_start3A_678] : memref<65536x768xf32, #tpu.memory_space<hbm>> -> memref<64x768xf32, #tpu.memory_space<hbm>>
    %dma_start3A_680 = arith.constant 0 : i32
    %dma_start3A_681 = tpu.memref_slice %arg4[%add3A_677, %dma_start3A_680] : memref<65536x768xf32, #tpu.memory_space<hbm>> -> memref<64x768xf32, #tpu.memory_space<hbm>>
    tpu.enqueue_dma source(%arg6 : memref<64x768xf32, #tpu.memory_space<vmem>>) target(%dma_start3A_681 : memref<64x768xf32, #tpu.memory_space<hbm>>) target_semaphore(%arg10 : memref<!tpu.dma_semaphore, #tpu.memory_space<semaphore_mem>>)
    %dma_wait3A_682 = arith.constant 1984 : i32
    %dma_wait3A_683 = tpu.memref_slice %arg5[%dma_wait3A_682] : memref<2048xi32, #tpu.memory_space<vmem>> -> memref<64xi32, #tpu.memory_space<vmem>>
    %dma_wait3A_684 = arith.constant 0 : i32
    %dma_wait3A_685 = arith.constant 0 : i32
    %dma_wait3A_686 = tpu.memref_slice %arg3[%dma_wait3A_684, %dma_wait3A_685] : memref<30522x768xf32, #tpu.memory_space<hbm>> -> memref<30522x768xf32, #tpu.memory_space<hbm>>
    tpu.wait_indirect_dma semaphore(%arg9 : memref<!tpu.dma_semaphore, #tpu.memory_space<semaphore_mem>>) src(%dma_wait3A_686 : memref<30522x768xf32, #tpu.memory_space<hbm>>) dst(%arg7 : memref<64x768xf32, #tpu.memory_space<vmem>>)
    %add3A_687 = arith.constant 1984 : i32
    %add3A_688 = arith.addi %mul3A_2, %add3A_687 : i32
    %dma_start3A_689 = arith.constant 0 : i32
    %dma_start3A_690 = tpu.memref_slice %arg4[%add3A_688, %dma_start3A_689] : memref<65536x768xf32, #tpu.memory_space<hbm>> -> memref<64x768xf32, #tpu.memory_space<hbm>>
    %dma_start3A_691 = arith.constant 0 : i32
    %dma_start3A_692 = tpu.memref_slice %arg4[%add3A_688, %dma_start3A_691] : memref<65536x768xf32, #tpu.memory_space<hbm>> -> memref<64x768xf32, #tpu.memory_space<hbm>>
    tpu.enqueue_dma source(%arg7 : memref<64x768xf32, #tpu.memory_space<vmem>>) target(%dma_start3A_692 : memref<64x768xf32, #tpu.memory_space<hbm>>) target_semaphore(%arg11 : memref<!tpu.dma_semaphore, #tpu.memory_space<semaphore_mem>>)
    %add3A_693 = arith.constant 1920 : i32
    %add3A_694 = arith.addi %mul3A_2, %add3A_693 : i32
    %dma_wait3A_695 = arith.constant 0 : i32
    %dma_wait3A_696 = tpu.memref_slice %arg4[%add3A_694, %dma_wait3A_695] : memref<65536x768xf32, #tpu.memory_space<hbm>> -> memref<64x768xf32, #tpu.memory_space<hbm>>
    %dma_wait3A_697 = arith.constant 0 : i32
    %dma_wait3A_698 = tpu.memref_slice %arg4[%add3A_694, %dma_wait3A_697] : memref<65536x768xf32, #tpu.memory_space<hbm>> -> memref<64x768xf32, #tpu.memory_space<hbm>>
    tpu.wait_dma2 semaphore(%arg10 : memref<!tpu.dma_semaphore, #tpu.memory_space<semaphore_mem>>) src(%arg6 : memref<64x768xf32, #tpu.memory_space<vmem>>) dst(%dma_wait3A_698 : memref<64x768xf32, #tpu.memory_space<hbm>>)
    %add3A_699 = arith.constant 1984 : i32
    %add3A_700 = arith.addi %mul3A_2, %add3A_699 : i32
    %dma_wait3A_701 = arith.constant 0 : i32
    %dma_wait3A_702 = tpu.memref_slice %arg4[%add3A_700, %dma_wait3A_701] : memref<65536x768xf32, #tpu.memory_space<hbm>> -> memref<64x768xf32, #tpu.memory_space<hbm>>
    %dma_wait3A_703 = arith.constant 0 : i32
    %dma_wait3A_704 = tpu.memref_slice %arg4[%add3A_700, %dma_wait3A_703] : memref<65536x768xf32, #tpu.memory_space<hbm>> -> memref<64x768xf32, #tpu.memory_space<hbm>>
    tpu.wait_dma2 semaphore(%arg11 : memref<!tpu.dma_semaphore, #tpu.memory_space<semaphore_mem>>) src(%arg7 : memref<64x768xf32, #tpu.memory_space<vmem>>) dst(%dma_wait3A_704 : memref<64x768xf32, #tpu.memory_space<hbm>>)
    return
  }
}

module attributes {stable_mosaic.version = 14 : i64} {
  func.func @_tc_body(%arg0: i32, %arg1: memref<1x1x2048xi32, #tpu.memory_space<vmem>>, %arg2: memref<2048x768xf32, #tpu.memory_space<vmem>>, %arg3: memref<512x768xf32, #tpu.memory_space<vmem>>, %arg4: memref<16x768xf32, #tpu.memory_space<vmem>>, %arg5: memref<1x768xf32, #tpu.memory_space<vmem>>, %arg6: memref<1x768xf32, #tpu.memory_space<vmem>>, %arg7: memref<2048x768xf32, #tpu.memory_space<vmem>>) attributes {dimension_semantics = [#tpu.dimension_semantics<arbitrary>], iteration_bounds = array<i64: 32>, scalar_prefetch = 0 : i64, scratch_operands = 0 : i64, tpu.core_type = #tpu.core_type<tc>, window_params = [{transform_indices = @transform_0, window_bounds = array<i64: 1, 1, 2048>}, {transform_indices = @transform_1, window_bounds = array<i64: 2048, 768>}, {pipeline_mode = #tpu.pipeline_mode<synchronous>, transform_indices = @transform_2, window_bounds = array<i64: 512, 768>}, {pipeline_mode = #tpu.pipeline_mode<synchronous>, transform_indices = @transform_3, window_bounds = array<i64: 16, 768>}, {pipeline_mode = #tpu.pipeline_mode<synchronous>, transform_indices = @transform_4, window_bounds = array<i64: 1, 768>}, {pipeline_mode = #tpu.pipeline_mode<synchronous>, transform_indices = @transform_5, window_bounds = array<i64: 1, 768>}, {transform_indices = @transform_6, window_bounds = array<i64: 2048, 768>}]} {
    %get3A = arith.constant 0 : index
    %get3A_0 = arith.constant 0 : index
    %get3A_1 = vector.load %arg2[%get3A, %get3A_0] : memref<2048x768xf32, #tpu.memory_space<vmem>>, vector<2048x768xf32>
    %get3A_2 = arith.constant 0 : index
    %get3A_3 = arith.constant 0 : index
    %get3A_4 = arith.constant 0 : index
    %get3A_5 = vector.load %arg1[%get3A_2, %get3A_3, %get3A_4] : memref<1x1x2048xi32, #tpu.memory_space<vmem>>, vector<1x1x2048xi32>
    %get3A_6 = vector.shape_cast %get3A_5 : vector<1x1x2048xi32> to vector<1x2048xi32>
    %reshape3A = vector.shape_cast %get3A_6 : vector<1x2048xi32> to vector<2048xi32>
    %broadcast_in_dim3A = vector.shape_cast %reshape3A : vector<2048xi32> to vector<2048x1xi32>
    %iota3A = tpu.iota {dimensions = array<i32: 1>} : vector<2048x16xi32>
    %eq3A = vector.broadcast %broadcast_in_dim3A : vector<2048x1xi32> to vector<2048x16xi32>
    %eq3A_7 = arith.cmpi eq, %eq3A, %iota3A : vector<2048x16xi32>
    %convert_element_type3A = arith.extui %eq3A_7 : vector<2048x16xi1> to vector<2048x16xi32>
    %convert_element_type3A_8 = arith.sitofp %convert_element_type3A : vector<2048x16xi32> to vector<2048x16xf32>
    %get3A_9 = arith.constant 0 : index
    %get3A_10 = arith.constant 0 : index
    %get3A_11 = vector.load %arg4[%get3A_9, %get3A_10] : memref<16x768xf32, #tpu.memory_space<vmem>>, vector<16x768xf32>
    %convert_element_type3A_12 = arith.truncf %get3A_11 : vector<16x768xf32> to vector<16x768xbf16>
    %convert_element_type3A_13 = arith.extf %convert_element_type3A_12 : vector<16x768xbf16> to vector<16x768xf32>
    %dot_general3A = arith.constant dense<0.000000e+00> : vector<2048x768xf32>
    %dot_general3A_14 = tpu.matmul %convert_element_type3A_8, %convert_element_type3A_13, %dot_general3A {dimension_numbers = #tpu.dot_dimension_numbers<[1], [0], [0], [1], [0, 0, 1, 1], [], []>, transpose_lhs_hint = false} : vector<2048x16xf32>, vector<16x768xf32>, vector<2048x768xf32> -> vector<2048x768xf32>
    %sub3A = arith.subf %get3A_11, %convert_element_type3A_13 : vector<16x768xf32>
    %dot_general3A_15 = arith.constant dense<0.000000e+00> : vector<2048x768xf32>
    %dot_general3A_16 = tpu.matmul %convert_element_type3A_8, %sub3A, %dot_general3A_15 {dimension_numbers = #tpu.dot_dimension_numbers<[1], [0], [0], [1], [0, 0, 1, 1], [], []>, transpose_lhs_hint = false} : vector<2048x16xf32>, vector<16x768xf32>, vector<2048x768xf32> -> vector<2048x768xf32>
    %add3A = arith.addf %dot_general3A_14, %dot_general3A_16 : vector<2048x768xf32>
    %add3A_17 = arith.addf %get3A_1, %add3A : vector<2048x768xf32>
    %reshape3A_18 = vector.shape_cast %add3A_17 : vector<2048x768xf32> to vector<4x512x768xf32>
    %get3A_19 = arith.constant 0 : index
    %get3A_20 = arith.constant 0 : index
    %get3A_21 = vector.load %arg3[%get3A_19, %get3A_20] : memref<512x768xf32, #tpu.memory_space<vmem>>, vector<512x768xf32>
    %broadcast_in_dim3A_22 = vector.shape_cast %get3A_21 : vector<512x768xf32> to vector<1x512x768xf32>
    %add3A_23 = vector.broadcast %broadcast_in_dim3A_22 : vector<1x512x768xf32> to vector<4x512x768xf32>
    %add3A_24 = arith.addf %reshape3A_18, %add3A_23 : vector<4x512x768xf32>
    %reshape3A_25 = vector.shape_cast %add3A_24 : vector<4x512x768xf32> to vector<2048x768xf32>
    %reduce_sum3A = arith.constant dense<0.000000e+00> : vector<2048xf32>
    %reduce_sum3A_26 = vector.multi_reduction <add>, %reshape3A_25, %reduce_sum3A [1] : vector<2048x768xf32> to vector<2048xf32>
    %broadcast_in_dim3A_27 = vector.shape_cast %reduce_sum3A_26 : vector<2048xf32> to vector<2048x1xf32>
    %div3A = arith.constant 7.680000e+02 : f32
    %div3A_28 = vector.broadcast %div3A : f32 to vector<2048x1xf32>
    %div3A_29 = arith.divf %broadcast_in_dim3A_27, %div3A_28 : vector<2048x1xf32>
    %mul3A = arith.mulf %reshape3A_25, %reshape3A_25 : vector<2048x768xf32>
    %reduce_sum3A_30 = arith.constant dense<0.000000e+00> : vector<2048xf32>
    %reduce_sum3A_31 = vector.multi_reduction <add>, %mul3A, %reduce_sum3A_30 [1] : vector<2048x768xf32> to vector<2048xf32>
    %broadcast_in_dim3A_32 = vector.shape_cast %reduce_sum3A_31 : vector<2048xf32> to vector<2048x1xf32>
    %div3A_33 = arith.constant 7.680000e+02 : f32
    %div3A_34 = vector.broadcast %div3A_33 : f32 to vector<2048x1xf32>
    %div3A_35 = arith.divf %broadcast_in_dim3A_32, %div3A_34 : vector<2048x1xf32>
    %mul3A_36 = arith.mulf %div3A_29, %div3A_29 : vector<2048x1xf32>
    %sub3A_37 = arith.subf %div3A_35, %mul3A_36 : vector<2048x1xf32>
    %add3A_38 = arith.constant 9.99999996E-13 : f32
    %add3A_39 = vector.broadcast %add3A_38 : f32 to vector<2048x1xf32>
    %add3A_40 = arith.addf %sub3A_37, %add3A_39 : vector<2048x1xf32>
    %rsqrt3A = math.rsqrt %add3A_40 : vector<2048x1xf32>
    %sub3A_41 = vector.broadcast %div3A_29 : vector<2048x1xf32> to vector<2048x768xf32>
    %sub3A_42 = arith.subf %reshape3A_25, %sub3A_41 : vector<2048x768xf32>
    %mul3A_43 = vector.broadcast %rsqrt3A : vector<2048x1xf32> to vector<2048x768xf32>
    %mul3A_44 = arith.mulf %sub3A_42, %mul3A_43 : vector<2048x768xf32>
    %get3A_45 = arith.constant 0 : index
    %get3A_46 = arith.constant 0 : index
    %get3A_47 = vector.load %arg5[%get3A_45, %get3A_46] : memref<1x768xf32, #tpu.memory_space<vmem>>, vector<1x768xf32>
    %mul3A_48 = vector.broadcast %get3A_47 : vector<1x768xf32> to vector<2048x768xf32>
    %mul3A_49 = arith.mulf %mul3A_44, %mul3A_48 : vector<2048x768xf32>
    %get3A_50 = arith.constant 0 : index
    %get3A_51 = arith.constant 0 : index
    %get3A_52 = vector.load %arg6[%get3A_50, %get3A_51] : memref<1x768xf32, #tpu.memory_space<vmem>>, vector<1x768xf32>
    %add3A_53 = vector.broadcast %get3A_52 : vector<1x768xf32> to vector<2048x768xf32>
    %add3A_54 = arith.addf %mul3A_49, %add3A_53 : vector<2048x768xf32>
    %swap3A = arith.constant 0 : index
    %swap3A_55 = arith.constant 0 : index
    %swap3A_56 = vector.load %arg7[%swap3A, %swap3A_55] : memref<2048x768xf32, #tpu.memory_space<vmem>>, vector<2048x768xf32>
    tpu.vector_store %arg7[%swap3A, %swap3A_55], %add3A_54 {strides = array<i32>} : memref<2048x768xf32, #tpu.memory_space<vmem>>, vector<2048x768xf32>,
    return
  }
  func.func @transform_0(%arg0: i32) -> (i32, i32, i32) {
    %c0_i32 = arith.constant 0 : i32
    %c0_i32_0 = arith.constant 0 : i32
    %c0_i32_1 = arith.constant 0 : i32
    return %arg0, %c0_i32, %c0_i32_0 : i32, i32, i32
  }
  func.func @transform_1(%arg0: i32) -> (i32, i32) {
    %c0_i32 = arith.constant 0 : i32
    %c0_i32_0 = arith.constant 0 : i32
    return %arg0, %c0_i32 : i32, i32
  }
  func.func @transform_2(%arg0: i32) -> (i32, i32) {
    %c0_i32 = arith.constant 0 : i32
    %c0_i32_0 = arith.constant 0 : i32
    %c0_i32_1 = arith.constant 0 : i32
    return %c0_i32, %c0_i32_0 : i32, i32
  }
  func.func @transform_3(%arg0: i32) -> (i32, i32) {
    %c0_i32 = arith.constant 0 : i32
    %c0_i32_0 = arith.constant 0 : i32
    %c0_i32_1 = arith.constant 0 : i32
    return %c0_i32, %c0_i32_0 : i32, i32
  }
  func.func @transform_4(%arg0: i32) -> (i32, i32) {
    %c0_i32 = arith.constant 0 : i32
    %c0_i32_0 = arith.constant 0 : i32
    %c0_i32_1 = arith.constant 0 : i32
    return %c0_i32, %c0_i32_0 : i32, i32
  }
  func.func @transform_5(%arg0: i32) -> (i32, i32) {
    %c0_i32 = arith.constant 0 : i32
    %c0_i32_0 = arith.constant 0 : i32
    %c0_i32_1 = arith.constant 0 : i32
    return %c0_i32, %c0_i32_0 : i32, i32
  }
  func.func @transform_6(%arg0: i32) -> (i32, i32) {
    %c0_i32 = arith.constant 0 : i32
    %c0_i32_0 = arith.constant 0 : i32
    return %arg0, %c0_i32 : i32, i32
  }
}

</mosaic_0001>

<sc_bundles>
// kernel: _run.4.cloned.1.call-start
scs
__scs_entry_jumppad:
0x0: {  	(pc) =	sbr.rel $0x88, $3  }
0x1: {  	(tag) =	ssettag $0x0;
	lr =	simm.s32 $0x1  }
0x2: {  	[smem:$0x3F9A] =	sst lr;
	_ =	strace $0xD0000000  }
0x3: {  	_ = 	snop  }
0x4: {  	_ = 	snop  }
0x5: {  	_ = 	snop  }
0x6: {  	_ = 	snop  }
0x7: {  	_ = 	snop  }
__scs_overlays_trampoline_lowered:
0x8: {  	[smem:$0x3FA9] =	sst s0  }
0x9: {  	[smem:$0x3FAA] =	sst s1  }
0xa: {  	[smem:$0x3FAB] =	sst s2  }
0xb: {  	[smem:$0x3FAC] =	sst s3  }
0xc: {  	[smem:$0x3FAD] =	sst s4  }
0xd: {  	[smem:$0x3FAE] =	sst s5  }
0xe: {  	[smem:$0x3FAF] =	sst s6  }
0xf: {  	[smem:$0x3FB0] =	sst s7  }
0x10: {  	[smem:$0x3FB1] =	sst s8  }
0x11: {  	[smem:$0x3FB2] =	sst s9;
	s0 =	simm.s32 @!p0 $0x0  }
0x12: {  	s1 =	sld [smem:$0x3F98];
	s0 =	simm.s32 @p0 $0x1  }
0x13: {  	[smem:$0x3FB3] =	sst s0;
	s0 =	simm.s32 @!p1 $0x0  }
0x14: {  	s2 =	sld [smem:$0x3F97];
	s0 =	simm.s32 @p1 $0x1  }
0x15: {  	[smem:$0x3FB4] =	sst s0;
	s0 =	simm.s32 @!p2 $0x0  }
0x16: {  	s3 =	sld [smem:$0x3FDB];
	s0 =	simm.s32 @p2 $0x1  }
0x17: {  	s4 =	simm.s32 $0x1BF5;
	[smem:$0x3FB6] =	sst s0  }
0x18: {  	s0 =	sld [smem:$0x3F99];
	_ =	swait.ge [sflag:s4], $0x0  }
0x19: {  	s7 =	sld [smem:$0x3F9A]  }
0x1a: {  	s8 =	sadd.s32 $0xFFFFE003, lr  }
0x1b: {  	s9 =	sadd.s32 $0xFFFFFEF7, lr;
	s5 =	simm.s32 $0xFFFFFFFF;
	p2 =	slt.u32 s8, $0xFFFFF086  }
0x1c: {  	p1 =	slt.u32 s9, $0xF7A;
	s5 =	simm.s32 @!p2 $0x0  }
0x1d: {  	s5 =	simm.s32 @p1 $0x1;
	p0 =	seq.s32 s7, s2  }
0x1e: {  	s7 =	smul.u32 @!p0 $0xF7A, s2;
	p2 =	seq.s32 @!p0 s5, $0x0  }
0x1f: {  	s9 =	smul.u32 $0xF7A, s1;
	s8 =	simm.s32 @!p0 $0x1BF5;
	p2 =	por !p2, p0  }
0x20: {  	[sflag:s8] =	ssyncset.s32 @!p0 $0xFFFFF086;
	s6 =	sadd.s32 @!p0 s3, s7;
	s7 =	simm.s32 @!p0 $0x108  }
0x21: {  	s3 =	sadd.s32 s3, s9;
	s6 =	sadd.s32 @!p0 $0x88, s6;
	s7 =	simm.s32 @p2 $0x1082  }
0x22: {  	[simem:s7], [sflag:s8] =	dma.local @!p0 [hbm:s6], $0xF7A  }
0x23: {  	s9 =	sor.u32 $0xD0000000, s2;
	s6 =	simm.s32 $0x108;
	_ =	swait.ge @!p0 [sflag:s8], $0x0  }
0x24: {  	s3 =	sadd.s32 $0x88, s3;
	s6 =	simm.s32 @!p1 $0x1082;
	[sflag:s4] =	ssyncset.s32 $0xFFFFF086  }
0x25: {  	[simem:s6], [sflag:s4] =	dma.local [hbm:s3], $0xF7A  }
0x26: {  	[smem:$0x3F9A] =	sst s1;
	(tag) =	ssettag s2;
	_ =	strace s9  }
0x27: {  	s1 =	sld [smem:$0x3FAA]  }
0x28: {  	s2 =	sld [smem:$0x3FAB]  }
0x29: {  	s4 =	sld [smem:$0x3FAD]  }
0x2a: {  	p0 =	seq.s32 s5, $0x0;
	s5 =	sld [smem:$0x3FAE]  }
0x2b: {  	s6 =	sld [smem:$0x3FAF]  }
0x2c: {  	s7 =	sld [smem:$0x3FB0]  }
0x2d: {  	s3 =	simm.s32 $0x108;
	s8 =	sld [smem:$0x3FB1]  }
0x2e: {  	s3 =	simm.s32 @!p0 $0x1082;
	s9 =	sld [smem:$0x3FB2]  }
0x2f: {  	lr =	sadd.s32 s0, s3;
	s0 =	sld [smem:$0x3FA9]  }
0x30: {  	s3 =	sld [smem:$0x3FAC]  }
0x31: {  	[smem:$0x3FB5] =	sst s10  }
0x32: {  	s10 =	sld [smem:$0x3FB3];
	_ =	sdelay $0x3  }
0x33: {  	p0 =	seq.s32 s10, $0x1;
	s10 =	sld [smem:$0x3FB5];
	_ =	sdelay $0x3  }
0x34: {  	[smem:$0x3FB5] =	sst s10  }
0x35: {  	s10 =	sld [smem:$0x3FB4];
	_ =	sdelay $0x3  }
0x36: {  	p1 =	seq.s32 s10, $0x1;
	s10 =	sld [smem:$0x3FB5];
	_ =	sdelay $0x3  }
0x37: {  	[smem:$0x3FB5] =	sst s10  }
0x38: {  	s10 =	sld [smem:$0x3FB6]  }
0x39: {  	_ = 	snop;
	(pc) =	sbr.ind lr, $3  }
0x3a: {  	_ = 	snop  }
0x3b: {  	_ = 	snop  }
0x3c: {  	p2 =	seq.s32 s10, $0x1;
	s10 =	sld [smem:$0x3FB5]  }
0x3d: {  	_ =	shalt  }
0x3e: {  	_ =	shalt  }
0x3f: {  	_ =	shalt  }
0x40: {  	_ =	shalt  }
0x41: {  	_ =	shalt  }
0x42: {  	_ =	shalt  }
0x43: {  	_ =	shalt  }
0x44: {  	_ =	shalt  }
0x45: {  	_ =	shalt  }
0x46: {  	_ =	shalt  }
0x47: {  	_ =	shalt  }
0x48: {  	_ =	shalt  }
0x49: {  	_ =	shalt  }
0x4a: {  	_ =	shalt  }
0x4b: {  	_ =	shalt  }
0x4c: {  	_ =	shalt  }
0x4d: {  	_ =	shalt  }
0x4e: {  	_ =	shalt  }
0x4f: {  	_ =	shalt  }
0x50: {  	_ =	shalt  }
0x51: {  	_ =	shalt  }
0x52: {  	_ =	shalt  }
0x53: {  	_ =	shalt  }
0x54: {  	_ =	shalt  }
0x55: {  	_ =	shalt  }
0x56: {  	_ =	shalt  }
0x57: {  	_ =	shalt  }
0x58: {  	_ =	shalt  }
0x59: {  	_ =	shalt  }
0x5a: {  	_ =	shalt  }
0x5b: {  	_ =	shalt  }
0x5c: {  	_ =	shalt  }
0x5d: {  	_ =	shalt  }
0x5e: {  	_ =	shalt  }
0x5f: {  	_ =	shalt  }
0x60: {  	_ =	shalt  }
0x61: {  	_ =	shalt  }
0x62: {  	_ =	shalt  }
0x63: {  	_ =	shalt  }
0x64: {  	_ =	shalt  }
0x65: {  	_ =	shalt  }
0x66: {  	_ =	shalt  }
0x67: {  	_ =	shalt  }
0x68: {  	_ =	shalt  }
0x69: {  	_ =	shalt  }
0x6a: {  	_ =	shalt  }
0x6b: {  	_ =	shalt  }
0x6c: {  	_ =	shalt  }
0x6d: {  	_ =	shalt  }
0x6e: {  	_ =	shalt  }
0x6f: {  	_ =	shalt  }
0x70: {  	_ =	shalt  }
0x71: {  	_ =	shalt  }
0x72: {  	_ =	shalt  }
0x73: {  	_ =	shalt  }
0x74: {  	_ =	shalt  }
0x75: {  	_ =	shalt  }
0x76: {  	_ =	shalt  }
0x77: {  	_ =	shalt  }
0x78: {  	_ =	shalt  }
0x79: {  	_ =	shalt  }
0x7a: {  	_ =	shalt  }
0x7b: {  	_ =	shalt  }
0x7c: {  	_ =	shalt  }
0x7d: {  	_ =	shalt  }
0x7e: {  	_ =	shalt  }
0x7f: {  	_ =	shalt  }
0x80: {  	_ =	shalt  }
0x81: {  	_ =	shalt  }
0x82: {  	_ =	shalt  }
0x83: {  	_ =	shalt  }
0x84: {  	_ =	shalt  }
0x85: {  	_ =	shalt  }
0x86: {  	_ =	shalt  }
0x87: {  	_ =	shalt  }
.Lfunc_end0:
.L_simem_size_0:
called_computation_lowered:
.L_overlay_start_0:
0x88: {  	s2 =	sld [smem:$0x3FD9]  }
0x89: {  	s3 =	sld [smem:$0x3FFE];
	_ =	sdelay $0x1  }
0x8a: {  	s1 =	srdreg.scid  }
0x8b: {  	s0 =	sand.u32 $0x1, s1  }
0x8c: {  	s17 =	sshll.u32 s0, $0xA;
	s2 =	sadd.s32 s3, s2  }
0x8d: {  	s2 =	sadd.s32 s2, s17  }
0x8e: {  	[smem:$0x3FC1] =	sst s2  }
0x8f: {  	_ = 	snop  }
0x90: {  	s2 =	sld [smem:$0x3FC7]  }
0x91: {  	s18 =	sld [smem:$0x3FD0];
	(tm) =	ssettm $0x1  }
0x92: {  	s4 =	sld [smem:$0x3FFB];
	_ =	sdelay $0x3  }
0x93: {  	_ =	strace s4  }
0x94: {  	s4 =	sld [smem:$0x3FFC];
	_ =	sdelay $0x3  }
0x95: {  	_ =	strace s4  }
0x96: {  	s4 =	sld [smem:$0x3FFD];
	_ =	sdelay $0x3  }
0x97: {  	_ =	strace s4  }
0x98: {  	_ =	strace $0x8FFFFFFF  }
0x99: {  	s19 =	sld [smem:$0x3FDB];
	_ =	sdelay $0x1  }
0x9a: {  	s5 =	simm.s32 $_scs_section_size  }
0x9b: {  	s6 =	simm.s32 $_size__tile_overlayer_lowered;
	s7 =	simm.s32 $_tile_overlayer_lowered  }
0x9c: {  	s22 =	simm.s32 $0x1BFF;
	s21 =	sshll.u32 s7, $0x1;
	s4 =	sadd.s32 s5, s19  }
0x9d: {  	s8 =	simm.s32 $0x0;
	s20 =	sshll.u32 s6, $0x1;
	s6 =	sadd.s32 s21, s4  }
0x9e: {  	[timem:s8], [sflag:s22] =	dma.local [hbm:s6], s20  }
0x9f: {  	_ =	swait.ge [sflag:s22], s20  }
0xa0: {  	s5 =	ssub.s32 $0x0, s20;
	[sflag:s22] =	ssyncset.done $0x0  }
0xa1: {  	[sflag:s22] =	ssyncadd.s32 s5;
	_ =	sdelay $0x1  }
0xa2: {  	s23 =	simm.s32 $0x1B8B  }
0xa3: {  	_ =	swait.ge [sflag:s23], $0x1  }
0xa4: {  	[sflag:s23] =	ssyncset.done $0x0  }
0xa5: {  	s25 =	simm.s32 $0x1B8E;
	s24 =	sld [smem:$0x3FFE];
	[sflag:s23] =	ssyncadd.s32 $0xFFFFFFFF  }
0xa6: {  	s26 =	simm.s32 $execute0_lowered;
	[smem:$0x3FD2] =	sst s25  }
0xa7: {  	s6 =	sshll.u32 s26, $0x1;
	_ =	strace $0x80000046;
	[dreg:$0x1] =	wrdreg $0xFFFFFFFF  }
0xa8: {  	s28 =	simm.s32 $_size_execute0_lowered;
	s4 =	sadd.s32 s4, s6;
	[dreg:$0x0] =	wrdreg $0x0  }
0xa9: {  	s6 =	sshll.u32 s28, $0x1;
	[dreg:$0x2] =	wrdreg s4  }
0xaa: {  	[dreg:$0x3] =	wrdreg s6  }
0xab: {  	[dreg:$0x4] =	wrdreg $0xC0  }
0xac: {  	_ =	task [dreg:s8], $0x5FFFF  }
0xad: {  	[dreg:$0x1] =	wrdreg $0xFFFFFFFF  }
0xae: {  	[dreg:$0x0] =	wrdreg $0x60  }
0xaf: {  	[dreg:$0x2] =	wrdreg s18  }
0xb0: {  	[dreg:$0x3] =	wrdreg s2  }
0xb1: {  	[dreg:$0x4] =	wrdreg s24  }
0xb2: {  	[dreg:$0x5] =	wrdreg $0x9  }
0xb3: {  	_ =	task.clear_ibuf [dreg:s8], $0x6FFFF;
	_ =	strace $0x90000046  }
0xb4: {  	s29 =	simm.s32 $0x9;
	_ =	strace $0x80000048  }
0xb5: {  	_ =	swait.ge [sflag:s29], $0x1  }
0xb6: {  	[sflag:s29] =	ssyncadd.s32 $0xFFFFFFFF  }
0xb7: {  	_ =	strace $0x90000048  }
0xb8: {  	_ =	sfence  }
0xb9: {  	s30 =	sld [smem:$0x0];
	_ =	sdelay $0x2  }
0xba: {  	s31 =	sshll.u32 s1, $0xD;
	s1 =	sshrl.u32 s1, $0x2  }
0xbb: {  	s3 =	sand.u32 $0x4000, s31;
	s1 =	sadd.s32 s1, s30  }
0xbc: {  	s0 =	sor.u32 s3, s0;
	s1 =	sshll.u32 s1, $0x11  }
0xbd: {  	s0 =	sor.u32 s1, s0  }
0xbe: {  	s0 =	sadd.s32 $0x8F2B, s0  }
0xbf: {  	[sflag:s0] =	ssyncadd.remote.s32 $0x1  }
0xc0: {  	_ =	sfence.sel $0xFFFF  }
0xc1: {  	[dreg:$0x0] =	wrdreg $0xFFFFFFFF;
	(pc) =	sbr.abs _section_cstart, $3  }
0xc2: {  	[dreg:$0x1] =	wrdreg $0xFFFFFFFF  }
0xc3: {  	_ =	task.clear_ibuf [dreg:s8], $0x2FFFF;
	_ =	strace $0x9FFFFFFF  }
0xc4: {  	(tm) =	ssettm $0x7FFFFFFF  }
0xc5: {  	_ =	shalt  }
tec
execute0_lowered:
.L_overlay_start_1:
0x0: {  	(tag) =	ssettag $0x1  }
0x1: {  	s0 =	srdreg.scid  }
0x2: {  	s3 =	stileid.u32;
	s0 =	sand.u32 $0x1, s0  }
0x3: {  	s1 =	rddreg [dreg:$0x0];
	s3 =	sshll.u32 s3, $0x9;
	s4 =	sshll.u32 s0, $0x8  }
0x4: {  	s2 =	rddreg [dreg:$0x1];
	s4 =	sor.u32 s4, s3  }
0x5: {  	s5 =	rddreg [dreg:$0x2];
	s3 =	simm.s32 $0x0;
	s6 =	smul.u32 $0x300, s4  }
0x6: {  	s5 =	sadd.s32 $0xA00, s5;
	[smem:$0x7FF] =	sst s3;
	s1 =	sadd.s32 s1, s4  }
0x7: {  	_ =	strace $0x80000047;
	[dreg:$0x4] =	wrdreg s1;
	s6 =	sadd.s32 s5, s6  }
0x8: {  	s23 =	sadd.s32 $0x1800, s6;
	[smem:$0x7F9] =	sst s6  }
0x9: {  	s24 =	sadd.s32 $0x3000, s6;
	[dreg:$0x5] =	wrdreg s23  }
0xa: {  	s25 =	sadd.s32 $0x4800, s6;
	[dreg:$0x6] =	wrdreg s24  }
0xb: {  	s26 =	sadd.s32 $0x6000, s6;
	[dreg:$0x7] =	wrdreg s25  }
0xc: {  	s28 =	sadd.s32 $0x7800, s6;
	[dreg:$0x8] =	wrdreg s26  }
0xd: {  	s29 =	sadd.s32 $0x9000, s6;
	[dreg:$0x9] =	wrdreg s28  }
0xe: {  	s4 =	smul.u32 $0x1800, s4;
	s30 =	sadd.s32 $0xA800, s6;
	[dreg:$0xa] =	wrdreg s29  }
0xf: {  	s31 =	sadd.s32 $0xC000, s6;
	[dreg:$0xb] =	wrdreg s30  }
0x10: {  	s4 =	sshrl.u32 s4, $0x3;
	s7 =	sadd.s32 $0xD800, s6;
	[dreg:$0xc] =	wrdreg s31  }
0x11: {  	s8 =	sadd.s32 $0xF000, s6;
	s4 =	sadd.s32 s5, s4;
	[dreg:$0xd] =	wrdreg s7  }
0x12: {  	[dreg:$0xe] =	wrdreg s8;
	s9 =	sadd.s32 $0x10800, s4  }
0x13: {  	s10 =	sadd.s32 $0x12000, s4;
	[dreg:$0xf] =	wrdreg s9  }
0x14: {  	s11 =	sadd.s32 $0x13800, s4;
	[dreg:$0x10] =	wrdreg s10  }
0x15: {  	s12 =	sadd.s32 $0x15000, s4;
	[dreg:$0x11] =	wrdreg s11  }
0x16: {  	s13 =	sadd.s32 $0x16800, s4;
	[dreg:$0x12] =	wrdreg s12  }
0x17: {  	s14 =	sadd.s32 $0x18000, s4;
	[dreg:$0x13] =	wrdreg s13  }
0x18: {  	s15 =	sadd.s32 $0x19800, s4;
	[dreg:$0x14] =	wrdreg s14  }
0x19: {  	s16 =	sadd.s32 $0x1B000, s4;
	[dreg:$0x15] =	wrdreg s15  }
0x1a: {  	s17 =	sadd.s32 $0x1C800, s4;
	[dreg:$0x16] =	wrdreg s16  }
0x1b: {  	s18 =	sadd.s32 $0x1E000, s4;
	[dreg:$0x17] =	wrdreg s17  }
0x1c: {  	s19 =	sadd.s32 $0x1F800, s4;
	[dreg:$0x18] =	wrdreg s18  }
0x1d: {  	s20 =	sadd.s32 $0x21000, s4;
	[dreg:$0x19] =	wrdreg s19  }
0x1e: {  	s21 =	sadd.s32 $0x22800, s4;
	[dreg:$0x1a] =	wrdreg s20  }
0x1f: {  	s22 =	sadd.s32 $0x24000, s4;
	[dreg:$0x1b] =	wrdreg s21  }
0x20: {  	s23 =	sadd.s32 $0x25800, s4;
	[dreg:$0x1c] =	wrdreg s22  }
0x21: {  	s24 =	sadd.s32 $0x27000, s4;
	[dreg:$0x1d] =	wrdreg s23  }
0x22: {  	s0 =	ssub.s32 $0x2, s0;
	s25 =	sadd.s32 $0x28800, s4;
	[dreg:$0x1e] =	wrdreg s24  }
0x23: {  	s5 =	sadd.s32 $0x100, s2;
	s26 =	sadd.s32 $0x2A000, s4;
	[dreg:$0x1f] =	wrdreg s25  }
0x24: {  	s6 =	sadd.s32 $0x200, s2;
	s28 =	sadd.s32 $0x2B800, s4;
	[smem:$0x7FA] =	sst s26  }
0x25: {  	s29 =	sshrl.u32 s0, $0x1;
	s30 =	sadd.s32 $0x2D000, s4;
	[smem:$0x7FB] =	sst s28  }
0x26: {  	v2 =	vlaneseq.u32;
	s31 =	sadd.s32 $0x2E800, s4;
	s7 =	simm.s32 $0x3;
	[smem:$0x7FC] =	sst s30  }
0x27: {  	vm0 =	vmmov $0xffff;
	v1 =	vshrl.u32 v2, $0x3;
	s0 =	ssub.s32 s0, s29;
	[smem:$0x7FD] =	sst s31;
	s15 =	simm.s32 $0x1  }
0x28: {  	v0 =	vand.u32 $0x7, v2;
	v2 =	vor.u32 $0x8, v2;
	v1 =	vmul.u32 $0x8, v1;
	s10 =	simm.s32 $0x4;
	s11 =	smax.u32 s0, $0x1;
	s0 =	simm.s32 $0x2  }
.LBB2_1:
0x29: {  	[smem:$0x7F8] =	sst s11  }
0x2a: {  	s20 =	rddreg [dreg:$0x4];
	s21 =	simm.s32 $0x5  }
0x2b: {  	[tilespmem:s3], [sflag:$0x5] =	stream.linear.gather [hbm4b:s20+s3], $0x800, $0x38;
	[tilespmem:$0x18800] =	vst v63  }
0x2c: {  	_ =	swait.ge [sflag:s21], $0x800  }
0x2d: {  	[sflag:s21] =	ssyncset.done $0x0  }
0x2e: {  	[sflag:s21] =	ssyncadd.s32 $0xFFFFF800  }
0x2f: {  	v3 =	vld [tilespmem:$0x0];
	_ =	sdelay $0x4  }
0x30: {  	v4 =	vshrl.u32 v3, $0x3  }
0x31: {  	v4 =	vmul.u32 $0x30, v4  }
0x32: {  	v3 =	vand.u32 $0x7, v3  }
0x33: {  	v3 =	vor.u32 v3, v4  }
0x34: {  	v4 =	vperm.xlane v3, v0;
	_ =	sdelay $0x1  }
0x35: {  	v4 =	vadd.s32 v1, v4;
	_ =	sdelay $0x3  }
0x36: {  	s1 =	simm.s32 $0x800;
	v3 =	vperm.xlane v3, v2  }
0x37: {  	[tilespmem:s1], [sflag:$0x1] =	stream.indirect_vreg.gather [hbm4b:s2+s3], $0x80, v4, vm0, $0xb8;
	[tilespmem:$0x18800] =	vst v63  }
0x38: {  	s22 =	simm.s32 $0x1000;
	v3 =	vadd.s32 v1, v3  }
0x39: {  	[tilespmem:s22], [sflag:$0x1] =	stream.indirect_vreg.gather [hbm4b:s5+s3], $0x80, v4, vm0, $0xb8;
	[tilespmem:$0x18800] =	vst v63  }
0x3a: {  	s23 =	simm.s32 $0x1800  }
0x3b: {  	[tilespmem:s23], [sflag:$0x1] =	stream.indirect_vreg.gather [hbm4b:s6+s3], $0x80, v4, vm0, $0xb8;
	[tilespmem:$0x18800] =	vst v63  }
0x3c: {  	s24 =	simm.s32 $0x2000  }
0x3d: {  	[tilespmem:s24], [sflag:$0x1] =	stream.indirect_vreg.gather [hbm4b:s2+s3], $0x80, v3, vm0, $0xb8;
	[tilespmem:$0x18800] =	vst v63  }
0x3e: {  	s25 =	simm.s32 $0x2800  }
0x3f: {  	[tilespmem:s25], [sflag:$0x1] =	stream.indirect_vreg.gather [hbm4b:s5+s3], $0x80, v3, vm0, $0xb8;
	[tilespmem:$0x18800] =	vst v63  }
0x40: {  	s26 =	simm.s32 $0x3000  }
0x41: {  	[tilespmem:s26], [sflag:$0x1] =	stream.indirect_vreg.gather [hbm4b:s6+s3], $0x80, v3, vm0, $0xb8;
	[tilespmem:$0x18800] =	vst v63  }
0x42: {  	v3 =	vld [tilespmem:$0x10];
	_ =	sdelay $0x4  }
0x43: {  	v49 =	vshrl.u32 v3, $0x3  }
0x44: {  	v4 =	vmul.u32 $0x30, v49  }
0x45: {  	v3 =	vand.u32 $0x7, v3  }
0x46: {  	v3 =	vor.u32 v3, v4  }
0x47: {  	v4 =	vperm.xlane v3, v0;
	_ =	sdelay $0x1  }
0x48: {  	v4 =	vadd.s32 v1, v4;
	_ =	sdelay $0x3  }
0x49: {  	s28 =	simm.s32 $0x3800;
	v3 =	vperm.xlane v3, v2  }
0x4a: {  	[tilespmem:s28], [sflag:$0x1] =	stream.indirect_vreg.gather [hbm4b:s2+s3], $0x80, v4, vm0, $0xb8;
	[tilespmem:$0x18800] =	vst v63  }
0x4b: {  	s29 =	simm.s32 $0x4000;
	v3 =	vadd.s32 v1, v3  }
0x4c: {  	[tilespmem:s29], [sflag:$0x1] =	stream.indirect_vreg.gather [hbm4b:s5+s3], $0x80, v4, vm0, $0xb8;
	[tilespmem:$0x18800] =	vst v63  }
0x4d: {  	s31 =	simm.s32 $0x4800  }
0x4e: {  	[tilespmem:s31], [sflag:$0x1] =	stream.indirect_vreg.gather [hbm4b:s6+s3], $0x80, v4, vm0, $0xb8;
	[tilespmem:$0x18800] =	vst v63  }
0x4f: {  	s4 =	simm.s32 $0x5000  }
0x50: {  	[tilespmem:s4], [sflag:$0x1] =	stream.indirect_vreg.gather [hbm4b:s2+s3], $0x80, v3, vm0, $0xb8;
	[tilespmem:$0x18800] =	vst v63  }
0x51: {  	s9 =	simm.s32 $0x5800  }
0x52: {  	[tilespmem:s9], [sflag:$0x1] =	stream.indirect_vreg.gather [hbm4b:s5+s3], $0x80, v3, vm0, $0xb8;
	[tilespmem:$0x18800] =	vst v63  }
0x53: {  	s11 =	simm.s32 $0x6000  }
0x54: {  	[tilespmem:s11], [sflag:$0x1] =	stream.indirect_vreg.gather [hbm4b:s6+s3], $0x80, v3, vm0, $0xb8;
	[tilespmem:$0x18800] =	vst v63  }
0x55: {  	v3 =	vld [tilespmem:$0x20];
	_ =	sdelay $0x4  }
0x56: {  	v50 =	vshrl.u32 v3, $0x3  }
0x57: {  	v4 =	vmul.u32 $0x30, v50  }
0x58: {  	v3 =	vand.u32 $0x7, v3  }
0x59: {  	v3 =	vor.u32 v3, v4  }
0x5a: {  	v4 =	vperm.xlane v3, v0;
	_ =	sdelay $0x1  }
0x5b: {  	v4 =	vadd.s32 v1, v4;
	_ =	sdelay $0x3  }
0x5c: {  	s12 =	simm.s32 $0x6800;
	v3 =	vperm.xlane v3, v2  }
0x5d: {  	[tilespmem:s12], [sflag:$0x1] =	stream.indirect_vreg.gather [hbm4b:s2+s3], $0x80, v4, vm0, $0xb8;
	[tilespmem:$0x18800] =	vst v63  }
0x5e: {  	s13 =	simm.s32 $0x7000;
	v3 =	vadd.s32 v1, v3  }
0x5f: {  	[tilespmem:s13], [sflag:$0x1] =	stream.indirect_vreg.gather [hbm4b:s5+s3], $0x80, v4, vm0, $0xb8;
	[tilespmem:$0x18800] =	vst v63  }
0x60: {  	s16 =	simm.s32 $0x7800  }
0x61: {  	[tilespmem:s16], [sflag:$0x1] =	stream.indirect_vreg.gather [hbm4b:s6+s3], $0x80, v4, vm0, $0xb8;
	[tilespmem:$0x18800] =	vst v63  }
0x62: {  	s19 =	simm.s32 $0x8000  }
0x63: {  	[tilespmem:s19], [sflag:$0x1] =	stream.indirect_vreg.gather [hbm4b:s2+s3], $0x80, v3, vm0, $0xb8;
	[tilespmem:$0x18800] =	vst v63  }
0x64: {  	s20 =	simm.s32 $0x8800  }
0x65: {  	[tilespmem:s20], [sflag:$0x1] =	stream.indirect_vreg.gather [hbm4b:s5+s3], $0x80, v3, vm0, $0xb8;
	[tilespmem:$0x18800] =	vst v63  }
0x66: {  	s23 =	simm.s32 $0x9000  }
0x67: {  	[tilespmem:s23], [sflag:$0x1] =	stream.indirect_vreg.gather [hbm4b:s6+s3], $0x80, v3, vm0, $0xb8;
	[tilespmem:$0x18800] =	vst v63  }
0x68: {  	v3 =	vld [tilespmem:$0x30];
	_ =	sdelay $0x4  }
0x69: {  	v51 =	vshrl.u32 v3, $0x3  }
0x6a: {  	v4 =	vmul.u32 $0x30, v51  }
0x6b: {  	v3 =	vand.u32 $0x7, v3  }
0x6c: {  	v3 =	vor.u32 v3, v4  }
0x6d: {  	v4 =	vperm.xlane v3, v0;
	_ =	sdelay $0x1  }
0x6e: {  	v4 =	vadd.s32 v1, v4;
	_ =	sdelay $0x3  }
0x6f: {  	s24 =	simm.s32 $0x9800;
	v3 =	vperm.xlane v3, v2  }
0x70: {  	[tilespmem:s24], [sflag:$0x1] =	stream.indirect_vreg.gather [hbm4b:s2+s3], $0x80, v4, vm0, $0xb8;
	[tilespmem:$0x18800] =	vst v63  }
0x71: {  	s28 =	simm.s32 $0xA000;
	v3 =	vadd.s32 v1, v3  }
0x72: {  	[tilespmem:s28], [sflag:$0x1] =	stream.indirect_vreg.gather [hbm4b:s5+s3], $0x80, v4, vm0, $0xb8;
	[tilespmem:$0x18800] =	vst v63  }
0x73: {  	s29 =	simm.s32 $0xA800  }
0x74: {  	[tilespmem:s29], [sflag:$0x1] =	stream.indirect_vreg.gather [hbm4b:s6+s3], $0x80, v4, vm0, $0xb8;
	[tilespmem:$0x18800] =	vst v63  }
0x75: {  	s11 =	simm.s32 $0xB000  }
0x76: {  	[tilespmem:s11], [sflag:$0x1] =	stream.indirect_vreg.gather [hbm4b:s2+s3], $0x80, v3, vm0, $0xb8;
	[tilespmem:$0x18800] =	vst v63  }
0x77: {  	s16 =	simm.s32 $0xB800  }
0x78: {  	[tilespmem:s16], [sflag:$0x1] =	stream.indirect_vreg.gather [hbm4b:s5+s3], $0x80, v3, vm0, $0xb8;
	[tilespmem:$0x18800] =	vst v63  }
0x79: {  	s19 =	simm.s32 $0xC000  }
0x7a: {  	[tilespmem:s19], [sflag:$0x1] =	stream.indirect_vreg.gather [hbm4b:s6+s3], $0x80, v3, vm0, $0xb8;
	[tilespmem:$0x18800] =	vst v63  }
0x7b: {  	_ =	swait.ge [sflag:s15], $0xC000  }
0x7c: {  	[sflag:s15] =	ssyncset.done $0x0  }
0x7d: {  	[sflag:s15] =	ssyncadd.s32 $0xFFFF4000  }
0x7e: {  	v3 =	vld [tilespmem:$0x40];
	_ =	sdelay $0x4  }
0x7f: {  	v52 =	vshrl.u32 v3, $0x3  }
0x80: {  	v4 =	vmul.u32 $0x30, v52  }
0x81: {  	v3 =	vand.u32 $0x7, v3  }
0x82: {  	v3 =	vor.u32 v3, v4  }
0x83: {  	v4 =	vperm.xlane v3, v0;
	_ =	sdelay $0x1  }
0x84: {  	v4 =	vadd.s32 v1, v4;
	_ =	sdelay $0x3  }
0x85: {  	s20 =	simm.s32 $0xC800;
	v3 =	vperm.xlane v3, v2  }
0x86: {  	[tilespmem:s20], [sflag:$0x2] =	stream.indirect_vreg.gather [hbm4b:s2+s3], $0x80, v4, vm0, $0xb8;
	[tilespmem:$0x18800] =	vst v63  }
0x87: {  	s23 =	simm.s32 $0xD000;
	v3 =	vadd.s32 v1, v3  }
0x88: {  	[tilespmem:s23], [sflag:$0x2] =	stream.indirect_vreg.gather [hbm4b:s5+s3], $0x80, v4, vm0, $0xb8;
	[tilespmem:$0x18800] =	vst v63  }
0x89: {  	s24 =	simm.s32 $0xD800  }
0x8a: {  	[tilespmem:s24], [sflag:$0x2] =	stream.indirect_vreg.gather [hbm4b:s6+s3], $0x80, v4, vm0, $0xb8;
	[tilespmem:$0x18800] =	vst v63  }
0x8b: {  	s29 =	simm.s32 $0xE000  }
0x8c: {  	[tilespmem:s29], [sflag:$0x2] =	stream.indirect_vreg.gather [hbm4b:s2+s3], $0x80, v3, vm0, $0xb8;
	[tilespmem:$0x18800] =	vst v63  }
0x8d: {  	s11 =	simm.s32 $0xE800  }
0x8e: {  	[tilespmem:s11], [sflag:$0x2] =	stream.indirect_vreg.gather [hbm4b:s5+s3], $0x80, v3, vm0, $0xb8;
	[tilespmem:$0x18800] =	vst v63  }
0x8f: {  	s19 =	simm.s32 $0xF000  }
0x90: {  	[tilespmem:s19], [sflag:$0x2] =	stream.indirect_vreg.gather [hbm4b:s6+s3], $0x80, v3, vm0, $0xb8;
	[tilespmem:$0x18800] =	vst v63  }
0x91: {  	v3 =	vld [tilespmem:$0x50];
	_ =	sdelay $0x4  }
0x92: {  	v53 =	vshrl.u32 v3, $0x3  }
0x93: {  	v4 =	vmul.u32 $0x30, v53  }
0x94: {  	v3 =	vand.u32 $0x7, v3  }
0x95: {  	v3 =	vor.u32 v3, v4  }
0x96: {  	v4 =	vperm.xlane v3, v0;
	_ =	sdelay $0x1  }
0x97: {  	v4 =	vadd.s32 v1, v4;
	_ =	sdelay $0x3  }
0x98: {  	s20 =	simm.s32 $0xF800;
	v3 =	vperm.xlane v3, v2  }
0x99: {  	[tilespmem:s20], [sflag:$0x2] =	stream.indirect_vreg.gather [hbm4b:s2+s3], $0x80, v4, vm0, $0xb8;
	[tilespmem:$0x18800] =	vst v63  }
0x9a: {  	s23 =	simm.s32 $0x10000;
	v3 =	vadd.s32 v1, v3  }
0x9b: {  	[tilespmem:s23], [sflag:$0x2] =	stream.indirect_vreg.gather [hbm4b:s5+s3], $0x80, v4, vm0, $0xb8;
	[tilespmem:$0x18800] =	vst v63  }
0x9c: {  	s24 =	simm.s32 $0x10800  }
0x9d: {  	[tilespmem:s24], [sflag:$0x2] =	stream.indirect_vreg.gather [hbm4b:s6+s3], $0x80, v4, vm0, $0xb8;
	[tilespmem:$0x18800] =	vst v63  }
0x9e: {  	s29 =	simm.s32 $0x11000  }
0x9f: {  	[tilespmem:s29], [sflag:$0x2] =	stream.indirect_vreg.gather [hbm4b:s2+s3], $0x80, v3, vm0, $0xb8;
	[tilespmem:$0x18800] =	vst v63  }
0xa0: {  	s11 =	simm.s32 $0x11800  }
0xa1: {  	[tilespmem:s11], [sflag:$0x2] =	stream.indirect_vreg.gather [hbm4b:s5+s3], $0x80, v3, vm0, $0xb8;
	[tilespmem:$0x18800] =	vst v63  }
0xa2: {  	s19 =	simm.s32 $0x12000  }
0xa3: {  	[tilespmem:s19], [sflag:$0x2] =	stream.indirect_vreg.gather [hbm4b:s6+s3], $0x80, v3, vm0, $0xb8;
	[tilespmem:$0x18800] =	vst v63  }
0xa4: {  	v3 =	vld [tilespmem:$0x60];
	_ =	sdelay $0x4  }
0xa5: {  	v54 =	vshrl.u32 v3, $0x3  }
0xa6: {  	v4 =	vmul.u32 $0x30, v54  }
0xa7: {  	v3 =	vand.u32 $0x7, v3  }
0xa8: {  	v3 =	vor.u32 v3, v4  }
0xa9: {  	v4 =	vperm.xlane v3, v0;
	_ =	sdelay $0x1  }
0xaa: {  	v4 =	vadd.s32 v1, v4;
	_ =	sdelay $0x3  }
0xab: {  	s20 =	simm.s32 $0x12800;
	v3 =	vperm.xlane v3, v2  }
0xac: {  	[tilespmem:s20], [sflag:$0x2] =	stream.indirect_vreg.gather [hbm4b:s2+s3], $0x80, v4, vm0, $0xb8;
	[tilespmem:$0x18800] =	vst v63  }
0xad: {  	s23 =	simm.s32 $0x13000;
	v3 =	vadd.s32 v1, v3  }
0xae: {  	[tilespmem:s23], [sflag:$0x2] =	stream.indirect_vreg.gather [hbm4b:s5+s3], $0x80, v4, vm0, $0xb8;
	[tilespmem:$0x18800] =	vst v63  }
0xaf: {  	s24 =	simm.s32 $0x13800  }
0xb0: {  	[tilespmem:s24], [sflag:$0x2] =	stream.indirect_vreg.gather [hbm4b:s6+s3], $0x80, v4, vm0, $0xb8;
	[tilespmem:$0x18800] =	vst v63  }
0xb1: {  	s29 =	simm.s32 $0x14000  }
0xb2: {  	[tilespmem:s29], [sflag:$0x2] =	stream.indirect_vreg.gather [hbm4b:s2+s3], $0x80, v3, vm0, $0xb8;
	[tilespmem:$0x18800] =	vst v63  }
0xb3: {  	s11 =	simm.s32 $0x14800  }
0xb4: {  	[tilespmem:s11], [sflag:$0x2] =	stream.indirect_vreg.gather [hbm4b:s5+s3], $0x80, v3, vm0, $0xb8;
	[tilespmem:$0x18800] =	vst v63  }
0xb5: {  	s23 =	simm.s32 $0x15000  }
0xb6: {  	[tilespmem:s23], [sflag:$0x2] =	stream.indirect_vreg.gather [hbm4b:s6+s3], $0x80, v3, vm0, $0xb8;
	[tilespmem:$0x18800] =	vst v63  }
0xb7: {  	v3 =	vld [tilespmem:$0x70];
	_ =	sdelay $0x4  }
0xb8: {  	v55 =	vshrl.u32 v3, $0x3  }
0xb9: {  	v4 =	vmul.u32 $0x30, v55  }
0xba: {  	v3 =	vand.u32 $0x7, v3  }
0xbb: {  	v3 =	vor.u32 v3, v4  }
0xbc: {  	v4 =	vperm.xlane v3, v0;
	_ =	sdelay $0x1  }
0xbd: {  	v4 =	vadd.s32 v1, v4;
	_ =	sdelay $0x3  }
0xbe: {  	s24 =	simm.s32 $0x15800;
	v3 =	vperm.xlane v3, v2  }
0xbf: {  	[tilespmem:s24], [sflag:$0x2] =	stream.indirect_vreg.gather [hbm4b:s2+s3], $0x80, v4, vm0, $0xb8;
	[tilespmem:$0x18800] =	vst v63  }
0xc0: {  	s29 =	simm.s32 $0x16000;
	v3 =	vadd.s32 v1, v3  }
0xc1: {  	[tilespmem:s29], [sflag:$0x2] =	stream.indirect_vreg.gather [hbm4b:s5+s3], $0x80, v4, vm0, $0xb8;
	[tilespmem:$0x18800] =	vst v63  }
0xc2: {  	s11 =	simm.s32 $0x16800  }
0xc3: {  	[tilespmem:s11], [sflag:$0x2] =	stream.indirect_vreg.gather [hbm4b:s6+s3], $0x80, v4, vm0, $0xb8;
	[tilespmem:$0x18800] =	vst v63  }
0xc4: {  	s29 =	simm.s32 $0x17000  }
0xc5: {  	[tilespmem:s29], [sflag:$0x2] =	stream.indirect_vreg.gather [hbm4b:s2+s3], $0x80, v3, vm0, $0xb8;
	[tilespmem:$0x18800] =	vst v63  }
0xc6: {  	s11 =	simm.s32 $0x17800  }
0xc7: {  	[tilespmem:s11], [sflag:$0x2] =	stream.indirect_vreg.gather [hbm4b:s5+s3], $0x80, v3, vm0, $0xb8;
	[tilespmem:$0x18800] =	vst v63  }
0xc8: {  	s1 =	sld [smem:$0x7F9];
	s29 =	simm.s32 $0x18000  }
0xc9: {  	[tilespmem:s29], [sflag:$0x2] =	stream.indirect_vreg.gather [hbm4b:s6+s3], $0x80, v3, vm0, $0xb8;
	[tilespmem:$0x18800] =	vst v63  }
0xca: {  	s29 =	simm.s32 $0x800  }
0xcb: {  	[hbm4b:s1+s3] =	stream.linear.scatter [tilespmem:s29], [sflag:$0x3], $0xC000, $0x38;
	[tilespmem:$0x18800] =	vst v63  }
0xcc: {  	_ =	swait.ge [sflag:s0], $0xC000  }
0xcd: {  	[sflag:s0] =	ssyncset.done $0x0  }
0xce: {  	[sflag:s0] =	ssyncadd.s32 $0xFFFF4000  }
0xcf: {  	_ =	swait.ge [sflag:s7], $0xC000  }
0xd0: {  	[sflag:s7] =	ssyncset.done $0x0  }
0xd1: {  	[sflag:s7] =	ssyncadd.s32 $0xFFFF4000  }
0xd2: {  	v3 =	vld [tilespmem:$0x80];
	_ =	sdelay $0x4  }
0xd3: {  	v56 =	vshrl.u32 v3, $0x3  }
0xd4: {  	v4 =	vmul.u32 $0x30, v56  }
0xd5: {  	v3 =	vand.u32 $0x7, v3  }
0xd6: {  	v3 =	vor.u32 v3, v4  }
0xd7: {  	v4 =	vperm.xlane v3, v0;
	_ =	sdelay $0x1  }
0xd8: {  	v4 =	vadd.s32 v1, v4;
	_ =	sdelay $0x3  }
0xd9: {  	v3 =	vperm.xlane v3, v2  }
0xda: {  	[tilespmem:s29], [sflag:$0x1] =	stream.indirect_vreg.gather [hbm4b:s2+s3], $0x80, v4, vm0, $0xb8;
	[tilespmem:$0x18800] =	vst v63  }
0xdb: {  	s8 =	simm.s32 $0x1000;
	v3 =	vadd.s32 v1, v3  }
0xdc: {  	[tilespmem:s8], [sflag:$0x1] =	stream.indirect_vreg.gather [hbm4b:s5+s3], $0x80, v4, vm0, $0xb8;
	[tilespmem:$0x18800] =	vst v63  }
0xdd: {  	s14 =	simm.s32 $0x1800  }
0xde: {  	[tilespmem:s14], [sflag:$0x1] =	stream.indirect_vreg.gather [hbm4b:s6+s3], $0x80, v4, vm0, $0xb8;
	[tilespmem:$0x18800] =	vst v63  }
0xdf: {  	s17 =	simm.s32 $0x2000  }
0xe0: {  	[tilespmem:s17], [sflag:$0x1] =	stream.indirect_vreg.gather [hbm4b:s2+s3], $0x80, v3, vm0, $0xb8;
	[tilespmem:$0x18800] =	vst v63  }
0xe1: {  	s18 =	simm.s32 $0x2800  }
0xe2: {  	[tilespmem:s18], [sflag:$0x1] =	stream.indirect_vreg.gather [hbm4b:s5+s3], $0x80, v3, vm0, $0xb8;
	[tilespmem:$0x18800] =	vst v63  }
0xe3: {  	s26 =	simm.s32 $0x3000  }
0xe4: {  	[tilespmem:s26], [sflag:$0x1] =	stream.indirect_vreg.gather [hbm4b:s6+s3], $0x80, v3, vm0, $0xb8;
	[tilespmem:$0x18800] =	vst v63  }
0xe5: {  	v3 =	vld [tilespmem:$0x90];
	_ =	sdelay $0x4  }
0xe6: {  	v57 =	vshrl.u32 v3, $0x3  }
0xe7: {  	v4 =	vmul.u32 $0x30, v57  }
0xe8: {  	v3 =	vand.u32 $0x7, v3  }
0xe9: {  	v3 =	vor.u32 v3, v4  }
0xea: {  	v4 =	vperm.xlane v3, v0;
	_ =	sdelay $0x1  }
0xeb: {  	v4 =	vadd.s32 v1, v4;
	_ =	sdelay $0x3  }
0xec: {  	s30 =	simm.s32 $0x3800;
	v3 =	vperm.xlane v3, v2  }
0xed: {  	[tilespmem:s30], [sflag:$0x1] =	stream.indirect_vreg.gather [hbm4b:s2+s3], $0x80, v4, vm0, $0xb8;
	[tilespmem:$0x18800] =	vst v63  }
0xee: {  	s21 =	simm.s32 $0x4000;
	v3 =	vadd.s32 v1, v3  }
0xef: {  	[tilespmem:s21], [sflag:$0x1] =	stream.indirect_vreg.gather [hbm4b:s5+s3], $0x80, v4, vm0, $0xb8;
	[tilespmem:$0x18800] =	vst v63  }
0xf0: {  	s22 =	simm.s32 $0x4800  }
0xf1: {  	[tilespmem:s22], [sflag:$0x1] =	stream.indirect_vreg.gather [hbm4b:s6+s3], $0x80, v4, vm0, $0xb8;
	[tilespmem:$0x18800] =	vst v63  }
0xf2: {  	s25 =	simm.s32 $0x5000  }
0xf3: {  	[tilespmem:s25], [sflag:$0x1] =	stream.indirect_vreg.gather [hbm4b:s2+s3], $0x80, v3, vm0, $0xb8;
	[tilespmem:$0x18800] =	vst v63  }
0xf4: {  	s4 =	simm.s32 $0x5800  }
0xf5: {  	[tilespmem:s4], [sflag:$0x1] =	stream.indirect_vreg.gather [hbm4b:s5+s3], $0x80, v3, vm0, $0xb8;
	[tilespmem:$0x18800] =	vst v63  }
0xf6: {  	s31 =	simm.s32 $0x6000  }
0xf7: {  	[tilespmem:s31], [sflag:$0x1] =	stream.indirect_vreg.gather [hbm4b:s6+s3], $0x80, v3, vm0, $0xb8;
	[tilespmem:$0x18800] =	vst v63  }
0xf8: {  	v3 =	vld [tilespmem:$0xA0];
	_ =	sdelay $0x4  }
0xf9: {  	v58 =	vshrl.u32 v3, $0x3  }
0xfa: {  	v4 =	vmul.u32 $0x30, v58  }
0xfb: {  	v3 =	vand.u32 $0x7, v3  }
0xfc: {  	v3 =	vor.u32 v3, v4  }
0xfd: {  	v4 =	vperm.xlane v3, v0;
	_ =	sdelay $0x1  }
0xfe: {  	v4 =	vadd.s32 v1, v4;
	_ =	sdelay $0x3  }
0xff: {  	s29 =	simm.s32 $0x6800;
	v3 =	vperm.xlane v3, v2  }
0x100: {  	[tilespmem:s29], [sflag:$0x1] =	stream.indirect_vreg.gather [hbm4b:s2+s3], $0x80, v4, vm0, $0xb8;
	[tilespmem:$0x18800] =	vst v63  }
0x101: {  	s12 =	simm.s32 $0x7000;
	v3 =	vadd.s32 v1, v3  }
0x102: {  	[tilespmem:s12], [sflag:$0x1] =	stream.indirect_vreg.gather [hbm4b:s5+s3], $0x80, v4, vm0, $0xb8;
	[tilespmem:$0x18800] =	vst v63  }
0x103: {  	s13 =	simm.s32 $0x7800  }
0x104: {  	[tilespmem:s13], [sflag:$0x1] =	stream.indirect_vreg.gather [hbm4b:s6+s3], $0x80, v4, vm0, $0xb8;
	[tilespmem:$0x18800] =	vst v63  }
0x105: {  	s12 =	simm.s32 $0x8000  }
0x106: {  	[tilespmem:s12], [sflag:$0x1] =	stream.indirect_vreg.gather [hbm4b:s2+s3], $0x80, v3, vm0, $0xb8;
	[tilespmem:$0x18800] =	vst v63  }
0x107: {  	s26 =	simm.s32 $0x8800  }
0x108: {  	[tilespmem:s26], [sflag:$0x1] =	stream.indirect_vreg.gather [hbm4b:s5+s3], $0x80, v3, vm0, $0xb8;
	[tilespmem:$0x18800] =	vst v63  }
0x109: {  	s17 =	simm.s32 $0x9000  }
0x10a: {  	[tilespmem:s17], [sflag:$0x1] =	stream.indirect_vreg.gather [hbm4b:s6+s3], $0x80, v3, vm0, $0xb8;
	[tilespmem:$0x18800] =	vst v63  }
0x10b: {  	v3 =	vld [tilespmem:$0xB0];
	_ =	sdelay $0x4  }
0x10c: {  	v59 =	vshrl.u32 v3, $0x3  }
0x10d: {  	v4 =	vmul.u32 $0x30, v59  }
0x10e: {  	v3 =	vand.u32 $0x7, v3  }
0x10f: {  	v3 =	vor.u32 v3, v4  }
0x110: {  	v4 =	vperm.xlane v3, v0;
	_ =	sdelay $0x1  }
0x111: {  	v4 =	vadd.s32 v1, v4;
	_ =	sdelay $0x3  }
0x112: {  	s9 =	simm.s32 $0x9800;
	v3 =	vperm.xlane v3, v2  }
0x113: {  	[tilespmem:s9], [sflag:$0x1] =	stream.indirect_vreg.gather [hbm4b:s2+s3], $0x80, v4, vm0, $0xb8;
	[tilespmem:$0x18800] =	vst v63  }
0x114: {  	s28 =	simm.s32 $0xA000;
	v3 =	vadd.s32 v1, v3  }
0x115: {  	[tilespmem:s28], [sflag:$0x1] =	stream.indirect_vreg.gather [hbm4b:s5+s3], $0x80, v4, vm0, $0xb8;
	[tilespmem:$0x18800] =	vst v63  }
0x116: {  	s31 =	simm.s32 $0xA800  }
0x117: {  	[tilespmem:s31], [sflag:$0x1] =	stream.indirect_vreg.gather [hbm4b:s6+s3], $0x80, v4, vm0, $0xb8;
	[tilespmem:$0x18800] =	vst v63  }
0x118: {  	s30 =	simm.s32 $0xB000  }
0x119: {  	[tilespmem:s30], [sflag:$0x1] =	stream.indirect_vreg.gather [hbm4b:s2+s3], $0x80, v3, vm0, $0xb8;
	[tilespmem:$0x18800] =	vst v63  }
0x11a: {  	s28 =	simm.s32 $0xB800  }
0x11b: {  	[tilespmem:s28], [sflag:$0x1] =	stream.indirect_vreg.gather [hbm4b:s5+s3], $0x80, v3, vm0, $0xb8;
	[tilespmem:$0x18800] =	vst v63  }
0x11c: {  	s16 =	simm.s32 $0xC000  }
0x11d: {  	[tilespmem:s16], [sflag:$0x1] =	stream.indirect_vreg.gather [hbm4b:s6+s3], $0x80, v3, vm0, $0xb8;
	[tilespmem:$0x18800] =	vst v63  }
0x11e: {  	s21 =	simm.s32 $0xC800;
	s18 =	rddreg [dreg:$0x5]  }
0x11f: {  	[hbm4b:s18+s3] =	stream.linear.scatter [tilespmem:s21], [sflag:$0x4], $0xC000, $0x38;
	[tilespmem:$0x18800] =	vst v63  }
0x120: {  	_ =	swait.ge [sflag:s15], $0xC000  }
0x121: {  	[sflag:s15] =	ssyncset.done $0x0  }
0x122: {  	[sflag:s15] =	ssyncadd.s32 $0xFFFF4000  }
0x123: {  	_ =	swait.ge [sflag:s10], $0xC000  }
0x124: {  	[sflag:s10] =	ssyncset.done $0x0  }
0x125: {  	[sflag:s10] =	ssyncadd.s32 $0xFFFF4000  }
0x126: {  	v3 =	vld [tilespmem:$0xC0];
	_ =	sdelay $0x4  }
0x127: {  	v60 =	vshrl.u32 v3, $0x3  }
0x128: {  	v4 =	vmul.u32 $0x30, v60  }
0x129: {  	v3 =	vand.u32 $0x7, v3  }
0x12a: {  	v3 =	vor.u32 v3, v4  }
0x12b: {  	v4 =	vperm.xlane v3, v0;
	_ =	sdelay $0x1  }
0x12c: {  	v4 =	vadd.s32 v1, v4;
	_ =	sdelay $0x3  }
0x12d: {  	v3 =	vperm.xlane v3, v2  }
0x12e: {  	[tilespmem:s21], [sflag:$0x2] =	stream.indirect_vreg.gather [hbm4b:s2+s3], $0x80, v4, vm0, $0xb8;
	[tilespmem:$0x18800] =	vst v63  }
0x12f: {  	s1 =	simm.s32 $0xD000;
	v3 =	vadd.s32 v1, v3  }
0x130: {  	[tilespmem:s1], [sflag:$0x2] =	stream.indirect_vreg.gather [hbm4b:s5+s3], $0x80, v4, vm0, $0xb8;
	[tilespmem:$0x18800] =	vst v63  }
0x131: {  	s9 =	simm.s32 $0xD800  }
0x132: {  	[tilespmem:s9], [sflag:$0x2] =	stream.indirect_vreg.gather [hbm4b:s6+s3], $0x80, v4, vm0, $0xb8;
	[tilespmem:$0x18800] =	vst v63  }
0x133: {  	s8 =	simm.s32 $0xE000  }
0x134: {  	[tilespmem:s8], [sflag:$0x2] =	stream.indirect_vreg.gather [hbm4b:s2+s3], $0x80, v3, vm0, $0xb8;
	[tilespmem:$0x18800] =	vst v63  }
0x135: {  	s14 =	simm.s32 $0xE800  }
0x136: {  	[tilespmem:s14], [sflag:$0x2] =	stream.indirect_vreg.gather [hbm4b:s5+s3], $0x80, v3, vm0, $0xb8;
	[tilespmem:$0x18800] =	vst v63  }
0x137: {  	s22 =	simm.s32 $0xF000  }
0x138: {  	[tilespmem:s22], [sflag:$0x2] =	stream.indirect_vreg.gather [hbm4b:s6+s3], $0x80, v3, vm0, $0xb8;
	[tilespmem:$0x18800] =	vst v63  }
0x139: {  	v3 =	vld [tilespmem:$0xD0];
	_ =	sdelay $0x4  }
0x13a: {  	v61 =	vshrl.u32 v3, $0x3  }
0x13b: {  	v4 =	vmul.u32 $0x30, v61  }
0x13c: {  	v3 =	vand.u32 $0x7, v3  }
0x13d: {  	v3 =	vor.u32 v3, v4  }
0x13e: {  	v4 =	vperm.xlane v3, v0;
	_ =	sdelay $0x1  }
0x13f: {  	v4 =	vadd.s32 v1, v4;
	_ =	sdelay $0x3  }
0x140: {  	s25 =	simm.s32 $0xF800;
	v3 =	vperm.xlane v3, v2  }
0x141: {  	[tilespmem:s25], [sflag:$0x2] =	stream.indirect_vreg.gather [hbm4b:s2+s3], $0x80, v4, vm0, $0xb8;
	[tilespmem:$0x18800] =	vst v63  }
0x142: {  	s13 =	simm.s32 $0x10000;
	v3 =	vadd.s32 v1, v3  }
0x143: {  	[tilespmem:s13], [sflag:$0x2] =	stream.indirect_vreg.gather [hbm4b:s5+s3], $0x80, v4, vm0, $0xb8;
	[tilespmem:$0x18800] =	vst v63  }
0x144: {  	s16 =	simm.s32 $0x10800  }
0x145: {  	[tilespmem:s16], [sflag:$0x2] =	stream.indirect_vreg.gather [hbm4b:s6+s3], $0x80, v4, vm0, $0xb8;
	[tilespmem:$0x18800] =	vst v63  }
0x146: {  	s17 =	simm.s32 $0x11000  }
0x147: {  	[tilespmem:s17], [sflag:$0x2] =	stream.indirect_vreg.gather [hbm4b:s2+s3], $0x80, v3, vm0, $0xb8;
	[tilespmem:$0x18800] =	vst v63  }
0x148: {  	s18 =	simm.s32 $0x11800  }
0x149: {  	[tilespmem:s18], [sflag:$0x2] =	stream.indirect_vreg.gather [hbm4b:s5+s3], $0x80, v3, vm0, $0xb8;
	[tilespmem:$0x18800] =	vst v63  }
0x14a: {  	s19 =	simm.s32 $0x12000  }
0x14b: {  	[tilespmem:s19], [sflag:$0x2] =	stream.indirect_vreg.gather [hbm4b:s6+s3], $0x80, v3, vm0, $0xb8;
	[tilespmem:$0x18800] =	vst v63  }
0x14c: {  	v3 =	vld [tilespmem:$0xE0];
	_ =	sdelay $0x4  }
0x14d: {  	v62 =	vshrl.u32 v3, $0x3  }
0x14e: {  	v4 =	vmul.u32 $0x30, v62  }
0x14f: {  	v3 =	vand.u32 $0x7, v3  }
0x150: {  	v3 =	vor.u32 v3, v4  }
0x151: {  	v4 =	vperm.xlane v3, v0;
	_ =	sdelay $0x1  }
0x152: {  	v4 =	vadd.s32 v1, v4;
	_ =	sdelay $0x3  }
0x153: {  	s20 =	simm.s32 $0x12800;
	v3 =	vperm.xlane v3, v2  }
0x154: {  	[tilespmem:s20], [sflag:$0x2] =	stream.indirect_vreg.gather [hbm4b:s2+s3], $0x80, v4, vm0, $0xb8;
	[tilespmem:$0x18800] =	vst v63  }
0x155: {  	s19 =	simm.s32 $0x13000;
	v3 =	vadd.s32 v1, v3  }
0x156: {  	[tilespmem:s19], [sflag:$0x2] =	stream.indirect_vreg.gather [hbm4b:s5+s3], $0x80, v4, vm0, $0xb8;
	[tilespmem:$0x18800] =	vst v63  }
0x157: {  	s20 =	simm.s32 $0x13800  }
0x158: {  	[tilespmem:s20], [sflag:$0x2] =	stream.indirect_vreg.gather [hbm4b:s6+s3], $0x80, v4, vm0, $0xb8;
	[tilespmem:$0x18800] =	vst v63  }
0x159: {  	s21 =	simm.s32 $0x14000  }
0x15a: {  	[tilespmem:s21], [sflag:$0x2] =	stream.indirect_vreg.gather [hbm4b:s2+s3], $0x80, v3, vm0, $0xb8;
	[tilespmem:$0x18800] =	vst v63  }
0x15b: {  	s22 =	simm.s32 $0x14800  }
0x15c: {  	[tilespmem:s22], [sflag:$0x2] =	stream.indirect_vreg.gather [hbm4b:s5+s3], $0x80, v3, vm0, $0xb8;
	[tilespmem:$0x18800] =	vst v63  }
0x15d: {  	s23 =	simm.s32 $0x15000  }
0x15e: {  	[tilespmem:s23], [sflag:$0x2] =	stream.indirect_vreg.gather [hbm4b:s6+s3], $0x80, v3, vm0, $0xb8;
	[tilespmem:$0x18800] =	vst v63  }
0x15f: {  	v3 =	vld [tilespmem:$0xF0];
	_ =	sdelay $0x4  }
0x160: {  	v63 =	vshrl.u32 v3, $0x3  }
0x161: {  	v4 =	vmul.u32 $0x30, v63  }
0x162: {  	v3 =	vand.u32 $0x7, v3  }
0x163: {  	v3 =	vor.u32 v3, v4  }
0x164: {  	v4 =	vperm.xlane v3, v0;
	_ =	sdelay $0x1  }
0x165: {  	v4 =	vadd.s32 v1, v4;
	_ =	sdelay $0x3  }
0x166: {  	s24 =	simm.s32 $0x15800;
	v3 =	vperm.xlane v3, v2  }
0x167: {  	[tilespmem:s24], [sflag:$0x2] =	stream.indirect_vreg.gather [hbm4b:s2+s3], $0x80, v4, vm0, $0xb8;
	[tilespmem:$0x18800] =	vst v63  }
0x168: {  	s23 =	simm.s32 $0x16000;
	v3 =	vadd.s32 v1, v3  }
0x169: {  	[tilespmem:s23], [sflag:$0x2] =	stream.indirect_vreg.gather [hbm4b:s5+s3], $0x80, v4, vm0, $0xb8;
	[tilespmem:$0x18800] =	vst v63  }
0x16a: {  	s24 =	simm.s32 $0x16800  }
0x16b: {  	[tilespmem:s24], [sflag:$0x2] =	stream.indirect_vreg.gather [hbm4b:s6+s3], $0x80, v4, vm0, $0xb8;
	[tilespmem:$0x18800] =	vst v63  }
0x16c: {  	s25 =	simm.s32 $0x17000  }
0x16d: {  	[tilespmem:s25], [sflag:$0x2] =	stream.indirect_vreg.gather [hbm4b:s2+s3], $0x80, v3, vm0, $0xb8;
	[tilespmem:$0x18800] =	vst v63  }
0x16e: {  	s11 =	simm.s32 $0x17800  }
0x16f: {  	[tilespmem:s11], [sflag:$0x2] =	stream.indirect_vreg.gather [hbm4b:s5+s3], $0x80, v3, vm0, $0xb8;
	[tilespmem:$0x18800] =	vst v63  }
0x170: {  	s4 =	simm.s32 $0x18000  }
0x171: {  	[tilespmem:s4], [sflag:$0x2] =	stream.indirect_vreg.gather [hbm4b:s6+s3], $0x80, v3, vm0, $0xb8;
	[tilespmem:$0x18800] =	vst v63  }
0x172: {  	s11 =	rddreg [dreg:$0x6];
	s4 =	simm.s32 $0x800  }
0x173: {  	[hbm4b:s11+s3] =	stream.linear.scatter [tilespmem:s4], [sflag:$0x3], $0xC000, $0x38;
	[tilespmem:$0x18800] =	vst v63  }
0x174: {  	_ =	swait.ge [sflag:s0], $0xC000  }
0x175: {  	[sflag:s0] =	ssyncset.done $0x0  }
0x176: {  	[sflag:s0] =	ssyncadd.s32 $0xFFFF4000  }
0x177: {  	_ =	swait.ge [sflag:s7], $0xC000  }
0x178: {  	[sflag:s7] =	ssyncset.done $0x0  }
0x179: {  	[sflag:s7] =	ssyncadd.s32 $0xFFFF4000  }
0x17a: {  	v3 =	vld [tilespmem:$0x100];
	_ =	sdelay $0x4  }
0x17b: {  	v8 =	vshrl.u32 v3, $0x3  }
0x17c: {  	v4 =	vmul.u32 $0x30, v8  }
0x17d: {  	v3 =	vand.u32 $0x7, v3  }
0x17e: {  	v3 =	vor.u32 v3, v4  }
0x17f: {  	v4 =	vperm.xlane v3, v0;
	_ =	sdelay $0x1  }
0x180: {  	v4 =	vadd.s32 v1, v4;
	_ =	sdelay $0x3  }
0x181: {  	v3 =	vperm.xlane v3, v2  }
0x182: {  	[tilespmem:s4], [sflag:$0x1] =	stream.indirect_vreg.gather [hbm4b:s2+s3], $0x80, v4, vm0, $0xb8;
	[tilespmem:$0x18800] =	vst v63  }
0x183: {  	s11 =	simm.s32 $0x1000;
	v3 =	vadd.s32 v1, v3  }
0x184: {  	[tilespmem:s11], [sflag:$0x1] =	stream.indirect_vreg.gather [hbm4b:s5+s3], $0x80, v4, vm0, $0xb8;
	[tilespmem:$0x18800] =	vst v63  }
0x185: {  	s11 =	simm.s32 $0x1800  }
0x186: {  	[tilespmem:s11], [sflag:$0x1] =	stream.indirect_vreg.gather [hbm4b:s6+s3], $0x80, v4, vm0, $0xb8;
	[tilespmem:$0x18800] =	vst v63  }
0x187: {  	s11 =	simm.s32 $0x2000  }
0x188: {  	[tilespmem:s11], [sflag:$0x1] =	stream.indirect_vreg.gather [hbm4b:s2+s3], $0x80, v3, vm0, $0xb8;
	[tilespmem:$0x18800] =	vst v63  }
0x189: {  	s11 =	simm.s32 $0x2800  }
0x18a: {  	[tilespmem:s11], [sflag:$0x1] =	stream.indirect_vreg.gather [hbm4b:s5+s3], $0x80, v3, vm0, $0xb8;
	[tilespmem:$0x18800] =	vst v63  }
0x18b: {  	s11 =	simm.s32 $0x3000  }
0x18c: {  	[tilespmem:s11], [sflag:$0x1] =	stream.indirect_vreg.gather [hbm4b:s6+s3], $0x80, v3, vm0, $0xb8;
	[tilespmem:$0x18800] =	vst v63  }
0x18d: {  	v3 =	vld [tilespmem:$0x110];
	_ =	sdelay $0x4  }
0x18e: {  	v9 =	vshrl.u32 v3, $0x3  }
0x18f: {  	v4 =	vmul.u32 $0x30, v9  }
0x190: {  	v3 =	vand.u32 $0x7, v3  }
0x191: {  	v3 =	vor.u32 v3, v4  }
0x192: {  	v4 =	vperm.xlane v3, v0;
	_ =	sdelay $0x1  }
0x193: {  	v4 =	vadd.s32 v1, v4;
	_ =	sdelay $0x3  }
0x194: {  	s11 =	simm.s32 $0x3800;
	v3 =	vperm.xlane v3, v2  }
0x195: {  	[tilespmem:s11], [sflag:$0x1] =	stream.indirect_vreg.gather [hbm4b:s2+s3], $0x80, v4, vm0, $0xb8;
	[tilespmem:$0x18800] =	vst v63  }
0x196: {  	v3 =	vadd.s32 v1, v3;
	s11 =	simm.s32 $0x4000  }
0x197: {  	[tilespmem:s11], [sflag:$0x1] =	stream.indirect_vreg.gather [hbm4b:s5+s3], $0x80, v4, vm0, $0xb8;
	[tilespmem:$0x18800] =	vst v63  }
0x198: {  	s11 =	simm.s32 $0x4800  }
0x199: {  	[tilespmem:s11], [sflag:$0x1] =	stream.indirect_vreg.gather [hbm4b:s6+s3], $0x80, v4, vm0, $0xb8;
	[tilespmem:$0x18800] =	vst v63  }
0x19a: {  	s11 =	simm.s32 $0x5000  }
0x19b: {  	[tilespmem:s11], [sflag:$0x1] =	stream.indirect_vreg.gather [hbm4b:s2+s3], $0x80, v3, vm0, $0xb8;
	[tilespmem:$0x18800] =	vst v63  }
0x19c: {  	s11 =	simm.s32 $0x5800  }
0x19d: {  	[tilespmem:s11], [sflag:$0x1] =	stream.indirect_vreg.gather [hbm4b:s5+s3], $0x80, v3, vm0, $0xb8;
	[tilespmem:$0x18800] =	vst v63  }
0x19e: {  	s11 =	simm.s32 $0x6000  }
0x19f: {  	[tilespmem:s11], [sflag:$0x1] =	stream.indirect_vreg.gather [hbm4b:s6+s3], $0x80, v3, vm0, $0xb8;
	[tilespmem:$0x18800] =	vst v63  }
0x1a0: {  	v3 =	vld [tilespmem:$0x120];
	_ =	sdelay $0x4  }
0x1a1: {  	v10 =	vshrl.u32 v3, $0x3  }
0x1a2: {  	v4 =	vmul.u32 $0x30, v10  }
0x1a3: {  	v3 =	vand.u32 $0x7, v3  }
0x1a4: {  	v3 =	vor.u32 v3, v4  }
0x1a5: {  	v4 =	vperm.xlane v3, v0;
	_ =	sdelay $0x1  }
0x1a6: {  	v4 =	vadd.s32 v1, v4;
	_ =	sdelay $0x3  }
0x1a7: {  	v3 =	vperm.xlane v3, v2  }
0x1a8: {  	[tilespmem:s29], [sflag:$0x1] =	stream.indirect_vreg.gather [hbm4b:s2+s3], $0x80, v4, vm0, $0xb8;
	[tilespmem:$0x18800] =	vst v63  }
0x1a9: {  	s11 =	simm.s32 $0x7000;
	v3 =	vadd.s32 v1, v3  }
0x1aa: {  	[tilespmem:s11], [sflag:$0x1] =	stream.indirect_vreg.gather [hbm4b:s5+s3], $0x80, v4, vm0, $0xb8;
	[tilespmem:$0x18800] =	vst v63  }
0x1ab: {  	s11 =	simm.s32 $0x7800  }
0x1ac: {  	[tilespmem:s11], [sflag:$0x1] =	stream.indirect_vreg.gather [hbm4b:s6+s3], $0x80, v4, vm0, $0xb8;
	[tilespmem:$0x18800] =	vst v63  }
0x1ad: {  	_ = 	snop  }
0x1ae: {  	[tilespmem:s12], [sflag:$0x1] =	stream.indirect_vreg.gather [hbm4b:s2+s3], $0x80, v3, vm0, $0xb8;
	[tilespmem:$0x18800] =	vst v63  }
0x1af: {  	_ = 	snop  }
0x1b0: {  	[tilespmem:s26], [sflag:$0x1] =	stream.indirect_vreg.gather [hbm4b:s5+s3], $0x80, v3, vm0, $0xb8;
	[tilespmem:$0x18800] =	vst v63  }
0x1b1: {  	s12 =	simm.s32 $0x9000  }
0x1b2: {  	[tilespmem:s12], [sflag:$0x1] =	stream.indirect_vreg.gather [hbm4b:s6+s3], $0x80, v3, vm0, $0xb8;
	[tilespmem:$0x18800] =	vst v63  }
0x1b3: {  	v3 =	vld [tilespmem:$0x130];
	_ =	sdelay $0x4  }
0x1b4: {  	v11 =	vshrl.u32 v3, $0x3  }
0x1b5: {  	v4 =	vmul.u32 $0x30, v11  }
0x1b6: {  	v3 =	vand.u32 $0x7, v3  }
0x1b7: {  	v3 =	vor.u32 v3, v4  }
0x1b8: {  	v4 =	vperm.xlane v3, v0;
	_ =	sdelay $0x1  }
0x1b9: {  	v4 =	vadd.s32 v1, v4;
	_ =	sdelay $0x3  }
0x1ba: {  	s4 =	simm.s32 $0x9800;
	v3 =	vperm.xlane v3, v2  }
0x1bb: {  	[tilespmem:s4], [sflag:$0x1] =	stream.indirect_vreg.gather [hbm4b:s2+s3], $0x80, v4, vm0, $0xb8;
	[tilespmem:$0x18800] =	vst v63  }
0x1bc: {  	s26 =	simm.s32 $0xA000;
	v3 =	vadd.s32 v1, v3  }
0x1bd: {  	[tilespmem:s26], [sflag:$0x1] =	stream.indirect_vreg.gather [hbm4b:s5+s3], $0x80, v4, vm0, $0xb8;
	[tilespmem:$0x18800] =	vst v63  }
0x1be: {  	_ = 	snop  }
0x1bf: {  	[tilespmem:s31], [sflag:$0x1] =	stream.indirect_vreg.gather [hbm4b:s6+s3], $0x80, v4, vm0, $0xb8;
	[tilespmem:$0x18800] =	vst v63  }
0x1c0: {  	_ = 	snop  }
0x1c1: {  	[tilespmem:s30], [sflag:$0x1] =	stream.indirect_vreg.gather [hbm4b:s2+s3], $0x80, v3, vm0, $0xb8;
	[tilespmem:$0x18800] =	vst v63  }
0x1c2: {  	_ = 	snop  }
0x1c3: {  	[tilespmem:s28], [sflag:$0x1] =	stream.indirect_vreg.gather [hbm4b:s5+s3], $0x80, v3, vm0, $0xb8;
	[tilespmem:$0x18800] =	vst v63  }
0x1c4: {  	s26 =	simm.s32 $0xC000  }
0x1c5: {  	[tilespmem:s26], [sflag:$0x1] =	stream.indirect_vreg.gather [hbm4b:s6+s3], $0x80, v3, vm0, $0xb8;
	[tilespmem:$0x18800] =	vst v63  }
0x1c6: {  	s31 =	rddreg [dreg:$0x7];
	s28 =	simm.s32 $0xC800  }
0x1c7: {  	[hbm4b:s31+s3] =	stream.linear.scatter [tilespmem:s28], [sflag:$0x4], $0xC000, $0x38;
	[tilespmem:$0x18800] =	vst v63  }
0x1c8: {  	_ =	swait.ge [sflag:s15], $0xC000  }
0x1c9: {  	[sflag:s15] =	ssyncset.done $0x0  }
0x1ca: {  	[sflag:s15] =	ssyncadd.s32 $0xFFFF4000  }
0x1cb: {  	_ =	swait.ge [sflag:s10], $0xC000  }
0x1cc: {  	[sflag:s10] =	ssyncset.done $0x0  }
0x1cd: {  	[sflag:s10] =	ssyncadd.s32 $0xFFFF4000  }
0x1ce: {  	v3 =	vld [tilespmem:$0x140];
	_ =	sdelay $0x4  }
0x1cf: {  	v12 =	vshrl.u32 v3, $0x3  }
0x1d0: {  	v4 =	vmul.u32 $0x30, v12  }
0x1d1: {  	v3 =	vand.u32 $0x7, v3  }
0x1d2: {  	v3 =	vor.u32 v3, v4  }
0x1d3: {  	v4 =	vperm.xlane v3, v0;
	_ =	sdelay $0x1  }
0x1d4: {  	v4 =	vadd.s32 v1, v4;
	_ =	sdelay $0x3  }
0x1d5: {  	v3 =	vperm.xlane v3, v2  }
0x1d6: {  	[tilespmem:s28], [sflag:$0x2] =	stream.indirect_vreg.gather [hbm4b:s2+s3], $0x80, v4, vm0, $0xb8;
	[tilespmem:$0x18800] =	vst v63  }
0x1d7: {  	v3 =	vadd.s32 v1, v3  }
0x1d8: {  	[tilespmem:s1], [sflag:$0x2] =	stream.indirect_vreg.gather [hbm4b:s5+s3], $0x80, v4, vm0, $0xb8;
	[tilespmem:$0x18800] =	vst v63  }
0x1d9: {  	_ = 	snop  }
0x1da: {  	[tilespmem:s9], [sflag:$0x2] =	stream.indirect_vreg.gather [hbm4b:s6+s3], $0x80, v4, vm0, $0xb8;
	[tilespmem:$0x18800] =	vst v63  }
0x1db: {  	_ = 	snop  }
0x1dc: {  	[tilespmem:s8], [sflag:$0x2] =	stream.indirect_vreg.gather [hbm4b:s2+s3], $0x80, v3, vm0, $0xb8;
	[tilespmem:$0x18800] =	vst v63  }
0x1dd: {  	_ = 	snop  }
0x1de: {  	[tilespmem:s14], [sflag:$0x2] =	stream.indirect_vreg.gather [hbm4b:s5+s3], $0x80, v3, vm0, $0xb8;
	[tilespmem:$0x18800] =	vst v63  }
0x1df: {  	s12 =	simm.s32 $0xF000  }
0x1e0: {  	[tilespmem:s12], [sflag:$0x2] =	stream.indirect_vreg.gather [hbm4b:s6+s3], $0x80, v3, vm0, $0xb8;
	[tilespmem:$0x18800] =	vst v63  }
0x1e1: {  	v3 =	vld [tilespmem:$0x150];
	_ =	sdelay $0x4  }
0x1e2: {  	v13 =	vshrl.u32 v3, $0x3  }
0x1e3: {  	v4 =	vmul.u32 $0x30, v13  }
0x1e4: {  	v3 =	vand.u32 $0x7, v3  }
0x1e5: {  	v3 =	vor.u32 v3, v4  }
0x1e6: {  	v4 =	vperm.xlane v3, v0;
	_ =	sdelay $0x1  }
0x1e7: {  	v4 =	vadd.s32 v1, v4;
	_ =	sdelay $0x3  }
0x1e8: {  	s30 =	simm.s32 $0xF800;
	v3 =	vperm.xlane v3, v2  }
0x1e9: {  	[tilespmem:s30], [sflag:$0x2] =	stream.indirect_vreg.gather [hbm4b:s2+s3], $0x80, v4, vm0, $0xb8;
	[tilespmem:$0x18800] =	vst v63  }
0x1ea: {  	v3 =	vadd.s32 v1, v3  }
0x1eb: {  	[tilespmem:s13], [sflag:$0x2] =	stream.indirect_vreg.gather [hbm4b:s5+s3], $0x80, v4, vm0, $0xb8;
	[tilespmem:$0x18800] =	vst v63  }
0x1ec: {  	_ = 	snop  }
0x1ed: {  	[tilespmem:s16], [sflag:$0x2] =	stream.indirect_vreg.gather [hbm4b:s6+s3], $0x80, v4, vm0, $0xb8;
	[tilespmem:$0x18800] =	vst v63  }
0x1ee: {  	_ = 	snop  }
0x1ef: {  	[tilespmem:s17], [sflag:$0x2] =	stream.indirect_vreg.gather [hbm4b:s2+s3], $0x80, v3, vm0, $0xb8;
	[tilespmem:$0x18800] =	vst v63  }
0x1f0: {  	_ = 	snop  }
0x1f1: {  	[tilespmem:s18], [sflag:$0x2] =	stream.indirect_vreg.gather [hbm4b:s5+s3], $0x80, v3, vm0, $0xb8;
	[tilespmem:$0x18800] =	vst v63  }
0x1f2: {  	s14 =	simm.s32 $0x12000  }
0x1f3: {  	[tilespmem:s14], [sflag:$0x2] =	stream.indirect_vreg.gather [hbm4b:s6+s3], $0x80, v3, vm0, $0xb8;
	[tilespmem:$0x18800] =	vst v63  }
0x1f4: {  	v3 =	vld [tilespmem:$0x160];
	_ =	sdelay $0x4  }
0x1f5: {  	v14 =	vshrl.u32 v3, $0x3  }
0x1f6: {  	v4 =	vmul.u32 $0x30, v14  }
0x1f7: {  	v3 =	vand.u32 $0x7, v3  }
0x1f8: {  	v3 =	vor.u32 v3, v4  }
0x1f9: {  	v4 =	vperm.xlane v3, v0;
	_ =	sdelay $0x1  }
0x1fa: {  	v4 =	vadd.s32 v1, v4;
	_ =	sdelay $0x3  }
0x1fb: {  	s13 =	simm.s32 $0x12800;
	v3 =	vperm.xlane v3, v2  }
0x1fc: {  	[tilespmem:s13], [sflag:$0x2] =	stream.indirect_vreg.gather [hbm4b:s2+s3], $0x80, v4, vm0, $0xb8;
	[tilespmem:$0x18800] =	vst v63  }
0x1fd: {  	v3 =	vadd.s32 v1, v3  }
0x1fe: {  	[tilespmem:s19], [sflag:$0x2] =	stream.indirect_vreg.gather [hbm4b:s5+s3], $0x80, v4, vm0, $0xb8;
	[tilespmem:$0x18800] =	vst v63  }
0x1ff: {  	_ = 	snop  }
0x200: {  	[tilespmem:s20], [sflag:$0x2] =	stream.indirect_vreg.gather [hbm4b:s6+s3], $0x80, v4, vm0, $0xb8;
	[tilespmem:$0x18800] =	vst v63  }
0x201: {  	_ = 	snop  }
0x202: {  	[tilespmem:s21], [sflag:$0x2] =	stream.indirect_vreg.gather [hbm4b:s2+s3], $0x80, v3, vm0, $0xb8;
	[tilespmem:$0x18800] =	vst v63  }
0x203: {  	_ = 	snop  }
0x204: {  	[tilespmem:s22], [sflag:$0x2] =	stream.indirect_vreg.gather [hbm4b:s5+s3], $0x80, v3, vm0, $0xb8;
	[tilespmem:$0x18800] =	vst v63  }
0x205: {  	s16 =	simm.s32 $0x15000  }
0x206: {  	[tilespmem:s16], [sflag:$0x2] =	stream.indirect_vreg.gather [hbm4b:s6+s3], $0x80, v3, vm0, $0xb8;
	[tilespmem:$0x18800] =	vst v63  }
0x207: {  	v3 =	vld [tilespmem:$0x170];
	_ =	sdelay $0x4  }
0x208: {  	v15 =	vshrl.u32 v3, $0x3  }
0x209: {  	v4 =	vmul.u32 $0x30, v15  }
0x20a: {  	v3 =	vand.u32 $0x7, v3  }
0x20b: {  	v3 =	vor.u32 v3, v4  }
0x20c: {  	v4 =	vperm.xlane v3, v0;
	_ =	sdelay $0x1  }
0x20d: {  	v4 =	vadd.s32 v1, v4;
	_ =	sdelay $0x3  }
0x20e: {  	s17 =	simm.s32 $0x15800;
	v3 =	vperm.xlane v3, v2  }
0x20f: {  	[tilespmem:s17], [sflag:$0x2] =	stream.indirect_vreg.gather [hbm4b:s2+s3], $0x80, v4, vm0, $0xb8;
	[tilespmem:$0x18800] =	vst v63  }
0x210: {  	v3 =	vadd.s32 v1, v3  }
0x211: {  	[tilespmem:s23], [sflag:$0x2] =	stream.indirect_vreg.gather [hbm4b:s5+s3], $0x80, v4, vm0, $0xb8;
	[tilespmem:$0x18800] =	vst v63  }
0x212: {  	_ = 	snop  }
0x213: {  	[tilespmem:s24], [sflag:$0x2] =	stream.indirect_vreg.gather [hbm4b:s6+s3], $0x80, v4, vm0, $0xb8;
	[tilespmem:$0x18800] =	vst v63  }
0x214: {  	_ = 	snop  }
0x215: {  	[tilespmem:s25], [sflag:$0x2] =	stream.indirect_vreg.gather [hbm4b:s2+s3], $0x80, v3, vm0, $0xb8;
	[tilespmem:$0x18800] =	vst v63  }
0x216: {  	s9 =	simm.s32 $0x17800  }
0x217: {  	[tilespmem:s9], [sflag:$0x2] =	stream.indirect_vreg.gather [hbm4b:s5+s3], $0x80, v3, vm0, $0xb8;
	[tilespmem:$0x18800] =	vst v63  }
0x218: {  	s1 =	simm.s32 $0x18000  }
0x219: {  	[tilespmem:s1], [sflag:$0x2] =	stream.indirect_vreg.gather [hbm4b:s6+s3], $0x80, v3, vm0, $0xb8;
	[tilespmem:$0x18800] =	vst v63  }
0x21a: {  	s31 =	rddreg [dreg:$0x8];
	s8 =	simm.s32 $0x800  }
0x21b: {  	[hbm4b:s31+s3] =	stream.linear.scatter [tilespmem:s8], [sflag:$0x3], $0xC000, $0x38;
	[tilespmem:$0x18800] =	vst v63  }
0x21c: {  	_ =	swait.ge [sflag:s0], $0xC000  }
0x21d: {  	[sflag:s0] =	ssyncset.done $0x0  }
0x21e: {  	[sflag:s0] =	ssyncadd.s32 $0xFFFF4000  }
0x21f: {  	_ =	swait.ge [sflag:s7], $0xC000  }
0x220: {  	[sflag:s7] =	ssyncset.done $0x0  }
0x221: {  	[sflag:s7] =	ssyncadd.s32 $0xFFFF4000  }
0x222: {  	v3 =	vld [tilespmem:$0x180];
	_ =	sdelay $0x4  }
0x223: {  	v16 =	vshrl.u32 v3, $0x3  }
0x224: {  	v4 =	vmul.u32 $0x30, v16  }
0x225: {  	v3 =	vand.u32 $0x7, v3  }
0x226: {  	v3 =	vor.u32 v3, v4  }
0x227: {  	v4 =	vperm.xlane v3, v0;
	_ =	sdelay $0x1  }
0x228: {  	v4 =	vadd.s32 v1, v4;
	_ =	sdelay $0x3  }
0x229: {  	v3 =	vperm.xlane v3, v2  }
0x22a: {  	[tilespmem:s8], [sflag:$0x1] =	stream.indirect_vreg.gather [hbm4b:s2+s3], $0x80, v4, vm0, $0xb8;
	[tilespmem:$0x18800] =	vst v63  }
0x22b: {  	s18 =	simm.s32 $0x1000;
	v3 =	vadd.s32 v1, v3  }
0x22c: {  	[tilespmem:s18], [sflag:$0x1] =	stream.indirect_vreg.gather [hbm4b:s5+s3], $0x80, v4, vm0, $0xb8;
	[tilespmem:$0x18800] =	vst v63  }
0x22d: {  	s19 =	simm.s32 $0x1800  }
0x22e: {  	[tilespmem:s19], [sflag:$0x1] =	stream.indirect_vreg.gather [hbm4b:s6+s3], $0x80, v4, vm0, $0xb8;
	[tilespmem:$0x18800] =	vst v63  }
0x22f: {  	s20 =	simm.s32 $0x2000  }
0x230: {  	[tilespmem:s20], [sflag:$0x1] =	stream.indirect_vreg.gather [hbm4b:s2+s3], $0x80, v3, vm0, $0xb8;
	[tilespmem:$0x18800] =	vst v63  }
0x231: {  	s21 =	simm.s32 $0x2800  }
0x232: {  	[tilespmem:s21], [sflag:$0x1] =	stream.indirect_vreg.gather [hbm4b:s5+s3], $0x80, v3, vm0, $0xb8;
	[tilespmem:$0x18800] =	vst v63  }
0x233: {  	s30 =	simm.s32 $0x3000  }
0x234: {  	[tilespmem:s30], [sflag:$0x1] =	stream.indirect_vreg.gather [hbm4b:s6+s3], $0x80, v3, vm0, $0xb8;
	[tilespmem:$0x18800] =	vst v63  }
0x235: {  	v3 =	vld [tilespmem:$0x190];
	_ =	sdelay $0x4  }
0x236: {  	v17 =	vshrl.u32 v3, $0x3  }
0x237: {  	v4 =	vmul.u32 $0x30, v17  }
0x238: {  	v3 =	vand.u32 $0x7, v3  }
0x239: {  	v3 =	vor.u32 v3, v4  }
0x23a: {  	v4 =	vperm.xlane v3, v0;
	_ =	sdelay $0x1  }
0x23b: {  	v4 =	vadd.s32 v1, v4;
	_ =	sdelay $0x3  }
0x23c: {  	s31 =	simm.s32 $0x3800;
	v3 =	vperm.xlane v3, v2  }
0x23d: {  	[tilespmem:s31], [sflag:$0x1] =	stream.indirect_vreg.gather [hbm4b:s2+s3], $0x80, v4, vm0, $0xb8;
	[tilespmem:$0x18800] =	vst v63  }
0x23e: {  	s22 =	simm.s32 $0x4000;
	v3 =	vadd.s32 v1, v3  }
0x23f: {  	[tilespmem:s22], [sflag:$0x1] =	stream.indirect_vreg.gather [hbm4b:s5+s3], $0x80, v4, vm0, $0xb8;
	[tilespmem:$0x18800] =	vst v63  }
0x240: {  	s23 =	simm.s32 $0x4800  }
0x241: {  	[tilespmem:s23], [sflag:$0x1] =	stream.indirect_vreg.gather [hbm4b:s6+s3], $0x80, v4, vm0, $0xb8;
	[tilespmem:$0x18800] =	vst v63  }
0x242: {  	s24 =	simm.s32 $0x5000  }
0x243: {  	[tilespmem:s24], [sflag:$0x1] =	stream.indirect_vreg.gather [hbm4b:s2+s3], $0x80, v3, vm0, $0xb8;
	[tilespmem:$0x18800] =	vst v63  }
0x244: {  	s26 =	simm.s32 $0x5800  }
0x245: {  	[tilespmem:s26], [sflag:$0x1] =	stream.indirect_vreg.gather [hbm4b:s5+s3], $0x80, v3, vm0, $0xb8;
	[tilespmem:$0x18800] =	vst v63  }
0x246: {  	s11 =	simm.s32 $0x6000  }
0x247: {  	[tilespmem:s11], [sflag:$0x1] =	stream.indirect_vreg.gather [hbm4b:s6+s3], $0x80, v3, vm0, $0xb8;
	[tilespmem:$0x18800] =	vst v63  }
0x248: {  	v3 =	vld [tilespmem:$0x1A0];
	_ =	sdelay $0x4  }
0x249: {  	v18 =	vshrl.u32 v3, $0x3  }
0x24a: {  	v4 =	vmul.u32 $0x30, v18  }
0x24b: {  	v3 =	vand.u32 $0x7, v3  }
0x24c: {  	v3 =	vor.u32 v3, v4  }
0x24d: {  	v4 =	vperm.xlane v3, v0;
	_ =	sdelay $0x1  }
0x24e: {  	v4 =	vadd.s32 v1, v4;
	_ =	sdelay $0x3  }
0x24f: {  	s29 =	simm.s32 $0x6800;
	v3 =	vperm.xlane v3, v2  }
0x250: {  	[tilespmem:s29], [sflag:$0x1] =	stream.indirect_vreg.gather [hbm4b:s2+s3], $0x80, v4, vm0, $0xb8;
	[tilespmem:$0x18800] =	vst v63  }
0x251: {  	s28 =	simm.s32 $0x7000;
	v3 =	vadd.s32 v1, v3  }
0x252: {  	[tilespmem:s28], [sflag:$0x1] =	stream.indirect_vreg.gather [hbm4b:s5+s3], $0x80, v4, vm0, $0xb8;
	[tilespmem:$0x18800] =	vst v63  }
0x253: {  	s29 =	simm.s32 $0x7800  }
0x254: {  	[tilespmem:s29], [sflag:$0x1] =	stream.indirect_vreg.gather [hbm4b:s6+s3], $0x80, v4, vm0, $0xb8;
	[tilespmem:$0x18800] =	vst v63  }
0x255: {  	s25 =	simm.s32 $0x8000  }
0x256: {  	[tilespmem:s25], [sflag:$0x1] =	stream.indirect_vreg.gather [hbm4b:s2+s3], $0x80, v3, vm0, $0xb8;
	[tilespmem:$0x18800] =	vst v63  }
0x257: {  	s11 =	simm.s32 $0x8800  }
0x258: {  	[tilespmem:s11], [sflag:$0x1] =	stream.indirect_vreg.gather [hbm4b:s5+s3], $0x80, v3, vm0, $0xb8;
	[tilespmem:$0x18800] =	vst v63  }
0x259: {  	s25 =	simm.s32 $0x9000  }
0x25a: {  	[tilespmem:s25], [sflag:$0x1] =	stream.indirect_vreg.gather [hbm4b:s6+s3], $0x80, v3, vm0, $0xb8;
	[tilespmem:$0x18800] =	vst v63  }
0x25b: {  	v3 =	vld [tilespmem:$0x1B0];
	_ =	sdelay $0x4  }
0x25c: {  	v19 =	vshrl.u32 v3, $0x3  }
0x25d: {  	v4 =	vmul.u32 $0x30, v19  }
0x25e: {  	v3 =	vand.u32 $0x7, v3  }
0x25f: {  	v3 =	vor.u32 v3, v4  }
0x260: {  	v4 =	vperm.xlane v3, v0;
	_ =	sdelay $0x1  }
0x261: {  	v4 =	vadd.s32 v1, v4;
	_ =	sdelay $0x3  }
0x262: {  	v3 =	vperm.xlane v3, v2  }
0x263: {  	[tilespmem:s4], [sflag:$0x1] =	stream.indirect_vreg.gather [hbm4b:s2+s3], $0x80, v4, vm0, $0xb8;
	[tilespmem:$0x18800] =	vst v63  }
0x264: {  	s25 =	simm.s32 $0xA000;
	v3 =	vadd.s32 v1, v3  }
0x265: {  	[tilespmem:s25], [sflag:$0x1] =	stream.indirect_vreg.gather [hbm4b:s5+s3], $0x80, v4, vm0, $0xb8;
	[tilespmem:$0x18800] =	vst v63  }
0x266: {  	s11 =	simm.s32 $0xA800  }
0x267: {  	[tilespmem:s11], [sflag:$0x1] =	stream.indirect_vreg.gather [hbm4b:s6+s3], $0x80, v4, vm0, $0xb8;
	[tilespmem:$0x18800] =	vst v63  }
0x268: {  	s8 =	simm.s32 $0xB000  }
0x269: {  	[tilespmem:s8], [sflag:$0x1] =	stream.indirect_vreg.gather [hbm4b:s2+s3], $0x80, v3, vm0, $0xb8;
	[tilespmem:$0x18800] =	vst v63  }
0x26a: {  	s11 =	simm.s32 $0xB800  }
0x26b: {  	[tilespmem:s11], [sflag:$0x1] =	stream.indirect_vreg.gather [hbm4b:s5+s3], $0x80, v3, vm0, $0xb8;
	[tilespmem:$0x18800] =	vst v63  }
0x26c: {  	s4 =	simm.s32 $0xC000  }
0x26d: {  	[tilespmem:s4], [sflag:$0x1] =	stream.indirect_vreg.gather [hbm4b:s6+s3], $0x80, v3, vm0, $0xb8;
	[tilespmem:$0x18800] =	vst v63  }
0x26e: {  	s8 =	simm.s32 $0xC800;
	s11 =	rddreg [dreg:$0x9]  }
0x26f: {  	[hbm4b:s11+s3] =	stream.linear.scatter [tilespmem:s8], [sflag:$0x4], $0xC000, $0x38;
	[tilespmem:$0x18800] =	vst v63  }
0x270: {  	_ =	swait.ge [sflag:s15], $0xC000  }
0x271: {  	[sflag:s15] =	ssyncset.done $0x0  }
0x272: {  	[sflag:s15] =	ssyncadd.s32 $0xFFFF4000  }
0x273: {  	_ =	swait.ge [sflag:s10], $0xC000  }
0x274: {  	[sflag:s10] =	ssyncset.done $0x0  }
0x275: {  	[sflag:s10] =	ssyncadd.s32 $0xFFFF4000  }
0x276: {  	v3 =	vld [tilespmem:$0x1C0];
	_ =	sdelay $0x4  }
0x277: {  	v20 =	vshrl.u32 v3, $0x3  }
0x278: {  	v4 =	vmul.u32 $0x30, v20  }
0x279: {  	v3 =	vand.u32 $0x7, v3  }
0x27a: {  	v3 =	vor.u32 v3, v4  }
0x27b: {  	v4 =	vperm.xlane v3, v0;
	_ =	sdelay $0x1  }
0x27c: {  	v4 =	vadd.s32 v1, v4;
	_ =	sdelay $0x3  }
0x27d: {  	v3 =	vperm.xlane v3, v2  }
0x27e: {  	[tilespmem:s8], [sflag:$0x2] =	stream.indirect_vreg.gather [hbm4b:s2+s3], $0x80, v4, vm0, $0xb8;
	[tilespmem:$0x18800] =	vst v63  }
0x27f: {  	v3 =	vadd.s32 v1, v3;
	s8 =	simm.s32 $0xD000  }
0x280: {  	[tilespmem:s8], [sflag:$0x2] =	stream.indirect_vreg.gather [hbm4b:s5+s3], $0x80, v4, vm0, $0xb8;
	[tilespmem:$0x18800] =	vst v63  }
0x281: {  	s11 =	simm.s32 $0xD800  }
0x282: {  	[tilespmem:s11], [sflag:$0x2] =	stream.indirect_vreg.gather [hbm4b:s6+s3], $0x80, v4, vm0, $0xb8;
	[tilespmem:$0x18800] =	vst v63  }
0x283: {  	s11 =	simm.s32 $0xE000  }
0x284: {  	[tilespmem:s11], [sflag:$0x2] =	stream.indirect_vreg.gather [hbm4b:s2+s3], $0x80, v3, vm0, $0xb8;
	[tilespmem:$0x18800] =	vst v63  }
0x285: {  	s11 =	simm.s32 $0xE800  }
0x286: {  	[tilespmem:s11], [sflag:$0x2] =	stream.indirect_vreg.gather [hbm4b:s5+s3], $0x80, v3, vm0, $0xb8;
	[tilespmem:$0x18800] =	vst v63  }
0x287: {  	_ = 	snop  }
0x288: {  	[tilespmem:s12], [sflag:$0x2] =	stream.indirect_vreg.gather [hbm4b:s6+s3], $0x80, v3, vm0, $0xb8;
	[tilespmem:$0x18800] =	vst v63  }
0x289: {  	v3 =	vld [tilespmem:$0x1D0];
	_ =	sdelay $0x4  }
0x28a: {  	v21 =	vshrl.u32 v3, $0x3  }
0x28b: {  	v4 =	vmul.u32 $0x30, v21  }
0x28c: {  	v3 =	vand.u32 $0x7, v3  }
0x28d: {  	v3 =	vor.u32 v3, v4  }
0x28e: {  	v4 =	vperm.xlane v3, v0;
	_ =	sdelay $0x1  }
0x28f: {  	v4 =	vadd.s32 v1, v4;
	_ =	sdelay $0x3  }
0x290: {  	s12 =	simm.s32 $0xF800;
	v3 =	vperm.xlane v3, v2  }
0x291: {  	[tilespmem:s12], [sflag:$0x2] =	stream.indirect_vreg.gather [hbm4b:s2+s3], $0x80, v4, vm0, $0xb8;
	[tilespmem:$0x18800] =	vst v63  }
0x292: {  	v3 =	vadd.s32 v1, v3;
	s12 =	simm.s32 $0x10000  }
0x293: {  	[tilespmem:s12], [sflag:$0x2] =	stream.indirect_vreg.gather [hbm4b:s5+s3], $0x80, v4, vm0, $0xb8;
	[tilespmem:$0x18800] =	vst v63  }
0x294: {  	s11 =	simm.s32 $0x10800  }
0x295: {  	[tilespmem:s11], [sflag:$0x2] =	stream.indirect_vreg.gather [hbm4b:s6+s3], $0x80, v4, vm0, $0xb8;
	[tilespmem:$0x18800] =	vst v63  }
0x296: {  	s11 =	simm.s32 $0x11000  }
0x297: {  	[tilespmem:s11], [sflag:$0x2] =	stream.indirect_vreg.gather [hbm4b:s2+s3], $0x80, v3, vm0, $0xb8;
	[tilespmem:$0x18800] =	vst v63  }
0x298: {  	s11 =	simm.s32 $0x11800  }
0x299: {  	[tilespmem:s11], [sflag:$0x2] =	stream.indirect_vreg.gather [hbm4b:s5+s3], $0x80, v3, vm0, $0xb8;
	[tilespmem:$0x18800] =	vst v63  }
0x29a: {  	_ = 	snop  }
0x29b: {  	[tilespmem:s14], [sflag:$0x2] =	stream.indirect_vreg.gather [hbm4b:s6+s3], $0x80, v3, vm0, $0xb8;
	[tilespmem:$0x18800] =	vst v63  }
0x29c: {  	v3 =	vld [tilespmem:$0x1E0];
	_ =	sdelay $0x4  }
0x29d: {  	v22 =	vshrl.u32 v3, $0x3  }
0x29e: {  	v4 =	vmul.u32 $0x30, v22  }
0x29f: {  	v3 =	vand.u32 $0x7, v3  }
0x2a0: {  	v3 =	vor.u32 v3, v4  }
0x2a1: {  	v4 =	vperm.xlane v3, v0;
	_ =	sdelay $0x1  }
0x2a2: {  	v4 =	vadd.s32 v1, v4;
	_ =	sdelay $0x3  }
0x2a3: {  	v3 =	vperm.xlane v3, v2  }
0x2a4: {  	[tilespmem:s13], [sflag:$0x2] =	stream.indirect_vreg.gather [hbm4b:s2+s3], $0x80, v4, vm0, $0xb8;
	[tilespmem:$0x18800] =	vst v63  }
0x2a5: {  	s14 =	simm.s32 $0x13000;
	v3 =	vadd.s32 v1, v3  }
0x2a6: {  	[tilespmem:s14], [sflag:$0x2] =	stream.indirect_vreg.gather [hbm4b:s5+s3], $0x80, v4, vm0, $0xb8;
	[tilespmem:$0x18800] =	vst v63  }
0x2a7: {  	s13 =	simm.s32 $0x13800  }
0x2a8: {  	[tilespmem:s13], [sflag:$0x2] =	stream.indirect_vreg.gather [hbm4b:s6+s3], $0x80, v4, vm0, $0xb8;
	[tilespmem:$0x18800] =	vst v63  }
0x2a9: {  	s11 =	simm.s32 $0x14000  }
0x2aa: {  	[tilespmem:s11], [sflag:$0x2] =	stream.indirect_vreg.gather [hbm4b:s2+s3], $0x80, v3, vm0, $0xb8;
	[tilespmem:$0x18800] =	vst v63  }
0x2ab: {  	s11 =	simm.s32 $0x14800  }
0x2ac: {  	[tilespmem:s11], [sflag:$0x2] =	stream.indirect_vreg.gather [hbm4b:s5+s3], $0x80, v3, vm0, $0xb8;
	[tilespmem:$0x18800] =	vst v63  }
0x2ad: {  	_ = 	snop  }
0x2ae: {  	[tilespmem:s16], [sflag:$0x2] =	stream.indirect_vreg.gather [hbm4b:s6+s3], $0x80, v3, vm0, $0xb8;
	[tilespmem:$0x18800] =	vst v63  }
0x2af: {  	v3 =	vld [tilespmem:$0x1F0];
	_ =	sdelay $0x4  }
0x2b0: {  	v23 =	vshrl.u32 v3, $0x3  }
0x2b1: {  	v4 =	vmul.u32 $0x30, v23  }
0x2b2: {  	v3 =	vand.u32 $0x7, v3  }
0x2b3: {  	v3 =	vor.u32 v3, v4  }
0x2b4: {  	v4 =	vperm.xlane v3, v0;
	_ =	sdelay $0x1  }
0x2b5: {  	v4 =	vadd.s32 v1, v4;
	_ =	sdelay $0x3  }
0x2b6: {  	v3 =	vperm.xlane v3, v2  }
0x2b7: {  	[tilespmem:s17], [sflag:$0x2] =	stream.indirect_vreg.gather [hbm4b:s2+s3], $0x80, v4, vm0, $0xb8;
	[tilespmem:$0x18800] =	vst v63  }
0x2b8: {  	s16 =	simm.s32 $0x16000;
	v3 =	vadd.s32 v1, v3  }
0x2b9: {  	[tilespmem:s16], [sflag:$0x2] =	stream.indirect_vreg.gather [hbm4b:s5+s3], $0x80, v4, vm0, $0xb8;
	[tilespmem:$0x18800] =	vst v63  }
0x2ba: {  	s17 =	simm.s32 $0x16800  }
0x2bb: {  	[tilespmem:s17], [sflag:$0x2] =	stream.indirect_vreg.gather [hbm4b:s6+s3], $0x80, v4, vm0, $0xb8;
	[tilespmem:$0x18800] =	vst v63  }
0x2bc: {  	s11 =	simm.s32 $0x17000  }
0x2bd: {  	[tilespmem:s11], [sflag:$0x2] =	stream.indirect_vreg.gather [hbm4b:s2+s3], $0x80, v3, vm0, $0xb8;
	[tilespmem:$0x18800] =	vst v63  }
0x2be: {  	_ = 	snop  }
0x2bf: {  	[tilespmem:s9], [sflag:$0x2] =	stream.indirect_vreg.gather [hbm4b:s5+s3], $0x80, v3, vm0, $0xb8;
	[tilespmem:$0x18800] =	vst v63  }
0x2c0: {  	_ = 	snop  }
0x2c1: {  	[tilespmem:s1], [sflag:$0x2] =	stream.indirect_vreg.gather [hbm4b:s6+s3], $0x80, v3, vm0, $0xb8;
	[tilespmem:$0x18800] =	vst v63  }
0x2c2: {  	s11 =	rddreg [dreg:$0xa];
	s9 =	simm.s32 $0x800  }
0x2c3: {  	[hbm4b:s11+s3] =	stream.linear.scatter [tilespmem:s9], [sflag:$0x3], $0xC000, $0x38;
	[tilespmem:$0x18800] =	vst v63  }
0x2c4: {  	_ =	swait.ge [sflag:s0], $0xC000  }
0x2c5: {  	[sflag:s0] =	ssyncset.done $0x0  }
0x2c6: {  	[sflag:s0] =	ssyncadd.s32 $0xFFFF4000  }
0x2c7: {  	_ =	swait.ge [sflag:s7], $0xC000  }
0x2c8: {  	[sflag:s7] =	ssyncset.done $0x0  }
0x2c9: {  	[sflag:s7] =	ssyncadd.s32 $0xFFFF4000  }
0x2ca: {  	v3 =	vld [tilespmem:$0x200];
	_ =	sdelay $0x4  }
0x2cb: {  	v24 =	vshrl.u32 v3, $0x3  }
0x2cc: {  	v4 =	vmul.u32 $0x30, v24  }
0x2cd: {  	v3 =	vand.u32 $0x7, v3  }
0x2ce: {  	v3 =	vor.u32 v3, v4  }
0x2cf: {  	v4 =	vperm.xlane v3, v0;
	_ =	sdelay $0x1  }
0x2d0: {  	v4 =	vadd.s32 v1, v4;
	_ =	sdelay $0x3  }
0x2d1: {  	v3 =	vperm.xlane v3, v2  }
0x2d2: {  	[tilespmem:s9], [sflag:$0x1] =	stream.indirect_vreg.gather [hbm4b:s2+s3], $0x80, v4, vm0, $0xb8;
	[tilespmem:$0x18800] =	vst v63  }
0x2d3: {  	v3 =	vadd.s32 v1, v3  }
0x2d4: {  	[tilespmem:s18], [sflag:$0x1] =	stream.indirect_vreg.gather [hbm4b:s5+s3], $0x80, v4, vm0, $0xb8;
	[tilespmem:$0x18800] =	vst v63  }
0x2d5: {  	_ = 	snop  }
0x2d6: {  	[tilespmem:s19], [sflag:$0x1] =	stream.indirect_vreg.gather [hbm4b:s6+s3], $0x80, v4, vm0, $0xb8;
	[tilespmem:$0x18800] =	vst v63  }
0x2d7: {  	_ = 	snop  }
0x2d8: {  	[tilespmem:s20], [sflag:$0x1] =	stream.indirect_vreg.gather [hbm4b:s2+s3], $0x80, v3, vm0, $0xb8;
	[tilespmem:$0x18800] =	vst v63  }
0x2d9: {  	_ = 	snop  }
0x2da: {  	[tilespmem:s21], [sflag:$0x1] =	stream.indirect_vreg.gather [hbm4b:s5+s3], $0x80, v3, vm0, $0xb8;
	[tilespmem:$0x18800] =	vst v63  }
0x2db: {  	_ = 	snop  }
0x2dc: {  	[tilespmem:s30], [sflag:$0x1] =	stream.indirect_vreg.gather [hbm4b:s6+s3], $0x80, v3, vm0, $0xb8;
	[tilespmem:$0x18800] =	vst v63  }
0x2dd: {  	v3 =	vld [tilespmem:$0x210];
	_ =	sdelay $0x4  }
0x2de: {  	v25 =	vshrl.u32 v3, $0x3  }
0x2df: {  	v4 =	vmul.u32 $0x30, v25  }
0x2e0: {  	v3 =	vand.u32 $0x7, v3  }
0x2e1: {  	v3 =	vor.u32 v3, v4  }
0x2e2: {  	v4 =	vperm.xlane v3, v0;
	_ =	sdelay $0x1  }
0x2e3: {  	v4 =	vadd.s32 v1, v4;
	_ =	sdelay $0x3  }
0x2e4: {  	v3 =	vperm.xlane v3, v2  }
0x2e5: {  	[tilespmem:s31], [sflag:$0x1] =	stream.indirect_vreg.gather [hbm4b:s2+s3], $0x80, v4, vm0, $0xb8;
	[tilespmem:$0x18800] =	vst v63  }
0x2e6: {  	v3 =	vadd.s32 v1, v3  }
0x2e7: {  	[tilespmem:s22], [sflag:$0x1] =	stream.indirect_vreg.gather [hbm4b:s5+s3], $0x80, v4, vm0, $0xb8;
	[tilespmem:$0x18800] =	vst v63  }
0x2e8: {  	_ = 	snop  }
0x2e9: {  	[tilespmem:s23], [sflag:$0x1] =	stream.indirect_vreg.gather [hbm4b:s6+s3], $0x80, v4, vm0, $0xb8;
	[tilespmem:$0x18800] =	vst v63  }
0x2ea: {  	_ = 	snop  }
0x2eb: {  	[tilespmem:s24], [sflag:$0x1] =	stream.indirect_vreg.gather [hbm4b:s2+s3], $0x80, v3, vm0, $0xb8;
	[tilespmem:$0x18800] =	vst v63  }
0x2ec: {  	_ = 	snop  }
0x2ed: {  	[tilespmem:s26], [sflag:$0x1] =	stream.indirect_vreg.gather [hbm4b:s5+s3], $0x80, v3, vm0, $0xb8;
	[tilespmem:$0x18800] =	vst v63  }
0x2ee: {  	s21 =	simm.s32 $0x6000  }
0x2ef: {  	[tilespmem:s21], [sflag:$0x1] =	stream.indirect_vreg.gather [hbm4b:s6+s3], $0x80, v3, vm0, $0xb8;
	[tilespmem:$0x18800] =	vst v63  }
0x2f0: {  	v3 =	vld [tilespmem:$0x220];
	_ =	sdelay $0x4  }
0x2f1: {  	v26 =	vshrl.u32 v3, $0x3  }
0x2f2: {  	v4 =	vmul.u32 $0x30, v26  }
0x2f3: {  	v3 =	vand.u32 $0x7, v3  }
0x2f4: {  	v3 =	vor.u32 v3, v4  }
0x2f5: {  	v4 =	vperm.xlane v3, v0;
	_ =	sdelay $0x1  }
0x2f6: {  	v4 =	vadd.s32 v1, v4;
	_ =	sdelay $0x3  }
0x2f7: {  	s21 =	simm.s32 $0x6800;
	v3 =	vperm.xlane v3, v2  }
0x2f8: {  	[tilespmem:s21], [sflag:$0x1] =	stream.indirect_vreg.gather [hbm4b:s2+s3], $0x80, v4, vm0, $0xb8;
	[tilespmem:$0x18800] =	vst v63  }
0x2f9: {  	v3 =	vadd.s32 v1, v3  }
0x2fa: {  	[tilespmem:s28], [sflag:$0x1] =	stream.indirect_vreg.gather [hbm4b:s5+s3], $0x80, v4, vm0, $0xb8;
	[tilespmem:$0x18800] =	vst v63  }
0x2fb: {  	_ = 	snop  }
0x2fc: {  	[tilespmem:s29], [sflag:$0x1] =	stream.indirect_vreg.gather [hbm4b:s6+s3], $0x80, v4, vm0, $0xb8;
	[tilespmem:$0x18800] =	vst v63  }
0x2fd: {  	s22 =	simm.s32 $0x8000  }
0x2fe: {  	[tilespmem:s22], [sflag:$0x1] =	stream.indirect_vreg.gather [hbm4b:s2+s3], $0x80, v3, vm0, $0xb8;
	[tilespmem:$0x18800] =	vst v63  }
0x2ff: {  	s23 =	simm.s32 $0x8800  }
0x300: {  	[tilespmem:s23], [sflag:$0x1] =	stream.indirect_vreg.gather [hbm4b:s5+s3], $0x80, v3, vm0, $0xb8;
	[tilespmem:$0x18800] =	vst v63  }
0x301: {  	s24 =	simm.s32 $0x9000  }
0x302: {  	[tilespmem:s24], [sflag:$0x1] =	stream.indirect_vreg.gather [hbm4b:s6+s3], $0x80, v3, vm0, $0xb8;
	[tilespmem:$0x18800] =	vst v63  }
0x303: {  	v3 =	vld [tilespmem:$0x230];
	_ =	sdelay $0x4  }
0x304: {  	v27 =	vshrl.u32 v3, $0x3  }
0x305: {  	v4 =	vmul.u32 $0x30, v27  }
0x306: {  	v3 =	vand.u32 $0x7, v3  }
0x307: {  	v3 =	vor.u32 v3, v4  }
0x308: {  	v4 =	vperm.xlane v3, v0;
	_ =	sdelay $0x1  }
0x309: {  	v4 =	vadd.s32 v1, v4;
	_ =	sdelay $0x3  }
0x30a: {  	s26 =	simm.s32 $0x9800;
	v3 =	vperm.xlane v3, v2  }
0x30b: {  	[tilespmem:s26], [sflag:$0x1] =	stream.indirect_vreg.gather [hbm4b:s2+s3], $0x80, v4, vm0, $0xb8;
	[tilespmem:$0x18800] =	vst v63  }
0x30c: {  	v3 =	vadd.s32 v1, v3  }
0x30d: {  	[tilespmem:s25], [sflag:$0x1] =	stream.indirect_vreg.gather [hbm4b:s5+s3], $0x80, v4, vm0, $0xb8;
	[tilespmem:$0x18800] =	vst v63  }
0x30e: {  	s28 =	simm.s32 $0xA800  }
0x30f: {  	[tilespmem:s28], [sflag:$0x1] =	stream.indirect_vreg.gather [hbm4b:s6+s3], $0x80, v4, vm0, $0xb8;
	[tilespmem:$0x18800] =	vst v63  }
0x310: {  	s29 =	simm.s32 $0xB000  }
0x311: {  	[tilespmem:s29], [sflag:$0x1] =	stream.indirect_vreg.gather [hbm4b:s2+s3], $0x80, v3, vm0, $0xb8;
	[tilespmem:$0x18800] =	vst v63  }
0x312: {  	s30 =	simm.s32 $0xB800  }
0x313: {  	[tilespmem:s30], [sflag:$0x1] =	stream.indirect_vreg.gather [hbm4b:s5+s3], $0x80, v3, vm0, $0xb8;
	[tilespmem:$0x18800] =	vst v63  }
0x314: {  	_ = 	snop  }
0x315: {  	[tilespmem:s4], [sflag:$0x1] =	stream.indirect_vreg.gather [hbm4b:s6+s3], $0x80, v3, vm0, $0xb8;
	[tilespmem:$0x18800] =	vst v63  }
0x316: {  	s1 =	rddreg [dreg:$0xb];
	s4 =	simm.s32 $0xC800  }
0x317: {  	[hbm4b:s1+s3] =	stream.linear.scatter [tilespmem:s4], [sflag:$0x4], $0xC000, $0x38;
	[tilespmem:$0x18800] =	vst v63  }
0x318: {  	_ =	swait.ge [sflag:s15], $0xC000  }
0x319: {  	[sflag:s15] =	ssyncset.done $0x0  }
0x31a: {  	[sflag:s15] =	ssyncadd.s32 $0xFFFF4000  }
0x31b: {  	_ =	swait.ge [sflag:s10], $0xC000  }
0x31c: {  	[sflag:s10] =	ssyncset.done $0x0  }
0x31d: {  	[sflag:s10] =	ssyncadd.s32 $0xFFFF4000  }
0x31e: {  	v3 =	vld [tilespmem:$0x240];
	_ =	sdelay $0x4  }
0x31f: {  	v28 =	vshrl.u32 v3, $0x3  }
0x320: {  	v4 =	vmul.u32 $0x30, v28  }
0x321: {  	v3 =	vand.u32 $0x7, v3  }
0x322: {  	v3 =	vor.u32 v3, v4  }
0x323: {  	v4 =	vperm.xlane v3, v0;
	_ =	sdelay $0x1  }
0x324: {  	v4 =	vadd.s32 v1, v4;
	_ =	sdelay $0x3  }
0x325: {  	v3 =	vperm.xlane v3, v2  }
0x326: {  	[tilespmem:s4], [sflag:$0x2] =	stream.indirect_vreg.gather [hbm4b:s2+s3], $0x80, v4, vm0, $0xb8;
	[tilespmem:$0x18800] =	vst v63  }
0x327: {  	v3 =	vadd.s32 v1, v3  }
0x328: {  	[tilespmem:s8], [sflag:$0x2] =	stream.indirect_vreg.gather [hbm4b:s5+s3], $0x80, v4, vm0, $0xb8;
	[tilespmem:$0x18800] =	vst v63  }
0x329: {  	s11 =	simm.s32 $0xD800  }
0x32a: {  	[tilespmem:s11], [sflag:$0x2] =	stream.indirect_vreg.gather [hbm4b:s6+s3], $0x80, v4, vm0, $0xb8;
	[tilespmem:$0x18800] =	vst v63  }
0x32b: {  	s18 =	simm.s32 $0xE000  }
0x32c: {  	[tilespmem:s18], [sflag:$0x2] =	stream.indirect_vreg.gather [hbm4b:s2+s3], $0x80, v3, vm0, $0xb8;
	[tilespmem:$0x18800] =	vst v63  }
0x32d: {  	s19 =	simm.s32 $0xE800  }
0x32e: {  	[tilespmem:s19], [sflag:$0x2] =	stream.indirect_vreg.gather [hbm4b:s5+s3], $0x80, v3, vm0, $0xb8;
	[tilespmem:$0x18800] =	vst v63  }
0x32f: {  	s1 =	simm.s32 $0xF000  }
0x330: {  	[tilespmem:s1], [sflag:$0x2] =	stream.indirect_vreg.gather [hbm4b:s6+s3], $0x80, v3, vm0, $0xb8;
	[tilespmem:$0x18800] =	vst v63  }
0x331: {  	v3 =	vld [tilespmem:$0x250];
	_ =	sdelay $0x4  }
0x332: {  	v29 =	vshrl.u32 v3, $0x3  }
0x333: {  	v4 =	vmul.u32 $0x30, v29  }
0x334: {  	v3 =	vand.u32 $0x7, v3  }
0x335: {  	v3 =	vor.u32 v3, v4  }
0x336: {  	v4 =	vperm.xlane v3, v0;
	_ =	sdelay $0x1  }
0x337: {  	v4 =	vadd.s32 v1, v4;
	_ =	sdelay $0x3  }
0x338: {  	s30 =	simm.s32 $0xF800;
	v3 =	vperm.xlane v3, v2  }
0x339: {  	[tilespmem:s30], [sflag:$0x2] =	stream.indirect_vreg.gather [hbm4b:s2+s3], $0x80, v4, vm0, $0xb8;
	[tilespmem:$0x18800] =	vst v63  }
0x33a: {  	v3 =	vadd.s32 v1, v3  }
0x33b: {  	[tilespmem:s12], [sflag:$0x2] =	stream.indirect_vreg.gather [hbm4b:s5+s3], $0x80, v4, vm0, $0xb8;
	[tilespmem:$0x18800] =	vst v63  }
0x33c: {  	s20 =	simm.s32 $0x10800  }
0x33d: {  	[tilespmem:s20], [sflag:$0x2] =	stream.indirect_vreg.gather [hbm4b:s6+s3], $0x80, v4, vm0, $0xb8;
	[tilespmem:$0x18800] =	vst v63  }
0x33e: {  	s22 =	simm.s32 $0x11000  }
0x33f: {  	[tilespmem:s22], [sflag:$0x2] =	stream.indirect_vreg.gather [hbm4b:s2+s3], $0x80, v3, vm0, $0xb8;
	[tilespmem:$0x18800] =	vst v63  }
0x340: {  	s23 =	simm.s32 $0x11800  }
0x341: {  	[tilespmem:s23], [sflag:$0x2] =	stream.indirect_vreg.gather [hbm4b:s5+s3], $0x80, v3, vm0, $0xb8;
	[tilespmem:$0x18800] =	vst v63  }
0x342: {  	s4 =	simm.s32 $0x12000  }
0x343: {  	[tilespmem:s4], [sflag:$0x2] =	stream.indirect_vreg.gather [hbm4b:s6+s3], $0x80, v3, vm0, $0xb8;
	[tilespmem:$0x18800] =	vst v63  }
0x344: {  	v3 =	vld [tilespmem:$0x260];
	_ =	sdelay $0x4  }
0x345: {  	v30 =	vshrl.u32 v3, $0x3  }
0x346: {  	v4 =	vmul.u32 $0x30, v30  }
0x347: {  	v3 =	vand.u32 $0x7, v3  }
0x348: {  	v3 =	vor.u32 v3, v4  }
0x349: {  	v4 =	vperm.xlane v3, v0;
	_ =	sdelay $0x1  }
0x34a: {  	v4 =	vadd.s32 v1, v4;
	_ =	sdelay $0x3  }
0x34b: {  	s18 =	simm.s32 $0x12800;
	v3 =	vperm.xlane v3, v2  }
0x34c: {  	[tilespmem:s18], [sflag:$0x2] =	stream.indirect_vreg.gather [hbm4b:s2+s3], $0x80, v4, vm0, $0xb8;
	[tilespmem:$0x18800] =	vst v63  }
0x34d: {  	v3 =	vadd.s32 v1, v3  }
0x34e: {  	[tilespmem:s14], [sflag:$0x2] =	stream.indirect_vreg.gather [hbm4b:s5+s3], $0x80, v4, vm0, $0xb8;
	[tilespmem:$0x18800] =	vst v63  }
0x34f: {  	_ = 	snop  }
0x350: {  	[tilespmem:s13], [sflag:$0x2] =	stream.indirect_vreg.gather [hbm4b:s6+s3], $0x80, v4, vm0, $0xb8;
	[tilespmem:$0x18800] =	vst v63  }
0x351: {  	s24 =	simm.s32 $0x14000  }
0x352: {  	[tilespmem:s24], [sflag:$0x2] =	stream.indirect_vreg.gather [hbm4b:s2+s3], $0x80, v3, vm0, $0xb8;
	[tilespmem:$0x18800] =	vst v63  }
0x353: {  	s25 =	simm.s32 $0x14800  }
0x354: {  	[tilespmem:s25], [sflag:$0x2] =	stream.indirect_vreg.gather [hbm4b:s5+s3], $0x80, v3, vm0, $0xb8;
	[tilespmem:$0x18800] =	vst v63  }
0x355: {  	s8 =	simm.s32 $0x15000  }
0x356: {  	[tilespmem:s8], [sflag:$0x2] =	stream.indirect_vreg.gather [hbm4b:s6+s3], $0x80, v3, vm0, $0xb8;
	[tilespmem:$0x18800] =	vst v63  }
0x357: {  	v3 =	vld [tilespmem:$0x270];
	_ =	sdelay $0x4  }
0x358: {  	v31 =	vshrl.u32 v3, $0x3  }
0x359: {  	v4 =	vmul.u32 $0x30, v31  }
0x35a: {  	v3 =	vand.u32 $0x7, v3  }
0x35b: {  	v3 =	vor.u32 v3, v4  }
0x35c: {  	v4 =	vperm.xlane v3, v0;
	_ =	sdelay $0x1  }
0x35d: {  	v4 =	vadd.s32 v1, v4;
	_ =	sdelay $0x3  }
0x35e: {  	s20 =	simm.s32 $0x15800;
	v3 =	vperm.xlane v3, v2  }
0x35f: {  	[tilespmem:s20], [sflag:$0x2] =	stream.indirect_vreg.gather [hbm4b:s2+s3], $0x80, v4, vm0, $0xb8;
	[tilespmem:$0x18800] =	vst v63  }
0x360: {  	v3 =	vadd.s32 v1, v3  }
0x361: {  	[tilespmem:s16], [sflag:$0x2] =	stream.indirect_vreg.gather [hbm4b:s5+s3], $0x80, v4, vm0, $0xb8;
	[tilespmem:$0x18800] =	vst v63  }
0x362: {  	_ = 	snop  }
0x363: {  	[tilespmem:s17], [sflag:$0x2] =	stream.indirect_vreg.gather [hbm4b:s6+s3], $0x80, v4, vm0, $0xb8;
	[tilespmem:$0x18800] =	vst v63  }
0x364: {  	s26 =	simm.s32 $0x17000  }
0x365: {  	[tilespmem:s26], [sflag:$0x2] =	stream.indirect_vreg.gather [hbm4b:s2+s3], $0x80, v3, vm0, $0xb8;
	[tilespmem:$0x18800] =	vst v63  }
0x366: {  	s12 =	simm.s32 $0x17800  }
0x367: {  	[tilespmem:s12], [sflag:$0x2] =	stream.indirect_vreg.gather [hbm4b:s5+s3], $0x80, v3, vm0, $0xb8;
	[tilespmem:$0x18800] =	vst v63  }
0x368: {  	s13 =	simm.s32 $0x18000  }
0x369: {  	[tilespmem:s13], [sflag:$0x2] =	stream.indirect_vreg.gather [hbm4b:s6+s3], $0x80, v3, vm0, $0xb8;
	[tilespmem:$0x18800] =	vst v63  }
0x36a: {  	s29 =	simm.s32 $0x800;
	s28 =	rddreg [dreg:$0xc]  }
0x36b: {  	[hbm4b:s28+s3] =	stream.linear.scatter [tilespmem:s29], [sflag:$0x3], $0xC000, $0x38;
	[tilespmem:$0x18800] =	vst v63  }
0x36c: {  	_ =	swait.ge [sflag:s0], $0xC000  }
0x36d: {  	[sflag:s0] =	ssyncset.done $0x0  }
0x36e: {  	[sflag:s0] =	ssyncadd.s32 $0xFFFF4000  }
0x36f: {  	_ =	swait.ge [sflag:s7], $0xC000  }
0x370: {  	[sflag:s7] =	ssyncset.done $0x0  }
0x371: {  	[sflag:s7] =	ssyncadd.s32 $0xFFFF4000  }
0x372: {  	v3 =	vld [tilespmem:$0x280];
	_ =	sdelay $0x4  }
0x373: {  	v32 =	vshrl.u32 v3, $0x3  }
0x374: {  	v4 =	vmul.u32 $0x30, v32  }
0x375: {  	v3 =	vand.u32 $0x7, v3  }
0x376: {  	v3 =	vor.u32 v3, v4  }
0x377: {  	v4 =	vperm.xlane v3, v0;
	_ =	sdelay $0x1  }
0x378: {  	v4 =	vadd.s32 v1, v4;
	_ =	sdelay $0x3  }
0x379: {  	v3 =	vperm.xlane v3, v2  }
0x37a: {  	[tilespmem:s29], [sflag:$0x1] =	stream.indirect_vreg.gather [hbm4b:s2+s3], $0x80, v4, vm0, $0xb8;
	[tilespmem:$0x18800] =	vst v63  }
0x37b: {  	s16 =	simm.s32 $0x1000;
	v3 =	vadd.s32 v1, v3  }
0x37c: {  	[tilespmem:s16], [sflag:$0x1] =	stream.indirect_vreg.gather [hbm4b:s5+s3], $0x80, v4, vm0, $0xb8;
	[tilespmem:$0x18800] =	vst v63  }
0x37d: {  	s17 =	simm.s32 $0x1800  }
0x37e: {  	[tilespmem:s17], [sflag:$0x1] =	stream.indirect_vreg.gather [hbm4b:s6+s3], $0x80, v4, vm0, $0xb8;
	[tilespmem:$0x18800] =	vst v63  }
0x37f: {  	s19 =	simm.s32 $0x2000  }
0x380: {  	[tilespmem:s19], [sflag:$0x1] =	stream.indirect_vreg.gather [hbm4b:s2+s3], $0x80, v3, vm0, $0xb8;
	[tilespmem:$0x18800] =	vst v63  }
0x381: {  	s22 =	simm.s32 $0x2800  }
0x382: {  	[tilespmem:s22], [sflag:$0x1] =	stream.indirect_vreg.gather [hbm4b:s5+s3], $0x80, v3, vm0, $0xb8;
	[tilespmem:$0x18800] =	vst v63  }
0x383: {  	s26 =	simm.s32 $0x3000  }
0x384: {  	[tilespmem:s26], [sflag:$0x1] =	stream.indirect_vreg.gather [hbm4b:s6+s3], $0x80, v3, vm0, $0xb8;
	[tilespmem:$0x18800] =	vst v63  }
0x385: {  	v3 =	vld [tilespmem:$0x290];
	_ =	sdelay $0x4  }
0x386: {  	v33 =	vshrl.u32 v3, $0x3  }
0x387: {  	v4 =	vmul.u32 $0x30, v33  }
0x388: {  	v3 =	vand.u32 $0x7, v3  }
0x389: {  	v3 =	vor.u32 v3, v4  }
0x38a: {  	v4 =	vperm.xlane v3, v0;
	_ =	sdelay $0x1  }
0x38b: {  	v4 =	vadd.s32 v1, v4;
	_ =	sdelay $0x3  }
0x38c: {  	s28 =	simm.s32 $0x3800;
	v3 =	vperm.xlane v3, v2  }
0x38d: {  	[tilespmem:s28], [sflag:$0x1] =	stream.indirect_vreg.gather [hbm4b:s2+s3], $0x80, v4, vm0, $0xb8;
	[tilespmem:$0x18800] =	vst v63  }
0x38e: {  	s23 =	simm.s32 $0x4000;
	v3 =	vadd.s32 v1, v3  }
0x38f: {  	[tilespmem:s23], [sflag:$0x1] =	stream.indirect_vreg.gather [hbm4b:s5+s3], $0x80, v4, vm0, $0xb8;
	[tilespmem:$0x18800] =	vst v63  }
0x390: {  	s9 =	simm.s32 $0x4800  }
0x391: {  	[tilespmem:s9], [sflag:$0x1] =	stream.indirect_vreg.gather [hbm4b:s6+s3], $0x80, v4, vm0, $0xb8;
	[tilespmem:$0x18800] =	vst v63  }
0x392: {  	s9 =	simm.s32 $0x5000  }
0x393: {  	[tilespmem:s9], [sflag:$0x1] =	stream.indirect_vreg.gather [hbm4b:s2+s3], $0x80, v3, vm0, $0xb8;
	[tilespmem:$0x18800] =	vst v63  }
0x394: {  	s24 =	simm.s32 $0x5800  }
0x395: {  	[tilespmem:s24], [sflag:$0x1] =	stream.indirect_vreg.gather [hbm4b:s5+s3], $0x80, v3, vm0, $0xb8;
	[tilespmem:$0x18800] =	vst v63  }
0x396: {  	s29 =	simm.s32 $0x6000  }
0x397: {  	[tilespmem:s29], [sflag:$0x1] =	stream.indirect_vreg.gather [hbm4b:s6+s3], $0x80, v3, vm0, $0xb8;
	[tilespmem:$0x18800] =	vst v63  }
0x398: {  	v3 =	vld [tilespmem:$0x2A0];
	_ =	sdelay $0x4  }
0x399: {  	v34 =	vshrl.u32 v3, $0x3  }
0x39a: {  	v4 =	vmul.u32 $0x30, v34  }
0x39b: {  	v3 =	vand.u32 $0x7, v3  }
0x39c: {  	v3 =	vor.u32 v3, v4  }
0x39d: {  	v4 =	vperm.xlane v3, v0;
	_ =	sdelay $0x1  }
0x39e: {  	v4 =	vadd.s32 v1, v4;
	_ =	sdelay $0x3  }
0x39f: {  	v3 =	vperm.xlane v3, v2  }
0x3a0: {  	[tilespmem:s21], [sflag:$0x1] =	stream.indirect_vreg.gather [hbm4b:s2+s3], $0x80, v4, vm0, $0xb8;
	[tilespmem:$0x18800] =	vst v63  }
0x3a1: {  	v3 =	vadd.s32 v1, v3;
	s21 =	simm.s32 $0x7000  }
0x3a2: {  	[tilespmem:s21], [sflag:$0x1] =	stream.indirect_vreg.gather [hbm4b:s5+s3], $0x80, v4, vm0, $0xb8;
	[tilespmem:$0x18800] =	vst v63  }
0x3a3: {  	s25 =	simm.s32 $0x7800  }
0x3a4: {  	[tilespmem:s25], [sflag:$0x1] =	stream.indirect_vreg.gather [hbm4b:s6+s3], $0x80, v4, vm0, $0xb8;
	[tilespmem:$0x18800] =	vst v63  }
0x3a5: {  	s31 =	simm.s32 $0x8000  }
0x3a6: {  	[tilespmem:s31], [sflag:$0x1] =	stream.indirect_vreg.gather [hbm4b:s2+s3], $0x80, v3, vm0, $0xb8;
	[tilespmem:$0x18800] =	vst v63  }
0x3a7: {  	s31 =	simm.s32 $0x8800  }
0x3a8: {  	[tilespmem:s31], [sflag:$0x1] =	stream.indirect_vreg.gather [hbm4b:s5+s3], $0x80, v3, vm0, $0xb8;
	[tilespmem:$0x18800] =	vst v63  }
0x3a9: {  	s14 =	simm.s32 $0x9000  }
0x3aa: {  	[tilespmem:s14], [sflag:$0x1] =	stream.indirect_vreg.gather [hbm4b:s6+s3], $0x80, v3, vm0, $0xb8;
	[tilespmem:$0x18800] =	vst v63  }
0x3ab: {  	v3 =	vld [tilespmem:$0x2B0];
	_ =	sdelay $0x4  }
0x3ac: {  	v35 =	vshrl.u32 v3, $0x3  }
0x3ad: {  	v4 =	vmul.u32 $0x30, v35  }
0x3ae: {  	v3 =	vand.u32 $0x7, v3  }
0x3af: {  	v3 =	vor.u32 v3, v4  }
0x3b0: {  	v4 =	vperm.xlane v3, v0;
	_ =	sdelay $0x1  }
0x3b1: {  	v4 =	vadd.s32 v1, v4;
	_ =	sdelay $0x3  }
0x3b2: {  	s14 =	simm.s32 $0x9800;
	v3 =	vperm.xlane v3, v2  }
0x3b3: {  	[tilespmem:s14], [sflag:$0x1] =	stream.indirect_vreg.gather [hbm4b:s2+s3], $0x80, v4, vm0, $0xb8;
	[tilespmem:$0x18800] =	vst v63  }
0x3b4: {  	s31 =	simm.s32 $0xA000;
	v3 =	vadd.s32 v1, v3  }
0x3b5: {  	[tilespmem:s31], [sflag:$0x1] =	stream.indirect_vreg.gather [hbm4b:s5+s3], $0x80, v4, vm0, $0xb8;
	[tilespmem:$0x18800] =	vst v63  }
0x3b6: {  	s31 =	simm.s32 $0xA800  }
0x3b7: {  	[tilespmem:s31], [sflag:$0x1] =	stream.indirect_vreg.gather [hbm4b:s6+s3], $0x80, v4, vm0, $0xb8;
	[tilespmem:$0x18800] =	vst v63  }
0x3b8: {  	s31 =	simm.s32 $0xB000  }
0x3b9: {  	[tilespmem:s31], [sflag:$0x1] =	stream.indirect_vreg.gather [hbm4b:s2+s3], $0x80, v3, vm0, $0xb8;
	[tilespmem:$0x18800] =	vst v63  }
0x3ba: {  	s31 =	simm.s32 $0xB800  }
0x3bb: {  	[tilespmem:s31], [sflag:$0x1] =	stream.indirect_vreg.gather [hbm4b:s5+s3], $0x80, v3, vm0, $0xb8;
	[tilespmem:$0x18800] =	vst v63  }
0x3bc: {  	s31 =	simm.s32 $0xC000  }
0x3bd: {  	[tilespmem:s31], [sflag:$0x1] =	stream.indirect_vreg.gather [hbm4b:s6+s3], $0x80, v3, vm0, $0xb8;
	[tilespmem:$0x18800] =	vst v63  }
0x3be: {  	s11 =	rddreg [dreg:$0xd];
	s31 =	simm.s32 $0xC800  }
0x3bf: {  	[hbm4b:s11+s3] =	stream.linear.scatter [tilespmem:s31], [sflag:$0x4], $0xC000, $0x38;
	[tilespmem:$0x18800] =	vst v63  }
0x3c0: {  	_ =	swait.ge [sflag:s15], $0xC000  }
0x3c1: {  	[sflag:s15] =	ssyncset.done $0x0  }
0x3c2: {  	[sflag:s15] =	ssyncadd.s32 $0xFFFF4000  }
0x3c3: {  	_ =	swait.ge [sflag:s10], $0xC000  }
0x3c4: {  	[sflag:s10] =	ssyncset.done $0x0  }
0x3c5: {  	[sflag:s10] =	ssyncadd.s32 $0xFFFF4000  }
0x3c6: {  	v3 =	vld [tilespmem:$0x2C0];
	_ =	sdelay $0x4  }
0x3c7: {  	v36 =	vshrl.u32 v3, $0x3  }
0x3c8: {  	v4 =	vmul.u32 $0x30, v36  }
0x3c9: {  	v3 =	vand.u32 $0x7, v3  }
0x3ca: {  	v3 =	vor.u32 v3, v4  }
0x3cb: {  	v4 =	vperm.xlane v3, v0;
	_ =	sdelay $0x1  }
0x3cc: {  	v4 =	vadd.s32 v1, v4;
	_ =	sdelay $0x3  }
0x3cd: {  	v3 =	vperm.xlane v3, v2  }
0x3ce: {  	[tilespmem:s31], [sflag:$0x2] =	stream.indirect_vreg.gather [hbm4b:s2+s3], $0x80, v4, vm0, $0xb8;
	[tilespmem:$0x18800] =	vst v63  }
0x3cf: {  	v3 =	vadd.s32 v1, v3;
	s31 =	simm.s32 $0xD000  }
0x3d0: {  	[tilespmem:s31], [sflag:$0x2] =	stream.indirect_vreg.gather [hbm4b:s5+s3], $0x80, v4, vm0, $0xb8;
	[tilespmem:$0x18800] =	vst v63  }
0x3d1: {  	s11 =	simm.s32 $0xD800  }
0x3d2: {  	[tilespmem:s11], [sflag:$0x2] =	stream.indirect_vreg.gather [hbm4b:s6+s3], $0x80, v4, vm0, $0xb8;
	[tilespmem:$0x18800] =	vst v63  }
0x3d3: {  	s11 =	simm.s32 $0xE000  }
0x3d4: {  	[tilespmem:s11], [sflag:$0x2] =	stream.indirect_vreg.gather [hbm4b:s2+s3], $0x80, v3, vm0, $0xb8;
	[tilespmem:$0x18800] =	vst v63  }
0x3d5: {  	s11 =	simm.s32 $0xE800  }
0x3d6: {  	[tilespmem:s11], [sflag:$0x2] =	stream.indirect_vreg.gather [hbm4b:s5+s3], $0x80, v3, vm0, $0xb8;
	[tilespmem:$0x18800] =	vst v63  }
0x3d7: {  	_ = 	snop  }
0x3d8: {  	[tilespmem:s1], [sflag:$0x2] =	stream.indirect_vreg.gather [hbm4b:s6+s3], $0x80, v3, vm0, $0xb8;
	[tilespmem:$0x18800] =	vst v63  }
0x3d9: {  	v3 =	vld [tilespmem:$0x2D0];
	_ =	sdelay $0x4  }
0x3da: {  	v37 =	vshrl.u32 v3, $0x3  }
0x3db: {  	v4 =	vmul.u32 $0x30, v37  }
0x3dc: {  	v3 =	vand.u32 $0x7, v3  }
0x3dd: {  	v3 =	vor.u32 v3, v4  }
0x3de: {  	v4 =	vperm.xlane v3, v0;
	_ =	sdelay $0x1  }
0x3df: {  	v4 =	vadd.s32 v1, v4;
	_ =	sdelay $0x3  }
0x3e0: {  	v3 =	vperm.xlane v3, v2  }
0x3e1: {  	[tilespmem:s30], [sflag:$0x2] =	stream.indirect_vreg.gather [hbm4b:s2+s3], $0x80, v4, vm0, $0xb8;
	[tilespmem:$0x18800] =	vst v63  }
0x3e2: {  	s1 =	simm.s32 $0x10000;
	v3 =	vadd.s32 v1, v3  }
0x3e3: {  	[tilespmem:s1], [sflag:$0x2] =	stream.indirect_vreg.gather [hbm4b:s5+s3], $0x80, v4, vm0, $0xb8;
	[tilespmem:$0x18800] =	vst v63  }
0x3e4: {  	s30 =	simm.s32 $0x10800  }
0x3e5: {  	[tilespmem:s30], [sflag:$0x2] =	stream.indirect_vreg.gather [hbm4b:s6+s3], $0x80, v4, vm0, $0xb8;
	[tilespmem:$0x18800] =	vst v63  }
0x3e6: {  	s11 =	simm.s32 $0x11000  }
0x3e7: {  	[tilespmem:s11], [sflag:$0x2] =	stream.indirect_vreg.gather [hbm4b:s2+s3], $0x80, v3, vm0, $0xb8;
	[tilespmem:$0x18800] =	vst v63  }
0x3e8: {  	s11 =	simm.s32 $0x11800  }
0x3e9: {  	[tilespmem:s11], [sflag:$0x2] =	stream.indirect_vreg.gather [hbm4b:s5+s3], $0x80, v3, vm0, $0xb8;
	[tilespmem:$0x18800] =	vst v63  }
0x3ea: {  	_ = 	snop  }
0x3eb: {  	[tilespmem:s4], [sflag:$0x2] =	stream.indirect_vreg.gather [hbm4b:s6+s3], $0x80, v3, vm0, $0xb8;
	[tilespmem:$0x18800] =	vst v63  }
0x3ec: {  	v3 =	vld [tilespmem:$0x2E0];
	_ =	sdelay $0x4  }
0x3ed: {  	v38 =	vshrl.u32 v3, $0x3  }
0x3ee: {  	v4 =	vmul.u32 $0x30, v38  }
0x3ef: {  	v3 =	vand.u32 $0x7, v3  }
0x3f0: {  	v3 =	vor.u32 v3, v4  }
0x3f1: {  	v4 =	vperm.xlane v3, v0;
	_ =	sdelay $0x1  }
0x3f2: {  	v4 =	vadd.s32 v1, v4;
	_ =	sdelay $0x3  }
0x3f3: {  	v3 =	vperm.xlane v3, v2  }
0x3f4: {  	[tilespmem:s18], [sflag:$0x2] =	stream.indirect_vreg.gather [hbm4b:s2+s3], $0x80, v4, vm0, $0xb8;
	[tilespmem:$0x18800] =	vst v63  }
0x3f5: {  	v3 =	vadd.s32 v1, v3;
	s18 =	simm.s32 $0x13000  }
0x3f6: {  	[tilespmem:s18], [sflag:$0x2] =	stream.indirect_vreg.gather [hbm4b:s5+s3], $0x80, v4, vm0, $0xb8;
	[tilespmem:$0x18800] =	vst v63  }
0x3f7: {  	s18 =	simm.s32 $0x13800  }
0x3f8: {  	[tilespmem:s18], [sflag:$0x2] =	stream.indirect_vreg.gather [hbm4b:s6+s3], $0x80, v4, vm0, $0xb8;
	[tilespmem:$0x18800] =	vst v63  }
0x3f9: {  	s11 =	simm.s32 $0x14000  }
0x3fa: {  	[tilespmem:s11], [sflag:$0x2] =	stream.indirect_vreg.gather [hbm4b:s2+s3], $0x80, v3, vm0, $0xb8;
	[tilespmem:$0x18800] =	vst v63  }
0x3fb: {  	s11 =	simm.s32 $0x14800  }
0x3fc: {  	[tilespmem:s11], [sflag:$0x2] =	stream.indirect_vreg.gather [hbm4b:s5+s3], $0x80, v3, vm0, $0xb8;
	[tilespmem:$0x18800] =	vst v63  }
0x3fd: {  	_ = 	snop  }
0x3fe: {  	[tilespmem:s8], [sflag:$0x2] =	stream.indirect_vreg.gather [hbm4b:s6+s3], $0x80, v3, vm0, $0xb8;
	[tilespmem:$0x18800] =	vst v63  }
0x3ff: {  	v3 =	vld [tilespmem:$0x2F0];
	_ =	sdelay $0x4  }
0x400: {  	v39 =	vshrl.u32 v3, $0x3  }
0x401: {  	v4 =	vmul.u32 $0x30, v39  }
0x402: {  	v3 =	vand.u32 $0x7, v3  }
0x403: {  	v3 =	vor.u32 v3, v4  }
0x404: {  	v4 =	vperm.xlane v3, v0;
	_ =	sdelay $0x1  }
0x405: {  	v4 =	vadd.s32 v1, v4;
	_ =	sdelay $0x3  }
0x406: {  	v3 =	vperm.xlane v3, v2  }
0x407: {  	[tilespmem:s20], [sflag:$0x2] =	stream.indirect_vreg.gather [hbm4b:s2+s3], $0x80, v4, vm0, $0xb8;
	[tilespmem:$0x18800] =	vst v63  }
0x408: {  	s8 =	simm.s32 $0x16000;
	v3 =	vadd.s32 v1, v3  }
0x409: {  	[tilespmem:s8], [sflag:$0x2] =	stream.indirect_vreg.gather [hbm4b:s5+s3], $0x80, v4, vm0, $0xb8;
	[tilespmem:$0x18800] =	vst v63  }
0x40a: {  	s20 =	simm.s32 $0x16800  }
0x40b: {  	[tilespmem:s20], [sflag:$0x2] =	stream.indirect_vreg.gather [hbm4b:s6+s3], $0x80, v4, vm0, $0xb8;
	[tilespmem:$0x18800] =	vst v63  }
0x40c: {  	s11 =	simm.s32 $0x17000  }
0x40d: {  	[tilespmem:s11], [sflag:$0x2] =	stream.indirect_vreg.gather [hbm4b:s2+s3], $0x80, v3, vm0, $0xb8;
	[tilespmem:$0x18800] =	vst v63  }
0x40e: {  	_ = 	snop  }
0x40f: {  	[tilespmem:s12], [sflag:$0x2] =	stream.indirect_vreg.gather [hbm4b:s5+s3], $0x80, v3, vm0, $0xb8;
	[tilespmem:$0x18800] =	vst v63  }
0x410: {  	_ = 	snop  }
0x411: {  	[tilespmem:s13], [sflag:$0x2] =	stream.indirect_vreg.gather [hbm4b:s6+s3], $0x80, v3, vm0, $0xb8;
	[tilespmem:$0x18800] =	vst v63  }
0x412: {  	s12 =	rddreg [dreg:$0xe];
	s13 =	simm.s32 $0x800  }
0x413: {  	[hbm4b:s12+s3] =	stream.linear.scatter [tilespmem:s13], [sflag:$0x3], $0xC000, $0x38;
	[tilespmem:$0x18800] =	vst v63  }
0x414: {  	_ =	swait.ge [sflag:s0], $0xC000  }
0x415: {  	[sflag:s0] =	ssyncset.done $0x0  }
0x416: {  	[sflag:s0] =	ssyncadd.s32 $0xFFFF4000  }
0x417: {  	_ =	swait.ge [sflag:s7], $0xC000  }
0x418: {  	[sflag:s7] =	ssyncset.done $0x0  }
0x419: {  	[sflag:s7] =	ssyncadd.s32 $0xFFFF4000  }
0x41a: {  	v3 =	vld [tilespmem:$0x300];
	_ =	sdelay $0x4  }
0x41b: {  	v40 =	vshrl.u32 v3, $0x3  }
0x41c: {  	v4 =	vmul.u32 $0x30, v40  }
0x41d: {  	v3 =	vand.u32 $0x7, v3  }
0x41e: {  	v3 =	vor.u32 v3, v4  }
0x41f: {  	v4 =	vperm.xlane v3, v0;
	_ =	sdelay $0x1  }
0x420: {  	v4 =	vadd.s32 v1, v4;
	_ =	sdelay $0x3  }
0x421: {  	v3 =	vperm.xlane v3, v2  }
0x422: {  	[tilespmem:s13], [sflag:$0x1] =	stream.indirect_vreg.gather [hbm4b:s2+s3], $0x80, v4, vm0, $0xb8;
	[tilespmem:$0x18800] =	vst v63  }
0x423: {  	v3 =	vadd.s32 v1, v3  }
0x424: {  	[tilespmem:s16], [sflag:$0x1] =	stream.indirect_vreg.gather [hbm4b:s5+s3], $0x80, v4, vm0, $0xb8;
	[tilespmem:$0x18800] =	vst v63  }
0x425: {  	_ = 	snop  }
0x426: {  	[tilespmem:s17], [sflag:$0x1] =	stream.indirect_vreg.gather [hbm4b:s6+s3], $0x80, v4, vm0, $0xb8;
	[tilespmem:$0x18800] =	vst v63  }
0x427: {  	_ = 	snop  }
0x428: {  	[tilespmem:s19], [sflag:$0x1] =	stream.indirect_vreg.gather [hbm4b:s2+s3], $0x80, v3, vm0, $0xb8;
	[tilespmem:$0x18800] =	vst v63  }
0x429: {  	_ = 	snop  }
0x42a: {  	[tilespmem:s22], [sflag:$0x1] =	stream.indirect_vreg.gather [hbm4b:s5+s3], $0x80, v3, vm0, $0xb8;
	[tilespmem:$0x18800] =	vst v63  }
0x42b: {  	_ = 	snop  }
0x42c: {  	[tilespmem:s26], [sflag:$0x1] =	stream.indirect_vreg.gather [hbm4b:s6+s3], $0x80, v3, vm0, $0xb8;
	[tilespmem:$0x18800] =	vst v63  }
0x42d: {  	v3 =	vld [tilespmem:$0x310];
	_ =	sdelay $0x4  }
0x42e: {  	v41 =	vshrl.u32 v3, $0x3  }
0x42f: {  	v4 =	vmul.u32 $0x30, v41  }
0x430: {  	v3 =	vand.u32 $0x7, v3  }
0x431: {  	v3 =	vor.u32 v3, v4  }
0x432: {  	v4 =	vperm.xlane v3, v0;
	_ =	sdelay $0x1  }
0x433: {  	v4 =	vadd.s32 v1, v4;
	_ =	sdelay $0x3  }
0x434: {  	v3 =	vperm.xlane v3, v2  }
0x435: {  	[tilespmem:s28], [sflag:$0x1] =	stream.indirect_vreg.gather [hbm4b:s2+s3], $0x80, v4, vm0, $0xb8;
	[tilespmem:$0x18800] =	vst v63  }
0x436: {  	v3 =	vadd.s32 v1, v3  }
0x437: {  	[tilespmem:s23], [sflag:$0x1] =	stream.indirect_vreg.gather [hbm4b:s5+s3], $0x80, v4, vm0, $0xb8;
	[tilespmem:$0x18800] =	vst v63  }
0x438: {  	s26 =	simm.s32 $0x4800  }
0x439: {  	[tilespmem:s26], [sflag:$0x1] =	stream.indirect_vreg.gather [hbm4b:s6+s3], $0x80, v4, vm0, $0xb8;
	[tilespmem:$0x18800] =	vst v63  }
0x43a: {  	_ = 	snop  }
0x43b: {  	[tilespmem:s9], [sflag:$0x1] =	stream.indirect_vreg.gather [hbm4b:s2+s3], $0x80, v3, vm0, $0xb8;
	[tilespmem:$0x18800] =	vst v63  }
0x43c: {  	_ = 	snop  }
0x43d: {  	[tilespmem:s24], [sflag:$0x1] =	stream.indirect_vreg.gather [hbm4b:s5+s3], $0x80, v3, vm0, $0xb8;
	[tilespmem:$0x18800] =	vst v63  }
0x43e: {  	_ = 	snop  }
0x43f: {  	[tilespmem:s29], [sflag:$0x1] =	stream.indirect_vreg.gather [hbm4b:s6+s3], $0x80, v3, vm0, $0xb8;
	[tilespmem:$0x18800] =	vst v63  }
0x440: {  	v3 =	vld [tilespmem:$0x320];
	_ =	sdelay $0x4  }
0x441: {  	v42 =	vshrl.u32 v3, $0x3  }
0x442: {  	v4 =	vmul.u32 $0x30, v42  }
0x443: {  	v3 =	vand.u32 $0x7, v3  }
0x444: {  	v3 =	vor.u32 v3, v4  }
0x445: {  	v4 =	vperm.xlane v3, v0;
	_ =	sdelay $0x1  }
0x446: {  	v4 =	vadd.s32 v1, v4;
	_ =	sdelay $0x3  }
0x447: {  	s24 =	simm.s32 $0x6800;
	v3 =	vperm.xlane v3, v2  }
0x448: {  	[tilespmem:s24], [sflag:$0x1] =	stream.indirect_vreg.gather [hbm4b:s2+s3], $0x80, v4, vm0, $0xb8;
	[tilespmem:$0x18800] =	vst v63  }
0x449: {  	v3 =	vadd.s32 v1, v3  }
0x44a: {  	[tilespmem:s21], [sflag:$0x1] =	stream.indirect_vreg.gather [hbm4b:s5+s3], $0x80, v4, vm0, $0xb8;
	[tilespmem:$0x18800] =	vst v63  }
0x44b: {  	_ = 	snop  }
0x44c: {  	[tilespmem:s25], [sflag:$0x1] =	stream.indirect_vreg.gather [hbm4b:s6+s3], $0x80, v4, vm0, $0xb8;
	[tilespmem:$0x18800] =	vst v63  }
0x44d: {  	s25 =	simm.s32 $0x8000  }
0x44e: {  	[tilespmem:s25], [sflag:$0x1] =	stream.indirect_vreg.gather [hbm4b:s2+s3], $0x80, v3, vm0, $0xb8;
	[tilespmem:$0x18800] =	vst v63  }
0x44f: {  	s9 =	simm.s32 $0x8800  }
0x450: {  	[tilespmem:s9], [sflag:$0x1] =	stream.indirect_vreg.gather [hbm4b:s5+s3], $0x80, v3, vm0, $0xb8;
	[tilespmem:$0x18800] =	vst v63  }
0x451: {  	s16 =	simm.s32 $0x9000  }
0x452: {  	[tilespmem:s16], [sflag:$0x1] =	stream.indirect_vreg.gather [hbm4b:s6+s3], $0x80, v3, vm0, $0xb8;
	[tilespmem:$0x18800] =	vst v63  }
0x453: {  	v3 =	vld [tilespmem:$0x330];
	_ =	sdelay $0x4  }
0x454: {  	v43 =	vshrl.u32 v3, $0x3  }
0x455: {  	v4 =	vmul.u32 $0x30, v43  }
0x456: {  	v3 =	vand.u32 $0x7, v3  }
0x457: {  	v3 =	vor.u32 v3, v4  }
0x458: {  	v4 =	vperm.xlane v3, v0;
	_ =	sdelay $0x1  }
0x459: {  	v4 =	vadd.s32 v1, v4;
	_ =	sdelay $0x3  }
0x45a: {  	v3 =	vperm.xlane v3, v2  }
0x45b: {  	[tilespmem:s14], [sflag:$0x1] =	stream.indirect_vreg.gather [hbm4b:s2+s3], $0x80, v4, vm0, $0xb8;
	[tilespmem:$0x18800] =	vst v63  }
0x45c: {  	s29 =	simm.s32 $0xA000;
	v3 =	vadd.s32 v1, v3  }
0x45d: {  	[tilespmem:s29], [sflag:$0x1] =	stream.indirect_vreg.gather [hbm4b:s5+s3], $0x80, v4, vm0, $0xb8;
	[tilespmem:$0x18800] =	vst v63  }
0x45e: {  	s12 =	simm.s32 $0xA800  }
0x45f: {  	[tilespmem:s12], [sflag:$0x1] =	stream.indirect_vreg.gather [hbm4b:s6+s3], $0x80, v4, vm0, $0xb8;
	[tilespmem:$0x18800] =	vst v63  }
0x460: {  	s14 =	simm.s32 $0xB000  }
0x461: {  	[tilespmem:s14], [sflag:$0x1] =	stream.indirect_vreg.gather [hbm4b:s2+s3], $0x80, v3, vm0, $0xb8;
	[tilespmem:$0x18800] =	vst v63  }
0x462: {  	s13 =	simm.s32 $0xB800  }
0x463: {  	[tilespmem:s13], [sflag:$0x1] =	stream.indirect_vreg.gather [hbm4b:s5+s3], $0x80, v3, vm0, $0xb8;
	[tilespmem:$0x18800] =	vst v63  }
0x464: {  	s28 =	simm.s32 $0xC000  }
0x465: {  	[tilespmem:s28], [sflag:$0x1] =	stream.indirect_vreg.gather [hbm4b:s6+s3], $0x80, v3, vm0, $0xb8;
	[tilespmem:$0x18800] =	vst v63  }
0x466: {  	s8 =	simm.s32 $0xC800;
	s4 =	rddreg [dreg:$0xf]  }
0x467: {  	[hbm4b:s4+s3] =	stream.linear.scatter [tilespmem:s8], [sflag:$0x4], $0xC000, $0x38;
	[tilespmem:$0x18800] =	vst v63  }
0x468: {  	_ =	swait.ge [sflag:s15], $0xC000  }
0x469: {  	[sflag:s15] =	ssyncset.done $0x0  }
0x46a: {  	[sflag:s15] =	ssyncadd.s32 $0xFFFF4000  }
0x46b: {  	_ =	swait.ge [sflag:s10], $0xC000  }
0x46c: {  	[sflag:s10] =	ssyncset.done $0x0  }
0x46d: {  	[sflag:s10] =	ssyncadd.s32 $0xFFFF4000  }
0x46e: {  	v3 =	vld [tilespmem:$0x340];
	_ =	sdelay $0x4  }
0x46f: {  	v44 =	vshrl.u32 v3, $0x3  }
0x470: {  	v4 =	vmul.u32 $0x30, v44  }
0x471: {  	v3 =	vand.u32 $0x7, v3  }
0x472: {  	v3 =	vor.u32 v3, v4  }
0x473: {  	v4 =	vperm.xlane v3, v0;
	_ =	sdelay $0x1  }
0x474: {  	v4 =	vadd.s32 v1, v4;
	_ =	sdelay $0x3  }
0x475: {  	v3 =	vperm.xlane v3, v2  }
0x476: {  	[tilespmem:s8], [sflag:$0x2] =	stream.indirect_vreg.gather [hbm4b:s2+s3], $0x80, v4, vm0, $0xb8;
	[tilespmem:$0x18800] =	vst v63  }
0x477: {  	v3 =	vadd.s32 v1, v3  }
0x478: {  	[tilespmem:s31], [sflag:$0x2] =	stream.indirect_vreg.gather [hbm4b:s5+s3], $0x80, v4, vm0, $0xb8;
	[tilespmem:$0x18800] =	vst v63  }
0x479: {  	s17 =	simm.s32 $0xD800  }
0x47a: {  	[tilespmem:s17], [sflag:$0x2] =	stream.indirect_vreg.gather [hbm4b:s6+s3], $0x80, v4, vm0, $0xb8;
	[tilespmem:$0x18800] =	vst v63  }
0x47b: {  	s19 =	simm.s32 $0xE000  }
0x47c: {  	[tilespmem:s19], [sflag:$0x2] =	stream.indirect_vreg.gather [hbm4b:s2+s3], $0x80, v3, vm0, $0xb8;
	[tilespmem:$0x18800] =	vst v63  }
0x47d: {  	s21 =	simm.s32 $0xE800  }
0x47e: {  	[tilespmem:s21], [sflag:$0x2] =	stream.indirect_vreg.gather [hbm4b:s5+s3], $0x80, v3, vm0, $0xb8;
	[tilespmem:$0x18800] =	vst v63  }
0x47f: {  	s19 =	simm.s32 $0xF000  }
0x480: {  	[tilespmem:s19], [sflag:$0x2] =	stream.indirect_vreg.gather [hbm4b:s6+s3], $0x80, v3, vm0, $0xb8;
	[tilespmem:$0x18800] =	vst v63  }
0x481: {  	v3 =	vld [tilespmem:$0x350];
	_ =	sdelay $0x4  }
0x482: {  	v45 =	vshrl.u32 v3, $0x3  }
0x483: {  	v4 =	vmul.u32 $0x30, v45  }
0x484: {  	v3 =	vand.u32 $0x7, v3  }
0x485: {  	v3 =	vor.u32 v3, v4  }
0x486: {  	v4 =	vperm.xlane v3, v0;
	_ =	sdelay $0x1  }
0x487: {  	v4 =	vadd.s32 v1, v4;
	_ =	sdelay $0x3  }
0x488: {  	s17 =	simm.s32 $0xF800;
	v3 =	vperm.xlane v3, v2  }
0x489: {  	[tilespmem:s17], [sflag:$0x2] =	stream.indirect_vreg.gather [hbm4b:s2+s3], $0x80, v4, vm0, $0xb8;
	[tilespmem:$0x18800] =	vst v63  }
0x48a: {  	v3 =	vadd.s32 v1, v3  }
0x48b: {  	[tilespmem:s1], [sflag:$0x2] =	stream.indirect_vreg.gather [hbm4b:s5+s3], $0x80, v4, vm0, $0xb8;
	[tilespmem:$0x18800] =	vst v63  }
0x48c: {  	_ = 	snop  }
0x48d: {  	[tilespmem:s30], [sflag:$0x2] =	stream.indirect_vreg.gather [hbm4b:s6+s3], $0x80, v4, vm0, $0xb8;
	[tilespmem:$0x18800] =	vst v63  }
0x48e: {  	s22 =	simm.s32 $0x11000  }
0x48f: {  	[tilespmem:s22], [sflag:$0x2] =	stream.indirect_vreg.gather [hbm4b:s2+s3], $0x80, v3, vm0, $0xb8;
	[tilespmem:$0x18800] =	vst v63  }
0x490: {  	s23 =	simm.s32 $0x11800  }
0x491: {  	[tilespmem:s23], [sflag:$0x2] =	stream.indirect_vreg.gather [hbm4b:s5+s3], $0x80, v3, vm0, $0xb8;
	[tilespmem:$0x18800] =	vst v63  }
0x492: {  	s4 =	simm.s32 $0x12000  }
0x493: {  	[tilespmem:s4], [sflag:$0x2] =	stream.indirect_vreg.gather [hbm4b:s6+s3], $0x80, v3, vm0, $0xb8;
	[tilespmem:$0x18800] =	vst v63  }
0x494: {  	v3 =	vld [tilespmem:$0x360];
	_ =	sdelay $0x4  }
0x495: {  	v46 =	vshrl.u32 v3, $0x3  }
0x496: {  	v4 =	vmul.u32 $0x30, v46  }
0x497: {  	v3 =	vand.u32 $0x7, v3  }
0x498: {  	v3 =	vor.u32 v3, v4  }
0x499: {  	v4 =	vperm.xlane v3, v0;
	_ =	sdelay $0x1  }
0x49a: {  	v4 =	vadd.s32 v1, v4;
	_ =	sdelay $0x3  }
0x49b: {  	s21 =	simm.s32 $0x12800;
	v3 =	vperm.xlane v3, v2  }
0x49c: {  	[tilespmem:s21], [sflag:$0x2] =	stream.indirect_vreg.gather [hbm4b:s2+s3], $0x80, v4, vm0, $0xb8;
	[tilespmem:$0x18800] =	vst v63  }
0x49d: {  	s30 =	simm.s32 $0x13000;
	v3 =	vadd.s32 v1, v3  }
0x49e: {  	[tilespmem:s30], [sflag:$0x2] =	stream.indirect_vreg.gather [hbm4b:s5+s3], $0x80, v4, vm0, $0xb8;
	[tilespmem:$0x18800] =	vst v63  }
0x49f: {  	_ = 	snop  }
0x4a0: {  	[tilespmem:s18], [sflag:$0x2] =	stream.indirect_vreg.gather [hbm4b:s6+s3], $0x80, v4, vm0, $0xb8;
	[tilespmem:$0x18800] =	vst v63  }
0x4a1: {  	s31 =	simm.s32 $0x14000  }
0x4a2: {  	[tilespmem:s31], [sflag:$0x2] =	stream.indirect_vreg.gather [hbm4b:s2+s3], $0x80, v3, vm0, $0xb8;
	[tilespmem:$0x18800] =	vst v63  }
0x4a3: {  	s8 =	simm.s32 $0x14800  }
0x4a4: {  	[tilespmem:s8], [sflag:$0x2] =	stream.indirect_vreg.gather [hbm4b:s5+s3], $0x80, v3, vm0, $0xb8;
	[tilespmem:$0x18800] =	vst v63  }
0x4a5: {  	s8 =	simm.s32 $0x15000  }
0x4a6: {  	[tilespmem:s8], [sflag:$0x2] =	stream.indirect_vreg.gather [hbm4b:s6+s3], $0x80, v3, vm0, $0xb8;
	[tilespmem:$0x18800] =	vst v63  }
0x4a7: {  	v3 =	vld [tilespmem:$0x370];
	_ =	sdelay $0x4  }
0x4a8: {  	v47 =	vshrl.u32 v3, $0x3  }
0x4a9: {  	v4 =	vmul.u32 $0x30, v47  }
0x4aa: {  	v3 =	vand.u32 $0x7, v3  }
0x4ab: {  	v3 =	vor.u32 v3, v4  }
0x4ac: {  	v4 =	vperm.xlane v3, v0;
	_ =	sdelay $0x1  }
0x4ad: {  	v4 =	vadd.s32 v1, v4;
	_ =	sdelay $0x3  }
0x4ae: {  	s22 =	simm.s32 $0x15800;
	v3 =	vperm.xlane v3, v2  }
0x4af: {  	[tilespmem:s22], [sflag:$0x2] =	stream.indirect_vreg.gather [hbm4b:s2+s3], $0x80, v4, vm0, $0xb8;
	[tilespmem:$0x18800] =	vst v63  }
0x4b0: {  	s11 =	simm.s32 $0x16000;
	v3 =	vadd.s32 v1, v3  }
0x4b1: {  	[tilespmem:s11], [sflag:$0x2] =	stream.indirect_vreg.gather [hbm4b:s5+s3], $0x80, v4, vm0, $0xb8;
	[tilespmem:$0x18800] =	vst v63  }
0x4b2: {  	_ = 	snop  }
0x4b3: {  	[tilespmem:s20], [sflag:$0x2] =	stream.indirect_vreg.gather [hbm4b:s6+s3], $0x80, v4, vm0, $0xb8;
	[tilespmem:$0x18800] =	vst v63  }
0x4b4: {  	s18 =	simm.s32 $0x17000  }
0x4b5: {  	[tilespmem:s18], [sflag:$0x2] =	stream.indirect_vreg.gather [hbm4b:s2+s3], $0x80, v3, vm0, $0xb8;
	[tilespmem:$0x18800] =	vst v63  }
0x4b6: {  	s1 =	simm.s32 $0x17800  }
0x4b7: {  	[tilespmem:s1], [sflag:$0x2] =	stream.indirect_vreg.gather [hbm4b:s5+s3], $0x80, v3, vm0, $0xb8;
	[tilespmem:$0x18800] =	vst v63  }
0x4b8: {  	s18 =	simm.s32 $0x18000  }
0x4b9: {  	[tilespmem:s18], [sflag:$0x2] =	stream.indirect_vreg.gather [hbm4b:s6+s3], $0x80, v3, vm0, $0xb8;
	[tilespmem:$0x18800] =	vst v63  }
0x4ba: {  	s23 =	simm.s32 $0x800;
	s20 =	rddreg [dreg:$0x10]  }
0x4bb: {  	[hbm4b:s20+s3] =	stream.linear.scatter [tilespmem:s23], [sflag:$0x3], $0xC000, $0x38;
	[tilespmem:$0x18800] =	vst v63  }
0x4bc: {  	_ =	swait.ge [sflag:s0], $0xC000  }
0x4bd: {  	[sflag:s0] =	ssyncset.done $0x0  }
0x4be: {  	[sflag:s0] =	ssyncadd.s32 $0xFFFF4000  }
0x4bf: {  	_ =	swait.ge [sflag:s7], $0xC000  }
0x4c0: {  	[sflag:s7] =	ssyncset.done $0x0  }
0x4c1: {  	[sflag:s7] =	ssyncadd.s32 $0xFFFF4000  }
0x4c2: {  	v3 =	vld [tilespmem:$0x380];
	_ =	sdelay $0x4  }
0x4c3: {  	v48 =	vshrl.u32 v3, $0x3  }
0x4c4: {  	v4 =	vmul.u32 $0x30, v48  }
0x4c5: {  	v3 =	vand.u32 $0x7, v3  }
0x4c6: {  	v3 =	vor.u32 v3, v4  }
0x4c7: {  	v4 =	vperm.xlane v3, v0;
	_ =	sdelay $0x1  }
0x4c8: {  	v4 =	vadd.s32 v1, v4;
	_ =	sdelay $0x3  }
0x4c9: {  	v3 =	vperm.xlane v3, v2  }
0x4ca: {  	[tilespmem:s23], [sflag:$0x1] =	stream.indirect_vreg.gather [hbm4b:s2+s3], $0x80, v4, vm0, $0xb8;
	[tilespmem:$0x18800] =	vst v63  }
0x4cb: {  	s20 =	simm.s32 $0x1000;
	v3 =	vadd.s32 v1, v3  }
0x4cc: {  	[tilespmem:s20], [sflag:$0x1] =	stream.indirect_vreg.gather [hbm4b:s5+s3], $0x80, v4, vm0, $0xb8;
	[tilespmem:$0x18800] =	vst v63  }
0x4cd: {  	s23 =	simm.s32 $0x1800  }
0x4ce: {  	[tilespmem:s23], [sflag:$0x1] =	stream.indirect_vreg.gather [hbm4b:s6+s3], $0x80, v4, vm0, $0xb8;
	[tilespmem:$0x18800] =	vst v63  }
0x4cf: {  	s30 =	simm.s32 $0x2000  }
0x4d0: {  	[tilespmem:s30], [sflag:$0x1] =	stream.indirect_vreg.gather [hbm4b:s2+s3], $0x80, v3, vm0, $0xb8;
	[tilespmem:$0x18800] =	vst v63  }
0x4d1: {  	s31 =	simm.s32 $0x2800  }
0x4d2: {  	[tilespmem:s31], [sflag:$0x1] =	stream.indirect_vreg.gather [hbm4b:s5+s3], $0x80, v3, vm0, $0xb8;
	[tilespmem:$0x18800] =	vst v63  }
0x4d3: {  	s30 =	simm.s32 $0x3000  }
0x4d4: {  	[tilespmem:s30], [sflag:$0x1] =	stream.indirect_vreg.gather [hbm4b:s6+s3], $0x80, v3, vm0, $0xb8;
	[tilespmem:$0x18800] =	vst v63  }
0x4d5: {  	v3 =	vld [tilespmem:$0x390];
	_ =	sdelay $0x4  }
0x4d6: {  	v49 =	vshrl.u32 v3, $0x3  }
0x4d7: {  	v4 =	vmul.u32 $0x30, v49  }
0x4d8: {  	v3 =	vand.u32 $0x7, v3  }
0x4d9: {  	v3 =	vor.u32 v3, v4  }
0x4da: {  	v4 =	vperm.xlane v3, v0;
	_ =	sdelay $0x1  }
0x4db: {  	v4 =	vadd.s32 v1, v4;
	_ =	sdelay $0x3  }
0x4dc: {  	s31 =	simm.s32 $0x3800;
	v3 =	vperm.xlane v3, v2  }
0x4dd: {  	[tilespmem:s31], [sflag:$0x1] =	stream.indirect_vreg.gather [hbm4b:s2+s3], $0x80, v4, vm0, $0xb8;
	[tilespmem:$0x18800] =	vst v63  }
0x4de: {  	s11 =	simm.s32 $0x4000;
	v3 =	vadd.s32 v1, v3  }
0x4df: {  	[tilespmem:s11], [sflag:$0x1] =	stream.indirect_vreg.gather [hbm4b:s5+s3], $0x80, v4, vm0, $0xb8;
	[tilespmem:$0x18800] =	vst v63  }
0x4e0: {  	_ = 	snop  }
0x4e1: {  	[tilespmem:s26], [sflag:$0x1] =	stream.indirect_vreg.gather [hbm4b:s6+s3], $0x80, v4, vm0, $0xb8;
	[tilespmem:$0x18800] =	vst v63  }
0x4e2: {  	s26 =	simm.s32 $0x5000  }
0x4e3: {  	[tilespmem:s26], [sflag:$0x1] =	stream.indirect_vreg.gather [hbm4b:s2+s3], $0x80, v3, vm0, $0xb8;
	[tilespmem:$0x18800] =	vst v63  }
0x4e4: {  	s26 =	simm.s32 $0x5800  }
0x4e5: {  	[tilespmem:s26], [sflag:$0x1] =	stream.indirect_vreg.gather [hbm4b:s5+s3], $0x80, v3, vm0, $0xb8;
	[tilespmem:$0x18800] =	vst v63  }
0x4e6: {  	s26 =	simm.s32 $0x6000  }
0x4e7: {  	[tilespmem:s26], [sflag:$0x1] =	stream.indirect_vreg.gather [hbm4b:s6+s3], $0x80, v3, vm0, $0xb8;
	[tilespmem:$0x18800] =	vst v63  }
0x4e8: {  	v3 =	vld [tilespmem:$0x3A0];
	_ =	sdelay $0x4  }
0x4e9: {  	v50 =	vshrl.u32 v3, $0x3  }
0x4ea: {  	v4 =	vmul.u32 $0x30, v50  }
0x4eb: {  	v3 =	vand.u32 $0x7, v3  }
0x4ec: {  	v3 =	vor.u32 v3, v4  }
0x4ed: {  	v4 =	vperm.xlane v3, v0;
	_ =	sdelay $0x1  }
0x4ee: {  	v4 =	vadd.s32 v1, v4;
	_ =	sdelay $0x3  }
0x4ef: {  	v3 =	vperm.xlane v3, v2  }
0x4f0: {  	[tilespmem:s24], [sflag:$0x1] =	stream.indirect_vreg.gather [hbm4b:s2+s3], $0x80, v4, vm0, $0xb8;
	[tilespmem:$0x18800] =	vst v63  }
0x4f1: {  	v3 =	vadd.s32 v1, v3;
	s24 =	simm.s32 $0x7000  }
0x4f2: {  	[tilespmem:s24], [sflag:$0x1] =	stream.indirect_vreg.gather [hbm4b:s5+s3], $0x80, v4, vm0, $0xb8;
	[tilespmem:$0x18800] =	vst v63  }
0x4f3: {  	s24 =	simm.s32 $0x7800  }
0x4f4: {  	[tilespmem:s24], [sflag:$0x1] =	stream.indirect_vreg.gather [hbm4b:s6+s3], $0x80, v4, vm0, $0xb8;
	[tilespmem:$0x18800] =	vst v63  }
0x4f5: {  	_ = 	snop  }
0x4f6: {  	[tilespmem:s25], [sflag:$0x1] =	stream.indirect_vreg.gather [hbm4b:s2+s3], $0x80, v3, vm0, $0xb8;
	[tilespmem:$0x18800] =	vst v63  }
0x4f7: {  	_ = 	snop  }
0x4f8: {  	[tilespmem:s9], [sflag:$0x1] =	stream.indirect_vreg.gather [hbm4b:s5+s3], $0x80, v3, vm0, $0xb8;
	[tilespmem:$0x18800] =	vst v63  }
0x4f9: {  	_ = 	snop  }
0x4fa: {  	[tilespmem:s16], [sflag:$0x1] =	stream.indirect_vreg.gather [hbm4b:s6+s3], $0x80, v3, vm0, $0xb8;
	[tilespmem:$0x18800] =	vst v63  }
0x4fb: {  	v3 =	vld [tilespmem:$0x3B0];
	_ =	sdelay $0x4  }
0x4fc: {  	v51 =	vshrl.u32 v3, $0x3  }
0x4fd: {  	v4 =	vmul.u32 $0x30, v51  }
0x4fe: {  	v3 =	vand.u32 $0x7, v3  }
0x4ff: {  	v3 =	vor.u32 v3, v4  }
0x500: {  	v4 =	vperm.xlane v3, v0;
	_ =	sdelay $0x1  }
0x501: {  	v4 =	vadd.s32 v1, v4;
	_ =	sdelay $0x3  }
0x502: {  	s9 =	simm.s32 $0x9800;
	v3 =	vperm.xlane v3, v2  }
0x503: {  	[tilespmem:s9], [sflag:$0x1] =	stream.indirect_vreg.gather [hbm4b:s2+s3], $0x80, v4, vm0, $0xb8;
	[tilespmem:$0x18800] =	vst v63  }
0x504: {  	v3 =	vadd.s32 v1, v3  }
0x505: {  	[tilespmem:s29], [sflag:$0x1] =	stream.indirect_vreg.gather [hbm4b:s5+s3], $0x80, v4, vm0, $0xb8;
	[tilespmem:$0x18800] =	vst v63  }
0x506: {  	_ = 	snop  }
0x507: {  	[tilespmem:s12], [sflag:$0x1] =	stream.indirect_vreg.gather [hbm4b:s6+s3], $0x80, v4, vm0, $0xb8;
	[tilespmem:$0x18800] =	vst v63  }
0x508: {  	_ = 	snop  }
0x509: {  	[tilespmem:s14], [sflag:$0x1] =	stream.indirect_vreg.gather [hbm4b:s2+s3], $0x80, v3, vm0, $0xb8;
	[tilespmem:$0x18800] =	vst v63  }
0x50a: {  	_ = 	snop  }
0x50b: {  	[tilespmem:s13], [sflag:$0x1] =	stream.indirect_vreg.gather [hbm4b:s5+s3], $0x80, v3, vm0, $0xb8;
	[tilespmem:$0x18800] =	vst v63  }
0x50c: {  	_ = 	snop  }
0x50d: {  	[tilespmem:s28], [sflag:$0x1] =	stream.indirect_vreg.gather [hbm4b:s6+s3], $0x80, v3, vm0, $0xb8;
	[tilespmem:$0x18800] =	vst v63  }
0x50e: {  	s25 =	rddreg [dreg:$0x11];
	s29 =	simm.s32 $0xC800  }
0x50f: {  	[hbm4b:s25+s3] =	stream.linear.scatter [tilespmem:s29], [sflag:$0x4], $0xC000, $0x38;
	[tilespmem:$0x18800] =	vst v63  }
0x510: {  	_ =	swait.ge [sflag:s15], $0xC000  }
0x511: {  	[sflag:s15] =	ssyncset.done $0x0  }
0x512: {  	[sflag:s15] =	ssyncadd.s32 $0xFFFF4000  }
0x513: {  	_ =	swait.ge [sflag:s10], $0xC000  }
0x514: {  	[sflag:s10] =	ssyncset.done $0x0  }
0x515: {  	[sflag:s10] =	ssyncadd.s32 $0xFFFF4000  }
0x516: {  	v3 =	vld [tilespmem:$0x3C0];
	_ =	sdelay $0x4  }
0x517: {  	v52 =	vshrl.u32 v3, $0x3  }
0x518: {  	v4 =	vmul.u32 $0x30, v52  }
0x519: {  	v3 =	vand.u32 $0x7, v3  }
0x51a: {  	v3 =	vor.u32 v3, v4  }
0x51b: {  	v4 =	vperm.xlane v3, v0;
	_ =	sdelay $0x1  }
0x51c: {  	v4 =	vadd.s32 v1, v4;
	_ =	sdelay $0x3  }
0x51d: {  	v3 =	vperm.xlane v3, v2  }
0x51e: {  	[tilespmem:s29], [sflag:$0x2] =	stream.indirect_vreg.gather [hbm4b:s2+s3], $0x80, v4, vm0, $0xb8;
	[tilespmem:$0x18800] =	vst v63  }
0x51f: {  	s13 =	simm.s32 $0xD000;
	v3 =	vadd.s32 v1, v3  }
0x520: {  	[tilespmem:s13], [sflag:$0x2] =	stream.indirect_vreg.gather [hbm4b:s5+s3], $0x80, v4, vm0, $0xb8;
	[tilespmem:$0x18800] =	vst v63  }
0x521: {  	s14 =	simm.s32 $0xD800  }
0x522: {  	[tilespmem:s14], [sflag:$0x2] =	stream.indirect_vreg.gather [hbm4b:s6+s3], $0x80, v4, vm0, $0xb8;
	[tilespmem:$0x18800] =	vst v63  }
0x523: {  	s16 =	simm.s32 $0xE000  }
0x524: {  	[tilespmem:s16], [sflag:$0x2] =	stream.indirect_vreg.gather [hbm4b:s2+s3], $0x80, v3, vm0, $0xb8;
	[tilespmem:$0x18800] =	vst v63  }
0x525: {  	s25 =	simm.s32 $0xE800  }
0x526: {  	[tilespmem:s25], [sflag:$0x2] =	stream.indirect_vreg.gather [hbm4b:s5+s3], $0x80, v3, vm0, $0xb8;
	[tilespmem:$0x18800] =	vst v63  }
0x527: {  	_ = 	snop  }
0x528: {  	[tilespmem:s19], [sflag:$0x2] =	stream.indirect_vreg.gather [hbm4b:s6+s3], $0x80, v3, vm0, $0xb8;
	[tilespmem:$0x18800] =	vst v63  }
0x529: {  	v3 =	vld [tilespmem:$0x3D0];
	_ =	sdelay $0x4  }
0x52a: {  	v53 =	vshrl.u32 v3, $0x3  }
0x52b: {  	v4 =	vmul.u32 $0x30, v53  }
0x52c: {  	v3 =	vand.u32 $0x7, v3  }
0x52d: {  	v3 =	vor.u32 v3, v4  }
0x52e: {  	v4 =	vperm.xlane v3, v0;
	_ =	sdelay $0x1  }
0x52f: {  	v4 =	vadd.s32 v1, v4;
	_ =	sdelay $0x3  }
0x530: {  	v3 =	vperm.xlane v3, v2  }
0x531: {  	[tilespmem:s17], [sflag:$0x2] =	stream.indirect_vreg.gather [hbm4b:s2+s3], $0x80, v4, vm0, $0xb8;
	[tilespmem:$0x18800] =	vst v63  }
0x532: {  	v3 =	vadd.s32 v1, v3;
	s17 =	simm.s32 $0x10000  }
0x533: {  	[tilespmem:s17], [sflag:$0x2] =	stream.indirect_vreg.gather [hbm4b:s5+s3], $0x80, v4, vm0, $0xb8;
	[tilespmem:$0x18800] =	vst v63  }
0x534: {  	s19 =	simm.s32 $0x10800  }
0x535: {  	[tilespmem:s19], [sflag:$0x2] =	stream.indirect_vreg.gather [hbm4b:s6+s3], $0x80, v4, vm0, $0xb8;
	[tilespmem:$0x18800] =	vst v63  }
0x536: {  	s28 =	simm.s32 $0x11000  }
0x537: {  	[tilespmem:s28], [sflag:$0x2] =	stream.indirect_vreg.gather [hbm4b:s2+s3], $0x80, v3, vm0, $0xb8;
	[tilespmem:$0x18800] =	vst v63  }
0x538: {  	s29 =	simm.s32 $0x11800  }
0x539: {  	[tilespmem:s29], [sflag:$0x2] =	stream.indirect_vreg.gather [hbm4b:s5+s3], $0x80, v3, vm0, $0xb8;
	[tilespmem:$0x18800] =	vst v63  }
0x53a: {  	_ = 	snop  }
0x53b: {  	[tilespmem:s4], [sflag:$0x2] =	stream.indirect_vreg.gather [hbm4b:s6+s3], $0x80, v3, vm0, $0xb8;
	[tilespmem:$0x18800] =	vst v63  }
0x53c: {  	v3 =	vld [tilespmem:$0x3E0];
	_ =	sdelay $0x4  }
0x53d: {  	v54 =	vshrl.u32 v3, $0x3  }
0x53e: {  	v4 =	vmul.u32 $0x30, v54  }
0x53f: {  	v3 =	vand.u32 $0x7, v3  }
0x540: {  	v3 =	vor.u32 v3, v4  }
0x541: {  	v4 =	vperm.xlane v3, v0;
	_ =	sdelay $0x1  }
0x542: {  	v4 =	vadd.s32 v1, v4;
	_ =	sdelay $0x3  }
0x543: {  	v3 =	vperm.xlane v3, v2  }
0x544: {  	[tilespmem:s21], [sflag:$0x2] =	stream.indirect_vreg.gather [hbm4b:s2+s3], $0x80, v4, vm0, $0xb8;
	[tilespmem:$0x18800] =	vst v63  }
0x545: {  	v3 =	vadd.s32 v1, v3;
	s21 =	simm.s32 $0x13000  }
0x546: {  	[tilespmem:s21], [sflag:$0x2] =	stream.indirect_vreg.gather [hbm4b:s5+s3], $0x80, v4, vm0, $0xb8;
	[tilespmem:$0x18800] =	vst v63  }
0x547: {  	s4 =	simm.s32 $0x13800  }
0x548: {  	[tilespmem:s4], [sflag:$0x2] =	stream.indirect_vreg.gather [hbm4b:s6+s3], $0x80, v4, vm0, $0xb8;
	[tilespmem:$0x18800] =	vst v63  }
0x549: {  	s12 =	simm.s32 $0x14000  }
0x54a: {  	[tilespmem:s12], [sflag:$0x2] =	stream.indirect_vreg.gather [hbm4b:s2+s3], $0x80, v3, vm0, $0xb8;
	[tilespmem:$0x18800] =	vst v63  }
0x54b: {  	s12 =	simm.s32 $0x14800  }
0x54c: {  	[tilespmem:s12], [sflag:$0x2] =	stream.indirect_vreg.gather [hbm4b:s5+s3], $0x80, v3, vm0, $0xb8;
	[tilespmem:$0x18800] =	vst v63  }
0x54d: {  	_ = 	snop  }
0x54e: {  	[tilespmem:s8], [sflag:$0x2] =	stream.indirect_vreg.gather [hbm4b:s6+s3], $0x80, v3, vm0, $0xb8;
	[tilespmem:$0x18800] =	vst v63  }
0x54f: {  	v3 =	vld [tilespmem:$0x3F0];
	_ =	sdelay $0x4  }
0x550: {  	v55 =	vshrl.u32 v3, $0x3  }
0x551: {  	v4 =	vmul.u32 $0x30, v55  }
0x552: {  	v3 =	vand.u32 $0x7, v3  }
0x553: {  	v3 =	vor.u32 v3, v4  }
0x554: {  	v4 =	vperm.xlane v3, v0;
	_ =	sdelay $0x1  }
0x555: {  	v4 =	vadd.s32 v1, v4;
	_ =	sdelay $0x3  }
0x556: {  	v3 =	vperm.xlane v3, v2  }
0x557: {  	[tilespmem:s22], [sflag:$0x2] =	stream.indirect_vreg.gather [hbm4b:s2+s3], $0x80, v4, vm0, $0xb8;
	[tilespmem:$0x18800] =	vst v63  }
0x558: {  	s12 =	simm.s32 $0x16000;
	v3 =	vadd.s32 v1, v3  }
0x559: {  	[tilespmem:s12], [sflag:$0x2] =	stream.indirect_vreg.gather [hbm4b:s5+s3], $0x80, v4, vm0, $0xb8;
	[tilespmem:$0x18800] =	vst v63  }
0x55a: {  	s22 =	simm.s32 $0x16800  }
0x55b: {  	[tilespmem:s22], [sflag:$0x2] =	stream.indirect_vreg.gather [hbm4b:s6+s3], $0x80, v4, vm0, $0xb8;
	[tilespmem:$0x18800] =	vst v63  }
0x55c: {  	s11 =	simm.s32 $0x17000  }
0x55d: {  	[tilespmem:s11], [sflag:$0x2] =	stream.indirect_vreg.gather [hbm4b:s2+s3], $0x80, v3, vm0, $0xb8;
	[tilespmem:$0x18800] =	vst v63  }
0x55e: {  	_ = 	snop  }
0x55f: {  	[tilespmem:s1], [sflag:$0x2] =	stream.indirect_vreg.gather [hbm4b:s5+s3], $0x80, v3, vm0, $0xb8;
	[tilespmem:$0x18800] =	vst v63  }
0x560: {  	_ = 	snop  }
0x561: {  	[tilespmem:s18], [sflag:$0x2] =	stream.indirect_vreg.gather [hbm4b:s6+s3], $0x80, v3, vm0, $0xb8;
	[tilespmem:$0x18800] =	vst v63  }
0x562: {  	s12 =	rddreg [dreg:$0x12];
	s18 =	simm.s32 $0x800  }
0x563: {  	[hbm4b:s12+s3] =	stream.linear.scatter [tilespmem:s18], [sflag:$0x3], $0xC000, $0x38;
	[tilespmem:$0x18800] =	vst v63  }
0x564: {  	_ =	swait.ge [sflag:s0], $0xC000  }
0x565: {  	[sflag:s0] =	ssyncset.done $0x0  }
0x566: {  	[sflag:s0] =	ssyncadd.s32 $0xFFFF4000  }
0x567: {  	_ =	swait.ge [sflag:s7], $0xC000  }
0x568: {  	[sflag:s7] =	ssyncset.done $0x0  }
0x569: {  	[sflag:s7] =	ssyncadd.s32 $0xFFFF4000  }
0x56a: {  	v3 =	vld [tilespmem:$0x400];
	_ =	sdelay $0x4  }
0x56b: {  	v56 =	vshrl.u32 v3, $0x3  }
0x56c: {  	v4 =	vmul.u32 $0x30, v56  }
0x56d: {  	v3 =	vand.u32 $0x7, v3  }
0x56e: {  	v3 =	vor.u32 v3, v4  }
0x56f: {  	v4 =	vperm.xlane v3, v0;
	_ =	sdelay $0x1  }
0x570: {  	v4 =	vadd.s32 v1, v4;
	_ =	sdelay $0x3  }
0x571: {  	v3 =	vperm.xlane v3, v2  }
0x572: {  	[tilespmem:s18], [sflag:$0x1] =	stream.indirect_vreg.gather [hbm4b:s2+s3], $0x80, v4, vm0, $0xb8;
	[tilespmem:$0x18800] =	vst v63  }
0x573: {  	v3 =	vadd.s32 v1, v3  }
0x574: {  	[tilespmem:s20], [sflag:$0x1] =	stream.indirect_vreg.gather [hbm4b:s5+s3], $0x80, v4, vm0, $0xb8;
	[tilespmem:$0x18800] =	vst v63  }
0x575: {  	_ = 	snop  }
0x576: {  	[tilespmem:s23], [sflag:$0x1] =	stream.indirect_vreg.gather [hbm4b:s6+s3], $0x80, v4, vm0, $0xb8;
	[tilespmem:$0x18800] =	vst v63  }
0x577: {  	s22 =	simm.s32 $0x2000  }
0x578: {  	[tilespmem:s22], [sflag:$0x1] =	stream.indirect_vreg.gather [hbm4b:s2+s3], $0x80, v3, vm0, $0xb8;
	[tilespmem:$0x18800] =	vst v63  }
0x579: {  	s23 =	simm.s32 $0x2800  }
0x57a: {  	[tilespmem:s23], [sflag:$0x1] =	stream.indirect_vreg.gather [hbm4b:s5+s3], $0x80, v3, vm0, $0xb8;
	[tilespmem:$0x18800] =	vst v63  }
0x57b: {  	_ = 	snop  }
0x57c: {  	[tilespmem:s30], [sflag:$0x1] =	stream.indirect_vreg.gather [hbm4b:s6+s3], $0x80, v3, vm0, $0xb8;
	[tilespmem:$0x18800] =	vst v63  }
0x57d: {  	v3 =	vld [tilespmem:$0x410];
	_ =	sdelay $0x4  }
0x57e: {  	v57 =	vshrl.u32 v3, $0x3  }
0x57f: {  	v4 =	vmul.u32 $0x30, v57  }
0x580: {  	v3 =	vand.u32 $0x7, v3  }
0x581: {  	v3 =	vor.u32 v3, v4  }
0x582: {  	v4 =	vperm.xlane v3, v0;
	_ =	sdelay $0x1  }
0x583: {  	v4 =	vadd.s32 v1, v4;
	_ =	sdelay $0x3  }
0x584: {  	v3 =	vperm.xlane v3, v2  }
0x585: {  	[tilespmem:s31], [sflag:$0x1] =	stream.indirect_vreg.gather [hbm4b:s2+s3], $0x80, v4, vm0, $0xb8;
	[tilespmem:$0x18800] =	vst v63  }
0x586: {  	s18 =	simm.s32 $0x4000;
	v3 =	vadd.s32 v1, v3  }
0x587: {  	[tilespmem:s18], [sflag:$0x1] =	stream.indirect_vreg.gather [hbm4b:s5+s3], $0x80, v4, vm0, $0xb8;
	[tilespmem:$0x18800] =	vst v63  }
0x588: {  	s20 =	simm.s32 $0x4800  }
0x589: {  	[tilespmem:s20], [sflag:$0x1] =	stream.indirect_vreg.gather [hbm4b:s6+s3], $0x80, v4, vm0, $0xb8;
	[tilespmem:$0x18800] =	vst v63  }
0x58a: {  	s31 =	simm.s32 $0x5000  }
0x58b: {  	[tilespmem:s31], [sflag:$0x1] =	stream.indirect_vreg.gather [hbm4b:s2+s3], $0x80, v3, vm0, $0xb8;
	[tilespmem:$0x18800] =	vst v63  }
0x58c: {  	s8 =	simm.s32 $0x5800  }
0x58d: {  	[tilespmem:s8], [sflag:$0x1] =	stream.indirect_vreg.gather [hbm4b:s5+s3], $0x80, v3, vm0, $0xb8;
	[tilespmem:$0x18800] =	vst v63  }
0x58e: {  	_ = 	snop  }
0x58f: {  	[tilespmem:s26], [sflag:$0x1] =	stream.indirect_vreg.gather [hbm4b:s6+s3], $0x80, v3, vm0, $0xb8;
	[tilespmem:$0x18800] =	vst v63  }
0x590: {  	v3 =	vld [tilespmem:$0x420];
	_ =	sdelay $0x4  }
0x591: {  	v58 =	vshrl.u32 v3, $0x3  }
0x592: {  	v4 =	vmul.u32 $0x30, v58  }
0x593: {  	v3 =	vand.u32 $0x7, v3  }
0x594: {  	v3 =	vor.u32 v3, v4  }
0x595: {  	v4 =	vperm.xlane v3, v0;
	_ =	sdelay $0x1  }
0x596: {  	v4 =	vadd.s32 v1, v4;
	_ =	sdelay $0x3  }
0x597: {  	s26 =	simm.s32 $0x6800;
	v3 =	vperm.xlane v3, v2  }
0x598: {  	[tilespmem:s26], [sflag:$0x1] =	stream.indirect_vreg.gather [hbm4b:s2+s3], $0x80, v4, vm0, $0xb8;
	[tilespmem:$0x18800] =	vst v63  }
0x599: {  	s12 =	simm.s32 $0x7000;
	v3 =	vadd.s32 v1, v3  }
0x59a: {  	[tilespmem:s12], [sflag:$0x1] =	stream.indirect_vreg.gather [hbm4b:s5+s3], $0x80, v4, vm0, $0xb8;
	[tilespmem:$0x18800] =	vst v63  }
0x59b: {  	_ = 	snop  }
0x59c: {  	[tilespmem:s24], [sflag:$0x1] =	stream.indirect_vreg.gather [hbm4b:s6+s3], $0x80, v4, vm0, $0xb8;
	[tilespmem:$0x18800] =	vst v63  }
0x59d: {  	s30 =	simm.s32 $0x8000  }
0x59e: {  	[tilespmem:s30], [sflag:$0x1] =	stream.indirect_vreg.gather [hbm4b:s2+s3], $0x80, v3, vm0, $0xb8;
	[tilespmem:$0x18800] =	vst v63  }
0x59f: {  	s20 =	simm.s32 $0x8800  }
0x5a0: {  	[tilespmem:s20], [sflag:$0x1] =	stream.indirect_vreg.gather [hbm4b:s5+s3], $0x80, v3, vm0, $0xb8;
	[tilespmem:$0x18800] =	vst v63  }
0x5a1: {  	s24 =	simm.s32 $0x9000  }
0x5a2: {  	[tilespmem:s24], [sflag:$0x1] =	stream.indirect_vreg.gather [hbm4b:s6+s3], $0x80, v3, vm0, $0xb8;
	[tilespmem:$0x18800] =	vst v63  }
0x5a3: {  	v3 =	vld [tilespmem:$0x430];
	_ =	sdelay $0x4  }
0x5a4: {  	v59 =	vshrl.u32 v3, $0x3  }
0x5a5: {  	v4 =	vmul.u32 $0x30, v59  }
0x5a6: {  	v3 =	vand.u32 $0x7, v3  }
0x5a7: {  	v3 =	vor.u32 v3, v4  }
0x5a8: {  	v4 =	vperm.xlane v3, v0;
	_ =	sdelay $0x1  }
0x5a9: {  	v4 =	vadd.s32 v1, v4;
	_ =	sdelay $0x3  }
0x5aa: {  	v3 =	vperm.xlane v3, v2  }
0x5ab: {  	[tilespmem:s9], [sflag:$0x1] =	stream.indirect_vreg.gather [hbm4b:s2+s3], $0x80, v4, vm0, $0xb8;
	[tilespmem:$0x18800] =	vst v63  }
0x5ac: {  	s26 =	simm.s32 $0xA000;
	v3 =	vadd.s32 v1, v3  }
0x5ad: {  	[tilespmem:s26], [sflag:$0x1] =	stream.indirect_vreg.gather [hbm4b:s5+s3], $0x80, v4, vm0, $0xb8;
	[tilespmem:$0x18800] =	vst v63  }
0x5ae: {  	s30 =	simm.s32 $0xA800  }
0x5af: {  	[tilespmem:s30], [sflag:$0x1] =	stream.indirect_vreg.gather [hbm4b:s6+s3], $0x80, v4, vm0, $0xb8;
	[tilespmem:$0x18800] =	vst v63  }
0x5b0: {  	s11 =	simm.s32 $0xB000  }
0x5b1: {  	[tilespmem:s11], [sflag:$0x1] =	stream.indirect_vreg.gather [hbm4b:s2+s3], $0x80, v3, vm0, $0xb8;
	[tilespmem:$0x18800] =	vst v63  }
0x5b2: {  	s20 =	simm.s32 $0xB800  }
0x5b3: {  	[tilespmem:s20], [sflag:$0x1] =	stream.indirect_vreg.gather [hbm4b:s5+s3], $0x80, v3, vm0, $0xb8;
	[tilespmem:$0x18800] =	vst v63  }
0x5b4: {  	s26 =	simm.s32 $0xC000  }
0x5b5: {  	[tilespmem:s26], [sflag:$0x1] =	stream.indirect_vreg.gather [hbm4b:s6+s3], $0x80, v3, vm0, $0xb8;
	[tilespmem:$0x18800] =	vst v63  }
0x5b6: {  	s24 =	rddreg [dreg:$0x13];
	s30 =	simm.s32 $0xC800  }
0x5b7: {  	[hbm4b:s24+s3] =	stream.linear.scatter [tilespmem:s30], [sflag:$0x4], $0xC000, $0x38;
	[tilespmem:$0x18800] =	vst v63  }
0x5b8: {  	_ =	swait.ge [sflag:s15], $0xC000  }
0x5b9: {  	[sflag:s15] =	ssyncset.done $0x0  }
0x5ba: {  	[sflag:s15] =	ssyncadd.s32 $0xFFFF4000  }
0x5bb: {  	_ =	swait.ge [sflag:s10], $0xC000  }
0x5bc: {  	[sflag:s10] =	ssyncset.done $0x0  }
0x5bd: {  	[sflag:s10] =	ssyncadd.s32 $0xFFFF4000  }
0x5be: {  	v3 =	vld [tilespmem:$0x440];
	_ =	sdelay $0x4  }
0x5bf: {  	v60 =	vshrl.u32 v3, $0x3  }
0x5c0: {  	v4 =	vmul.u32 $0x30, v60  }
0x5c1: {  	v3 =	vand.u32 $0x7, v3  }
0x5c2: {  	v3 =	vor.u32 v3, v4  }
0x5c3: {  	v4 =	vperm.xlane v3, v0;
	_ =	sdelay $0x1  }
0x5c4: {  	v4 =	vadd.s32 v1, v4;
	_ =	sdelay $0x3  }
0x5c5: {  	v3 =	vperm.xlane v3, v2  }
0x5c6: {  	[tilespmem:s30], [sflag:$0x2] =	stream.indirect_vreg.gather [hbm4b:s2+s3], $0x80, v4, vm0, $0xb8;
	[tilespmem:$0x18800] =	vst v63  }
0x5c7: {  	v3 =	vadd.s32 v1, v3  }
0x5c8: {  	[tilespmem:s13], [sflag:$0x2] =	stream.indirect_vreg.gather [hbm4b:s5+s3], $0x80, v4, vm0, $0xb8;
	[tilespmem:$0x18800] =	vst v63  }
0x5c9: {  	_ = 	snop  }
0x5ca: {  	[tilespmem:s14], [sflag:$0x2] =	stream.indirect_vreg.gather [hbm4b:s6+s3], $0x80, v4, vm0, $0xb8;
	[tilespmem:$0x18800] =	vst v63  }
0x5cb: {  	_ = 	snop  }
0x5cc: {  	[tilespmem:s16], [sflag:$0x2] =	stream.indirect_vreg.gather [hbm4b:s2+s3], $0x80, v3, vm0, $0xb8;
	[tilespmem:$0x18800] =	vst v63  }
0x5cd: {  	_ = 	snop  }
0x5ce: {  	[tilespmem:s25], [sflag:$0x2] =	stream.indirect_vreg.gather [hbm4b:s5+s3], $0x80, v3, vm0, $0xb8;
	[tilespmem:$0x18800] =	vst v63  }
0x5cf: {  	s24 =	simm.s32 $0xF000  }
0x5d0: {  	[tilespmem:s24], [sflag:$0x2] =	stream.indirect_vreg.gather [hbm4b:s6+s3], $0x80, v3, vm0, $0xb8;
	[tilespmem:$0x18800] =	vst v63  }
0x5d1: {  	v3 =	vld [tilespmem:$0x450];
	_ =	sdelay $0x4  }
0x5d2: {  	v61 =	vshrl.u32 v3, $0x3  }
0x5d3: {  	v4 =	vmul.u32 $0x30, v61  }
0x5d4: {  	v3 =	vand.u32 $0x7, v3  }
0x5d5: {  	v3 =	vor.u32 v3, v4  }
0x5d6: {  	v4 =	vperm.xlane v3, v0;
	_ =	sdelay $0x1  }
0x5d7: {  	v4 =	vadd.s32 v1, v4;
	_ =	sdelay $0x3  }
0x5d8: {  	s25 =	simm.s32 $0xF800;
	v3 =	vperm.xlane v3, v2  }
0x5d9: {  	[tilespmem:s25], [sflag:$0x2] =	stream.indirect_vreg.gather [hbm4b:s2+s3], $0x80, v4, vm0, $0xb8;
	[tilespmem:$0x18800] =	vst v63  }
0x5da: {  	v3 =	vadd.s32 v1, v3  }
0x5db: {  	[tilespmem:s17], [sflag:$0x2] =	stream.indirect_vreg.gather [hbm4b:s5+s3], $0x80, v4, vm0, $0xb8;
	[tilespmem:$0x18800] =	vst v63  }
0x5dc: {  	_ = 	snop  }
0x5dd: {  	[tilespmem:s19], [sflag:$0x2] =	stream.indirect_vreg.gather [hbm4b:s6+s3], $0x80, v4, vm0, $0xb8;
	[tilespmem:$0x18800] =	vst v63  }
0x5de: {  	_ = 	snop  }
0x5df: {  	[tilespmem:s28], [sflag:$0x2] =	stream.indirect_vreg.gather [hbm4b:s2+s3], $0x80, v3, vm0, $0xb8;
	[tilespmem:$0x18800] =	vst v63  }
0x5e0: {  	_ = 	snop  }
0x5e1: {  	[tilespmem:s29], [sflag:$0x2] =	stream.indirect_vreg.gather [hbm4b:s5+s3], $0x80, v3, vm0, $0xb8;
	[tilespmem:$0x18800] =	vst v63  }
0x5e2: {  	s26 =	simm.s32 $0x12000  }
0x5e3: {  	[tilespmem:s26], [sflag:$0x2] =	stream.indirect_vreg.gather [hbm4b:s6+s3], $0x80, v3, vm0, $0xb8;
	[tilespmem:$0x18800] =	vst v63  }
0x5e4: {  	v3 =	vld [tilespmem:$0x460];
	_ =	sdelay $0x4  }
0x5e5: {  	v62 =	vshrl.u32 v3, $0x3  }
0x5e6: {  	v4 =	vmul.u32 $0x30, v62  }
0x5e7: {  	v3 =	vand.u32 $0x7, v3  }
0x5e8: {  	v3 =	vor.u32 v3, v4  }
0x5e9: {  	v4 =	vperm.xlane v3, v0;
	_ =	sdelay $0x1  }
0x5ea: {  	v4 =	vadd.s32 v1, v4;
	_ =	sdelay $0x3  }
0x5eb: {  	s28 =	simm.s32 $0x12800;
	v3 =	vperm.xlane v3, v2  }
0x5ec: {  	[tilespmem:s28], [sflag:$0x2] =	stream.indirect_vreg.gather [hbm4b:s2+s3], $0x80, v4, vm0, $0xb8;
	[tilespmem:$0x18800] =	vst v63  }
0x5ed: {  	v3 =	vadd.s32 v1, v3  }
0x5ee: {  	[tilespmem:s21], [sflag:$0x2] =	stream.indirect_vreg.gather [hbm4b:s5+s3], $0x80, v4, vm0, $0xb8;
	[tilespmem:$0x18800] =	vst v63  }
0x5ef: {  	_ = 	snop  }
0x5f0: {  	[tilespmem:s4], [sflag:$0x2] =	stream.indirect_vreg.gather [hbm4b:s6+s3], $0x80, v4, vm0, $0xb8;
	[tilespmem:$0x18800] =	vst v63  }
0x5f1: {  	s19 =	simm.s32 $0x14000  }
0x5f2: {  	[tilespmem:s19], [sflag:$0x2] =	stream.indirect_vreg.gather [hbm4b:s2+s3], $0x80, v3, vm0, $0xb8;
	[tilespmem:$0x18800] =	vst v63  }
0x5f3: {  	s20 =	simm.s32 $0x14800  }
0x5f4: {  	[tilespmem:s20], [sflag:$0x2] =	stream.indirect_vreg.gather [hbm4b:s5+s3], $0x80, v3, vm0, $0xb8;
	[tilespmem:$0x18800] =	vst v63  }
0x5f5: {  	s29 =	simm.s32 $0x15000  }
0x5f6: {  	[tilespmem:s29], [sflag:$0x2] =	stream.indirect_vreg.gather [hbm4b:s6+s3], $0x80, v3, vm0, $0xb8;
	[tilespmem:$0x18800] =	vst v63  }
0x5f7: {  	v3 =	vld [tilespmem:$0x470];
	_ =	sdelay $0x4  }
0x5f8: {  	v63 =	vshrl.u32 v3, $0x3  }
0x5f9: {  	v4 =	vmul.u32 $0x30, v63  }
0x5fa: {  	v3 =	vand.u32 $0x7, v3  }
0x5fb: {  	v3 =	vor.u32 v3, v4  }
0x5fc: {  	v4 =	vperm.xlane v3, v0;
	_ =	sdelay $0x1  }
0x5fd: {  	v4 =	vadd.s32 v1, v4;
	_ =	sdelay $0x3  }
0x5fe: {  	s30 =	simm.s32 $0x15800;
	v3 =	vperm.xlane v3, v2  }
0x5ff: {  	[tilespmem:s30], [sflag:$0x2] =	stream.indirect_vreg.gather [hbm4b:s2+s3], $0x80, v4, vm0, $0xb8;
	[tilespmem:$0x18800] =	vst v63  }
0x600: {  	s21 =	simm.s32 $0x16000;
	v3 =	vadd.s32 v1, v3  }
0x601: {  	[tilespmem:s21], [sflag:$0x2] =	stream.indirect_vreg.gather [hbm4b:s5+s3], $0x80, v4, vm0, $0xb8;
	[tilespmem:$0x18800] =	vst v63  }
0x602: {  	s9 =	simm.s32 $0x16800  }
0x603: {  	[tilespmem:s9], [sflag:$0x2] =	stream.indirect_vreg.gather [hbm4b:s6+s3], $0x80, v4, vm0, $0xb8;
	[tilespmem:$0x18800] =	vst v63  }
0x604: {  	s11 =	simm.s32 $0x17000  }
0x605: {  	[tilespmem:s11], [sflag:$0x2] =	stream.indirect_vreg.gather [hbm4b:s2+s3], $0x80, v3, vm0, $0xb8;
	[tilespmem:$0x18800] =	vst v63  }
0x606: {  	s21 =	simm.s32 $0x17800  }
0x607: {  	[tilespmem:s21], [sflag:$0x2] =	stream.indirect_vreg.gather [hbm4b:s5+s3], $0x80, v3, vm0, $0xb8;
	[tilespmem:$0x18800] =	vst v63  }
0x608: {  	s20 =	simm.s32 $0x18000  }
0x609: {  	[tilespmem:s20], [sflag:$0x2] =	stream.indirect_vreg.gather [hbm4b:s6+s3], $0x80, v3, vm0, $0xb8;
	[tilespmem:$0x18800] =	vst v63  }
0x60a: {  	s14 =	simm.s32 $0x800;
	s13 =	rddreg [dreg:$0x14]  }
0x60b: {  	[hbm4b:s13+s3] =	stream.linear.scatter [tilespmem:s14], [sflag:$0x3], $0xC000, $0x38;
	[tilespmem:$0x18800] =	vst v63  }
0x60c: {  	_ =	swait.ge [sflag:s0], $0xC000  }
0x60d: {  	[sflag:s0] =	ssyncset.done $0x0  }
0x60e: {  	[sflag:s0] =	ssyncadd.s32 $0xFFFF4000  }
0x60f: {  	_ =	swait.ge [sflag:s7], $0xC000  }
0x610: {  	[sflag:s7] =	ssyncset.done $0x0  }
0x611: {  	[sflag:s7] =	ssyncadd.s32 $0xFFFF4000  }
0x612: {  	v3 =	vld [tilespmem:$0x480];
	_ =	sdelay $0x4  }
0x613: {  	v8 =	vshrl.u32 v3, $0x3  }
0x614: {  	v4 =	vmul.u32 $0x30, v8  }
0x615: {  	v3 =	vand.u32 $0x7, v3  }
0x616: {  	v3 =	vor.u32 v3, v4  }
0x617: {  	v4 =	vperm.xlane v3, v0;
	_ =	sdelay $0x1  }
0x618: {  	v4 =	vadd.s32 v1, v4;
	_ =	sdelay $0x3  }
0x619: {  	v3 =	vperm.xlane v3, v2  }
0x61a: {  	[tilespmem:s14], [sflag:$0x1] =	stream.indirect_vreg.gather [hbm4b:s2+s3], $0x80, v4, vm0, $0xb8;
	[tilespmem:$0x18800] =	vst v63  }
0x61b: {  	s1 =	simm.s32 $0x1000;
	v3 =	vadd.s32 v1, v3  }
0x61c: {  	[tilespmem:s1], [sflag:$0x1] =	stream.indirect_vreg.gather [hbm4b:s5+s3], $0x80, v4, vm0, $0xb8;
	[tilespmem:$0x18800] =	vst v63  }
0x61d: {  	s1 =	simm.s32 $0x1800  }
0x61e: {  	[tilespmem:s1], [sflag:$0x1] =	stream.indirect_vreg.gather [hbm4b:s6+s3], $0x80, v4, vm0, $0xb8;
	[tilespmem:$0x18800] =	vst v63  }
0x61f: {  	_ = 	snop  }
0x620: {  	[tilespmem:s22], [sflag:$0x1] =	stream.indirect_vreg.gather [hbm4b:s2+s3], $0x80, v3, vm0, $0xb8;
	[tilespmem:$0x18800] =	vst v63  }
0x621: {  	_ = 	snop  }
0x622: {  	[tilespmem:s23], [sflag:$0x1] =	stream.indirect_vreg.gather [hbm4b:s5+s3], $0x80, v3, vm0, $0xb8;
	[tilespmem:$0x18800] =	vst v63  }
0x623: {  	s4 =	simm.s32 $0x3000  }
0x624: {  	[tilespmem:s4], [sflag:$0x1] =	stream.indirect_vreg.gather [hbm4b:s6+s3], $0x80, v3, vm0, $0xb8;
	[tilespmem:$0x18800] =	vst v63  }
0x625: {  	v3 =	vld [tilespmem:$0x490];
	_ =	sdelay $0x4  }
0x626: {  	v9 =	vshrl.u32 v3, $0x3  }
0x627: {  	v4 =	vmul.u32 $0x30, v9  }
0x628: {  	v3 =	vand.u32 $0x7, v3  }
0x629: {  	v3 =	vor.u32 v3, v4  }
0x62a: {  	v4 =	vperm.xlane v3, v0;
	_ =	sdelay $0x1  }
0x62b: {  	v4 =	vadd.s32 v1, v4;
	_ =	sdelay $0x3  }
0x62c: {  	s16 =	simm.s32 $0x3800;
	v3 =	vperm.xlane v3, v2  }
0x62d: {  	[tilespmem:s16], [sflag:$0x1] =	stream.indirect_vreg.gather [hbm4b:s2+s3], $0x80, v4, vm0, $0xb8;
	[tilespmem:$0x18800] =	vst v63  }
0x62e: {  	v3 =	vadd.s32 v1, v3  }
0x62f: {  	[tilespmem:s18], [sflag:$0x1] =	stream.indirect_vreg.gather [hbm4b:s5+s3], $0x80, v4, vm0, $0xb8;
	[tilespmem:$0x18800] =	vst v63  }
0x630: {  	s19 =	simm.s32 $0x4800  }
0x631: {  	[tilespmem:s19], [sflag:$0x1] =	stream.indirect_vreg.gather [hbm4b:s6+s3], $0x80, v4, vm0, $0xb8;
	[tilespmem:$0x18800] =	vst v63  }
0x632: {  	_ = 	snop  }
0x633: {  	[tilespmem:s31], [sflag:$0x1] =	stream.indirect_vreg.gather [hbm4b:s2+s3], $0x80, v3, vm0, $0xb8;
	[tilespmem:$0x18800] =	vst v63  }
0x634: {  	_ = 	snop  }
0x635: {  	[tilespmem:s8], [sflag:$0x1] =	stream.indirect_vreg.gather [hbm4b:s5+s3], $0x80, v3, vm0, $0xb8;
	[tilespmem:$0x18800] =	vst v63  }
0x636: {  	s17 =	simm.s32 $0x6000  }
0x637: {  	[tilespmem:s17], [sflag:$0x1] =	stream.indirect_vreg.gather [hbm4b:s6+s3], $0x80, v3, vm0, $0xb8;
	[tilespmem:$0x18800] =	vst v63  }
0x638: {  	v3 =	vld [tilespmem:$0x4A0];
	_ =	sdelay $0x4  }
0x639: {  	v10 =	vshrl.u32 v3, $0x3  }
0x63a: {  	v4 =	vmul.u32 $0x30, v10  }
0x63b: {  	v3 =	vand.u32 $0x7, v3  }
0x63c: {  	v3 =	vor.u32 v3, v4  }
0x63d: {  	v4 =	vperm.xlane v3, v0;
	_ =	sdelay $0x1  }
0x63e: {  	v4 =	vadd.s32 v1, v4;
	_ =	sdelay $0x3  }
0x63f: {  	s18 =	simm.s32 $0x6800;
	v3 =	vperm.xlane v3, v2  }
0x640: {  	[tilespmem:s18], [sflag:$0x1] =	stream.indirect_vreg.gather [hbm4b:s2+s3], $0x80, v4, vm0, $0xb8;
	[tilespmem:$0x18800] =	vst v63  }
0x641: {  	v3 =	vadd.s32 v1, v3  }
0x642: {  	[tilespmem:s12], [sflag:$0x1] =	stream.indirect_vreg.gather [hbm4b:s5+s3], $0x80, v4, vm0, $0xb8;
	[tilespmem:$0x18800] =	vst v63  }
0x643: {  	s23 =	simm.s32 $0x7800  }
0x644: {  	[tilespmem:s23], [sflag:$0x1] =	stream.indirect_vreg.gather [hbm4b:s6+s3], $0x80, v4, vm0, $0xb8;
	[tilespmem:$0x18800] =	vst v63  }
0x645: {  	s9 =	simm.s32 $0x8000  }
0x646: {  	[tilespmem:s9], [sflag:$0x1] =	stream.indirect_vreg.gather [hbm4b:s2+s3], $0x80, v3, vm0, $0xb8;
	[tilespmem:$0x18800] =	vst v63  }
0x647: {  	s12 =	simm.s32 $0x8800  }
0x648: {  	[tilespmem:s12], [sflag:$0x1] =	stream.indirect_vreg.gather [hbm4b:s5+s3], $0x80, v3, vm0, $0xb8;
	[tilespmem:$0x18800] =	vst v63  }
0x649: {  	s14 =	simm.s32 $0x9000  }
0x64a: {  	[tilespmem:s14], [sflag:$0x1] =	stream.indirect_vreg.gather [hbm4b:s6+s3], $0x80, v3, vm0, $0xb8;
	[tilespmem:$0x18800] =	vst v63  }
0x64b: {  	v3 =	vld [tilespmem:$0x4B0];
	_ =	sdelay $0x4  }
0x64c: {  	v11 =	vshrl.u32 v3, $0x3  }
0x64d: {  	v4 =	vmul.u32 $0x30, v11  }
0x64e: {  	v3 =	vand.u32 $0x7, v3  }
0x64f: {  	v3 =	vor.u32 v3, v4  }
0x650: {  	v4 =	vperm.xlane v3, v0;
	_ =	sdelay $0x1  }
0x651: {  	v4 =	vadd.s32 v1, v4;
	_ =	sdelay $0x3  }
0x652: {  	s18 =	simm.s32 $0x9800;
	v3 =	vperm.xlane v3, v2  }
0x653: {  	[tilespmem:s18], [sflag:$0x1] =	stream.indirect_vreg.gather [hbm4b:s2+s3], $0x80, v4, vm0, $0xb8;
	[tilespmem:$0x18800] =	vst v63  }
0x654: {  	s17 =	simm.s32 $0xA000;
	v3 =	vadd.s32 v1, v3  }
0x655: {  	[tilespmem:s17], [sflag:$0x1] =	stream.indirect_vreg.gather [hbm4b:s5+s3], $0x80, v4, vm0, $0xb8;
	[tilespmem:$0x18800] =	vst v63  }
0x656: {  	s22 =	simm.s32 $0xA800  }
0x657: {  	[tilespmem:s22], [sflag:$0x1] =	stream.indirect_vreg.gather [hbm4b:s6+s3], $0x80, v4, vm0, $0xb8;
	[tilespmem:$0x18800] =	vst v63  }
0x658: {  	s31 =	simm.s32 $0xB000  }
0x659: {  	[tilespmem:s31], [sflag:$0x1] =	stream.indirect_vreg.gather [hbm4b:s2+s3], $0x80, v3, vm0, $0xb8;
	[tilespmem:$0x18800] =	vst v63  }
0x65a: {  	s8 =	simm.s32 $0xB800  }
0x65b: {  	[tilespmem:s8], [sflag:$0x1] =	stream.indirect_vreg.gather [hbm4b:s5+s3], $0x80, v3, vm0, $0xb8;
	[tilespmem:$0x18800] =	vst v63  }
0x65c: {  	s16 =	simm.s32 $0xC000  }
0x65d: {  	[tilespmem:s16], [sflag:$0x1] =	stream.indirect_vreg.gather [hbm4b:s6+s3], $0x80, v3, vm0, $0xb8;
	[tilespmem:$0x18800] =	vst v63  }
0x65e: {  	s13 =	simm.s32 $0xC800;
	s11 =	rddreg [dreg:$0x15]  }
0x65f: {  	[hbm4b:s11+s3] =	stream.linear.scatter [tilespmem:s13], [sflag:$0x4], $0xC000, $0x38;
	[tilespmem:$0x18800] =	vst v63  }
0x660: {  	_ =	swait.ge [sflag:s15], $0xC000  }
0x661: {  	[sflag:s15] =	ssyncset.done $0x0  }
0x662: {  	[sflag:s15] =	ssyncadd.s32 $0xFFFF4000  }
0x663: {  	_ =	swait.ge [sflag:s10], $0xC000  }
0x664: {  	[sflag:s10] =	ssyncset.done $0x0  }
0x665: {  	[sflag:s10] =	ssyncadd.s32 $0xFFFF4000  }
0x666: {  	v3 =	vld [tilespmem:$0x4C0];
	_ =	sdelay $0x4  }
0x667: {  	v12 =	vshrl.u32 v3, $0x3  }
0x668: {  	v4 =	vmul.u32 $0x30, v12  }
0x669: {  	v3 =	vand.u32 $0x7, v3  }
0x66a: {  	v3 =	vor.u32 v3, v4  }
0x66b: {  	v4 =	vperm.xlane v3, v0;
	_ =	sdelay $0x1  }
0x66c: {  	v4 =	vadd.s32 v1, v4;
	_ =	sdelay $0x3  }
0x66d: {  	v3 =	vperm.xlane v3, v2  }
0x66e: {  	[tilespmem:s13], [sflag:$0x2] =	stream.indirect_vreg.gather [hbm4b:s2+s3], $0x80, v4, vm0, $0xb8;
	[tilespmem:$0x18800] =	vst v63  }
0x66f: {  	v3 =	vadd.s32 v1, v3;
	s13 =	simm.s32 $0xD000  }
0x670: {  	[tilespmem:s13], [sflag:$0x2] =	stream.indirect_vreg.gather [hbm4b:s5+s3], $0x80, v4, vm0, $0xb8;
	[tilespmem:$0x18800] =	vst v63  }
0x671: {  	s11 =	simm.s32 $0xD800  }
0x672: {  	[tilespmem:s11], [sflag:$0x2] =	stream.indirect_vreg.gather [hbm4b:s6+s3], $0x80, v4, vm0, $0xb8;
	[tilespmem:$0x18800] =	vst v63  }
0x673: {  	s11 =	simm.s32 $0xE000  }
0x674: {  	[tilespmem:s11], [sflag:$0x2] =	stream.indirect_vreg.gather [hbm4b:s2+s3], $0x80, v3, vm0, $0xb8;
	[tilespmem:$0x18800] =	vst v63  }
0x675: {  	s11 =	simm.s32 $0xE800  }
0x676: {  	[tilespmem:s11], [sflag:$0x2] =	stream.indirect_vreg.gather [hbm4b:s5+s3], $0x80, v3, vm0, $0xb8;
	[tilespmem:$0x18800] =	vst v63  }
0x677: {  	_ = 	snop  }
0x678: {  	[tilespmem:s24], [sflag:$0x2] =	stream.indirect_vreg.gather [hbm4b:s6+s3], $0x80, v3, vm0, $0xb8;
	[tilespmem:$0x18800] =	vst v63  }
0x679: {  	v3 =	vld [tilespmem:$0x4D0];
	_ =	sdelay $0x4  }
0x67a: {  	v13 =	vshrl.u32 v3, $0x3  }
0x67b: {  	v4 =	vmul.u32 $0x30, v13  }
0x67c: {  	v3 =	vand.u32 $0x7, v3  }
0x67d: {  	v3 =	vor.u32 v3, v4  }
0x67e: {  	v4 =	vperm.xlane v3, v0;
	_ =	sdelay $0x1  }
0x67f: {  	v4 =	vadd.s32 v1, v4;
	_ =	sdelay $0x3  }
0x680: {  	v3 =	vperm.xlane v3, v2  }
0x681: {  	[tilespmem:s25], [sflag:$0x2] =	stream.indirect_vreg.gather [hbm4b:s2+s3], $0x80, v4, vm0, $0xb8;
	[tilespmem:$0x18800] =	vst v63  }
0x682: {  	s24 =	simm.s32 $0x10000;
	v3 =	vadd.s32 v1, v3  }
0x683: {  	[tilespmem:s24], [sflag:$0x2] =	stream.indirect_vreg.gather [hbm4b:s5+s3], $0x80, v4, vm0, $0xb8;
	[tilespmem:$0x18800] =	vst v63  }
0x684: {  	s25 =	simm.s32 $0x10800  }
0x685: {  	[tilespmem:s25], [sflag:$0x2] =	stream.indirect_vreg.gather [hbm4b:s6+s3], $0x80, v4, vm0, $0xb8;
	[tilespmem:$0x18800] =	vst v63  }
0x686: {  	s11 =	simm.s32 $0x11000  }
0x687: {  	[tilespmem:s11], [sflag:$0x2] =	stream.indirect_vreg.gather [hbm4b:s2+s3], $0x80, v3, vm0, $0xb8;
	[tilespmem:$0x18800] =	vst v63  }
0x688: {  	s11 =	simm.s32 $0x11800  }
0x689: {  	[tilespmem:s11], [sflag:$0x2] =	stream.indirect_vreg.gather [hbm4b:s5+s3], $0x80, v3, vm0, $0xb8;
	[tilespmem:$0x18800] =	vst v63  }
0x68a: {  	_ = 	snop  }
0x68b: {  	[tilespmem:s26], [sflag:$0x2] =	stream.indirect_vreg.gather [hbm4b:s6+s3], $0x80, v3, vm0, $0xb8;
	[tilespmem:$0x18800] =	vst v63  }
0x68c: {  	v3 =	vld [tilespmem:$0x4E0];
	_ =	sdelay $0x4  }
0x68d: {  	v14 =	vshrl.u32 v3, $0x3  }
0x68e: {  	v4 =	vmul.u32 $0x30, v14  }
0x68f: {  	v3 =	vand.u32 $0x7, v3  }
0x690: {  	v3 =	vor.u32 v3, v4  }
0x691: {  	v4 =	vperm.xlane v3, v0;
	_ =	sdelay $0x1  }
0x692: {  	v4 =	vadd.s32 v1, v4;
	_ =	sdelay $0x3  }
0x693: {  	v3 =	vperm.xlane v3, v2  }
0x694: {  	[tilespmem:s28], [sflag:$0x2] =	stream.indirect_vreg.gather [hbm4b:s2+s3], $0x80, v4, vm0, $0xb8;
	[tilespmem:$0x18800] =	vst v63  }
0x695: {  	s26 =	simm.s32 $0x13000;
	v3 =	vadd.s32 v1, v3  }
0x696: {  	[tilespmem:s26], [sflag:$0x2] =	stream.indirect_vreg.gather [hbm4b:s5+s3], $0x80, v4, vm0, $0xb8;
	[tilespmem:$0x18800] =	vst v63  }
0x697: {  	s28 =	simm.s32 $0x13800  }
0x698: {  	[tilespmem:s28], [sflag:$0x2] =	stream.indirect_vreg.gather [hbm4b:s6+s3], $0x80, v4, vm0, $0xb8;
	[tilespmem:$0x18800] =	vst v63  }
0x699: {  	s11 =	simm.s32 $0x14000  }
0x69a: {  	[tilespmem:s11], [sflag:$0x2] =	stream.indirect_vreg.gather [hbm4b:s2+s3], $0x80, v3, vm0, $0xb8;
	[tilespmem:$0x18800] =	vst v63  }
0x69b: {  	s11 =	simm.s32 $0x14800  }
0x69c: {  	[tilespmem:s11], [sflag:$0x2] =	stream.indirect_vreg.gather [hbm4b:s5+s3], $0x80, v3, vm0, $0xb8;
	[tilespmem:$0x18800] =	vst v63  }
0x69d: {  	_ = 	snop  }
0x69e: {  	[tilespmem:s29], [sflag:$0x2] =	stream.indirect_vreg.gather [hbm4b:s6+s3], $0x80, v3, vm0, $0xb8;
	[tilespmem:$0x18800] =	vst v63  }
0x69f: {  	v3 =	vld [tilespmem:$0x4F0];
	_ =	sdelay $0x4  }
0x6a0: {  	v15 =	vshrl.u32 v3, $0x3  }
0x6a1: {  	v4 =	vmul.u32 $0x30, v15  }
0x6a2: {  	v3 =	vand.u32 $0x7, v3  }
0x6a3: {  	v3 =	vor.u32 v3, v4  }
0x6a4: {  	v4 =	vperm.xlane v3, v0;
	_ =	sdelay $0x1  }
0x6a5: {  	v4 =	vadd.s32 v1, v4;
	_ =	sdelay $0x3  }
0x6a6: {  	v3 =	vperm.xlane v3, v2  }
0x6a7: {  	[tilespmem:s30], [sflag:$0x2] =	stream.indirect_vreg.gather [hbm4b:s2+s3], $0x80, v4, vm0, $0xb8;
	[tilespmem:$0x18800] =	vst v63  }
0x6a8: {  	s29 =	simm.s32 $0x16000;
	v3 =	vadd.s32 v1, v3  }
0x6a9: {  	[tilespmem:s29], [sflag:$0x2] =	stream.indirect_vreg.gather [hbm4b:s5+s3], $0x80, v4, vm0, $0xb8;
	[tilespmem:$0x18800] =	vst v63  }
0x6aa: {  	s30 =	simm.s32 $0x16800  }
0x6ab: {  	[tilespmem:s30], [sflag:$0x2] =	stream.indirect_vreg.gather [hbm4b:s6+s3], $0x80, v4, vm0, $0xb8;
	[tilespmem:$0x18800] =	vst v63  }
0x6ac: {  	s11 =	simm.s32 $0x17000  }
0x6ad: {  	[tilespmem:s11], [sflag:$0x2] =	stream.indirect_vreg.gather [hbm4b:s2+s3], $0x80, v3, vm0, $0xb8;
	[tilespmem:$0x18800] =	vst v63  }
0x6ae: {  	_ = 	snop  }
0x6af: {  	[tilespmem:s21], [sflag:$0x2] =	stream.indirect_vreg.gather [hbm4b:s5+s3], $0x80, v3, vm0, $0xb8;
	[tilespmem:$0x18800] =	vst v63  }
0x6b0: {  	_ = 	snop  }
0x6b1: {  	[tilespmem:s20], [sflag:$0x2] =	stream.indirect_vreg.gather [hbm4b:s6+s3], $0x80, v3, vm0, $0xb8;
	[tilespmem:$0x18800] =	vst v63  }
0x6b2: {  	s11 =	rddreg [dreg:$0x16];
	s21 =	simm.s32 $0x800  }
0x6b3: {  	[hbm4b:s11+s3] =	stream.linear.scatter [tilespmem:s21], [sflag:$0x3], $0xC000, $0x38;
	[tilespmem:$0x18800] =	vst v63  }
0x6b4: {  	_ =	swait.ge [sflag:s0], $0xC000  }
0x6b5: {  	[sflag:s0] =	ssyncset.done $0x0  }
0x6b6: {  	[sflag:s0] =	ssyncadd.s32 $0xFFFF4000  }
0x6b7: {  	_ =	swait.ge [sflag:s7], $0xC000  }
0x6b8: {  	[sflag:s7] =	ssyncset.done $0x0  }
0x6b9: {  	[sflag:s7] =	ssyncadd.s32 $0xFFFF4000  }
0x6ba: {  	v3 =	vld [tilespmem:$0x500];
	_ =	sdelay $0x4  }
0x6bb: {  	v16 =	vshrl.u32 v3, $0x3  }
0x6bc: {  	v4 =	vmul.u32 $0x30, v16  }
0x6bd: {  	v3 =	vand.u32 $0x7, v3  }
0x6be: {  	v3 =	vor.u32 v3, v4  }
0x6bf: {  	v4 =	vperm.xlane v3, v0;
	_ =	sdelay $0x1  }
0x6c0: {  	v4 =	vadd.s32 v1, v4;
	_ =	sdelay $0x3  }
0x6c1: {  	v3 =	vperm.xlane v3, v2  }
0x6c2: {  	[tilespmem:s21], [sflag:$0x1] =	stream.indirect_vreg.gather [hbm4b:s2+s3], $0x80, v4, vm0, $0xb8;
	[tilespmem:$0x18800] =	vst v63  }
0x6c3: {  	v3 =	vadd.s32 v1, v3;
	s21 =	simm.s32 $0x1000  }
0x6c4: {  	[tilespmem:s21], [sflag:$0x1] =	stream.indirect_vreg.gather [hbm4b:s5+s3], $0x80, v4, vm0, $0xb8;
	[tilespmem:$0x18800] =	vst v63  }
0x6c5: {  	_ = 	snop  }
0x6c6: {  	[tilespmem:s1], [sflag:$0x1] =	stream.indirect_vreg.gather [hbm4b:s6+s3], $0x80, v4, vm0, $0xb8;
	[tilespmem:$0x18800] =	vst v63  }
0x6c7: {  	s1 =	simm.s32 $0x2000  }
0x6c8: {  	[tilespmem:s1], [sflag:$0x1] =	stream.indirect_vreg.gather [hbm4b:s2+s3], $0x80, v3, vm0, $0xb8;
	[tilespmem:$0x18800] =	vst v63  }
0x6c9: {  	s20 =	simm.s32 $0x2800  }
0x6ca: {  	[tilespmem:s20], [sflag:$0x1] =	stream.indirect_vreg.gather [hbm4b:s5+s3], $0x80, v3, vm0, $0xb8;
	[tilespmem:$0x18800] =	vst v63  }
0x6cb: {  	_ = 	snop  }
0x6cc: {  	[tilespmem:s4], [sflag:$0x1] =	stream.indirect_vreg.gather [hbm4b:s6+s3], $0x80, v3, vm0, $0xb8;
	[tilespmem:$0x18800] =	vst v63  }
0x6cd: {  	v3 =	vld [tilespmem:$0x510];
	_ =	sdelay $0x4  }
0x6ce: {  	v17 =	vshrl.u32 v3, $0x3  }
0x6cf: {  	v4 =	vmul.u32 $0x30, v17  }
0x6d0: {  	v3 =	vand.u32 $0x7, v3  }
0x6d1: {  	v3 =	vor.u32 v3, v4  }
0x6d2: {  	v4 =	vperm.xlane v3, v0;
	_ =	sdelay $0x1  }
0x6d3: {  	v4 =	vadd.s32 v1, v4;
	_ =	sdelay $0x3  }
0x6d4: {  	s20 =	simm.s32 $0x3800;
	v3 =	vperm.xlane v3, v2  }
0x6d5: {  	[tilespmem:s20], [sflag:$0x1] =	stream.indirect_vreg.gather [hbm4b:s2+s3], $0x80, v4, vm0, $0xb8;
	[tilespmem:$0x18800] =	vst v63  }
0x6d6: {  	s21 =	simm.s32 $0x4000;
	v3 =	vadd.s32 v1, v3  }
0x6d7: {  	[tilespmem:s21], [sflag:$0x1] =	stream.indirect_vreg.gather [hbm4b:s5+s3], $0x80, v4, vm0, $0xb8;
	[tilespmem:$0x18800] =	vst v63  }
0x6d8: {  	_ = 	snop  }
0x6d9: {  	[tilespmem:s19], [sflag:$0x1] =	stream.indirect_vreg.gather [hbm4b:s6+s3], $0x80, v4, vm0, $0xb8;
	[tilespmem:$0x18800] =	vst v63  }
0x6da: {  	s4 =	simm.s32 $0x5000  }
0x6db: {  	[tilespmem:s4], [sflag:$0x1] =	stream.indirect_vreg.gather [hbm4b:s2+s3], $0x80, v3, vm0, $0xb8;
	[tilespmem:$0x18800] =	vst v63  }
0x6dc: {  	s21 =	simm.s32 $0x5800  }
0x6dd: {  	[tilespmem:s21], [sflag:$0x1] =	stream.indirect_vreg.gather [hbm4b:s5+s3], $0x80, v3, vm0, $0xb8;
	[tilespmem:$0x18800] =	vst v63  }
0x6de: {  	s19 =	simm.s32 $0x6000  }
0x6df: {  	[tilespmem:s19], [sflag:$0x1] =	stream.indirect_vreg.gather [hbm4b:s6+s3], $0x80, v3, vm0, $0xb8;
	[tilespmem:$0x18800] =	vst v63  }
0x6e0: {  	v3 =	vld [tilespmem:$0x520];
	_ =	sdelay $0x4  }
0x6e1: {  	v18 =	vshrl.u32 v3, $0x3  }
0x6e2: {  	v4 =	vmul.u32 $0x30, v18  }
0x6e3: {  	v3 =	vand.u32 $0x7, v3  }
0x6e4: {  	v3 =	vor.u32 v3, v4  }
0x6e5: {  	v4 =	vperm.xlane v3, v0;
	_ =	sdelay $0x1  }
0x6e6: {  	v4 =	vadd.s32 v1, v4;
	_ =	sdelay $0x3  }
0x6e7: {  	s11 =	simm.s32 $0x6800;
	v3 =	vperm.xlane v3, v2  }
0x6e8: {  	[tilespmem:s11], [sflag:$0x1] =	stream.indirect_vreg.gather [hbm4b:s2+s3], $0x80, v4, vm0, $0xb8;
	[tilespmem:$0x18800] =	vst v63  }
0x6e9: {  	v3 =	vadd.s32 v1, v3;
	s11 =	simm.s32 $0x7000  }
0x6ea: {  	[tilespmem:s11], [sflag:$0x1] =	stream.indirect_vreg.gather [hbm4b:s5+s3], $0x80, v4, vm0, $0xb8;
	[tilespmem:$0x18800] =	vst v63  }
0x6eb: {  	_ = 	snop  }
0x6ec: {  	[tilespmem:s23], [sflag:$0x1] =	stream.indirect_vreg.gather [hbm4b:s6+s3], $0x80, v4, vm0, $0xb8;
	[tilespmem:$0x18800] =	vst v63  }
0x6ed: {  	_ = 	snop  }
0x6ee: {  	[tilespmem:s9], [sflag:$0x1] =	stream.indirect_vreg.gather [hbm4b:s2+s3], $0x80, v3, vm0, $0xb8;
	[tilespmem:$0x18800] =	vst v63  }
0x6ef: {  	_ = 	snop  }
0x6f0: {  	[tilespmem:s12], [sflag:$0x1] =	stream.indirect_vreg.gather [hbm4b:s5+s3], $0x80, v3, vm0, $0xb8;
	[tilespmem:$0x18800] =	vst v63  }
0x6f1: {  	_ = 	snop  }
0x6f2: {  	[tilespmem:s14], [sflag:$0x1] =	stream.indirect_vreg.gather [hbm4b:s6+s3], $0x80, v3, vm0, $0xb8;
	[tilespmem:$0x18800] =	vst v63  }
0x6f3: {  	v3 =	vld [tilespmem:$0x530];
	_ =	sdelay $0x4  }
0x6f4: {  	v19 =	vshrl.u32 v3, $0x3  }
0x6f5: {  	v4 =	vmul.u32 $0x30, v19  }
0x6f6: {  	v3 =	vand.u32 $0x7, v3  }
0x6f7: {  	v3 =	vor.u32 v3, v4  }
0x6f8: {  	v4 =	vperm.xlane v3, v0;
	_ =	sdelay $0x1  }
0x6f9: {  	v4 =	vadd.s32 v1, v4;
	_ =	sdelay $0x3  }
0x6fa: {  	v3 =	vperm.xlane v3, v2  }
0x6fb: {  	[tilespmem:s18], [sflag:$0x1] =	stream.indirect_vreg.gather [hbm4b:s2+s3], $0x80, v4, vm0, $0xb8;
	[tilespmem:$0x18800] =	vst v63  }
0x6fc: {  	v3 =	vadd.s32 v1, v3  }
0x6fd: {  	[tilespmem:s17], [sflag:$0x1] =	stream.indirect_vreg.gather [hbm4b:s5+s3], $0x80, v4, vm0, $0xb8;
	[tilespmem:$0x18800] =	vst v63  }
0x6fe: {  	_ = 	snop  }
0x6ff: {  	[tilespmem:s22], [sflag:$0x1] =	stream.indirect_vreg.gather [hbm4b:s6+s3], $0x80, v4, vm0, $0xb8;
	[tilespmem:$0x18800] =	vst v63  }
0x700: {  	_ = 	snop  }
0x701: {  	[tilespmem:s31], [sflag:$0x1] =	stream.indirect_vreg.gather [hbm4b:s2+s3], $0x80, v3, vm0, $0xb8;
	[tilespmem:$0x18800] =	vst v63  }
0x702: {  	_ = 	snop  }
0x703: {  	[tilespmem:s8], [sflag:$0x1] =	stream.indirect_vreg.gather [hbm4b:s5+s3], $0x80, v3, vm0, $0xb8;
	[tilespmem:$0x18800] =	vst v63  }
0x704: {  	_ = 	snop  }
0x705: {  	[tilespmem:s16], [sflag:$0x1] =	stream.indirect_vreg.gather [hbm4b:s6+s3], $0x80, v3, vm0, $0xb8;
	[tilespmem:$0x18800] =	vst v63  }
0x706: {  	s9 =	rddreg [dreg:$0x17];
	s17 =	simm.s32 $0xC800  }
0x707: {  	[hbm4b:s9+s3] =	stream.linear.scatter [tilespmem:s17], [sflag:$0x4], $0xC000, $0x38;
	[tilespmem:$0x18800] =	vst v63  }
0x708: {  	_ =	swait.ge [sflag:s15], $0xC000  }
0x709: {  	[sflag:s15] =	ssyncset.done $0x0  }
0x70a: {  	[sflag:s15] =	ssyncadd.s32 $0xFFFF4000  }
0x70b: {  	_ =	swait.ge [sflag:s10], $0xC000  }
0x70c: {  	[sflag:s10] =	ssyncset.done $0x0  }
0x70d: {  	[sflag:s10] =	ssyncadd.s32 $0xFFFF4000  }
0x70e: {  	v3 =	vld [tilespmem:$0x540];
	_ =	sdelay $0x4  }
0x70f: {  	v20 =	vshrl.u32 v3, $0x3  }
0x710: {  	v4 =	vmul.u32 $0x30, v20  }
0x711: {  	v3 =	vand.u32 $0x7, v3  }
0x712: {  	v3 =	vor.u32 v3, v4  }
0x713: {  	v4 =	vperm.xlane v3, v0;
	_ =	sdelay $0x1  }
0x714: {  	v4 =	vadd.s32 v1, v4;
	_ =	sdelay $0x3  }
0x715: {  	v3 =	vperm.xlane v3, v2  }
0x716: {  	[tilespmem:s17], [sflag:$0x2] =	stream.indirect_vreg.gather [hbm4b:s2+s3], $0x80, v4, vm0, $0xb8;
	[tilespmem:$0x18800] =	vst v63  }
0x717: {  	v3 =	vadd.s32 v1, v3  }
0x718: {  	[tilespmem:s13], [sflag:$0x2] =	stream.indirect_vreg.gather [hbm4b:s5+s3], $0x80, v4, vm0, $0xb8;
	[tilespmem:$0x18800] =	vst v63  }
0x719: {  	s18 =	simm.s32 $0xD800  }
0x71a: {  	[tilespmem:s18], [sflag:$0x2] =	stream.indirect_vreg.gather [hbm4b:s6+s3], $0x80, v4, vm0, $0xb8;
	[tilespmem:$0x18800] =	vst v63  }
0x71b: {  	s22 =	simm.s32 $0xE000  }
0x71c: {  	[tilespmem:s22], [sflag:$0x2] =	stream.indirect_vreg.gather [hbm4b:s2+s3], $0x80, v3, vm0, $0xb8;
	[tilespmem:$0x18800] =	vst v63  }
0x71d: {  	s23 =	simm.s32 $0xE800  }
0x71e: {  	[tilespmem:s23], [sflag:$0x2] =	stream.indirect_vreg.gather [hbm4b:s5+s3], $0x80, v3, vm0, $0xb8;
	[tilespmem:$0x18800] =	vst v63  }
0x71f: {  	s22 =	simm.s32 $0xF000  }
0x720: {  	[tilespmem:s22], [sflag:$0x2] =	stream.indirect_vreg.gather [hbm4b:s6+s3], $0x80, v3, vm0, $0xb8;
	[tilespmem:$0x18800] =	vst v63  }
0x721: {  	v3 =	vld [tilespmem:$0x550];
	_ =	sdelay $0x4  }
0x722: {  	v21 =	vshrl.u32 v3, $0x3  }
0x723: {  	v4 =	vmul.u32 $0x30, v21  }
0x724: {  	v3 =	vand.u32 $0x7, v3  }
0x725: {  	v3 =	vor.u32 v3, v4  }
0x726: {  	v4 =	vperm.xlane v3, v0;
	_ =	sdelay $0x1  }
0x727: {  	v4 =	vadd.s32 v1, v4;
	_ =	sdelay $0x3  }
0x728: {  	s23 =	simm.s32 $0xF800;
	v3 =	vperm.xlane v3, v2  }
0x729: {  	[tilespmem:s23], [sflag:$0x2] =	stream.indirect_vreg.gather [hbm4b:s2+s3], $0x80, v4, vm0, $0xb8;
	[tilespmem:$0x18800] =	vst v63  }
0x72a: {  	v3 =	vadd.s32 v1, v3  }
0x72b: {  	[tilespmem:s24], [sflag:$0x2] =	stream.indirect_vreg.gather [hbm4b:s5+s3], $0x80, v4, vm0, $0xb8;
	[tilespmem:$0x18800] =	vst v63  }
0x72c: {  	_ = 	snop  }
0x72d: {  	[tilespmem:s25], [sflag:$0x2] =	stream.indirect_vreg.gather [hbm4b:s6+s3], $0x80, v4, vm0, $0xb8;
	[tilespmem:$0x18800] =	vst v63  }
0x72e: {  	s24 =	simm.s32 $0x11000  }
0x72f: {  	[tilespmem:s24], [sflag:$0x2] =	stream.indirect_vreg.gather [hbm4b:s2+s3], $0x80, v3, vm0, $0xb8;
	[tilespmem:$0x18800] =	vst v63  }
0x730: {  	s25 =	simm.s32 $0x11800  }
0x731: {  	[tilespmem:s25], [sflag:$0x2] =	stream.indirect_vreg.gather [hbm4b:s5+s3], $0x80, v3, vm0, $0xb8;
	[tilespmem:$0x18800] =	vst v63  }
0x732: {  	s24 =	simm.s32 $0x12000  }
0x733: {  	[tilespmem:s24], [sflag:$0x2] =	stream.indirect_vreg.gather [hbm4b:s6+s3], $0x80, v3, vm0, $0xb8;
	[tilespmem:$0x18800] =	vst v63  }
0x734: {  	v3 =	vld [tilespmem:$0x560];
	_ =	sdelay $0x4  }
0x735: {  	v22 =	vshrl.u32 v3, $0x3  }
0x736: {  	v4 =	vmul.u32 $0x30, v22  }
0x737: {  	v3 =	vand.u32 $0x7, v3  }
0x738: {  	v3 =	vor.u32 v3, v4  }
0x739: {  	v4 =	vperm.xlane v3, v0;
	_ =	sdelay $0x1  }
0x73a: {  	v4 =	vadd.s32 v1, v4;
	_ =	sdelay $0x3  }
0x73b: {  	s25 =	simm.s32 $0x12800;
	v3 =	vperm.xlane v3, v2  }
0x73c: {  	[tilespmem:s25], [sflag:$0x2] =	stream.indirect_vreg.gather [hbm4b:s2+s3], $0x80, v4, vm0, $0xb8;
	[tilespmem:$0x18800] =	vst v63  }
0x73d: {  	v3 =	vadd.s32 v1, v3  }
0x73e: {  	[tilespmem:s26], [sflag:$0x2] =	stream.indirect_vreg.gather [hbm4b:s5+s3], $0x80, v4, vm0, $0xb8;
	[tilespmem:$0x18800] =	vst v63  }
0x73f: {  	_ = 	snop  }
0x740: {  	[tilespmem:s28], [sflag:$0x2] =	stream.indirect_vreg.gather [hbm4b:s6+s3], $0x80, v4, vm0, $0xb8;
	[tilespmem:$0x18800] =	vst v63  }
0x741: {  	s9 =	simm.s32 $0x14000  }
0x742: {  	[tilespmem:s9], [sflag:$0x2] =	stream.indirect_vreg.gather [hbm4b:s2+s3], $0x80, v3, vm0, $0xb8;
	[tilespmem:$0x18800] =	vst v63  }
0x743: {  	s11 =	simm.s32 $0x14800  }
0x744: {  	[tilespmem:s11], [sflag:$0x2] =	stream.indirect_vreg.gather [hbm4b:s5+s3], $0x80, v3, vm0, $0xb8;
	[tilespmem:$0x18800] =	vst v63  }
0x745: {  	s26 =	simm.s32 $0x15000  }
0x746: {  	[tilespmem:s26], [sflag:$0x2] =	stream.indirect_vreg.gather [hbm4b:s6+s3], $0x80, v3, vm0, $0xb8;
	[tilespmem:$0x18800] =	vst v63  }
0x747: {  	v3 =	vld [tilespmem:$0x570];
	_ =	sdelay $0x4  }
0x748: {  	v23 =	vshrl.u32 v3, $0x3  }
0x749: {  	v4 =	vmul.u32 $0x30, v23  }
0x74a: {  	v3 =	vand.u32 $0x7, v3  }
0x74b: {  	v3 =	vor.u32 v3, v4  }
0x74c: {  	v4 =	vperm.xlane v3, v0;
	_ =	sdelay $0x1  }
0x74d: {  	v4 =	vadd.s32 v1, v4;
	_ =	sdelay $0x3  }
0x74e: {  	s28 =	simm.s32 $0x15800;
	v3 =	vperm.xlane v3, v2  }
0x74f: {  	[tilespmem:s28], [sflag:$0x2] =	stream.indirect_vreg.gather [hbm4b:s2+s3], $0x80, v4, vm0, $0xb8;
	[tilespmem:$0x18800] =	vst v63  }
0x750: {  	v3 =	vadd.s32 v1, v3  }
0x751: {  	[tilespmem:s29], [sflag:$0x2] =	stream.indirect_vreg.gather [hbm4b:s5+s3], $0x80, v4, vm0, $0xb8;
	[tilespmem:$0x18800] =	vst v63  }
0x752: {  	_ = 	snop  }
0x753: {  	[tilespmem:s30], [sflag:$0x2] =	stream.indirect_vreg.gather [hbm4b:s6+s3], $0x80, v4, vm0, $0xb8;
	[tilespmem:$0x18800] =	vst v63  }
0x754: {  	s13 =	simm.s32 $0x17000  }
0x755: {  	[tilespmem:s13], [sflag:$0x2] =	stream.indirect_vreg.gather [hbm4b:s2+s3], $0x80, v3, vm0, $0xb8;
	[tilespmem:$0x18800] =	vst v63  }
0x756: {  	s17 =	simm.s32 $0x17800  }
0x757: {  	[tilespmem:s17], [sflag:$0x2] =	stream.indirect_vreg.gather [hbm4b:s5+s3], $0x80, v3, vm0, $0xb8;
	[tilespmem:$0x18800] =	vst v63  }
0x758: {  	s29 =	simm.s32 $0x18000  }
0x759: {  	[tilespmem:s29], [sflag:$0x2] =	stream.indirect_vreg.gather [hbm4b:s6+s3], $0x80, v3, vm0, $0xb8;
	[tilespmem:$0x18800] =	vst v63  }
0x75a: {  	s16 =	rddreg [dreg:$0x18];
	s18 =	simm.s32 $0x800  }
0x75b: {  	[hbm4b:s16+s3] =	stream.linear.scatter [tilespmem:s18], [sflag:$0x3], $0xC000, $0x38;
	[tilespmem:$0x18800] =	vst v63  }
0x75c: {  	_ =	swait.ge [sflag:s0], $0xC000  }
0x75d: {  	[sflag:s0] =	ssyncset.done $0x0  }
0x75e: {  	[sflag:s0] =	ssyncadd.s32 $0xFFFF4000  }
0x75f: {  	_ =	swait.ge [sflag:s7], $0xC000  }
0x760: {  	[sflag:s7] =	ssyncset.done $0x0  }
0x761: {  	[sflag:s7] =	ssyncadd.s32 $0xFFFF4000  }
0x762: {  	v3 =	vld [tilespmem:$0x580];
	_ =	sdelay $0x4  }
0x763: {  	v24 =	vshrl.u32 v3, $0x3  }
0x764: {  	v4 =	vmul.u32 $0x30, v24  }
0x765: {  	v3 =	vand.u32 $0x7, v3  }
0x766: {  	v3 =	vor.u32 v3, v4  }
0x767: {  	v4 =	vperm.xlane v3, v0;
	_ =	sdelay $0x1  }
0x768: {  	v4 =	vadd.s32 v1, v4;
	_ =	sdelay $0x3  }
0x769: {  	v3 =	vperm.xlane v3, v2  }
0x76a: {  	[tilespmem:s18], [sflag:$0x1] =	stream.indirect_vreg.gather [hbm4b:s2+s3], $0x80, v4, vm0, $0xb8;
	[tilespmem:$0x18800] =	vst v63  }
0x76b: {  	s30 =	simm.s32 $0x1000;
	v3 =	vadd.s32 v1, v3  }
0x76c: {  	[tilespmem:s30], [sflag:$0x1] =	stream.indirect_vreg.gather [hbm4b:s5+s3], $0x80, v4, vm0, $0xb8;
	[tilespmem:$0x18800] =	vst v63  }
0x76d: {  	s8 =	simm.s32 $0x1800  }
0x76e: {  	[tilespmem:s8], [sflag:$0x1] =	stream.indirect_vreg.gather [hbm4b:s6+s3], $0x80, v4, vm0, $0xb8;
	[tilespmem:$0x18800] =	vst v63  }
0x76f: {  	_ = 	snop  }
0x770: {  	[tilespmem:s1], [sflag:$0x1] =	stream.indirect_vreg.gather [hbm4b:s2+s3], $0x80, v3, vm0, $0xb8;
	[tilespmem:$0x18800] =	vst v63  }
0x771: {  	s1 =	simm.s32 $0x2800  }
0x772: {  	[tilespmem:s1], [sflag:$0x1] =	stream.indirect_vreg.gather [hbm4b:s5+s3], $0x80, v3, vm0, $0xb8;
	[tilespmem:$0x18800] =	vst v63  }
0x773: {  	s30 =	simm.s32 $0x3000  }
0x774: {  	[tilespmem:s30], [sflag:$0x1] =	stream.indirect_vreg.gather [hbm4b:s6+s3], $0x80, v3, vm0, $0xb8;
	[tilespmem:$0x18800] =	vst v63  }
0x775: {  	v3 =	vld [tilespmem:$0x590];
	_ =	sdelay $0x4  }
0x776: {  	v25 =	vshrl.u32 v3, $0x3  }
0x777: {  	v4 =	vmul.u32 $0x30, v25  }
0x778: {  	v3 =	vand.u32 $0x7, v3  }
0x779: {  	v3 =	vor.u32 v3, v4  }
0x77a: {  	v4 =	vperm.xlane v3, v0;
	_ =	sdelay $0x1  }
0x77b: {  	v4 =	vadd.s32 v1, v4;
	_ =	sdelay $0x3  }
0x77c: {  	v3 =	vperm.xlane v3, v2  }
0x77d: {  	[tilespmem:s20], [sflag:$0x1] =	stream.indirect_vreg.gather [hbm4b:s2+s3], $0x80, v4, vm0, $0xb8;
	[tilespmem:$0x18800] =	vst v63  }
0x77e: {  	v3 =	vadd.s32 v1, v3;
	s20 =	simm.s32 $0x4000  }
0x77f: {  	[tilespmem:s20], [sflag:$0x1] =	stream.indirect_vreg.gather [hbm4b:s5+s3], $0x80, v4, vm0, $0xb8;
	[tilespmem:$0x18800] =	vst v63  }
0x780: {  	s18 =	simm.s32 $0x4800  }
0x781: {  	[tilespmem:s18], [sflag:$0x1] =	stream.indirect_vreg.gather [hbm4b:s6+s3], $0x80, v4, vm0, $0xb8;
	[tilespmem:$0x18800] =	vst v63  }
0x782: {  	_ = 	snop  }
0x783: {  	[tilespmem:s4], [sflag:$0x1] =	stream.indirect_vreg.gather [hbm4b:s2+s3], $0x80, v3, vm0, $0xb8;
	[tilespmem:$0x18800] =	vst v63  }
0x784: {  	_ = 	snop  }
0x785: {  	[tilespmem:s21], [sflag:$0x1] =	stream.indirect_vreg.gather [hbm4b:s5+s3], $0x80, v3, vm0, $0xb8;
	[tilespmem:$0x18800] =	vst v63  }
0x786: {  	_ = 	snop  }
0x787: {  	[tilespmem:s19], [sflag:$0x1] =	stream.indirect_vreg.gather [hbm4b:s6+s3], $0x80, v3, vm0, $0xb8;
	[tilespmem:$0x18800] =	vst v63  }
0x788: {  	v3 =	vld [tilespmem:$0x5A0];
	_ =	sdelay $0x4  }
0x789: {  	v26 =	vshrl.u32 v3, $0x3  }
0x78a: {  	v4 =	vmul.u32 $0x30, v26  }
0x78b: {  	v3 =	vand.u32 $0x7, v3  }
0x78c: {  	v3 =	vor.u32 v3, v4  }
0x78d: {  	v4 =	vperm.xlane v3, v0;
	_ =	sdelay $0x1  }
0x78e: {  	v4 =	vadd.s32 v1, v4;
	_ =	sdelay $0x3  }
0x78f: {  	s16 =	simm.s32 $0x6800;
	v3 =	vperm.xlane v3, v2  }
0x790: {  	[tilespmem:s16], [sflag:$0x1] =	stream.indirect_vreg.gather [hbm4b:s2+s3], $0x80, v4, vm0, $0xb8;
	[tilespmem:$0x18800] =	vst v63  }
0x791: {  	s9 =	simm.s32 $0x7000;
	v3 =	vadd.s32 v1, v3  }
0x792: {  	[tilespmem:s9], [sflag:$0x1] =	stream.indirect_vreg.gather [hbm4b:s5+s3], $0x80, v4, vm0, $0xb8;
	[tilespmem:$0x18800] =	vst v63  }
0x793: {  	s9 =	simm.s32 $0x7800  }
0x794: {  	[tilespmem:s9], [sflag:$0x1] =	stream.indirect_vreg.gather [hbm4b:s6+s3], $0x80, v4, vm0, $0xb8;
	[tilespmem:$0x18800] =	vst v63  }
0x795: {  	s19 =	simm.s32 $0x8000  }
0x796: {  	[tilespmem:s19], [sflag:$0x1] =	stream.indirect_vreg.gather [hbm4b:s2+s3], $0x80, v3, vm0, $0xb8;
	[tilespmem:$0x18800] =	vst v63  }
0x797: {  	s21 =	simm.s32 $0x8800  }
0x798: {  	[tilespmem:s21], [sflag:$0x1] =	stream.indirect_vreg.gather [hbm4b:s5+s3], $0x80, v3, vm0, $0xb8;
	[tilespmem:$0x18800] =	vst v63  }
0x799: {  	s12 =	simm.s32 $0x9000  }
0x79a: {  	[tilespmem:s12], [sflag:$0x1] =	stream.indirect_vreg.gather [hbm4b:s6+s3], $0x80, v3, vm0, $0xb8;
	[tilespmem:$0x18800] =	vst v63  }
0x79b: {  	v3 =	vld [tilespmem:$0x5B0];
	_ =	sdelay $0x4  }
0x79c: {  	v27 =	vshrl.u32 v3, $0x3  }
0x79d: {  	v4 =	vmul.u32 $0x30, v27  }
0x79e: {  	v3 =	vand.u32 $0x7, v3  }
0x79f: {  	v3 =	vor.u32 v3, v4  }
0x7a0: {  	v4 =	vperm.xlane v3, v0;
	_ =	sdelay $0x1  }
0x7a1: {  	v4 =	vadd.s32 v1, v4;
	_ =	sdelay $0x3  }
0x7a2: {  	s14 =	simm.s32 $0x9800;
	v3 =	vperm.xlane v3, v2  }
0x7a3: {  	[tilespmem:s14], [sflag:$0x1] =	stream.indirect_vreg.gather [hbm4b:s2+s3], $0x80, v4, vm0, $0xb8;
	[tilespmem:$0x18800] =	vst v63  }
0x7a4: {  	v3 =	vadd.s32 v1, v3;
	s14 =	simm.s32 $0xA000  }
0x7a5: {  	[tilespmem:s14], [sflag:$0x1] =	stream.indirect_vreg.gather [hbm4b:s5+s3], $0x80, v4, vm0, $0xb8;
	[tilespmem:$0x18800] =	vst v63  }
0x7a6: {  	s11 =	simm.s32 $0xA800  }
0x7a7: {  	[tilespmem:s11], [sflag:$0x1] =	stream.indirect_vreg.gather [hbm4b:s6+s3], $0x80, v4, vm0, $0xb8;
	[tilespmem:$0x18800] =	vst v63  }
0x7a8: {  	s31 =	simm.s32 $0xB000  }
0x7a9: {  	[tilespmem:s31], [sflag:$0x1] =	stream.indirect_vreg.gather [hbm4b:s2+s3], $0x80, v3, vm0, $0xb8;
	[tilespmem:$0x18800] =	vst v63  }
0x7aa: {  	s4 =	simm.s32 $0xB800  }
0x7ab: {  	[tilespmem:s4], [sflag:$0x1] =	stream.indirect_vreg.gather [hbm4b:s5+s3], $0x80, v3, vm0, $0xb8;
	[tilespmem:$0x18800] =	vst v63  }
0x7ac: {  	s13 =	simm.s32 $0xC000  }
0x7ad: {  	[tilespmem:s13], [sflag:$0x1] =	stream.indirect_vreg.gather [hbm4b:s6+s3], $0x80, v3, vm0, $0xb8;
	[tilespmem:$0x18800] =	vst v63  }
0x7ae: {  	s12 =	simm.s32 $0xC800;
	s11 =	rddreg [dreg:$0x19]  }
0x7af: {  	[hbm4b:s11+s3] =	stream.linear.scatter [tilespmem:s12], [sflag:$0x4], $0xC000, $0x38;
	[tilespmem:$0x18800] =	vst v63  }
0x7b0: {  	_ =	swait.ge [sflag:s15], $0xC000  }
0x7b1: {  	[sflag:s15] =	ssyncset.done $0x0  }
0x7b2: {  	[sflag:s15] =	ssyncadd.s32 $0xFFFF4000  }
0x7b3: {  	_ =	swait.ge [sflag:s10], $0xC000  }
0x7b4: {  	[sflag:s10] =	ssyncset.done $0x0  }
0x7b5: {  	[sflag:s10] =	ssyncadd.s32 $0xFFFF4000  }
0x7b6: {  	v3 =	vld [tilespmem:$0x5C0];
	_ =	sdelay $0x4  }
0x7b7: {  	v28 =	vshrl.u32 v3, $0x3  }
0x7b8: {  	v4 =	vmul.u32 $0x30, v28  }
0x7b9: {  	v3 =	vand.u32 $0x7, v3  }
0x7ba: {  	v3 =	vor.u32 v3, v4  }
0x7bb: {  	v4 =	vperm.xlane v3, v0;
	_ =	sdelay $0x1  }
0x7bc: {  	v4 =	vadd.s32 v1, v4;
	_ =	sdelay $0x3  }
0x7bd: {  	v3 =	vperm.xlane v3, v2  }
0x7be: {  	[tilespmem:s12], [sflag:$0x2] =	stream.indirect_vreg.gather [hbm4b:s2+s3], $0x80, v4, vm0, $0xb8;
	[tilespmem:$0x18800] =	vst v63  }
0x7bf: {  	s31 =	simm.s32 $0xD000;
	v3 =	vadd.s32 v1, v3  }
0x7c0: {  	[tilespmem:s31], [sflag:$0x2] =	stream.indirect_vreg.gather [hbm4b:s5+s3], $0x80, v4, vm0, $0xb8;
	[tilespmem:$0x18800] =	vst v63  }
0x7c1: {  	s12 =	simm.s32 $0xD800  }
0x7c2: {  	[tilespmem:s12], [sflag:$0x2] =	stream.indirect_vreg.gather [hbm4b:s6+s3], $0x80, v4, vm0, $0xb8;
	[tilespmem:$0x18800] =	vst v63  }
0x7c3: {  	s12 =	simm.s32 $0xE000  }
0x7c4: {  	[tilespmem:s12], [sflag:$0x2] =	stream.indirect_vreg.gather [hbm4b:s2+s3], $0x80, v3, vm0, $0xb8;
	[tilespmem:$0x18800] =	vst v63  }
0x7c5: {  	s12 =	simm.s32 $0xE800  }
0x7c6: {  	[tilespmem:s12], [sflag:$0x2] =	stream.indirect_vreg.gather [hbm4b:s5+s3], $0x80, v3, vm0, $0xb8;
	[tilespmem:$0x18800] =	vst v63  }
0x7c7: {  	_ = 	snop  }
0x7c8: {  	[tilespmem:s22], [sflag:$0x2] =	stream.indirect_vreg.gather [hbm4b:s6+s3], $0x80, v3, vm0, $0xb8;
	[tilespmem:$0x18800] =	vst v63  }
0x7c9: {  	v3 =	vld [tilespmem:$0x5D0];
	_ =	sdelay $0x4  }
0x7ca: {  	v29 =	vshrl.u32 v3, $0x3  }
0x7cb: {  	v4 =	vmul.u32 $0x30, v29  }
0x7cc: {  	v3 =	vand.u32 $0x7, v3  }
0x7cd: {  	v3 =	vor.u32 v3, v4  }
0x7ce: {  	v4 =	vperm.xlane v3, v0;
	_ =	sdelay $0x1  }
0x7cf: {  	v4 =	vadd.s32 v1, v4;
	_ =	sdelay $0x3  }
0x7d0: {  	v3 =	vperm.xlane v3, v2  }
0x7d1: {  	[tilespmem:s23], [sflag:$0x2] =	stream.indirect_vreg.gather [hbm4b:s2+s3], $0x80, v4, vm0, $0xb8;
	[tilespmem:$0x18800] =	vst v63  }
0x7d2: {  	s22 =	simm.s32 $0x10000;
	v3 =	vadd.s32 v1, v3  }
0x7d3: {  	[tilespmem:s22], [sflag:$0x2] =	stream.indirect_vreg.gather [hbm4b:s5+s3], $0x80, v4, vm0, $0xb8;
	[tilespmem:$0x18800] =	vst v63  }
0x7d4: {  	s23 =	simm.s32 $0x10800  }
0x7d5: {  	[tilespmem:s23], [sflag:$0x2] =	stream.indirect_vreg.gather [hbm4b:s6+s3], $0x80, v4, vm0, $0xb8;
	[tilespmem:$0x18800] =	vst v63  }
0x7d6: {  	s12 =	simm.s32 $0x11000  }
0x7d7: {  	[tilespmem:s12], [sflag:$0x2] =	stream.indirect_vreg.gather [hbm4b:s2+s3], $0x80, v3, vm0, $0xb8;
	[tilespmem:$0x18800] =	vst v63  }
0x7d8: {  	s12 =	simm.s32 $0x11800  }
0x7d9: {  	[tilespmem:s12], [sflag:$0x2] =	stream.indirect_vreg.gather [hbm4b:s5+s3], $0x80, v3, vm0, $0xb8;
	[tilespmem:$0x18800] =	vst v63  }
0x7da: {  	_ = 	snop  }
0x7db: {  	[tilespmem:s24], [sflag:$0x2] =	stream.indirect_vreg.gather [hbm4b:s6+s3], $0x80, v3, vm0, $0xb8;
	[tilespmem:$0x18800] =	vst v63  }
0x7dc: {  	v3 =	vld [tilespmem:$0x5E0];
	_ =	sdelay $0x4  }
0x7dd: {  	v30 =	vshrl.u32 v3, $0x3  }
0x7de: {  	v4 =	vmul.u32 $0x30, v30  }
0x7df: {  	v3 =	vand.u32 $0x7, v3  }
0x7e0: {  	v3 =	vor.u32 v3, v4  }
0x7e1: {  	v4 =	vperm.xlane v3, v0;
	_ =	sdelay $0x1  }
0x7e2: {  	v4 =	vadd.s32 v1, v4;
	_ =	sdelay $0x3  }
0x7e3: {  	v3 =	vperm.xlane v3, v2  }
0x7e4: {  	[tilespmem:s25], [sflag:$0x2] =	stream.indirect_vreg.gather [hbm4b:s2+s3], $0x80, v4, vm0, $0xb8;
	[tilespmem:$0x18800] =	vst v63  }
0x7e5: {  	s24 =	simm.s32 $0x13000;
	v3 =	vadd.s32 v1, v3  }
0x7e6: {  	[tilespmem:s24], [sflag:$0x2] =	stream.indirect_vreg.gather [hbm4b:s5+s3], $0x80, v4, vm0, $0xb8;
	[tilespmem:$0x18800] =	vst v63  }
0x7e7: {  	s25 =	simm.s32 $0x13800  }
0x7e8: {  	[tilespmem:s25], [sflag:$0x2] =	stream.indirect_vreg.gather [hbm4b:s6+s3], $0x80, v4, vm0, $0xb8;
	[tilespmem:$0x18800] =	vst v63  }
0x7e9: {  	s12 =	simm.s32 $0x14000  }
0x7ea: {  	[tilespmem:s12], [sflag:$0x2] =	stream.indirect_vreg.gather [hbm4b:s2+s3], $0x80, v3, vm0, $0xb8;
	[tilespmem:$0x18800] =	vst v63  }
0x7eb: {  	s12 =	simm.s32 $0x14800  }
0x7ec: {  	[tilespmem:s12], [sflag:$0x2] =	stream.indirect_vreg.gather [hbm4b:s5+s3], $0x80, v3, vm0, $0xb8;
	[tilespmem:$0x18800] =	vst v63  }
0x7ed: {  	_ = 	snop  }
0x7ee: {  	[tilespmem:s26], [sflag:$0x2] =	stream.indirect_vreg.gather [hbm4b:s6+s3], $0x80, v3, vm0, $0xb8;
	[tilespmem:$0x18800] =	vst v63  }
0x7ef: {  	v3 =	vld [tilespmem:$0x5F0];
	_ =	sdelay $0x4  }
0x7f0: {  	v31 =	vshrl.u32 v3, $0x3  }
0x7f1: {  	v4 =	vmul.u32 $0x30, v31  }
0x7f2: {  	v3 =	vand.u32 $0x7, v3  }
0x7f3: {  	v3 =	vor.u32 v3, v4  }
0x7f4: {  	v4 =	vperm.xlane v3, v0;
	_ =	sdelay $0x1  }
0x7f5: {  	v4 =	vadd.s32 v1, v4;
	_ =	sdelay $0x3  }
0x7f6: {  	v3 =	vperm.xlane v3, v2  }
0x7f7: {  	[tilespmem:s28], [sflag:$0x2] =	stream.indirect_vreg.gather [hbm4b:s2+s3], $0x80, v4, vm0, $0xb8;
	[tilespmem:$0x18800] =	vst v63  }
0x7f8: {  	s26 =	simm.s32 $0x16000;
	v3 =	vadd.s32 v1, v3  }
0x7f9: {  	[tilespmem:s26], [sflag:$0x2] =	stream.indirect_vreg.gather [hbm4b:s5+s3], $0x80, v4, vm0, $0xb8;
	[tilespmem:$0x18800] =	vst v63  }
0x7fa: {  	s28 =	simm.s32 $0x16800  }
0x7fb: {  	[tilespmem:s28], [sflag:$0x2] =	stream.indirect_vreg.gather [hbm4b:s6+s3], $0x80, v4, vm0, $0xb8;
	[tilespmem:$0x18800] =	vst v63  }
0x7fc: {  	s12 =	simm.s32 $0x17000  }
0x7fd: {  	[tilespmem:s12], [sflag:$0x2] =	stream.indirect_vreg.gather [hbm4b:s2+s3], $0x80, v3, vm0, $0xb8;
	[tilespmem:$0x18800] =	vst v63  }
0x7fe: {  	_ = 	snop  }
0x7ff: {  	[tilespmem:s17], [sflag:$0x2] =	stream.indirect_vreg.gather [hbm4b:s5+s3], $0x80, v3, vm0, $0xb8;
	[tilespmem:$0x18800] =	vst v63  }
0x800: {  	_ = 	snop  }
0x801: {  	[tilespmem:s29], [sflag:$0x2] =	stream.indirect_vreg.gather [hbm4b:s6+s3], $0x80, v3, vm0, $0xb8;
	[tilespmem:$0x18800] =	vst v63  }
0x802: {  	s12 =	simm.s32 $0x800;
	s17 =	rddreg [dreg:$0x1a]  }
0x803: {  	[hbm4b:s17+s3] =	stream.linear.scatter [tilespmem:s12], [sflag:$0x3], $0xC000, $0x38;
	[tilespmem:$0x18800] =	vst v63  }
0x804: {  	_ =	swait.ge [sflag:s0], $0xC000  }
0x805: {  	[sflag:s0] =	ssyncset.done $0x0  }
0x806: {  	[sflag:s0] =	ssyncadd.s32 $0xFFFF4000  }
0x807: {  	_ =	swait.ge [sflag:s7], $0xC000  }
0x808: {  	[sflag:s7] =	ssyncset.done $0x0  }
0x809: {  	[sflag:s7] =	ssyncadd.s32 $0xFFFF4000  }
0x80a: {  	v3 =	vld [tilespmem:$0x600];
	_ =	sdelay $0x4  }
0x80b: {  	v32 =	vshrl.u32 v3, $0x3  }
0x80c: {  	v4 =	vmul.u32 $0x30, v32  }
0x80d: {  	v3 =	vand.u32 $0x7, v3  }
0x80e: {  	v3 =	vor.u32 v3, v4  }
0x80f: {  	v4 =	vperm.xlane v3, v0;
	_ =	sdelay $0x1  }
0x810: {  	v4 =	vadd.s32 v1, v4;
	_ =	sdelay $0x3  }
0x811: {  	v3 =	vperm.xlane v3, v2  }
0x812: {  	[tilespmem:s12], [sflag:$0x1] =	stream.indirect_vreg.gather [hbm4b:s2+s3], $0x80, v4, vm0, $0xb8;
	[tilespmem:$0x18800] =	vst v63  }
0x813: {  	s17 =	simm.s32 $0x1000;
	v3 =	vadd.s32 v1, v3  }
0x814: {  	[tilespmem:s17], [sflag:$0x1] =	stream.indirect_vreg.gather [hbm4b:s5+s3], $0x80, v4, vm0, $0xb8;
	[tilespmem:$0x18800] =	vst v63  }
0x815: {  	_ = 	snop  }
0x816: {  	[tilespmem:s8], [sflag:$0x1] =	stream.indirect_vreg.gather [hbm4b:s6+s3], $0x80, v4, vm0, $0xb8;
	[tilespmem:$0x18800] =	vst v63  }
0x817: {  	s29 =	simm.s32 $0x2000  }
0x818: {  	[tilespmem:s29], [sflag:$0x1] =	stream.indirect_vreg.gather [hbm4b:s2+s3], $0x80, v3, vm0, $0xb8;
	[tilespmem:$0x18800] =	vst v63  }
0x819: {  	_ = 	snop  }
0x81a: {  	[tilespmem:s1], [sflag:$0x1] =	stream.indirect_vreg.gather [hbm4b:s5+s3], $0x80, v3, vm0, $0xb8;
	[tilespmem:$0x18800] =	vst v63  }
0x81b: {  	_ = 	snop  }
0x81c: {  	[tilespmem:s30], [sflag:$0x1] =	stream.indirect_vreg.gather [hbm4b:s6+s3], $0x80, v3, vm0, $0xb8;
	[tilespmem:$0x18800] =	vst v63  }
0x81d: {  	v3 =	vld [tilespmem:$0x610];
	_ =	sdelay $0x4  }
0x81e: {  	v33 =	vshrl.u32 v3, $0x3  }
0x81f: {  	v4 =	vmul.u32 $0x30, v33  }
0x820: {  	v3 =	vand.u32 $0x7, v3  }
0x821: {  	v3 =	vor.u32 v3, v4  }
0x822: {  	v4 =	vperm.xlane v3, v0;
	_ =	sdelay $0x1  }
0x823: {  	v4 =	vadd.s32 v1, v4;
	_ =	sdelay $0x3  }
0x824: {  	s29 =	simm.s32 $0x3800;
	v3 =	vperm.xlane v3, v2  }
0x825: {  	[tilespmem:s29], [sflag:$0x1] =	stream.indirect_vreg.gather [hbm4b:s2+s3], $0x80, v4, vm0, $0xb8;
	[tilespmem:$0x18800] =	vst v63  }
0x826: {  	v3 =	vadd.s32 v1, v3  }
0x827: {  	[tilespmem:s20], [sflag:$0x1] =	stream.indirect_vreg.gather [hbm4b:s5+s3], $0x80, v4, vm0, $0xb8;
	[tilespmem:$0x18800] =	vst v63  }
0x828: {  	_ = 	snop  }
0x829: {  	[tilespmem:s18], [sflag:$0x1] =	stream.indirect_vreg.gather [hbm4b:s6+s3], $0x80, v4, vm0, $0xb8;
	[tilespmem:$0x18800] =	vst v63  }
0x82a: {  	s8 =	simm.s32 $0x5000  }
0x82b: {  	[tilespmem:s8], [sflag:$0x1] =	stream.indirect_vreg.gather [hbm4b:s2+s3], $0x80, v3, vm0, $0xb8;
	[tilespmem:$0x18800] =	vst v63  }
0x82c: {  	s18 =	simm.s32 $0x5800  }
0x82d: {  	[tilespmem:s18], [sflag:$0x1] =	stream.indirect_vreg.gather [hbm4b:s5+s3], $0x80, v3, vm0, $0xb8;
	[tilespmem:$0x18800] =	vst v63  }
0x82e: {  	s30 =	simm.s32 $0x6000  }
0x82f: {  	[tilespmem:s30], [sflag:$0x1] =	stream.indirect_vreg.gather [hbm4b:s6+s3], $0x80, v3, vm0, $0xb8;
	[tilespmem:$0x18800] =	vst v63  }
0x830: {  	v3 =	vld [tilespmem:$0x620];
	_ =	sdelay $0x4  }
0x831: {  	v34 =	vshrl.u32 v3, $0x3  }
0x832: {  	v4 =	vmul.u32 $0x30, v34  }
0x833: {  	v3 =	vand.u32 $0x7, v3  }
0x834: {  	v3 =	vor.u32 v3, v4  }
0x835: {  	v4 =	vperm.xlane v3, v0;
	_ =	sdelay $0x1  }
0x836: {  	v4 =	vadd.s32 v1, v4;
	_ =	sdelay $0x3  }
0x837: {  	v3 =	vperm.xlane v3, v2  }
0x838: {  	[tilespmem:s16], [sflag:$0x1] =	stream.indirect_vreg.gather [hbm4b:s2+s3], $0x80, v4, vm0, $0xb8;
	[tilespmem:$0x18800] =	vst v63  }
0x839: {  	v3 =	vadd.s32 v1, v3;
	s16 =	simm.s32 $0x7000  }
0x83a: {  	[tilespmem:s16], [sflag:$0x1] =	stream.indirect_vreg.gather [hbm4b:s5+s3], $0x80, v4, vm0, $0xb8;
	[tilespmem:$0x18800] =	vst v63  }
0x83b: {  	_ = 	snop  }
0x83c: {  	[tilespmem:s9], [sflag:$0x1] =	stream.indirect_vreg.gather [hbm4b:s6+s3], $0x80, v4, vm0, $0xb8;
	[tilespmem:$0x18800] =	vst v63  }
0x83d: {  	_ = 	snop  }
0x83e: {  	[tilespmem:s19], [sflag:$0x1] =	stream.indirect_vreg.gather [hbm4b:s2+s3], $0x80, v3, vm0, $0xb8;
	[tilespmem:$0x18800] =	vst v63  }
0x83f: {  	_ = 	snop  }
0x840: {  	[tilespmem:s21], [sflag:$0x1] =	stream.indirect_vreg.gather [hbm4b:s5+s3], $0x80, v3, vm0, $0xb8;
	[tilespmem:$0x18800] =	vst v63  }
0x841: {  	s12 =	simm.s32 $0x9000  }
0x842: {  	[tilespmem:s12], [sflag:$0x1] =	stream.indirect_vreg.gather [hbm4b:s6+s3], $0x80, v3, vm0, $0xb8;
	[tilespmem:$0x18800] =	vst v63  }
0x843: {  	v3 =	vld [tilespmem:$0x630];
	_ =	sdelay $0x4  }
0x844: {  	v35 =	vshrl.u32 v3, $0x3  }
0x845: {  	v4 =	vmul.u32 $0x30, v35  }
0x846: {  	v3 =	vand.u32 $0x7, v3  }
0x847: {  	v3 =	vor.u32 v3, v4  }
0x848: {  	v4 =	vperm.xlane v3, v0;
	_ =	sdelay $0x1  }
0x849: {  	v4 =	vadd.s32 v1, v4;
	_ =	sdelay $0x3  }
0x84a: {  	s30 =	simm.s32 $0x9800;
	v3 =	vperm.xlane v3, v2  }
0x84b: {  	[tilespmem:s30], [sflag:$0x1] =	stream.indirect_vreg.gather [hbm4b:s2+s3], $0x80, v4, vm0, $0xb8;
	[tilespmem:$0x18800] =	vst v63  }
0x84c: {  	v3 =	vadd.s32 v1, v3  }
0x84d: {  	[tilespmem:s14], [sflag:$0x1] =	stream.indirect_vreg.gather [hbm4b:s5+s3], $0x80, v4, vm0, $0xb8;
	[tilespmem:$0x18800] =	vst v63  }
0x84e: {  	s11 =	simm.s32 $0xA800  }
0x84f: {  	[tilespmem:s11], [sflag:$0x1] =	stream.indirect_vreg.gather [hbm4b:s6+s3], $0x80, v4, vm0, $0xb8;
	[tilespmem:$0x18800] =	vst v63  }
0x850: {  	s9 =	simm.s32 $0xB000  }
0x851: {  	[tilespmem:s9], [sflag:$0x1] =	stream.indirect_vreg.gather [hbm4b:s2+s3], $0x80, v3, vm0, $0xb8;
	[tilespmem:$0x18800] =	vst v63  }
0x852: {  	_ = 	snop  }
0x853: {  	[tilespmem:s4], [sflag:$0x1] =	stream.indirect_vreg.gather [hbm4b:s5+s3], $0x80, v3, vm0, $0xb8;
	[tilespmem:$0x18800] =	vst v63  }
0x854: {  	_ = 	snop  }
0x855: {  	[tilespmem:s13], [sflag:$0x1] =	stream.indirect_vreg.gather [hbm4b:s6+s3], $0x80, v3, vm0, $0xb8;
	[tilespmem:$0x18800] =	vst v63  }
0x856: {  	s17 =	simm.s32 $0xC800;
	s14 =	rddreg [dreg:$0x1b]  }
0x857: {  	[hbm4b:s14+s3] =	stream.linear.scatter [tilespmem:s17], [sflag:$0x4], $0xC000, $0x38;
	[tilespmem:$0x18800] =	vst v63  }
0x858: {  	_ =	swait.ge [sflag:s15], $0xC000  }
0x859: {  	[sflag:s15] =	ssyncset.done $0x0  }
0x85a: {  	[sflag:s15] =	ssyncadd.s32 $0xFFFF4000  }
0x85b: {  	_ =	swait.ge [sflag:s10], $0xC000  }
0x85c: {  	[sflag:s10] =	ssyncset.done $0x0  }
0x85d: {  	[sflag:s10] =	ssyncadd.s32 $0xFFFF4000  }
0x85e: {  	v3 =	vld [tilespmem:$0x640];
	_ =	sdelay $0x4  }
0x85f: {  	v36 =	vshrl.u32 v3, $0x3  }
0x860: {  	v4 =	vmul.u32 $0x30, v36  }
0x861: {  	v3 =	vand.u32 $0x7, v3  }
0x862: {  	v3 =	vor.u32 v3, v4  }
0x863: {  	v4 =	vperm.xlane v3, v0;
	_ =	sdelay $0x1  }
0x864: {  	v4 =	vadd.s32 v1, v4;
	_ =	sdelay $0x3  }
0x865: {  	v3 =	vperm.xlane v3, v2  }
0x866: {  	[tilespmem:s17], [sflag:$0x2] =	stream.indirect_vreg.gather [hbm4b:s2+s3], $0x80, v4, vm0, $0xb8;
	[tilespmem:$0x18800] =	vst v63  }
0x867: {  	v3 =	vadd.s32 v1, v3  }
0x868: {  	[tilespmem:s31], [sflag:$0x2] =	stream.indirect_vreg.gather [hbm4b:s5+s3], $0x80, v4, vm0, $0xb8;
	[tilespmem:$0x18800] =	vst v63  }
0x869: {  	s19 =	simm.s32 $0xD800  }
0x86a: {  	[tilespmem:s19], [sflag:$0x2] =	stream.indirect_vreg.gather [hbm4b:s6+s3], $0x80, v4, vm0, $0xb8;
	[tilespmem:$0x18800] =	vst v63  }
0x86b: {  	s20 =	simm.s32 $0xE000  }
0x86c: {  	[tilespmem:s20], [sflag:$0x2] =	stream.indirect_vreg.gather [hbm4b:s2+s3], $0x80, v3, vm0, $0xb8;
	[tilespmem:$0x18800] =	vst v63  }
0x86d: {  	s21 =	simm.s32 $0xE800  }
0x86e: {  	[tilespmem:s21], [sflag:$0x2] =	stream.indirect_vreg.gather [hbm4b:s5+s3], $0x80, v3, vm0, $0xb8;
	[tilespmem:$0x18800] =	vst v63  }
0x86f: {  	s19 =	simm.s32 $0xF000  }
0x870: {  	[tilespmem:s19], [sflag:$0x2] =	stream.indirect_vreg.gather [hbm4b:s6+s3], $0x80, v3, vm0, $0xb8;
	[tilespmem:$0x18800] =	vst v63  }
0x871: {  	v3 =	vld [tilespmem:$0x650];
	_ =	sdelay $0x4  }
0x872: {  	v37 =	vshrl.u32 v3, $0x3  }
0x873: {  	v4 =	vmul.u32 $0x30, v37  }
0x874: {  	v3 =	vand.u32 $0x7, v3  }
0x875: {  	v3 =	vor.u32 v3, v4  }
0x876: {  	v4 =	vperm.xlane v3, v0;
	_ =	sdelay $0x1  }
0x877: {  	v4 =	vadd.s32 v1, v4;
	_ =	sdelay $0x3  }
0x878: {  	s20 =	simm.s32 $0xF800;
	v3 =	vperm.xlane v3, v2  }
0x879: {  	[tilespmem:s20], [sflag:$0x2] =	stream.indirect_vreg.gather [hbm4b:s2+s3], $0x80, v4, vm0, $0xb8;
	[tilespmem:$0x18800] =	vst v63  }
0x87a: {  	v3 =	vadd.s32 v1, v3  }
0x87b: {  	[tilespmem:s22], [sflag:$0x2] =	stream.indirect_vreg.gather [hbm4b:s5+s3], $0x80, v4, vm0, $0xb8;
	[tilespmem:$0x18800] =	vst v63  }
0x87c: {  	_ = 	snop  }
0x87d: {  	[tilespmem:s23], [sflag:$0x2] =	stream.indirect_vreg.gather [hbm4b:s6+s3], $0x80, v4, vm0, $0xb8;
	[tilespmem:$0x18800] =	vst v63  }
0x87e: {  	s22 =	simm.s32 $0x11000  }
0x87f: {  	[tilespmem:s22], [sflag:$0x2] =	stream.indirect_vreg.gather [hbm4b:s2+s3], $0x80, v3, vm0, $0xb8;
	[tilespmem:$0x18800] =	vst v63  }
0x880: {  	s23 =	simm.s32 $0x11800  }
0x881: {  	[tilespmem:s23], [sflag:$0x2] =	stream.indirect_vreg.gather [hbm4b:s5+s3], $0x80, v3, vm0, $0xb8;
	[tilespmem:$0x18800] =	vst v63  }
0x882: {  	s21 =	simm.s32 $0x12000  }
0x883: {  	[tilespmem:s21], [sflag:$0x2] =	stream.indirect_vreg.gather [hbm4b:s6+s3], $0x80, v3, vm0, $0xb8;
	[tilespmem:$0x18800] =	vst v63  }
0x884: {  	v3 =	vld [tilespmem:$0x660];
	_ =	sdelay $0x4  }
0x885: {  	v38 =	vshrl.u32 v3, $0x3  }
0x886: {  	v4 =	vmul.u32 $0x30, v38  }
0x887: {  	v3 =	vand.u32 $0x7, v3  }
0x888: {  	v3 =	vor.u32 v3, v4  }
0x889: {  	v4 =	vperm.xlane v3, v0;
	_ =	sdelay $0x1  }
0x88a: {  	v4 =	vadd.s32 v1, v4;
	_ =	sdelay $0x3  }
0x88b: {  	s22 =	simm.s32 $0x12800;
	v3 =	vperm.xlane v3, v2  }
0x88c: {  	[tilespmem:s22], [sflag:$0x2] =	stream.indirect_vreg.gather [hbm4b:s2+s3], $0x80, v4, vm0, $0xb8;
	[tilespmem:$0x18800] =	vst v63  }
0x88d: {  	v3 =	vadd.s32 v1, v3  }
0x88e: {  	[tilespmem:s24], [sflag:$0x2] =	stream.indirect_vreg.gather [hbm4b:s5+s3], $0x80, v4, vm0, $0xb8;
	[tilespmem:$0x18800] =	vst v63  }
0x88f: {  	_ = 	snop  }
0x890: {  	[tilespmem:s25], [sflag:$0x2] =	stream.indirect_vreg.gather [hbm4b:s6+s3], $0x80, v4, vm0, $0xb8;
	[tilespmem:$0x18800] =	vst v63  }
0x891: {  	s24 =	simm.s32 $0x14000  }
0x892: {  	[tilespmem:s24], [sflag:$0x2] =	stream.indirect_vreg.gather [hbm4b:s2+s3], $0x80, v3, vm0, $0xb8;
	[tilespmem:$0x18800] =	vst v63  }
0x893: {  	s25 =	simm.s32 $0x14800  }
0x894: {  	[tilespmem:s25], [sflag:$0x2] =	stream.indirect_vreg.gather [hbm4b:s5+s3], $0x80, v3, vm0, $0xb8;
	[tilespmem:$0x18800] =	vst v63  }
0x895: {  	s23 =	simm.s32 $0x15000  }
0x896: {  	[tilespmem:s23], [sflag:$0x2] =	stream.indirect_vreg.gather [hbm4b:s6+s3], $0x80, v3, vm0, $0xb8;
	[tilespmem:$0x18800] =	vst v63  }
0x897: {  	v3 =	vld [tilespmem:$0x670];
	_ =	sdelay $0x4  }
0x898: {  	v39 =	vshrl.u32 v3, $0x3  }
0x899: {  	v4 =	vmul.u32 $0x30, v39  }
0x89a: {  	v3 =	vand.u32 $0x7, v3  }
0x89b: {  	v3 =	vor.u32 v3, v4  }
0x89c: {  	v4 =	vperm.xlane v3, v0;
	_ =	sdelay $0x1  }
0x89d: {  	v4 =	vadd.s32 v1, v4;
	_ =	sdelay $0x3  }
0x89e: {  	s24 =	simm.s32 $0x15800;
	v3 =	vperm.xlane v3, v2  }
0x89f: {  	[tilespmem:s24], [sflag:$0x2] =	stream.indirect_vreg.gather [hbm4b:s2+s3], $0x80, v4, vm0, $0xb8;
	[tilespmem:$0x18800] =	vst v63  }
0x8a0: {  	v3 =	vadd.s32 v1, v3  }
0x8a1: {  	[tilespmem:s26], [sflag:$0x2] =	stream.indirect_vreg.gather [hbm4b:s5+s3], $0x80, v4, vm0, $0xb8;
	[tilespmem:$0x18800] =	vst v63  }
0x8a2: {  	_ = 	snop  }
0x8a3: {  	[tilespmem:s28], [sflag:$0x2] =	stream.indirect_vreg.gather [hbm4b:s6+s3], $0x80, v4, vm0, $0xb8;
	[tilespmem:$0x18800] =	vst v63  }
0x8a4: {  	s31 =	simm.s32 $0x17000  }
0x8a5: {  	[tilespmem:s31], [sflag:$0x2] =	stream.indirect_vreg.gather [hbm4b:s2+s3], $0x80, v3, vm0, $0xb8;
	[tilespmem:$0x18800] =	vst v63  }
0x8a6: {  	s17 =	simm.s32 $0x17800  }
0x8a7: {  	[tilespmem:s17], [sflag:$0x2] =	stream.indirect_vreg.gather [hbm4b:s5+s3], $0x80, v3, vm0, $0xb8;
	[tilespmem:$0x18800] =	vst v63  }
0x8a8: {  	s25 =	simm.s32 $0x18000  }
0x8a9: {  	[tilespmem:s25], [sflag:$0x2] =	stream.indirect_vreg.gather [hbm4b:s6+s3], $0x80, v3, vm0, $0xb8;
	[tilespmem:$0x18800] =	vst v63  }
0x8aa: {  	s13 =	simm.s32 $0x800;
	s4 =	rddreg [dreg:$0x1c]  }
0x8ab: {  	[hbm4b:s4+s3] =	stream.linear.scatter [tilespmem:s13], [sflag:$0x3], $0xC000, $0x38;
	[tilespmem:$0x18800] =	vst v63  }
0x8ac: {  	_ =	swait.ge [sflag:s0], $0xC000  }
0x8ad: {  	[sflag:s0] =	ssyncset.done $0x0  }
0x8ae: {  	[sflag:s0] =	ssyncadd.s32 $0xFFFF4000  }
0x8af: {  	_ =	swait.ge [sflag:s7], $0xC000  }
0x8b0: {  	[sflag:s7] =	ssyncset.done $0x0  }
0x8b1: {  	[sflag:s7] =	ssyncadd.s32 $0xFFFF4000  }
0x8b2: {  	v3 =	vld [tilespmem:$0x680];
	_ =	sdelay $0x4  }
0x8b3: {  	v40 =	vshrl.u32 v3, $0x3  }
0x8b4: {  	v4 =	vmul.u32 $0x30, v40  }
0x8b5: {  	v3 =	vand.u32 $0x7, v3  }
0x8b6: {  	v3 =	vor.u32 v3, v4  }
0x8b7: {  	v4 =	vperm.xlane v3, v0;
	_ =	sdelay $0x1  }
0x8b8: {  	v4 =	vadd.s32 v1, v4;
	_ =	sdelay $0x3  }
0x8b9: {  	v3 =	vperm.xlane v3, v2  }
0x8ba: {  	[tilespmem:s13], [sflag:$0x1] =	stream.indirect_vreg.gather [hbm4b:s2+s3], $0x80, v4, vm0, $0xb8;
	[tilespmem:$0x18800] =	vst v63  }
0x8bb: {  	s26 =	simm.s32 $0x1000;
	v3 =	vadd.s32 v1, v3  }
0x8bc: {  	[tilespmem:s26], [sflag:$0x1] =	stream.indirect_vreg.gather [hbm4b:s5+s3], $0x80, v4, vm0, $0xb8;
	[tilespmem:$0x18800] =	vst v63  }
0x8bd: {  	s13 =	simm.s32 $0x1800  }
0x8be: {  	[tilespmem:s13], [sflag:$0x1] =	stream.indirect_vreg.gather [hbm4b:s6+s3], $0x80, v4, vm0, $0xb8;
	[tilespmem:$0x18800] =	vst v63  }
0x8bf: {  	s26 =	simm.s32 $0x2000  }
0x8c0: {  	[tilespmem:s26], [sflag:$0x1] =	stream.indirect_vreg.gather [hbm4b:s2+s3], $0x80, v3, vm0, $0xb8;
	[tilespmem:$0x18800] =	vst v63  }
0x8c1: {  	s31 =	simm.s32 $0x2800  }
0x8c2: {  	[tilespmem:s31], [sflag:$0x1] =	stream.indirect_vreg.gather [hbm4b:s5+s3], $0x80, v3, vm0, $0xb8;
	[tilespmem:$0x18800] =	vst v63  }
0x8c3: {  	s28 =	simm.s32 $0x3000  }
0x8c4: {  	[tilespmem:s28], [sflag:$0x1] =	stream.indirect_vreg.gather [hbm4b:s6+s3], $0x80, v3, vm0, $0xb8;
	[tilespmem:$0x18800] =	vst v63  }
0x8c5: {  	v3 =	vld [tilespmem:$0x690];
	_ =	sdelay $0x4  }
0x8c6: {  	v41 =	vshrl.u32 v3, $0x3  }
0x8c7: {  	v4 =	vmul.u32 $0x30, v41  }
0x8c8: {  	v3 =	vand.u32 $0x7, v3  }
0x8c9: {  	v3 =	vor.u32 v3, v4  }
0x8ca: {  	v4 =	vperm.xlane v3, v0;
	_ =	sdelay $0x1  }
0x8cb: {  	v4 =	vadd.s32 v1, v4;
	_ =	sdelay $0x3  }
0x8cc: {  	v3 =	vperm.xlane v3, v2  }
0x8cd: {  	[tilespmem:s29], [sflag:$0x1] =	stream.indirect_vreg.gather [hbm4b:s2+s3], $0x80, v4, vm0, $0xb8;
	[tilespmem:$0x18800] =	vst v63  }
0x8ce: {  	s14 =	simm.s32 $0x4000;
	v3 =	vadd.s32 v1, v3  }
0x8cf: {  	[tilespmem:s14], [sflag:$0x1] =	stream.indirect_vreg.gather [hbm4b:s5+s3], $0x80, v4, vm0, $0xb8;
	[tilespmem:$0x18800] =	vst v63  }
0x8d0: {  	s28 =	simm.s32 $0x4800  }
0x8d1: {  	[tilespmem:s28], [sflag:$0x1] =	stream.indirect_vreg.gather [hbm4b:s6+s3], $0x80, v4, vm0, $0xb8;
	[tilespmem:$0x18800] =	vst v63  }
0x8d2: {  	_ = 	snop  }
0x8d3: {  	[tilespmem:s8], [sflag:$0x1] =	stream.indirect_vreg.gather [hbm4b:s2+s3], $0x80, v3, vm0, $0xb8;
	[tilespmem:$0x18800] =	vst v63  }
0x8d4: {  	_ = 	snop  }
0x8d5: {  	[tilespmem:s18], [sflag:$0x1] =	stream.indirect_vreg.gather [hbm4b:s5+s3], $0x80, v3, vm0, $0xb8;
	[tilespmem:$0x18800] =	vst v63  }
0x8d6: {  	s29 =	simm.s32 $0x6000  }
0x8d7: {  	[tilespmem:s29], [sflag:$0x1] =	stream.indirect_vreg.gather [hbm4b:s6+s3], $0x80, v3, vm0, $0xb8;
	[tilespmem:$0x18800] =	vst v63  }
0x8d8: {  	v3 =	vld [tilespmem:$0x6A0];
	_ =	sdelay $0x4  }
0x8d9: {  	v42 =	vshrl.u32 v3, $0x3  }
0x8da: {  	v4 =	vmul.u32 $0x30, v42  }
0x8db: {  	v3 =	vand.u32 $0x7, v3  }
0x8dc: {  	v3 =	vor.u32 v3, v4  }
0x8dd: {  	v4 =	vperm.xlane v3, v0;
	_ =	sdelay $0x1  }
0x8de: {  	v4 =	vadd.s32 v1, v4;
	_ =	sdelay $0x3  }
0x8df: {  	s8 =	simm.s32 $0x6800;
	v3 =	vperm.xlane v3, v2  }
0x8e0: {  	[tilespmem:s8], [sflag:$0x1] =	stream.indirect_vreg.gather [hbm4b:s2+s3], $0x80, v4, vm0, $0xb8;
	[tilespmem:$0x18800] =	vst v63  }
0x8e1: {  	v3 =	vadd.s32 v1, v3  }
0x8e2: {  	[tilespmem:s16], [sflag:$0x1] =	stream.indirect_vreg.gather [hbm4b:s5+s3], $0x80, v4, vm0, $0xb8;
	[tilespmem:$0x18800] =	vst v63  }
0x8e3: {  	s8 =	simm.s32 $0x7800  }
0x8e4: {  	[tilespmem:s8], [sflag:$0x1] =	stream.indirect_vreg.gather [hbm4b:s6+s3], $0x80, v4, vm0, $0xb8;
	[tilespmem:$0x18800] =	vst v63  }
0x8e5: {  	s29 =	simm.s32 $0x8000  }
0x8e6: {  	[tilespmem:s29], [sflag:$0x1] =	stream.indirect_vreg.gather [hbm4b:s2+s3], $0x80, v3, vm0, $0xb8;
	[tilespmem:$0x18800] =	vst v63  }
0x8e7: {  	s11 =	simm.s32 $0x8800  }
0x8e8: {  	[tilespmem:s11], [sflag:$0x1] =	stream.indirect_vreg.gather [hbm4b:s5+s3], $0x80, v3, vm0, $0xb8;
	[tilespmem:$0x18800] =	vst v63  }
0x8e9: {  	_ = 	snop  }
0x8ea: {  	[tilespmem:s12], [sflag:$0x1] =	stream.indirect_vreg.gather [hbm4b:s6+s3], $0x80, v3, vm0, $0xb8;
	[tilespmem:$0x18800] =	vst v63  }
0x8eb: {  	v3 =	vld [tilespmem:$0x6B0];
	_ =	sdelay $0x4  }
0x8ec: {  	v43 =	vshrl.u32 v3, $0x3  }
0x8ed: {  	v4 =	vmul.u32 $0x30, v43  }
0x8ee: {  	v3 =	vand.u32 $0x7, v3  }
0x8ef: {  	v3 =	vor.u32 v3, v4  }
0x8f0: {  	v4 =	vperm.xlane v3, v0;
	_ =	sdelay $0x1  }
0x8f1: {  	v4 =	vadd.s32 v1, v4;
	_ =	sdelay $0x3  }
0x8f2: {  	v3 =	vperm.xlane v3, v2  }
0x8f3: {  	[tilespmem:s30], [sflag:$0x1] =	stream.indirect_vreg.gather [hbm4b:s2+s3], $0x80, v4, vm0, $0xb8;
	[tilespmem:$0x18800] =	vst v63  }
0x8f4: {  	s18 =	simm.s32 $0xA000;
	v3 =	vadd.s32 v1, v3  }
0x8f5: {  	[tilespmem:s18], [sflag:$0x1] =	stream.indirect_vreg.gather [hbm4b:s5+s3], $0x80, v4, vm0, $0xb8;
	[tilespmem:$0x18800] =	vst v63  }
0x8f6: {  	s12 =	simm.s32 $0xA800  }
0x8f7: {  	[tilespmem:s12], [sflag:$0x1] =	stream.indirect_vreg.gather [hbm4b:s6+s3], $0x80, v4, vm0, $0xb8;
	[tilespmem:$0x18800] =	vst v63  }
0x8f8: {  	_ = 	snop  }
0x8f9: {  	[tilespmem:s9], [sflag:$0x1] =	stream.indirect_vreg.gather [hbm4b:s2+s3], $0x80, v3, vm0, $0xb8;
	[tilespmem:$0x18800] =	vst v63  }
0x8fa: {  	s4 =	simm.s32 $0xB800  }
0x8fb: {  	[tilespmem:s4], [sflag:$0x1] =	stream.indirect_vreg.gather [hbm4b:s5+s3], $0x80, v3, vm0, $0xb8;
	[tilespmem:$0x18800] =	vst v63  }
0x8fc: {  	s9 =	simm.s32 $0xC000  }
0x8fd: {  	[tilespmem:s9], [sflag:$0x1] =	stream.indirect_vreg.gather [hbm4b:s6+s3], $0x80, v3, vm0, $0xb8;
	[tilespmem:$0x18800] =	vst v63  }
0x8fe: {  	s16 =	rddreg [dreg:$0x1d];
	s30 =	simm.s32 $0xC800  }
0x8ff: {  	[hbm4b:s16+s3] =	stream.linear.scatter [tilespmem:s30], [sflag:$0x4], $0xC000, $0x38;
	[tilespmem:$0x18800] =	vst v63  }
0x900: {  	_ =	swait.ge [sflag:s15], $0xC000  }
0x901: {  	[sflag:s15] =	ssyncset.done $0x0  }
0x902: {  	[sflag:s15] =	ssyncadd.s32 $0xFFFF4000  }
0x903: {  	_ =	swait.ge [sflag:s10], $0xC000  }
0x904: {  	[sflag:s10] =	ssyncset.done $0x0  }
0x905: {  	[sflag:s10] =	ssyncadd.s32 $0xFFFF4000  }
0x906: {  	v3 =	vld [tilespmem:$0x6C0];
	_ =	sdelay $0x4  }
0x907: {  	v44 =	vshrl.u32 v3, $0x3  }
0x908: {  	v4 =	vmul.u32 $0x30, v44  }
0x909: {  	v3 =	vand.u32 $0x7, v3  }
0x90a: {  	v3 =	vor.u32 v3, v4  }
0x90b: {  	v4 =	vperm.xlane v3, v0;
	_ =	sdelay $0x1  }
0x90c: {  	v4 =	vadd.s32 v1, v4;
	_ =	sdelay $0x3  }
0x90d: {  	v3 =	vperm.xlane v3, v2  }
0x90e: {  	[tilespmem:s30], [sflag:$0x2] =	stream.indirect_vreg.gather [hbm4b:s2+s3], $0x80, v4, vm0, $0xb8;
	[tilespmem:$0x18800] =	vst v63  }
0x90f: {  	s16 =	simm.s32 $0xD000;
	v3 =	vadd.s32 v1, v3  }
0x910: {  	[tilespmem:s16], [sflag:$0x2] =	stream.indirect_vreg.gather [hbm4b:s5+s3], $0x80, v4, vm0, $0xb8;
	[tilespmem:$0x18800] =	vst v63  }
0x911: {  	s30 =	simm.s32 $0xD800  }
0x912: {  	[tilespmem:s30], [sflag:$0x2] =	stream.indirect_vreg.gather [hbm4b:s6+s3], $0x80, v4, vm0, $0xb8;
	[tilespmem:$0x18800] =	vst v63  }
0x913: {  	s11 =	simm.s32 $0xE000  }
0x914: {  	[tilespmem:s11], [sflag:$0x2] =	stream.indirect_vreg.gather [hbm4b:s2+s3], $0x80, v3, vm0, $0xb8;
	[tilespmem:$0x18800] =	vst v63  }
0x915: {  	s11 =	simm.s32 $0xE800  }
0x916: {  	[tilespmem:s11], [sflag:$0x2] =	stream.indirect_vreg.gather [hbm4b:s5+s3], $0x80, v3, vm0, $0xb8;
	[tilespmem:$0x18800] =	vst v63  }
0x917: {  	_ = 	snop  }
0x918: {  	[tilespmem:s19], [sflag:$0x2] =	stream.indirect_vreg.gather [hbm4b:s6+s3], $0x80, v3, vm0, $0xb8;
	[tilespmem:$0x18800] =	vst v63  }
0x919: {  	v3 =	vld [tilespmem:$0x6D0];
	_ =	sdelay $0x4  }
0x91a: {  	v45 =	vshrl.u32 v3, $0x3  }
0x91b: {  	v4 =	vmul.u32 $0x30, v45  }
0x91c: {  	v3 =	vand.u32 $0x7, v3  }
0x91d: {  	v3 =	vor.u32 v3, v4  }
0x91e: {  	v4 =	vperm.xlane v3, v0;
	_ =	sdelay $0x1  }
0x91f: {  	v4 =	vadd.s32 v1, v4;
	_ =	sdelay $0x3  }
0x920: {  	v3 =	vperm.xlane v3, v2  }
0x921: {  	[tilespmem:s20], [sflag:$0x2] =	stream.indirect_vreg.gather [hbm4b:s2+s3], $0x80, v4, vm0, $0xb8;
	[tilespmem:$0x18800] =	vst v63  }
0x922: {  	s19 =	simm.s32 $0x10000;
	v3 =	vadd.s32 v1, v3  }
0x923: {  	[tilespmem:s19], [sflag:$0x2] =	stream.indirect_vreg.gather [hbm4b:s5+s3], $0x80, v4, vm0, $0xb8;
	[tilespmem:$0x18800] =	vst v63  }
0x924: {  	s20 =	simm.s32 $0x10800  }
0x925: {  	[tilespmem:s20], [sflag:$0x2] =	stream.indirect_vreg.gather [hbm4b:s6+s3], $0x80, v4, vm0, $0xb8;
	[tilespmem:$0x18800] =	vst v63  }
0x926: {  	s11 =	simm.s32 $0x11000  }
0x927: {  	[tilespmem:s11], [sflag:$0x2] =	stream.indirect_vreg.gather [hbm4b:s2+s3], $0x80, v3, vm0, $0xb8;
	[tilespmem:$0x18800] =	vst v63  }
0x928: {  	s11 =	simm.s32 $0x11800  }
0x929: {  	[tilespmem:s11], [sflag:$0x2] =	stream.indirect_vreg.gather [hbm4b:s5+s3], $0x80, v3, vm0, $0xb8;
	[tilespmem:$0x18800] =	vst v63  }
0x92a: {  	_ = 	snop  }
0x92b: {  	[tilespmem:s21], [sflag:$0x2] =	stream.indirect_vreg.gather [hbm4b:s6+s3], $0x80, v3, vm0, $0xb8;
	[tilespmem:$0x18800] =	vst v63  }
0x92c: {  	v3 =	vld [tilespmem:$0x6E0];
	_ =	sdelay $0x4  }
0x92d: {  	v46 =	vshrl.u32 v3, $0x3  }
0x92e: {  	v4 =	vmul.u32 $0x30, v46  }
0x92f: {  	v3 =	vand.u32 $0x7, v3  }
0x930: {  	v3 =	vor.u32 v3, v4  }
0x931: {  	v4 =	vperm.xlane v3, v0;
	_ =	sdelay $0x1  }
0x932: {  	v4 =	vadd.s32 v1, v4;
	_ =	sdelay $0x3  }
0x933: {  	v3 =	vperm.xlane v3, v2  }
0x934: {  	[tilespmem:s22], [sflag:$0x2] =	stream.indirect_vreg.gather [hbm4b:s2+s3], $0x80, v4, vm0, $0xb8;
	[tilespmem:$0x18800] =	vst v63  }
0x935: {  	s21 =	simm.s32 $0x13000;
	v3 =	vadd.s32 v1, v3  }
0x936: {  	[tilespmem:s21], [sflag:$0x2] =	stream.indirect_vreg.gather [hbm4b:s5+s3], $0x80, v4, vm0, $0xb8;
	[tilespmem:$0x18800] =	vst v63  }
0x937: {  	s22 =	simm.s32 $0x13800  }
0x938: {  	[tilespmem:s22], [sflag:$0x2] =	stream.indirect_vreg.gather [hbm4b:s6+s3], $0x80, v4, vm0, $0xb8;
	[tilespmem:$0x18800] =	vst v63  }
0x939: {  	s11 =	simm.s32 $0x14000  }
0x93a: {  	[tilespmem:s11], [sflag:$0x2] =	stream.indirect_vreg.gather [hbm4b:s2+s3], $0x80, v3, vm0, $0xb8;
	[tilespmem:$0x18800] =	vst v63  }
0x93b: {  	s11 =	simm.s32 $0x14800  }
0x93c: {  	[tilespmem:s11], [sflag:$0x2] =	stream.indirect_vreg.gather [hbm4b:s5+s3], $0x80, v3, vm0, $0xb8;
	[tilespmem:$0x18800] =	vst v63  }
0x93d: {  	_ = 	snop  }
0x93e: {  	[tilespmem:s23], [sflag:$0x2] =	stream.indirect_vreg.gather [hbm4b:s6+s3], $0x80, v3, vm0, $0xb8;
	[tilespmem:$0x18800] =	vst v63  }
0x93f: {  	v3 =	vld [tilespmem:$0x6F0];
	_ =	sdelay $0x4  }
0x940: {  	v47 =	vshrl.u32 v3, $0x3  }
0x941: {  	v4 =	vmul.u32 $0x30, v47  }
0x942: {  	v3 =	vand.u32 $0x7, v3  }
0x943: {  	v3 =	vor.u32 v3, v4  }
0x944: {  	v4 =	vperm.xlane v3, v0;
	_ =	sdelay $0x1  }
0x945: {  	v4 =	vadd.s32 v1, v4;
	_ =	sdelay $0x3  }
0x946: {  	v3 =	vperm.xlane v3, v2  }
0x947: {  	[tilespmem:s24], [sflag:$0x2] =	stream.indirect_vreg.gather [hbm4b:s2+s3], $0x80, v4, vm0, $0xb8;
	[tilespmem:$0x18800] =	vst v63  }
0x948: {  	s23 =	simm.s32 $0x16000;
	v3 =	vadd.s32 v1, v3  }
0x949: {  	[tilespmem:s23], [sflag:$0x2] =	stream.indirect_vreg.gather [hbm4b:s5+s3], $0x80, v4, vm0, $0xb8;
	[tilespmem:$0x18800] =	vst v63  }
0x94a: {  	s24 =	simm.s32 $0x16800  }
0x94b: {  	[tilespmem:s24], [sflag:$0x2] =	stream.indirect_vreg.gather [hbm4b:s6+s3], $0x80, v4, vm0, $0xb8;
	[tilespmem:$0x18800] =	vst v63  }
0x94c: {  	s11 =	simm.s32 $0x17000  }
0x94d: {  	[tilespmem:s11], [sflag:$0x2] =	stream.indirect_vreg.gather [hbm4b:s2+s3], $0x80, v3, vm0, $0xb8;
	[tilespmem:$0x18800] =	vst v63  }
0x94e: {  	_ = 	snop  }
0x94f: {  	[tilespmem:s17], [sflag:$0x2] =	stream.indirect_vreg.gather [hbm4b:s5+s3], $0x80, v3, vm0, $0xb8;
	[tilespmem:$0x18800] =	vst v63  }
0x950: {  	_ = 	snop  }
0x951: {  	[tilespmem:s25], [sflag:$0x2] =	stream.indirect_vreg.gather [hbm4b:s6+s3], $0x80, v3, vm0, $0xb8;
	[tilespmem:$0x18800] =	vst v63  }
0x952: {  	s1 =	simm.s32 $0x800;
	s17 =	rddreg [dreg:$0x1e]  }
0x953: {  	[hbm4b:s17+s3] =	stream.linear.scatter [tilespmem:s1], [sflag:$0x3], $0xC000, $0x38;
	[tilespmem:$0x18800] =	vst v63  }
0x954: {  	_ =	swait.ge [sflag:s0], $0xC000  }
0x955: {  	[sflag:s0] =	ssyncset.done $0x0  }
0x956: {  	[sflag:s0] =	ssyncadd.s32 $0xFFFF4000  }
0x957: {  	_ =	swait.ge [sflag:s7], $0xC000  }
0x958: {  	[sflag:s7] =	ssyncset.done $0x0  }
0x959: {  	[sflag:s7] =	ssyncadd.s32 $0xFFFF4000  }
0x95a: {  	v3 =	vld [tilespmem:$0x700];
	_ =	sdelay $0x4  }
0x95b: {  	v48 =	vshrl.u32 v3, $0x3  }
0x95c: {  	v4 =	vmul.u32 $0x30, v48  }
0x95d: {  	v3 =	vand.u32 $0x7, v3  }
0x95e: {  	v3 =	vor.u32 v3, v4  }
0x95f: {  	v4 =	vperm.xlane v3, v0;
	_ =	sdelay $0x1  }
0x960: {  	v4 =	vadd.s32 v1, v4;
	_ =	sdelay $0x3  }
0x961: {  	v3 =	vperm.xlane v3, v2  }
0x962: {  	[tilespmem:s1], [sflag:$0x1] =	stream.indirect_vreg.gather [hbm4b:s2+s3], $0x80, v4, vm0, $0xb8;
	[tilespmem:$0x18800] =	vst v63  }
0x963: {  	s25 =	simm.s32 $0x1000;
	v3 =	vadd.s32 v1, v3  }
0x964: {  	[tilespmem:s25], [sflag:$0x1] =	stream.indirect_vreg.gather [hbm4b:s5+s3], $0x80, v4, vm0, $0xb8;
	[tilespmem:$0x18800] =	vst v63  }
0x965: {  	_ = 	snop  }
0x966: {  	[tilespmem:s13], [sflag:$0x1] =	stream.indirect_vreg.gather [hbm4b:s6+s3], $0x80, v4, vm0, $0xb8;
	[tilespmem:$0x18800] =	vst v63  }
0x967: {  	_ = 	snop  }
0x968: {  	[tilespmem:s26], [sflag:$0x1] =	stream.indirect_vreg.gather [hbm4b:s2+s3], $0x80, v3, vm0, $0xb8;
	[tilespmem:$0x18800] =	vst v63  }
0x969: {  	_ = 	snop  }
0x96a: {  	[tilespmem:s31], [sflag:$0x1] =	stream.indirect_vreg.gather [hbm4b:s5+s3], $0x80, v3, vm0, $0xb8;
	[tilespmem:$0x18800] =	vst v63  }
0x96b: {  	s1 =	simm.s32 $0x3000  }
0x96c: {  	[tilespmem:s1], [sflag:$0x1] =	stream.indirect_vreg.gather [hbm4b:s6+s3], $0x80, v3, vm0, $0xb8;
	[tilespmem:$0x18800] =	vst v63  }
0x96d: {  	v3 =	vld [tilespmem:$0x710];
	_ =	sdelay $0x4  }
0x96e: {  	v49 =	vshrl.u32 v3, $0x3  }
0x96f: {  	v4 =	vmul.u32 $0x30, v49  }
0x970: {  	v3 =	vand.u32 $0x7, v3  }
0x971: {  	v3 =	vor.u32 v3, v4  }
0x972: {  	v4 =	vperm.xlane v3, v0;
	_ =	sdelay $0x1  }
0x973: {  	v4 =	vadd.s32 v1, v4;
	_ =	sdelay $0x3  }
0x974: {  	s13 =	simm.s32 $0x3800;
	v3 =	vperm.xlane v3, v2  }
0x975: {  	[tilespmem:s13], [sflag:$0x1] =	stream.indirect_vreg.gather [hbm4b:s2+s3], $0x80, v4, vm0, $0xb8;
	[tilespmem:$0x18800] =	vst v63  }
0x976: {  	v3 =	vadd.s32 v1, v3  }
0x977: {  	[tilespmem:s14], [sflag:$0x1] =	stream.indirect_vreg.gather [hbm4b:s5+s3], $0x80, v4, vm0, $0xb8;
	[tilespmem:$0x18800] =	vst v63  }
0x978: {  	_ = 	snop  }
0x979: {  	[tilespmem:s28], [sflag:$0x1] =	stream.indirect_vreg.gather [hbm4b:s6+s3], $0x80, v4, vm0, $0xb8;
	[tilespmem:$0x18800] =	vst v63  }
0x97a: {  	s14 =	simm.s32 $0x5000  }
0x97b: {  	[tilespmem:s14], [sflag:$0x1] =	stream.indirect_vreg.gather [hbm4b:s2+s3], $0x80, v3, vm0, $0xb8;
	[tilespmem:$0x18800] =	vst v63  }
0x97c: {  	s17 =	simm.s32 $0x5800  }
0x97d: {  	[tilespmem:s17], [sflag:$0x1] =	stream.indirect_vreg.gather [hbm4b:s5+s3], $0x80, v3, vm0, $0xb8;
	[tilespmem:$0x18800] =	vst v63  }
0x97e: {  	s28 =	simm.s32 $0x6000  }
0x97f: {  	[tilespmem:s28], [sflag:$0x1] =	stream.indirect_vreg.gather [hbm4b:s6+s3], $0x80, v3, vm0, $0xb8;
	[tilespmem:$0x18800] =	vst v63  }
0x980: {  	v3 =	vld [tilespmem:$0x720];
	_ =	sdelay $0x4  }
0x981: {  	v50 =	vshrl.u32 v3, $0x3  }
0x982: {  	v4 =	vmul.u32 $0x30, v50  }
0x983: {  	v3 =	vand.u32 $0x7, v3  }
0x984: {  	v3 =	vor.u32 v3, v4  }
0x985: {  	v4 =	vperm.xlane v3, v0;
	_ =	sdelay $0x1  }
0x986: {  	v4 =	vadd.s32 v1, v4;
	_ =	sdelay $0x3  }
0x987: {  	s31 =	simm.s32 $0x6800;
	v3 =	vperm.xlane v3, v2  }
0x988: {  	[tilespmem:s31], [sflag:$0x1] =	stream.indirect_vreg.gather [hbm4b:s2+s3], $0x80, v4, vm0, $0xb8;
	[tilespmem:$0x18800] =	vst v63  }
0x989: {  	s11 =	simm.s32 $0x7000;
	v3 =	vadd.s32 v1, v3  }
0x98a: {  	[tilespmem:s11], [sflag:$0x1] =	stream.indirect_vreg.gather [hbm4b:s5+s3], $0x80, v4, vm0, $0xb8;
	[tilespmem:$0x18800] =	vst v63  }
0x98b: {  	_ = 	snop  }
0x98c: {  	[tilespmem:s8], [sflag:$0x1] =	stream.indirect_vreg.gather [hbm4b:s6+s3], $0x80, v4, vm0, $0xb8;
	[tilespmem:$0x18800] =	vst v63  }
0x98d: {  	_ = 	snop  }
0x98e: {  	[tilespmem:s29], [sflag:$0x1] =	stream.indirect_vreg.gather [hbm4b:s2+s3], $0x80, v3, vm0, $0xb8;
	[tilespmem:$0x18800] =	vst v63  }
0x98f: {  	s17 =	simm.s32 $0x8800  }
0x990: {  	[tilespmem:s17], [sflag:$0x1] =	stream.indirect_vreg.gather [hbm4b:s5+s3], $0x80, v3, vm0, $0xb8;
	[tilespmem:$0x18800] =	vst v63  }
0x991: {  	s29 =	simm.s32 $0x9000  }
0x992: {  	[tilespmem:s29], [sflag:$0x1] =	stream.indirect_vreg.gather [hbm4b:s6+s3], $0x80, v3, vm0, $0xb8;
	[tilespmem:$0x18800] =	vst v63  }
0x993: {  	v3 =	vld [tilespmem:$0x730];
	_ =	sdelay $0x4  }
0x994: {  	v51 =	vshrl.u32 v3, $0x3  }
0x995: {  	v4 =	vmul.u32 $0x30, v51  }
0x996: {  	v3 =	vand.u32 $0x7, v3  }
0x997: {  	v3 =	vor.u32 v3, v4  }
0x998: {  	v4 =	vperm.xlane v3, v0;
	_ =	sdelay $0x1  }
0x999: {  	v4 =	vadd.s32 v1, v4;
	_ =	sdelay $0x3  }
0x99a: {  	s8 =	simm.s32 $0x9800;
	v3 =	vperm.xlane v3, v2  }
0x99b: {  	[tilespmem:s8], [sflag:$0x1] =	stream.indirect_vreg.gather [hbm4b:s2+s3], $0x80, v4, vm0, $0xb8;
	[tilespmem:$0x18800] =	vst v63  }
0x99c: {  	v3 =	vadd.s32 v1, v3  }
0x99d: {  	[tilespmem:s18], [sflag:$0x1] =	stream.indirect_vreg.gather [hbm4b:s5+s3], $0x80, v4, vm0, $0xb8;
	[tilespmem:$0x18800] =	vst v63  }
0x99e: {  	_ = 	snop  }
0x99f: {  	[tilespmem:s12], [sflag:$0x1] =	stream.indirect_vreg.gather [hbm4b:s6+s3], $0x80, v4, vm0, $0xb8;
	[tilespmem:$0x18800] =	vst v63  }
0x9a0: {  	s11 =	simm.s32 $0xB000  }
0x9a1: {  	[tilespmem:s11], [sflag:$0x1] =	stream.indirect_vreg.gather [hbm4b:s2+s3], $0x80, v3, vm0, $0xb8;
	[tilespmem:$0x18800] =	vst v63  }
0x9a2: {  	_ = 	snop  }
0x9a3: {  	[tilespmem:s4], [sflag:$0x1] =	stream.indirect_vreg.gather [hbm4b:s5+s3], $0x80, v3, vm0, $0xb8;
	[tilespmem:$0x18800] =	vst v63  }
0x9a4: {  	_ = 	snop  }
0x9a5: {  	[tilespmem:s9], [sflag:$0x1] =	stream.indirect_vreg.gather [hbm4b:s6+s3], $0x80, v3, vm0, $0xb8;
	[tilespmem:$0x18800] =	vst v63  }
0x9a6: {  	s29 =	simm.s32 $0xC800;
	s18 =	rddreg [dreg:$0x1f]  }
0x9a7: {  	[hbm4b:s18+s3] =	stream.linear.scatter [tilespmem:s29], [sflag:$0x4], $0xC000, $0x38;
	[tilespmem:$0x18800] =	vst v63  }
0x9a8: {  	_ =	swait.ge [sflag:s15], $0xC000  }
0x9a9: {  	[sflag:s15] =	ssyncset.done $0x0  }
0x9aa: {  	[sflag:s15] =	ssyncadd.s32 $0xFFFF4000  }
0x9ab: {  	_ =	swait.ge [sflag:s10], $0xC000  }
0x9ac: {  	[sflag:s10] =	ssyncset.done $0x0  }
0x9ad: {  	[sflag:s10] =	ssyncadd.s32 $0xFFFF4000  }
0x9ae: {  	v3 =	vld [tilespmem:$0x740];
	_ =	sdelay $0x4  }
0x9af: {  	v52 =	vshrl.u32 v3, $0x3  }
0x9b0: {  	v4 =	vmul.u32 $0x30, v52  }
0x9b1: {  	v3 =	vand.u32 $0x7, v3  }
0x9b2: {  	v3 =	vor.u32 v3, v4  }
0x9b3: {  	v4 =	vperm.xlane v3, v0;
	_ =	sdelay $0x1  }
0x9b4: {  	v4 =	vadd.s32 v1, v4;
	_ =	sdelay $0x3  }
0x9b5: {  	v3 =	vperm.xlane v3, v2  }
0x9b6: {  	[tilespmem:s29], [sflag:$0x2] =	stream.indirect_vreg.gather [hbm4b:s2+s3], $0x80, v4, vm0, $0xb8;
	[tilespmem:$0x18800] =	vst v63  }
0x9b7: {  	v3 =	vadd.s32 v1, v3  }
0x9b8: {  	[tilespmem:s16], [sflag:$0x2] =	stream.indirect_vreg.gather [hbm4b:s5+s3], $0x80, v4, vm0, $0xb8;
	[tilespmem:$0x18800] =	vst v63  }
0x9b9: {  	_ = 	snop  }
0x9ba: {  	[tilespmem:s30], [sflag:$0x2] =	stream.indirect_vreg.gather [hbm4b:s6+s3], $0x80, v4, vm0, $0xb8;
	[tilespmem:$0x18800] =	vst v63  }
0x9bb: {  	s1 =	simm.s32 $0xE000  }
0x9bc: {  	[tilespmem:s1], [sflag:$0x2] =	stream.indirect_vreg.gather [hbm4b:s2+s3], $0x80, v3, vm0, $0xb8;
	[tilespmem:$0x18800] =	vst v63  }
0x9bd: {  	s4 =	simm.s32 $0xE800  }
0x9be: {  	[tilespmem:s4], [sflag:$0x2] =	stream.indirect_vreg.gather [hbm4b:s5+s3], $0x80, v3, vm0, $0xb8;
	[tilespmem:$0x18800] =	vst v63  }
0x9bf: {  	s4 =	simm.s32 $0xF000  }
0x9c0: {  	[tilespmem:s4], [sflag:$0x2] =	stream.indirect_vreg.gather [hbm4b:s6+s3], $0x80, v3, vm0, $0xb8;
	[tilespmem:$0x18800] =	vst v63  }
0x9c1: {  	v3 =	vld [tilespmem:$0x750];
	_ =	sdelay $0x4  }
0x9c2: {  	v53 =	vshrl.u32 v3, $0x3  }
0x9c3: {  	v4 =	vmul.u32 $0x30, v53  }
0x9c4: {  	v3 =	vand.u32 $0x7, v3  }
0x9c5: {  	v3 =	vor.u32 v3, v4  }
0x9c6: {  	v4 =	vperm.xlane v3, v0;
	_ =	sdelay $0x1  }
0x9c7: {  	v4 =	vadd.s32 v1, v4;
	_ =	sdelay $0x3  }
0x9c8: {  	s11 =	simm.s32 $0xF800;
	v3 =	vperm.xlane v3, v2  }
0x9c9: {  	[tilespmem:s11], [sflag:$0x2] =	stream.indirect_vreg.gather [hbm4b:s2+s3], $0x80, v4, vm0, $0xb8;
	[tilespmem:$0x18800] =	vst v63  }
0x9ca: {  	v3 =	vadd.s32 v1, v3  }
0x9cb: {  	[tilespmem:s19], [sflag:$0x2] =	stream.indirect_vreg.gather [hbm4b:s5+s3], $0x80, v4, vm0, $0xb8;
	[tilespmem:$0x18800] =	vst v63  }
0x9cc: {  	_ = 	snop  }
0x9cd: {  	[tilespmem:s20], [sflag:$0x2] =	stream.indirect_vreg.gather [hbm4b:s6+s3], $0x80, v4, vm0, $0xb8;
	[tilespmem:$0x18800] =	vst v63  }
0x9ce: {  	s1 =	simm.s32 $0x11000  }
0x9cf: {  	[tilespmem:s1], [sflag:$0x2] =	stream.indirect_vreg.gather [hbm4b:s2+s3], $0x80, v3, vm0, $0xb8;
	[tilespmem:$0x18800] =	vst v63  }
0x9d0: {  	s1 =	simm.s32 $0x11800  }
0x9d1: {  	[tilespmem:s1], [sflag:$0x2] =	stream.indirect_vreg.gather [hbm4b:s5+s3], $0x80, v3, vm0, $0xb8;
	[tilespmem:$0x18800] =	vst v63  }
0x9d2: {  	s11 =	simm.s32 $0x12000  }
0x9d3: {  	[tilespmem:s11], [sflag:$0x2] =	stream.indirect_vreg.gather [hbm4b:s6+s3], $0x80, v3, vm0, $0xb8;
	[tilespmem:$0x18800] =	vst v63  }
0x9d4: {  	v3 =	vld [tilespmem:$0x760];
	_ =	sdelay $0x4  }
0x9d5: {  	v54 =	vshrl.u32 v3, $0x3  }
0x9d6: {  	v4 =	vmul.u32 $0x30, v54  }
0x9d7: {  	v3 =	vand.u32 $0x7, v3  }
0x9d8: {  	v3 =	vor.u32 v3, v4  }
0x9d9: {  	v4 =	vperm.xlane v3, v0;
	_ =	sdelay $0x1  }
0x9da: {  	v4 =	vadd.s32 v1, v4;
	_ =	sdelay $0x3  }
0x9db: {  	s11 =	simm.s32 $0x12800;
	v3 =	vperm.xlane v3, v2  }
0x9dc: {  	[tilespmem:s11], [sflag:$0x2] =	stream.indirect_vreg.gather [hbm4b:s2+s3], $0x80, v4, vm0, $0xb8;
	[tilespmem:$0x18800] =	vst v63  }
0x9dd: {  	v3 =	vadd.s32 v1, v3  }
0x9de: {  	[tilespmem:s21], [sflag:$0x2] =	stream.indirect_vreg.gather [hbm4b:s5+s3], $0x80, v4, vm0, $0xb8;
	[tilespmem:$0x18800] =	vst v63  }
0x9df: {  	_ = 	snop  }
0x9e0: {  	[tilespmem:s22], [sflag:$0x2] =	stream.indirect_vreg.gather [hbm4b:s6+s3], $0x80, v4, vm0, $0xb8;
	[tilespmem:$0x18800] =	vst v63  }
0x9e1: {  	s1 =	simm.s32 $0x14000  }
0x9e2: {  	[tilespmem:s1], [sflag:$0x2] =	stream.indirect_vreg.gather [hbm4b:s2+s3], $0x80, v3, vm0, $0xb8;
	[tilespmem:$0x18800] =	vst v63  }
0x9e3: {  	s1 =	simm.s32 $0x14800  }
0x9e4: {  	[tilespmem:s1], [sflag:$0x2] =	stream.indirect_vreg.gather [hbm4b:s5+s3], $0x80, v3, vm0, $0xb8;
	[tilespmem:$0x18800] =	vst v63  }
0x9e5: {  	s11 =	simm.s32 $0x15000  }
0x9e6: {  	[tilespmem:s11], [sflag:$0x2] =	stream.indirect_vreg.gather [hbm4b:s6+s3], $0x80, v3, vm0, $0xb8;
	[tilespmem:$0x18800] =	vst v63  }
0x9e7: {  	v3 =	vld [tilespmem:$0x770];
	_ =	sdelay $0x4  }
0x9e8: {  	v55 =	vshrl.u32 v3, $0x3  }
0x9e9: {  	v4 =	vmul.u32 $0x30, v55  }
0x9ea: {  	v3 =	vand.u32 $0x7, v3  }
0x9eb: {  	v3 =	vor.u32 v3, v4  }
0x9ec: {  	v4 =	vperm.xlane v3, v0;
	_ =	sdelay $0x1  }
0x9ed: {  	v4 =	vadd.s32 v1, v4;
	_ =	sdelay $0x3  }
0x9ee: {  	s11 =	simm.s32 $0x15800;
	v3 =	vperm.xlane v3, v2  }
0x9ef: {  	[tilespmem:s11], [sflag:$0x2] =	stream.indirect_vreg.gather [hbm4b:s2+s3], $0x80, v4, vm0, $0xb8;
	[tilespmem:$0x18800] =	vst v63  }
0x9f0: {  	v3 =	vadd.s32 v1, v3  }
0x9f1: {  	[tilespmem:s23], [sflag:$0x2] =	stream.indirect_vreg.gather [hbm4b:s5+s3], $0x80, v4, vm0, $0xb8;
	[tilespmem:$0x18800] =	vst v63  }
0x9f2: {  	_ = 	snop  }
0x9f3: {  	[tilespmem:s24], [sflag:$0x2] =	stream.indirect_vreg.gather [hbm4b:s6+s3], $0x80, v4, vm0, $0xb8;
	[tilespmem:$0x18800] =	vst v63  }
0x9f4: {  	s1 =	simm.s32 $0x17000  }
0x9f5: {  	[tilespmem:s1], [sflag:$0x2] =	stream.indirect_vreg.gather [hbm4b:s2+s3], $0x80, v3, vm0, $0xb8;
	[tilespmem:$0x18800] =	vst v63  }
0x9f6: {  	s11 =	simm.s32 $0x17800  }
0x9f7: {  	[tilespmem:s11], [sflag:$0x2] =	stream.indirect_vreg.gather [hbm4b:s5+s3], $0x80, v3, vm0, $0xb8;
	[tilespmem:$0x18800] =	vst v63  }
0x9f8: {  	s1 =	simm.s32 $0x18000;
	s11 =	sld [smem:$0x7FA]  }
0x9f9: {  	[tilespmem:s1], [sflag:$0x2] =	stream.indirect_vreg.gather [hbm4b:s6+s3], $0x80, v3, vm0, $0xb8;
	[tilespmem:$0x18800] =	vst v63  }
0x9fa: {  	s1 =	simm.s32 $0x800  }
0x9fb: {  	[hbm4b:s11+s3] =	stream.linear.scatter [tilespmem:s1], [sflag:$0x3], $0xC000, $0x38;
	[tilespmem:$0x18800] =	vst v63  }
0x9fc: {  	_ =	swait.ge [sflag:s0], $0xC000  }
0x9fd: {  	[sflag:s0] =	ssyncset.done $0x0  }
0x9fe: {  	[sflag:s0] =	ssyncadd.s32 $0xFFFF4000  }
0x9ff: {  	_ =	swait.ge [sflag:s7], $0xC000  }
0xa00: {  	[sflag:s7] =	ssyncset.done $0x0  }
0xa01: {  	[sflag:s7] =	ssyncadd.s32 $0xFFFF4000  }
0xa02: {  	v3 =	vld [tilespmem:$0x780];
	_ =	sdelay $0x4  }
0xa03: {  	v56 =	vshrl.u32 v3, $0x3  }
0xa04: {  	v4 =	vmul.u32 $0x30, v56  }
0xa05: {  	v3 =	vand.u32 $0x7, v3  }
0xa06: {  	v3 =	vor.u32 v3, v4  }
0xa07: {  	v4 =	vperm.xlane v3, v0;
	_ =	sdelay $0x1  }
0xa08: {  	v4 =	vadd.s32 v1, v4;
	_ =	sdelay $0x3  }
0xa09: {  	v3 =	vperm.xlane v3, v2  }
0xa0a: {  	[tilespmem:s1], [sflag:$0x1] =	stream.indirect_vreg.gather [hbm4b:s2+s3], $0x80, v4, vm0, $0xb8;
	[tilespmem:$0x18800] =	vst v63  }
0xa0b: {  	s11 =	simm.s32 $0x1000;
	v3 =	vadd.s32 v1, v3  }
0xa0c: {  	[tilespmem:s11], [sflag:$0x1] =	stream.indirect_vreg.gather [hbm4b:s5+s3], $0x80, v4, vm0, $0xb8;
	[tilespmem:$0x18800] =	vst v63  }
0xa0d: {  	s11 =	simm.s32 $0x1800  }
0xa0e: {  	[tilespmem:s11], [sflag:$0x1] =	stream.indirect_vreg.gather [hbm4b:s6+s3], $0x80, v4, vm0, $0xb8;
	[tilespmem:$0x18800] =	vst v63  }
0xa0f: {  	s11 =	simm.s32 $0x2000  }
0xa10: {  	[tilespmem:s11], [sflag:$0x1] =	stream.indirect_vreg.gather [hbm4b:s2+s3], $0x80, v3, vm0, $0xb8;
	[tilespmem:$0x18800] =	vst v63  }
0xa11: {  	s25 =	simm.s32 $0x2800  }
0xa12: {  	[tilespmem:s25], [sflag:$0x1] =	stream.indirect_vreg.gather [hbm4b:s5+s3], $0x80, v3, vm0, $0xb8;
	[tilespmem:$0x18800] =	vst v63  }
0xa13: {  	s25 =	simm.s32 $0x3000  }
0xa14: {  	[tilespmem:s25], [sflag:$0x1] =	stream.indirect_vreg.gather [hbm4b:s6+s3], $0x80, v3, vm0, $0xb8;
	[tilespmem:$0x18800] =	vst v63  }
0xa15: {  	v3 =	vld [tilespmem:$0x790];
	_ =	sdelay $0x4  }
0xa16: {  	v57 =	vshrl.u32 v3, $0x3  }
0xa17: {  	v4 =	vmul.u32 $0x30, v57  }
0xa18: {  	v3 =	vand.u32 $0x7, v3  }
0xa19: {  	v3 =	vor.u32 v3, v4  }
0xa1a: {  	v4 =	vperm.xlane v3, v0;
	_ =	sdelay $0x1  }
0xa1b: {  	v4 =	vadd.s32 v1, v4;
	_ =	sdelay $0x3  }
0xa1c: {  	s25 =	simm.s32 $0x3800;
	v3 =	vperm.xlane v3, v2  }
0xa1d: {  	[tilespmem:s25], [sflag:$0x1] =	stream.indirect_vreg.gather [hbm4b:s2+s3], $0x80, v4, vm0, $0xb8;
	[tilespmem:$0x18800] =	vst v63  }
0xa1e: {  	s13 =	simm.s32 $0x4000;
	v3 =	vadd.s32 v1, v3  }
0xa1f: {  	[tilespmem:s13], [sflag:$0x1] =	stream.indirect_vreg.gather [hbm4b:s5+s3], $0x80, v4, vm0, $0xb8;
	[tilespmem:$0x18800] =	vst v63  }
0xa20: {  	s26 =	simm.s32 $0x4800  }
0xa21: {  	[tilespmem:s26], [sflag:$0x1] =	stream.indirect_vreg.gather [hbm4b:s6+s3], $0x80, v4, vm0, $0xb8;
	[tilespmem:$0x18800] =	vst v63  }
0xa22: {  	s13 =	simm.s32 $0x5000  }
0xa23: {  	[tilespmem:s13], [sflag:$0x1] =	stream.indirect_vreg.gather [hbm4b:s2+s3], $0x80, v3, vm0, $0xb8;
	[tilespmem:$0x18800] =	vst v63  }
0xa24: {  	s25 =	simm.s32 $0x5800  }
0xa25: {  	[tilespmem:s25], [sflag:$0x1] =	stream.indirect_vreg.gather [hbm4b:s5+s3], $0x80, v3, vm0, $0xb8;
	[tilespmem:$0x18800] =	vst v63  }
0xa26: {  	s26 =	simm.s32 $0x6000  }
0xa27: {  	[tilespmem:s26], [sflag:$0x1] =	stream.indirect_vreg.gather [hbm4b:s6+s3], $0x80, v3, vm0, $0xb8;
	[tilespmem:$0x18800] =	vst v63  }
0xa28: {  	v3 =	vld [tilespmem:$0x7A0];
	_ =	sdelay $0x4  }
0xa29: {  	v58 =	vshrl.u32 v3, $0x3  }
0xa2a: {  	v4 =	vmul.u32 $0x30, v58  }
0xa2b: {  	v3 =	vand.u32 $0x7, v3  }
0xa2c: {  	v3 =	vor.u32 v3, v4  }
0xa2d: {  	v4 =	vperm.xlane v3, v0;
	_ =	sdelay $0x1  }
0xa2e: {  	v4 =	vadd.s32 v1, v4;
	_ =	sdelay $0x3  }
0xa2f: {  	s14 =	simm.s32 $0x6800;
	v3 =	vperm.xlane v3, v2  }
0xa30: {  	[tilespmem:s14], [sflag:$0x1] =	stream.indirect_vreg.gather [hbm4b:s2+s3], $0x80, v4, vm0, $0xb8;
	[tilespmem:$0x18800] =	vst v63  }
0xa31: {  	s13 =	simm.s32 $0x7000;
	v3 =	vadd.s32 v1, v3  }
0xa32: {  	[tilespmem:s13], [sflag:$0x1] =	stream.indirect_vreg.gather [hbm4b:s5+s3], $0x80, v4, vm0, $0xb8;
	[tilespmem:$0x18800] =	vst v63  }
0xa33: {  	s31 =	simm.s32 $0x7800  }
0xa34: {  	[tilespmem:s31], [sflag:$0x1] =	stream.indirect_vreg.gather [hbm4b:s6+s3], $0x80, v4, vm0, $0xb8;
	[tilespmem:$0x18800] =	vst v63  }
0xa35: {  	s28 =	simm.s32 $0x8000  }
0xa36: {  	[tilespmem:s28], [sflag:$0x1] =	stream.indirect_vreg.gather [hbm4b:s2+s3], $0x80, v3, vm0, $0xb8;
	[tilespmem:$0x18800] =	vst v63  }
0xa37: {  	s14 =	simm.s32 $0x8800  }
0xa38: {  	[tilespmem:s14], [sflag:$0x1] =	stream.indirect_vreg.gather [hbm4b:s5+s3], $0x80, v3, vm0, $0xb8;
	[tilespmem:$0x18800] =	vst v63  }
0xa39: {  	s25 =	simm.s32 $0x9000  }
0xa3a: {  	[tilespmem:s25], [sflag:$0x1] =	stream.indirect_vreg.gather [hbm4b:s6+s3], $0x80, v3, vm0, $0xb8;
	[tilespmem:$0x18800] =	vst v63  }
0xa3b: {  	v3 =	vld [tilespmem:$0x7B0];
	_ =	sdelay $0x4  }
0xa3c: {  	v59 =	vshrl.u32 v3, $0x3  }
0xa3d: {  	v4 =	vmul.u32 $0x30, v59  }
0xa3e: {  	v3 =	vand.u32 $0x7, v3  }
0xa3f: {  	v3 =	vor.u32 v3, v4  }
0xa40: {  	v4 =	vperm.xlane v3, v0;
	_ =	sdelay $0x1  }
0xa41: {  	v4 =	vadd.s32 v1, v4;
	_ =	sdelay $0x3  }
0xa42: {  	s26 =	simm.s32 $0x9800;
	v3 =	vperm.xlane v3, v2  }
0xa43: {  	[tilespmem:s26], [sflag:$0x1] =	stream.indirect_vreg.gather [hbm4b:s2+s3], $0x80, v4, vm0, $0xb8;
	[tilespmem:$0x18800] =	vst v63  }
0xa44: {  	s17 =	simm.s32 $0xA000;
	v3 =	vadd.s32 v1, v3  }
0xa45: {  	[tilespmem:s17], [sflag:$0x1] =	stream.indirect_vreg.gather [hbm4b:s5+s3], $0x80, v4, vm0, $0xb8;
	[tilespmem:$0x18800] =	vst v63  }
0xa46: {  	s12 =	simm.s32 $0xA800  }
0xa47: {  	[tilespmem:s12], [sflag:$0x1] =	stream.indirect_vreg.gather [hbm4b:s6+s3], $0x80, v4, vm0, $0xb8;
	[tilespmem:$0x18800] =	vst v63  }
0xa48: {  	s28 =	simm.s32 $0xB000  }
0xa49: {  	[tilespmem:s28], [sflag:$0x1] =	stream.indirect_vreg.gather [hbm4b:s2+s3], $0x80, v3, vm0, $0xb8;
	[tilespmem:$0x18800] =	vst v63  }
0xa4a: {  	s31 =	simm.s32 $0xB800  }
0xa4b: {  	[tilespmem:s31], [sflag:$0x1] =	stream.indirect_vreg.gather [hbm4b:s5+s3], $0x80, v3, vm0, $0xb8;
	[tilespmem:$0x18800] =	vst v63  }
0xa4c: {  	s9 =	simm.s32 $0xC000;
	s12 =	sld [smem:$0x7FB]  }
0xa4d: {  	[tilespmem:s9], [sflag:$0x1] =	stream.indirect_vreg.gather [hbm4b:s6+s3], $0x80, v3, vm0, $0xb8;
	[tilespmem:$0x18800] =	vst v63  }
0xa4e: {  	s8 =	simm.s32 $0xC800  }
0xa4f: {  	[hbm4b:s12+s3] =	stream.linear.scatter [tilespmem:s8], [sflag:$0x4], $0xC000, $0x38;
	[tilespmem:$0x18800] =	vst v63  }
0xa50: {  	_ =	swait.ge [sflag:s15], $0xC000  }
0xa51: {  	[sflag:s15] =	ssyncset.done $0x0  }
0xa52: {  	[sflag:s15] =	ssyncadd.s32 $0xFFFF4000  }
0xa53: {  	_ =	swait.ge [sflag:s10], $0xC000  }
0xa54: {  	[sflag:s10] =	ssyncset.done $0x0  }
0xa55: {  	[sflag:s10] =	ssyncadd.s32 $0xFFFF4000  }
0xa56: {  	v3 =	vld [tilespmem:$0x7C0];
	_ =	sdelay $0x4  }
0xa57: {  	v60 =	vshrl.u32 v3, $0x3  }
0xa58: {  	v4 =	vmul.u32 $0x30, v60  }
0xa59: {  	v3 =	vand.u32 $0x7, v3  }
0xa5a: {  	v3 =	vor.u32 v3, v4  }
0xa5b: {  	v4 =	vperm.xlane v3, v0;
	_ =	sdelay $0x1  }
0xa5c: {  	v4 =	vadd.s32 v1, v4;
	_ =	sdelay $0x3  }
0xa5d: {  	v3 =	vperm.xlane v3, v2  }
0xa5e: {  	[tilespmem:s8], [sflag:$0x2] =	stream.indirect_vreg.gather [hbm4b:s2+s3], $0x80, v4, vm0, $0xb8;
	[tilespmem:$0x18800] =	vst v63  }
0xa5f: {  	s16 =	simm.s32 $0xD000;
	v3 =	vadd.s32 v1, v3  }
0xa60: {  	[tilespmem:s16], [sflag:$0x2] =	stream.indirect_vreg.gather [hbm4b:s5+s3], $0x80, v4, vm0, $0xb8;
	[tilespmem:$0x18800] =	vst v63  }
0xa61: {  	s18 =	simm.s32 $0xD800  }
0xa62: {  	[tilespmem:s18], [sflag:$0x2] =	stream.indirect_vreg.gather [hbm4b:s6+s3], $0x80, v4, vm0, $0xb8;
	[tilespmem:$0x18800] =	vst v63  }
0xa63: {  	s29 =	simm.s32 $0xE000  }
0xa64: {  	[tilespmem:s29], [sflag:$0x2] =	stream.indirect_vreg.gather [hbm4b:s2+s3], $0x80, v3, vm0, $0xb8;
	[tilespmem:$0x18800] =	vst v63  }
0xa65: {  	s30 =	simm.s32 $0xE800  }
0xa66: {  	[tilespmem:s30], [sflag:$0x2] =	stream.indirect_vreg.gather [hbm4b:s5+s3], $0x80, v3, vm0, $0xb8;
	[tilespmem:$0x18800] =	vst v63  }
0xa67: {  	_ = 	snop  }
0xa68: {  	[tilespmem:s4], [sflag:$0x2] =	stream.indirect_vreg.gather [hbm4b:s6+s3], $0x80, v3, vm0, $0xb8;
	[tilespmem:$0x18800] =	vst v63  }
0xa69: {  	v3 =	vld [tilespmem:$0x7D0];
	_ =	sdelay $0x4  }
0xa6a: {  	v61 =	vshrl.u32 v3, $0x3  }
0xa6b: {  	v4 =	vmul.u32 $0x30, v61  }
0xa6c: {  	v3 =	vand.u32 $0x7, v3  }
0xa6d: {  	v3 =	vor.u32 v3, v4  }
0xa6e: {  	v4 =	vperm.xlane v3, v0;
	_ =	sdelay $0x1  }
0xa6f: {  	v4 =	vadd.s32 v1, v4;
	_ =	sdelay $0x3  }
0xa70: {  	s13 =	simm.s32 $0xF800;
	v3 =	vperm.xlane v3, v2  }
0xa71: {  	[tilespmem:s13], [sflag:$0x2] =	stream.indirect_vreg.gather [hbm4b:s2+s3], $0x80, v4, vm0, $0xb8;
	[tilespmem:$0x18800] =	vst v63  }
0xa72: {  	s19 =	simm.s32 $0x10000;
	v3 =	vadd.s32 v1, v3  }
0xa73: {  	[tilespmem:s19], [sflag:$0x2] =	stream.indirect_vreg.gather [hbm4b:s5+s3], $0x80, v4, vm0, $0xb8;
	[tilespmem:$0x18800] =	vst v63  }
0xa74: {  	s20 =	simm.s32 $0x10800  }
0xa75: {  	[tilespmem:s20], [sflag:$0x2] =	stream.indirect_vreg.gather [hbm4b:s6+s3], $0x80, v4, vm0, $0xb8;
	[tilespmem:$0x18800] =	vst v63  }
0xa76: {  	s14 =	simm.s32 $0x11000  }
0xa77: {  	[tilespmem:s14], [sflag:$0x2] =	stream.indirect_vreg.gather [hbm4b:s2+s3], $0x80, v3, vm0, $0xb8;
	[tilespmem:$0x18800] =	vst v63  }
0xa78: {  	s16 =	simm.s32 $0x11800  }
0xa79: {  	[tilespmem:s16], [sflag:$0x2] =	stream.indirect_vreg.gather [hbm4b:s5+s3], $0x80, v3, vm0, $0xb8;
	[tilespmem:$0x18800] =	vst v63  }
0xa7a: {  	s17 =	simm.s32 $0x12000  }
0xa7b: {  	[tilespmem:s17], [sflag:$0x2] =	stream.indirect_vreg.gather [hbm4b:s6+s3], $0x80, v3, vm0, $0xb8;
	[tilespmem:$0x18800] =	vst v63  }
0xa7c: {  	v3 =	vld [tilespmem:$0x7E0];
	_ =	sdelay $0x4  }
0xa7d: {  	v62 =	vshrl.u32 v3, $0x3  }
0xa7e: {  	v4 =	vmul.u32 $0x30, v62  }
0xa7f: {  	v3 =	vand.u32 $0x7, v3  }
0xa80: {  	v3 =	vor.u32 v3, v4  }
0xa81: {  	v4 =	vperm.xlane v3, v0;
	_ =	sdelay $0x1  }
0xa82: {  	v4 =	vadd.s32 v1, v4;
	_ =	sdelay $0x3  }
0xa83: {  	s18 =	simm.s32 $0x12800;
	v3 =	vperm.xlane v3, v2  }
0xa84: {  	[tilespmem:s18], [sflag:$0x2] =	stream.indirect_vreg.gather [hbm4b:s2+s3], $0x80, v4, vm0, $0xb8;
	[tilespmem:$0x18800] =	vst v63  }
0xa85: {  	s21 =	simm.s32 $0x13000;
	v3 =	vadd.s32 v1, v3  }
0xa86: {  	[tilespmem:s21], [sflag:$0x2] =	stream.indirect_vreg.gather [hbm4b:s5+s3], $0x80, v4, vm0, $0xb8;
	[tilespmem:$0x18800] =	vst v63  }
0xa87: {  	s22 =	simm.s32 $0x13800  }
0xa88: {  	[tilespmem:s22], [sflag:$0x2] =	stream.indirect_vreg.gather [hbm4b:s6+s3], $0x80, v4, vm0, $0xb8;
	[tilespmem:$0x18800] =	vst v63  }
0xa89: {  	s19 =	simm.s32 $0x14000  }
0xa8a: {  	[tilespmem:s19], [sflag:$0x2] =	stream.indirect_vreg.gather [hbm4b:s2+s3], $0x80, v3, vm0, $0xb8;
	[tilespmem:$0x18800] =	vst v63  }
0xa8b: {  	s20 =	simm.s32 $0x14800  }
0xa8c: {  	[tilespmem:s20], [sflag:$0x2] =	stream.indirect_vreg.gather [hbm4b:s5+s3], $0x80, v3, vm0, $0xb8;
	[tilespmem:$0x18800] =	vst v63  }
0xa8d: {  	s21 =	simm.s32 $0x15000  }
0xa8e: {  	[tilespmem:s21], [sflag:$0x2] =	stream.indirect_vreg.gather [hbm4b:s6+s3], $0x80, v3, vm0, $0xb8;
	[tilespmem:$0x18800] =	vst v63  }
0xa8f: {  	v3 =	vld [tilespmem:$0x7F0];
	_ =	sdelay $0x4  }
0xa90: {  	v63 =	vshrl.u32 v3, $0x3  }
0xa91: {  	v4 =	vmul.u32 $0x30, v63  }
0xa92: {  	v3 =	vand.u32 $0x7, v3  }
0xa93: {  	v3 =	vor.u32 v3, v4  }
0xa94: {  	v4 =	vperm.xlane v3, v0;
	_ =	sdelay $0x1  }
0xa95: {  	v4 =	vadd.s32 v1, v4;
	_ =	sdelay $0x3  }
0xa96: {  	s22 =	simm.s32 $0x15800;
	v3 =	vperm.xlane v3, v2  }
0xa97: {  	[tilespmem:s22], [sflag:$0x2] =	stream.indirect_vreg.gather [hbm4b:s2+s3], $0x80, v4, vm0, $0xb8;
	[tilespmem:$0x18800] =	vst v63  }
0xa98: {  	s23 =	simm.s32 $0x16000;
	v3 =	vadd.s32 v1, v3  }
0xa99: {  	[tilespmem:s23], [sflag:$0x2] =	stream.indirect_vreg.gather [hbm4b:s5+s3], $0x80, v4, vm0, $0xb8;
	[tilespmem:$0x18800] =	vst v63  }
0xa9a: {  	s24 =	simm.s32 $0x16800  }
0xa9b: {  	[tilespmem:s24], [sflag:$0x2] =	stream.indirect_vreg.gather [hbm4b:s6+s3], $0x80, v4, vm0, $0xb8;
	[tilespmem:$0x18800] =	vst v63  }
0xa9c: {  	s25 =	simm.s32 $0x17000  }
0xa9d: {  	[tilespmem:s25], [sflag:$0x2] =	stream.indirect_vreg.gather [hbm4b:s2+s3], $0x80, v3, vm0, $0xb8;
	[tilespmem:$0x18800] =	vst v63  }
0xa9e: {  	s26 =	simm.s32 $0x17800  }
0xa9f: {  	[tilespmem:s26], [sflag:$0x2] =	stream.indirect_vreg.gather [hbm4b:s5+s3], $0x80, v3, vm0, $0xb8;
	[tilespmem:$0x18800] =	vst v63  }
0xaa0: {  	s28 =	sld [smem:$0x7FC];
	s29 =	simm.s32 $0x18000  }
0xaa1: {  	[tilespmem:s29], [sflag:$0x2] =	stream.indirect_vreg.gather [hbm4b:s6+s3], $0x80, v3, vm0, $0xb8;
	[tilespmem:$0x18800] =	vst v63  }
0xaa2: {  	s1 =	simm.s32 $0x800  }
0xaa3: {  	[hbm4b:s28+s3] =	stream.linear.scatter [tilespmem:s1], [sflag:$0x3], $0xC000, $0x38;
	[tilespmem:$0x18800] =	vst v63  }
0xaa4: {  	_ =	swait.ge [sflag:s0], $0xC000  }
0xaa5: {  	s30 =	sld [smem:$0x7FD]  }
0xaa6: {  	[sflag:s0] =	ssyncset.done $0x0;
	s31 =	sld [smem:$0x7F8]  }
0xaa7: {  	[sflag:s0] =	ssyncadd.s32 $0xFFFF4000  }
0xaa8: {  	[hbm4b:s30+s3] =	stream.linear.scatter [tilespmem:s8], [sflag:$0x4], $0xC000, $0x38;
	[tilespmem:$0x18800] =	vst v63  }
0xaa9: {  	p0 =	sne.s32 s31, $0x1;
	_ =	swait.ge [sflag:s7], $0xC000  }
.Ltmp0:
0xaaa: {  	[sflag:s7] =	ssyncset.done $0x0;
	(pc) =	sbr.rel @p0 .LBB2_1-.Ltmp0, $4  }
0xaab: {  	[sflag:s7] =	ssyncadd.s32 $0xFFFF4000  }
0xaac: {  	_ =	swait.ge [sflag:s10], $0xC000  }
0xaad: {  	[sflag:s10] =	ssyncset.done $0x0  }
0xaae: {  	s11 =	sadd.s32 $0xFFFFFFFF, s31;
	[sflag:s10] =	ssyncadd.s32 $0xFFFF4000  }
0xaaf: {  	_ =	sfence.sel $0x180000  }
0xab0: {  	[bflag:$0x0] =	sbarrier.arrive $0xFFFF  }
0xab1: {  	_ =	strace $0x90000047  }
0xab2: {  	s0 =	stileid.u32;
	[bflag:$0x2] =	sbarrier.arrive $0xFFFF  }
0xab3: {  	p0 =	sne.s32 s0, $0x0;
	s0 =	rddreg [dreg:$0x3]  }
0xab4: {  	s0 =	sadd.s32 @!p0 $0x100000, s0  }
0xab5: {  	[sflag:s0] =	ssyncadd.tile.s32 @!p0 $0x1;
	_ =	shalt  }
.Lfunc_end2:
_tile_overlayer_lowered:
.L_overlay_start_2:
0xab6: {  	(tag) =	ssettag $0x2  }
0xab7: {  	s0 =	rddreg [dreg:$0x0];
	s2 =	stileid.u32  }
0xab8: {  	s1 =	rddreg [dreg:$0x1];
	p0 =	sne.s32 s2, $0x0  }
0xab9: {  	s3 =	rddreg [dreg:$0x2];
	[bflag:$0x3] =	sbarrier.arrive $0xFFFF;
	s2 =	simm.s32 @!p0 $0x1C05  }
0xaba: {  	[timem:s3], [sflag:s2] =	dma.local @!p0 [hbm:s0], s1  }
0xabb: {  	s0 =	simm.s32 @!p0 $0x5  }
0xabc: {  	_ =	swait.ge @!p0 [sflag:s0], s1  }
0xabd: {  	s1 =	ssub.s32 @!p0 $0x0, s1;
	[sflag:s0] =	ssyncset.done @!p0 $0x0  }
0xabe: {  	[sflag:s0] =	ssyncadd.s32 @!p0 s1  }
0xabf: {  	[bflag:$0x3] =	sbarrier.arrive $0xFFFF  }
0xac0: {  	_ =	shalt  }

</sc_bundles>
